<compile_context>
chip_gen: v7x
topology: tpu7x:2x2x1
jax: 0.10.2.dev20260603
libtpu: 0.0.44.dev20260713+nightly
codegen_flags: <defaults>
</compile_context>

<pallas_src>
import functools

import jax
import jax.numpy as jnp
from jax import lax
from jax.experimental import pallas as pl
from jax.experimental.pallas import tpu as pltpu
from jax.experimental.pallas import tpu_sc as plsc

NC = 2
NS = 16
NW = NC * NS
L = 16
SUB = 128
TW = 16


@functools.lru_cache(maxsize=None)
def _make(N, E, B, C, interpret=False):
    del B
    G = C // L
    NSUB = C // SUB
    T = E // C

    mesh = plsc.VectorSubcoreMesh(core_axis_name="c", subcore_axis_name="s",
                                  num_cores=NC, num_subcores=NS)

    def body(table_hbm, cs0_hbm, cs1_hbm, cs2_hbm, ei_hbm,
             vx_hbm, vy_hbm, vz_hbm, len_hbm,
             sidx, didx, cs0, cs1, cs2, srow, drow, vxb, vyb, vzb, lnb,
             lsem, gsem, osem):
        wid = lax.axis_index("s") * NC + lax.axis_index("c")
        n = (T - wid + NW - 1) // NW

        def issue_lin(t, p):
            chunk = wid + t * NW
            base = chunk * C
            brow = chunk * NSUB
            pltpu.async_copy(ei_hbm.at[0, pl.ds(brow, NSUB), :], sidx[p], lsem[p])
            pltpu.async_copy(ei_hbm.at[1, pl.ds(brow, NSUB), :], didx[p], lsem[p])
            pltpu.async_copy(cs0_hbm.at[pl.ds(base, C)], cs0[p], lsem[p])
            pltpu.async_copy(cs1_hbm.at[pl.ds(base, C)], cs1[p], lsem[p])
            pltpu.async_copy(cs2_hbm.at[pl.ds(base, C)], cs2[p], lsem[p])

        def wait_lin(p):
            pltpu.make_async_copy(ei_hbm.at[0, pl.ds(0, NSUB), :], sidx[p], lsem[p]).wait()
            pltpu.make_async_copy(ei_hbm.at[1, pl.ds(0, NSUB), :], didx[p], lsem[p]).wait()
            pltpu.make_async_copy(cs0_hbm.at[pl.ds(0, C)], cs0[p], lsem[p]).wait()
            pltpu.make_async_copy(cs1_hbm.at[pl.ds(0, C)], cs1[p], lsem[p]).wait()
            pltpu.make_async_copy(cs2_hbm.at[pl.ds(0, C)], cs2[p], lsem[p]).wait()

        def issue_gather(p):
            for j in range(NSUB):
                pltpu.async_copy(table_hbm.at[sidx[p].at[j]], srow[p].at[j], gsem[p])
                pltpu.async_copy(table_hbm.at[didx[p].at[j]], drow[p].at[j], gsem[p])

        def wait_gather(p):
            for j in range(NSUB):
                pltpu.make_async_copy(table_hbm.at[sidx[p].at[j]], srow[p].at[j], gsem[p]).wait()
                pltpu.make_async_copy(table_hbm.at[didx[p].at[j]], drow[p].at[j], gsem[p]).wait()

        def issue_out(t, p):
            base = (wid + t * NW) * C
            pltpu.async_copy(vxb[p], vx_hbm.at[pl.ds(base, C)], osem[p])
            pltpu.async_copy(vyb[p], vy_hbm.at[pl.ds(base, C)], osem[p])
            pltpu.async_copy(vzb[p], vz_hbm.at[pl.ds(base, C)], osem[p])
            pltpu.async_copy(lnb[p], len_hbm.at[pl.ds(base, C)], osem[p])

        def wait_out(p):
            pltpu.make_async_copy(vxb[p], vx_hbm.at[pl.ds(0, C)], osem[p]).wait()
            pltpu.make_async_copy(vyb[p], vy_hbm.at[pl.ds(0, C)], osem[p]).wait()
            pltpu.make_async_copy(vzb[p], vz_hbm.at[pl.ds(0, C)], osem[p]).wait()
            pltpu.make_async_copy(lnb[p], len_hbm.at[pl.ds(0, C)], osem[p]).wait()

        def compute(p):
            def group(g, carry2):
                sl = pl.ds(g * L, L)
                rows = g * L + lax.iota(jnp.int32, L)
                jv = rows >> 7
                rv = rows & (SUB - 1)

                def scol(c):
                    return plsc.load_gather(
                        srow[p], [jv, rv, jnp.full((L,), c, jnp.int32)])

                def dcol(c):
                    return plsc.load_gather(
                        drow[p], [jv, rv, jnp.full((L,), c, jnp.int32)])

                dx = dcol(0) - scol(0)
                dy = dcol(1) - scol(1)
                dz = dcol(2) - scol(2)
                c0 = cs0[p][sl]
                c1 = cs1[p][sl]
                c2 = cs2[p][sl]
                vx = dx + c0 * scol(3) + c1 * scol(6) + c2 * scol(9)
                vy = dy + c0 * scol(4) + c1 * scol(7) + c2 * scol(10)
                vz = dz + c0 * scol(5) + c1 * scol(8) + c2 * scol(11)
                s = vx * vx + vy * vy + vz * vz
                i = plsc.bitcast(s, jnp.int32)
                y = plsc.bitcast(jnp.int32(0x5F3759DF) - (i >> 1), jnp.float32)
                for _ in range(3):
                    y = y * (1.5 - 0.5 * s * y * y)
                vxb[p][sl] = vx
                vyb[p][sl] = vy
                vzb[p][sl] = vz
                lnb[p][sl] = s * y
                return carry2

            lax.fori_loop(0, G, group, 0, unroll=2)

        issue_lin(0, 0)

        @pl.when(n > 1)
        def _():
            issue_lin(1, 1)

        wait_lin(0)
        issue_gather(0)

        def step(u, carry):
            t0 = 2 * u
            t1 = t0 + 1
            t2 = t0 + 2
            t3 = t0 + 3

            wait_gather(0)

            @pl.when(t1 < n)
            def _():
                wait_lin(1)
                issue_gather(1)

            @pl.when(u > 0)
            def _():
                wait_out(0)

            compute(0)
            issue_out(t0, 0)

            @pl.when(t2 < n)
            def _():
                issue_lin(t2, 0)
                wait_lin(0)
                issue_gather(0)

            @pl.when(t1 < n)
            def _():
                wait_gather(1)

                @pl.when(u > 0)
                def _():
                    wait_out(1)

                compute(1)
                issue_out(t1, 1)

            @pl.when(t3 < n)
            def _():
                issue_lin(t3, 1)

            return carry

        lax.fori_loop(0, (n + 1) // 2, step, 0)
        wait_out(0)

        @pl.when(n > 1)
        def _():
            wait_out(1)

    def buf2(*shape_dtype):
        shape, dtype = shape_dtype
        return [pltpu.VMEM(shape, dtype), pltpu.VMEM(shape, dtype)]

    return pl.kernel(
        body,
        out_type=(jax.ShapeDtypeStruct((E,), jnp.float32),
                  jax.ShapeDtypeStruct((E,), jnp.float32),
                  jax.ShapeDtypeStruct((E,), jnp.float32),
                  jax.ShapeDtypeStruct((E,), jnp.float32)),
        mesh=mesh,
        scratch_types=[
            buf2((NSUB, SUB), jnp.int32),
            buf2((NSUB, SUB), jnp.int32),
            buf2((C,), jnp.float32),
            buf2((C,), jnp.float32),
            buf2((C,), jnp.float32),
            buf2((NSUB, SUB, TW), jnp.float32),
            buf2((NSUB, SUB, TW), jnp.float32),
            buf2((C,), jnp.float32),
            buf2((C,), jnp.float32),
            buf2((C,), jnp.float32),
            buf2((C,), jnp.float32),
            [pltpu.SemaphoreType.DMA, pltpu.SemaphoreType.DMA],
            [pltpu.SemaphoreType.DMA, pltpu.SemaphoreType.DMA],
            [pltpu.SemaphoreType.DMA, pltpu.SemaphoreType.DMA],
        ],
        compiler_params=pltpu.CompilerParams(needs_layout_passes=False,
                                             use_tc_tiling_on_sc=False),
        interpret=interpret,
    )


def kernel(pos, cell, cell_shift, batch, edge_index):
    N = pos.shape[0]
    E = edge_index.shape[1]
    cellf = cell.reshape(-1, 9)
    B = cellf.shape[0]
    C = 1024
    assert E % C == 0 and C % SUB == 0
    onehot = (batch[:, None] == jnp.arange(B)[None, :]).astype(jnp.float32)
    cellmat = onehot @ cellf
    table = jnp.concatenate(
        [pos, cellmat, jnp.zeros((N, TW - 12), jnp.float32)], axis=1)
    vx, vy, vz, ln = _make(N, E, B, C)(
        table, cell_shift[:, 0], cell_shift[:, 1], cell_shift[:, 2],
        edge_index.reshape(2, -1, SUB))
    return jnp.stack([vx, vy, vz], axis=1), ln

# --- scband reference (transcript-rebuilt; emitter-appended) ---
"""Pipeline reference for scband-edge-preprocess-18537078850072 (READ-ONLY COPY).

The authoritative reference and input builder live on the scoring server;
editing this copy changes nothing except your own understanding.
"""

import jax, jax.numpy as jnp
import numpy as np


def setup_inputs(seed: int = 0) -> dict:
    key = jax.random.key(seed)
    k1, k2, k3, k4, k5 = jax.random.split(key, 5)
    N = 100000
    E = 3200000
    B = 16
    pos = jax.random.normal(k1, (N, 3), dtype=jnp.float32)
    cell = jax.random.normal(k2, (B, 3, 3), dtype=jnp.float32)
    cell_shift = jax.random.normal(k3, (E, 3), dtype=jnp.float32)
    batch = jnp.sort(jax.random.randint(k4, (N,), 0, B))
    edge_index = jax.random.randint(k5, (2, E), 0, N)
    return {"pos": pos, "cell": cell, "cell_shift": cell_shift, "batch": batch, "edge_index": edge_index}


def reference(pos, cell, cell_shift, batch, edge_index):
    # is_stress=False, _is_batch_data=True path
    cell = cell.reshape(-1, 3, 3)
    idx_src = edge_index[0]
    idx_dst = edge_index[1]
    edge_vec = pos[idx_dst] - pos[idx_src]
    # per-edge cell gathered via batch id of source node
    edge_vec = edge_vec + jnp.einsum('ni,nij->nj', cell_shift, cell[batch[idx_src]])
    edge_length = jnp.linalg.norm(edge_vec, axis=-1)
    return edge_vec, edge_length

if __name__ == "__main__":
    import jax
    _d = setup_inputs()
    print(jax.jit(kernel)(*tuple(_d.values())))

</pallas_src>

<mosaic_0001>
#map = affine_map<(d0, d1) -> (0, 0)>
#map1 = affine_map<(d0, d1) -> (0)>
#map2 = affine_map<(d0, d1) -> (0, 0, 0)>
module attributes {stable_mosaic.version = 14 : i64} {
  func.func @body(%arg0: i32, %arg1: i32, %arg2: memref<100000x16xf32, #tpu.memory_space<hbm>>, %arg3: memref<3200000xf32, #tpu.memory_space<hbm>>, %arg4: memref<3200000xf32, #tpu.memory_space<hbm>>, %arg5: memref<3200000xf32, #tpu.memory_space<hbm>>, %arg6: memref<2x25000x128xi32, #tpu.memory_space<hbm>>, %arg7: memref<3200000xf32, #tpu.memory_space<hbm>>, %arg8: memref<3200000xf32, #tpu.memory_space<hbm>>, %arg9: memref<3200000xf32, #tpu.memory_space<hbm>>, %arg10: memref<3200000xf32, #tpu.memory_space<hbm>>, %arg11: memref<8x128xi32, #tpu.memory_space<vmem>>, %arg12: memref<8x128xi32, #tpu.memory_space<vmem>>, %arg13: memref<8x128xi32, #tpu.memory_space<vmem>>, %arg14: memref<8x128xi32, #tpu.memory_space<vmem>>, %arg15: memref<1024xf32, #tpu.memory_space<vmem>>, %arg16: memref<1024xf32, #tpu.memory_space<vmem>>, %arg17: memref<1024xf32, #tpu.memory_space<vmem>>, %arg18: memref<1024xf32, #tpu.memory_space<vmem>>, %arg19: memref<1024xf32, #tpu.memory_space<vmem>>, %arg20: memref<1024xf32, #tpu.memory_space<vmem>>, %arg21: memref<8x128x16xf32, #tpu.memory_space<vmem>>, %arg22: memref<8x128x16xf32, #tpu.memory_space<vmem>>, %arg23: memref<8x128x16xf32, #tpu.memory_space<vmem>>, %arg24: memref<8x128x16xf32, #tpu.memory_space<vmem>>, %arg25: memref<1024xf32, #tpu.memory_space<vmem>>, %arg26: memref<1024xf32, #tpu.memory_space<vmem>>, %arg27: memref<1024xf32, #tpu.memory_space<vmem>>, %arg28: memref<1024xf32, #tpu.memory_space<vmem>>, %arg29: memref<1024xf32, #tpu.memory_space<vmem>>, %arg30: memref<1024xf32, #tpu.memory_space<vmem>>, %arg31: memref<1024xf32, #tpu.memory_space<vmem>>, %arg32: memref<1024xf32, #tpu.memory_space<vmem>>, %arg33: memref<!tpu.dma_semaphore, #tpu.memory_space<semaphore_mem>>, %arg34: memref<!tpu.dma_semaphore, #tpu.memory_space<semaphore_mem>>, %arg35: memref<!tpu.dma_semaphore, #tpu.memory_space<semaphore_mem>>, %arg36: memref<!tpu.dma_semaphore, #tpu.memory_space<semaphore_mem>>, %arg37: memref<!tpu.dma_semaphore, #tpu.memory_space<semaphore_mem>>, %arg38: memref<!tpu.dma_semaphore, #tpu.memory_space<semaphore_mem>>) attributes {dimension_semantics = [#tpu.dimension_semantics<core_parallel>, #tpu.dimension_semantics<subcore_parallel>], iteration_bounds = array<i64: 2, 16>, scalar_prefetch = 0 : i64, scratch_operands = 28 : i64, tpu.core_type = #tpu.core_type<sc_vector_subcore>, window_params = [{transform_indices = #map}, {transform_indices = #map1}, {transform_indices = #map1}, {transform_indices = #map1}, {transform_indices = #map2}, {transform_indices = #map1}, {transform_indices = #map1}, {transform_indices = #map1}, {transform_indices = #map1}]} {
    %mul3A = arith.constant 2 : i32
    %mul3A_0 = arith.muli %arg1, %mul3A : i32
    %add3A = arith.addi %mul3A_0, %arg0 : i32
    %sub3A = arith.constant 3125 : i32
    %sub3A_1 = arith.subi %sub3A, %add3A : i32
    %add3A_2 = arith.constant 32 : i32
    %add3A_3 = arith.addi %sub3A_1, %add3A_2 : i32
    %sub3A_4 = arith.constant 1 : i32
    %sub3A_5 = arith.subi %add3A_3, %sub3A_4 : i32
    %jit3A = arith.constant 32 : i32
    %div3A = arith.divsi %sub3A_5, %jit3A : i32
    %sign3A = arith.constant 0 : i32
    %sign3A_6 = arith.cmpi sgt, %sub3A_5, %sign3A : i32
    %sign3A_7 = arith.extui %sign3A_6 : i1 to i32
    %sign3A_8 = arith.constant 0 : i32
    %sign3A_9 = arith.cmpi slt, %sub3A_5, %sign3A_8 : i32
    %sign3A_10 = arith.extui %sign3A_9 : i1 to i32
    %sign3A_11 = arith.subi %sign3A_7, %sign3A_10 : i32
    %sign3A_12 = arith.constant 0 : i32
    %sign3A_13 = arith.cmpi sgt, %jit3A, %sign3A_12 : i32
    %sign3A_14 = arith.extui %sign3A_13 : i1 to i32
    %sign3A_15 = arith.constant 0 : i32
    %sign3A_16 = arith.cmpi slt, %jit3A, %sign3A_15 : i32
    %sign3A_17 = arith.extui %sign3A_16 : i1 to i32
    %sign3A_18 = arith.subi %sign3A_14, %sign3A_17 : i32
    %ne3A = arith.cmpi ne, %sign3A_11, %sign3A_18 : i32
    %rem3A = arith.remsi %sub3A_5, %jit3A : i32
    %ne3A_19 = arith.constant 0 : i32
    %ne3A_20 = arith.cmpi ne, %rem3A, %ne3A_19 : i32
    %and3A = arith.andi %ne3A, %ne3A_20 : i1
    %sub3A_21 = arith.constant 1 : i32
    %sub3A_22 = arith.subi %div3A, %sub3A_21 : i32
    %select_n3A = arith.select %and3A, %sub3A_22, %div3A : i32
    %add3A_23 = arith.constant 0 : i32
    %add3A_24 = arith.addi %add3A, %add3A_23 : i32
    %mul3A_25 = arith.constant 1024 : i32
    %mul3A_26 = arith.muli %add3A_24, %mul3A_25 : i32
    %mul3A_27 = arith.constant 8 : i32
    %mul3A_28 = arith.muli %add3A_24, %mul3A_27 : i32
    %dma_start3A = arith.constant 0 : i32
    %dma_start3A_29 = arith.constant 0 : i32
    %dma_start3A_30 = tpu.memref_slice %arg6[%dma_start3A, %mul3A_28, %dma_start3A_29] : memref<2x25000x128xi32, #tpu.memory_space<hbm>> -> memref<1x8x128xi32, #tpu.memory_space<hbm>>
    %dma_start3A_31 = tpu.memref_squeeze %dma_start3A_30 : memref<1x8x128xi32, #tpu.memory_space<hbm>> -> memref<8x128xi32, #tpu.memory_space<hbm>>
    %dma_start3A_32 = arith.constant 0 : i32
    %dma_start3A_33 = tpu.memref_slice %arg6[%dma_start3A, %mul3A_28, %dma_start3A_32] : memref<2x25000x128xi32, #tpu.memory_space<hbm>> -> memref<1x8x128xi32, #tpu.memory_space<hbm>>
    %dma_start3A_34 = tpu.memref_squeeze %dma_start3A_33 : memref<1x8x128xi32, #tpu.memory_space<hbm>> -> memref<8x128xi32, #tpu.memory_space<hbm>>
    tpu.enqueue_dma source(%dma_start3A_34 : memref<8x128xi32, #tpu.memory_space<hbm>>) target(%arg11 : memref<8x128xi32, #tpu.memory_space<vmem>>) target_semaphore(%arg33 : memref<!tpu.dma_semaphore, #tpu.memory_space<semaphore_mem>>)
    %dma_start3A_35 = arith.constant 1 : i32
    %dma_start3A_36 = arith.constant 0 : i32
    %dma_start3A_37 = tpu.memref_slice %arg6[%dma_start3A_35, %mul3A_28, %dma_start3A_36] : memref<2x25000x128xi32, #tpu.memory_space<hbm>> -> memref<1x8x128xi32, #tpu.memory_space<hbm>>
    %dma_start3A_38 = tpu.memref_squeeze %dma_start3A_37 : memref<1x8x128xi32, #tpu.memory_space<hbm>> -> memref<8x128xi32, #tpu.memory_space<hbm>>
    %dma_start3A_39 = arith.constant 0 : i32
    %dma_start3A_40 = tpu.memref_slice %arg6[%dma_start3A_35, %mul3A_28, %dma_start3A_39] : memref<2x25000x128xi32, #tpu.memory_space<hbm>> -> memref<1x8x128xi32, #tpu.memory_space<hbm>>
    %dma_start3A_41 = tpu.memref_squeeze %dma_start3A_40 : memref<1x8x128xi32, #tpu.memory_space<hbm>> -> memref<8x128xi32, #tpu.memory_space<hbm>>
    tpu.enqueue_dma source(%dma_start3A_41 : memref<8x128xi32, #tpu.memory_space<hbm>>) target(%arg13 : memref<8x128xi32, #tpu.memory_space<vmem>>) target_semaphore(%arg33 : memref<!tpu.dma_semaphore, #tpu.memory_space<semaphore_mem>>)
    %dma_start3A_42 = tpu.memref_slice %arg3[%mul3A_26] : memref<3200000xf32, #tpu.memory_space<hbm>> -> memref<1024xf32, #tpu.memory_space<hbm>>
    %dma_start3A_43 = tpu.memref_slice %arg3[%mul3A_26] : memref<3200000xf32, #tpu.memory_space<hbm>> -> memref<1024xf32, #tpu.memory_space<hbm>>
    tpu.enqueue_dma source(%dma_start3A_43 : memref<1024xf32, #tpu.memory_space<hbm>>) target(%arg15 : memref<1024xf32, #tpu.memory_space<vmem>>) target_semaphore(%arg33 : memref<!tpu.dma_semaphore, #tpu.memory_space<semaphore_mem>>)
    %dma_start3A_44 = tpu.memref_slice %arg4[%mul3A_26] : memref<3200000xf32, #tpu.memory_space<hbm>> -> memref<1024xf32, #tpu.memory_space<hbm>>
    %dma_start3A_45 = tpu.memref_slice %arg4[%mul3A_26] : memref<3200000xf32, #tpu.memory_space<hbm>> -> memref<1024xf32, #tpu.memory_space<hbm>>
    tpu.enqueue_dma source(%dma_start3A_45 : memref<1024xf32, #tpu.memory_space<hbm>>) target(%arg17 : memref<1024xf32, #tpu.memory_space<vmem>>) target_semaphore(%arg33 : memref<!tpu.dma_semaphore, #tpu.memory_space<semaphore_mem>>)
    %dma_start3A_46 = tpu.memref_slice %arg5[%mul3A_26] : memref<3200000xf32, #tpu.memory_space<hbm>> -> memref<1024xf32, #tpu.memory_space<hbm>>
    %dma_start3A_47 = tpu.memref_slice %arg5[%mul3A_26] : memref<3200000xf32, #tpu.memory_space<hbm>> -> memref<1024xf32, #tpu.memory_space<hbm>>
    tpu.enqueue_dma source(%dma_start3A_47 : memref<1024xf32, #tpu.memory_space<hbm>>) target(%arg19 : memref<1024xf32, #tpu.memory_space<vmem>>) target_semaphore(%arg33 : memref<!tpu.dma_semaphore, #tpu.memory_space<semaphore_mem>>)
    %gt3A = arith.constant 1 : i32
    %gt3A_48 = arith.cmpi sgt, %select_n3A, %gt3A : i32
    %convert_element_type3A = arith.extui %gt3A_48 : i1 to i32
    %cond3A = arith.constant 0 : i32
    %cond3A_49 = arith.cmpi ne, %convert_element_type3A, %cond3A : i32
    scf.if %cond3A_49 {
      %add3A_327 = arith.constant 32 : i32
      %add3A_328 = arith.addi %add3A, %add3A_327 : i32
      %mul3A_329 = arith.constant 1024 : i32
      %mul3A_330 = arith.muli %add3A_328, %mul3A_329 : i32
      %mul3A_331 = arith.constant 8 : i32
      %mul3A_332 = arith.muli %add3A_328, %mul3A_331 : i32
      %dma_start3A_333 = arith.constant 0 : i32
      %dma_start3A_334 = arith.constant 0 : i32
      %dma_start3A_335 = tpu.memref_slice %arg6[%dma_start3A_333, %mul3A_332, %dma_start3A_334] : memref<2x25000x128xi32, #tpu.memory_space<hbm>> -> memref<1x8x128xi32, #tpu.memory_space<hbm>>
      %dma_start3A_336 = tpu.memref_squeeze %dma_start3A_335 : memref<1x8x128xi32, #tpu.memory_space<hbm>> -> memref<8x128xi32, #tpu.memory_space<hbm>>
      %dma_start3A_337 = arith.constant 0 : i32
      %dma_start3A_338 = tpu.memref_slice %arg6[%dma_start3A_333, %mul3A_332, %dma_start3A_337] : memref<2x25000x128xi32, #tpu.memory_space<hbm>> -> memref<1x8x128xi32, #tpu.memory_space<hbm>>
      %dma_start3A_339 = tpu.memref_squeeze %dma_start3A_338 : memref<1x8x128xi32, #tpu.memory_space<hbm>> -> memref<8x128xi32, #tpu.memory_space<hbm>>
      tpu.enqueue_dma source(%dma_start3A_339 : memref<8x128xi32, #tpu.memory_space<hbm>>) target(%arg12 : memref<8x128xi32, #tpu.memory_space<vmem>>) target_semaphore(%arg34 : memref<!tpu.dma_semaphore, #tpu.memory_space<semaphore_mem>>)
      %dma_start3A_340 = arith.constant 1 : i32
      %dma_start3A_341 = arith.constant 0 : i32
      %dma_start3A_342 = tpu.memref_slice %arg6[%dma_start3A_340, %mul3A_332, %dma_start3A_341] : memref<2x25000x128xi32, #tpu.memory_space<hbm>> -> memref<1x8x128xi32, #tpu.memory_space<hbm>>
      %dma_start3A_343 = tpu.memref_squeeze %dma_start3A_342 : memref<1x8x128xi32, #tpu.memory_space<hbm>> -> memref<8x128xi32, #tpu.memory_space<hbm>>
      %dma_start3A_344 = arith.constant 0 : i32
      %dma_start3A_345 = tpu.memref_slice %arg6[%dma_start3A_340, %mul3A_332, %dma_start3A_344] : memref<2x25000x128xi32, #tpu.memory_space<hbm>> -> memref<1x8x128xi32, #tpu.memory_space<hbm>>
      %dma_start3A_346 = tpu.memref_squeeze %dma_start3A_345 : memref<1x8x128xi32, #tpu.memory_space<hbm>> -> memref<8x128xi32, #tpu.memory_space<hbm>>
      tpu.enqueue_dma source(%dma_start3A_346 : memref<8x128xi32, #tpu.memory_space<hbm>>) target(%arg14 : memref<8x128xi32, #tpu.memory_space<vmem>>) target_semaphore(%arg34 : memref<!tpu.dma_semaphore, #tpu.memory_space<semaphore_mem>>)
      %dma_start3A_347 = tpu.memref_slice %arg3[%mul3A_330] : memref<3200000xf32, #tpu.memory_space<hbm>> -> memref<1024xf32, #tpu.memory_space<hbm>>
      %dma_start3A_348 = tpu.memref_slice %arg3[%mul3A_330] : memref<3200000xf32, #tpu.memory_space<hbm>> -> memref<1024xf32, #tpu.memory_space<hbm>>
      tpu.enqueue_dma source(%dma_start3A_348 : memref<1024xf32, #tpu.memory_space<hbm>>) target(%arg16 : memref<1024xf32, #tpu.memory_space<vmem>>) target_semaphore(%arg34 : memref<!tpu.dma_semaphore, #tpu.memory_space<semaphore_mem>>)
      %dma_start3A_349 = tpu.memref_slice %arg4[%mul3A_330] : memref<3200000xf32, #tpu.memory_space<hbm>> -> memref<1024xf32, #tpu.memory_space<hbm>>
      %dma_start3A_350 = tpu.memref_slice %arg4[%mul3A_330] : memref<3200000xf32, #tpu.memory_space<hbm>> -> memref<1024xf32, #tpu.memory_space<hbm>>
      tpu.enqueue_dma source(%dma_start3A_350 : memref<1024xf32, #tpu.memory_space<hbm>>) target(%arg18 : memref<1024xf32, #tpu.memory_space<vmem>>) target_semaphore(%arg34 : memref<!tpu.dma_semaphore, #tpu.memory_space<semaphore_mem>>)
      %dma_start3A_351 = tpu.memref_slice %arg5[%mul3A_330] : memref<3200000xf32, #tpu.memory_space<hbm>> -> memref<1024xf32, #tpu.memory_space<hbm>>
      %dma_start3A_352 = tpu.memref_slice %arg5[%mul3A_330] : memref<3200000xf32, #tpu.memory_space<hbm>> -> memref<1024xf32, #tpu.memory_space<hbm>>
      tpu.enqueue_dma source(%dma_start3A_352 : memref<1024xf32, #tpu.memory_space<hbm>>) target(%arg20 : memref<1024xf32, #tpu.memory_space<vmem>>) target_semaphore(%arg34 : memref<!tpu.dma_semaphore, #tpu.memory_space<semaphore_mem>>)
    } else {
    }
    %dma_wait3A = arith.constant 0 : i32
    %dma_wait3A_50 = arith.constant 0 : i32
    %dma_wait3A_51 = arith.constant 0 : i32
    %dma_wait3A_52 = tpu.memref_slice %arg6[%dma_wait3A, %dma_wait3A_50, %dma_wait3A_51] : memref<2x25000x128xi32, #tpu.memory_space<hbm>> -> memref<1x8x128xi32, #tpu.memory_space<hbm>>
    %dma_wait3A_53 = tpu.memref_squeeze %dma_wait3A_52 : memref<1x8x128xi32, #tpu.memory_space<hbm>> -> memref<8x128xi32, #tpu.memory_space<hbm>>
    %dma_wait3A_54 = arith.constant 0 : i32
    %dma_wait3A_55 = arith.constant 0 : i32
    %dma_wait3A_56 = tpu.memref_slice %arg6[%dma_wait3A, %dma_wait3A_54, %dma_wait3A_55] : memref<2x25000x128xi32, #tpu.memory_space<hbm>> -> memref<1x8x128xi32, #tpu.memory_space<hbm>>
    %dma_wait3A_57 = tpu.memref_squeeze %dma_wait3A_56 : memref<1x8x128xi32, #tpu.memory_space<hbm>> -> memref<8x128xi32, #tpu.memory_space<hbm>>
    tpu.wait_dma2 semaphore(%arg33 : memref<!tpu.dma_semaphore, #tpu.memory_space<semaphore_mem>>) src(%dma_wait3A_57 : memref<8x128xi32, #tpu.memory_space<hbm>>) dst(%arg11 : memref<8x128xi32, #tpu.memory_space<vmem>>)
    %dma_wait3A_58 = arith.constant 1 : i32
    %dma_wait3A_59 = arith.constant 0 : i32
    %dma_wait3A_60 = arith.constant 0 : i32
    %dma_wait3A_61 = tpu.memref_slice %arg6[%dma_wait3A_58, %dma_wait3A_59, %dma_wait3A_60] : memref<2x25000x128xi32, #tpu.memory_space<hbm>> -> memref<1x8x128xi32, #tpu.memory_space<hbm>>
    %dma_wait3A_62 = tpu.memref_squeeze %dma_wait3A_61 : memref<1x8x128xi32, #tpu.memory_space<hbm>> -> memref<8x128xi32, #tpu.memory_space<hbm>>
    %dma_wait3A_63 = arith.constant 0 : i32
    %dma_wait3A_64 = arith.constant 0 : i32
    %dma_wait3A_65 = tpu.memref_slice %arg6[%dma_wait3A_58, %dma_wait3A_63, %dma_wait3A_64] : memref<2x25000x128xi32, #tpu.memory_space<hbm>> -> memref<1x8x128xi32, #tpu.memory_space<hbm>>
    %dma_wait3A_66 = tpu.memref_squeeze %dma_wait3A_65 : memref<1x8x128xi32, #tpu.memory_space<hbm>> -> memref<8x128xi32, #tpu.memory_space<hbm>>
    tpu.wait_dma2 semaphore(%arg33 : memref<!tpu.dma_semaphore, #tpu.memory_space<semaphore_mem>>) src(%dma_wait3A_66 : memref<8x128xi32, #tpu.memory_space<hbm>>) dst(%arg13 : memref<8x128xi32, #tpu.memory_space<vmem>>)
    %dma_wait3A_67 = arith.constant 0 : i32
    %dma_wait3A_68 = tpu.memref_slice %arg3[%dma_wait3A_67] : memref<3200000xf32, #tpu.memory_space<hbm>> -> memref<1024xf32, #tpu.memory_space<hbm>>
    %dma_wait3A_69 = arith.constant 0 : i32
    %dma_wait3A_70 = tpu.memref_slice %arg3[%dma_wait3A_69] : memref<3200000xf32, #tpu.memory_space<hbm>> -> memref<1024xf32, #tpu.memory_space<hbm>>
    tpu.wait_dma2 semaphore(%arg33 : memref<!tpu.dma_semaphore, #tpu.memory_space<semaphore_mem>>) src(%dma_wait3A_70 : memref<1024xf32, #tpu.memory_space<hbm>>) dst(%arg15 : memref<1024xf32, #tpu.memory_space<vmem>>)
    %dma_wait3A_71 = arith.constant 0 : i32
    %dma_wait3A_72 = tpu.memref_slice %arg4[%dma_wait3A_71] : memref<3200000xf32, #tpu.memory_space<hbm>> -> memref<1024xf32, #tpu.memory_space<hbm>>
    %dma_wait3A_73 = arith.constant 0 : i32
    %dma_wait3A_74 = tpu.memref_slice %arg4[%dma_wait3A_73] : memref<3200000xf32, #tpu.memory_space<hbm>> -> memref<1024xf32, #tpu.memory_space<hbm>>
    tpu.wait_dma2 semaphore(%arg33 : memref<!tpu.dma_semaphore, #tpu.memory_space<semaphore_mem>>) src(%dma_wait3A_74 : memref<1024xf32, #tpu.memory_space<hbm>>) dst(%arg17 : memref<1024xf32, #tpu.memory_space<vmem>>)
    %dma_wait3A_75 = arith.constant 0 : i32
    %dma_wait3A_76 = tpu.memref_slice %arg5[%dma_wait3A_75] : memref<3200000xf32, #tpu.memory_space<hbm>> -> memref<1024xf32, #tpu.memory_space<hbm>>
    %dma_wait3A_77 = arith.constant 0 : i32
    %dma_wait3A_78 = tpu.memref_slice %arg5[%dma_wait3A_77] : memref<3200000xf32, #tpu.memory_space<hbm>> -> memref<1024xf32, #tpu.memory_space<hbm>>
    tpu.wait_dma2 semaphore(%arg33 : memref<!tpu.dma_semaphore, #tpu.memory_space<semaphore_mem>>) src(%dma_wait3A_78 : memref<1024xf32, #tpu.memory_space<hbm>>) dst(%arg19 : memref<1024xf32, #tpu.memory_space<vmem>>)
    %dma_start3A_79 = arith.constant 0 : i32
    %dma_start3A_80 = arith.constant 0 : i32
    %dma_start3A_81 = arith.constant 0 : i32
    %dma_start3A_82 = arith.constant 0 : i32
    %dma_start3A_83 = tpu.memref_slice %arg21[%dma_start3A_80, %dma_start3A_81, %dma_start3A_82] : memref<8x128x16xf32, #tpu.memory_space<vmem>> -> memref<1x128x16xf32, #tpu.memory_space<vmem>>
    %dma_start3A_84 = tpu.memref_squeeze %dma_start3A_83 : memref<1x128x16xf32, #tpu.memory_space<vmem>> -> memref<128x16xf32, #tpu.memory_space<vmem>>
    %dma_start3A_85 = arith.constant 0 : i32
    %dma_start3A_86 = tpu.memref_slice %arg11[%dma_start3A_79, %dma_start3A_85] : memref<8x128xi32, #tpu.memory_space<vmem>> -> memref<1x128xi32, #tpu.memory_space<vmem>>
    %dma_start3A_87 = tpu.memref_squeeze %dma_start3A_86 : memref<1x128xi32, #tpu.memory_space<vmem>> -> memref<128xi32, #tpu.memory_space<vmem>>
    %dma_start3A_88 = arith.constant 0 : i32
    %dma_start3A_89 = arith.constant 0 : i32
    %dma_start3A_90 = tpu.memref_slice %arg2[%dma_start3A_88, %dma_start3A_89] : memref<100000x16xf32, #tpu.memory_space<hbm>> -> memref<100000x16xf32, #tpu.memory_space<hbm>>
    tpu.enqueue_indirect_dma source(%dma_start3A_90 : memref<100000x16xf32, #tpu.memory_space<hbm>>) target(%dma_start3A_84 : memref<128x16xf32, #tpu.memory_space<vmem>>) offsets(%dma_start3A_87 : memref<128xi32, #tpu.memory_space<vmem>>) semaphore(%arg35 : memref<!tpu.dma_semaphore, #tpu.memory_space<semaphore_mem>>)
    %dma_start3A_91 = arith.constant 0 : i32
    %dma_start3A_92 = arith.constant 0 : i32
    %dma_start3A_93 = arith.constant 0 : i32
    %dma_start3A_94 = arith.constant 0 : i32
    %dma_start3A_95 = tpu.memref_slice %arg23[%dma_start3A_92, %dma_start3A_93, %dma_start3A_94] : memref<8x128x16xf32, #tpu.memory_space<vmem>> -> memref<1x128x16xf32, #tpu.memory_space<vmem>>
    %dma_start3A_96 = tpu.memref_squeeze %dma_start3A_95 : memref<1x128x16xf32, #tpu.memory_space<vmem>> -> memref<128x16xf32, #tpu.memory_space<vmem>>
    %dma_start3A_97 = arith.constant 0 : i32
    %dma_start3A_98 = tpu.memref_slice %arg13[%dma_start3A_91, %dma_start3A_97] : memref<8x128xi32, #tpu.memory_space<vmem>> -> memref<1x128xi32, #tpu.memory_space<vmem>>
    %dma_start3A_99 = tpu.memref_squeeze %dma_start3A_98 : memref<1x128xi32, #tpu.memory_space<vmem>> -> memref<128xi32, #tpu.memory_space<vmem>>
    %dma_start3A_100 = arith.constant 0 : i32
    %dma_start3A_101 = arith.constant 0 : i32
    %dma_start3A_102 = tpu.memref_slice %arg2[%dma_start3A_100, %dma_start3A_101] : memref<100000x16xf32, #tpu.memory_space<hbm>> -> memref<100000x16xf32, #tpu.memory_space<hbm>>
    tpu.enqueue_indirect_dma source(%dma_start3A_102 : memref<100000x16xf32, #tpu.memory_space<hbm>>) target(%dma_start3A_96 : memref<128x16xf32, #tpu.memory_space<vmem>>) offsets(%dma_start3A_99 : memref<128xi32, #tpu.memory_space<vmem>>) semaphore(%arg35 : memref<!tpu.dma_semaphore, #tpu.memory_space<semaphore_mem>>)
    %dma_start3A_103 = arith.constant 1 : i32
    %dma_start3A_104 = arith.constant 1 : i32
    %dma_start3A_105 = arith.constant 0 : i32
    %dma_start3A_106 = arith.constant 0 : i32
    %dma_start3A_107 = tpu.memref_slice %arg21[%dma_start3A_104, %dma_start3A_105, %dma_start3A_106] : memref<8x128x16xf32, #tpu.memory_space<vmem>> -> memref<1x128x16xf32, #tpu.memory_space<vmem>>
    %dma_start3A_108 = tpu.memref_squeeze %dma_start3A_107 : memref<1x128x16xf32, #tpu.memory_space<vmem>> -> memref<128x16xf32, #tpu.memory_space<vmem>>
    %dma_start3A_109 = arith.constant 0 : i32
    %dma_start3A_110 = tpu.memref_slice %arg11[%dma_start3A_103, %dma_start3A_109] : memref<8x128xi32, #tpu.memory_space<vmem>> -> memref<1x128xi32, #tpu.memory_space<vmem>>
    %dma_start3A_111 = tpu.memref_squeeze %dma_start3A_110 : memref<1x128xi32, #tpu.memory_space<vmem>> -> memref<128xi32, #tpu.memory_space<vmem>>
    %dma_start3A_112 = arith.constant 0 : i32
    %dma_start3A_113 = arith.constant 0 : i32
    %dma_start3A_114 = tpu.memref_slice %arg2[%dma_start3A_112, %dma_start3A_113] : memref<100000x16xf32, #tpu.memory_space<hbm>> -> memref<100000x16xf32, #tpu.memory_space<hbm>>
    tpu.enqueue_indirect_dma source(%dma_start3A_114 : memref<100000x16xf32, #tpu.memory_space<hbm>>) target(%dma_start3A_108 : memref<128x16xf32, #tpu.memory_space<vmem>>) offsets(%dma_start3A_111 : memref<128xi32, #tpu.memory_space<vmem>>) semaphore(%arg35 : memref<!tpu.dma_semaphore, #tpu.memory_space<semaphore_mem>>)
    %dma_start3A_115 = arith.constant 1 : i32
    %dma_start3A_116 = arith.constant 1 : i32
    %dma_start3A_117 = arith.constant 0 : i32
    %dma_start3A_118 = arith.constant 0 : i32
    %dma_start3A_119 = tpu.memref_slice %arg23[%dma_start3A_116, %dma_start3A_117, %dma_start3A_118] : memref<8x128x16xf32, #tpu.memory_space<vmem>> -> memref<1x128x16xf32, #tpu.memory_space<vmem>>
    %dma_start3A_120 = tpu.memref_squeeze %dma_start3A_119 : memref<1x128x16xf32, #tpu.memory_space<vmem>> -> memref<128x16xf32, #tpu.memory_space<vmem>>
    %dma_start3A_121 = arith.constant 0 : i32
    %dma_start3A_122 = tpu.memref_slice %arg13[%dma_start3A_115, %dma_start3A_121] : memref<8x128xi32, #tpu.memory_space<vmem>> -> memref<1x128xi32, #tpu.memory_space<vmem>>
    %dma_start3A_123 = tpu.memref_squeeze %dma_start3A_122 : memref<1x128xi32, #tpu.memory_space<vmem>> -> memref<128xi32, #tpu.memory_space<vmem>>
    %dma_start3A_124 = arith.constant 0 : i32
    %dma_start3A_125 = arith.constant 0 : i32
    %dma_start3A_126 = tpu.memref_slice %arg2[%dma_start3A_124, %dma_start3A_125] : memref<100000x16xf32, #tpu.memory_space<hbm>> -> memref<100000x16xf32, #tpu.memory_space<hbm>>
    tpu.enqueue_indirect_dma source(%dma_start3A_126 : memref<100000x16xf32, #tpu.memory_space<hbm>>) target(%dma_start3A_120 : memref<128x16xf32, #tpu.memory_space<vmem>>) offsets(%dma_start3A_123 : memref<128xi32, #tpu.memory_space<vmem>>) semaphore(%arg35 : memref<!tpu.dma_semaphore, #tpu.memory_space<semaphore_mem>>)
    %dma_start3A_127 = arith.constant 2 : i32
    %dma_start3A_128 = arith.constant 2 : i32
    %dma_start3A_129 = arith.constant 0 : i32
    %dma_start3A_130 = arith.constant 0 : i32
    %dma_start3A_131 = tpu.memref_slice %arg21[%dma_start3A_128, %dma_start3A_129, %dma_start3A_130] : memref<8x128x16xf32, #tpu.memory_space<vmem>> -> memref<1x128x16xf32, #tpu.memory_space<vmem>>
    %dma_start3A_132 = tpu.memref_squeeze %dma_start3A_131 : memref<1x128x16xf32, #tpu.memory_space<vmem>> -> memref<128x16xf32, #tpu.memory_space<vmem>>
    %dma_start3A_133 = arith.constant 0 : i32
    %dma_start3A_134 = tpu.memref_slice %arg11[%dma_start3A_127, %dma_start3A_133] : memref<8x128xi32, #tpu.memory_space<vmem>> -> memref<1x128xi32, #tpu.memory_space<vmem>>
    %dma_start3A_135 = tpu.memref_squeeze %dma_start3A_134 : memref<1x128xi32, #tpu.memory_space<vmem>> -> memref<128xi32, #tpu.memory_space<vmem>>
    %dma_start3A_136 = arith.constant 0 : i32
    %dma_start3A_137 = arith.constant 0 : i32
    %dma_start3A_138 = tpu.memref_slice %arg2[%dma_start3A_136, %dma_start3A_137] : memref<100000x16xf32, #tpu.memory_space<hbm>> -> memref<100000x16xf32, #tpu.memory_space<hbm>>
    tpu.enqueue_indirect_dma source(%dma_start3A_138 : memref<100000x16xf32, #tpu.memory_space<hbm>>) target(%dma_start3A_132 : memref<128x16xf32, #tpu.memory_space<vmem>>) offsets(%dma_start3A_135 : memref<128xi32, #tpu.memory_space<vmem>>) semaphore(%arg35 : memref<!tpu.dma_semaphore, #tpu.memory_space<semaphore_mem>>)
    %dma_start3A_139 = arith.constant 2 : i32
    %dma_start3A_140 = arith.constant 2 : i32
    %dma_start3A_141 = arith.constant 0 : i32
    %dma_start3A_142 = arith.constant 0 : i32
    %dma_start3A_143 = tpu.memref_slice %arg23[%dma_start3A_140, %dma_start3A_141, %dma_start3A_142] : memref<8x128x16xf32, #tpu.memory_space<vmem>> -> memref<1x128x16xf32, #tpu.memory_space<vmem>>
    %dma_start3A_144 = tpu.memref_squeeze %dma_start3A_143 : memref<1x128x16xf32, #tpu.memory_space<vmem>> -> memref<128x16xf32, #tpu.memory_space<vmem>>
    %dma_start3A_145 = arith.constant 0 : i32
    %dma_start3A_146 = tpu.memref_slice %arg13[%dma_start3A_139, %dma_start3A_145] : memref<8x128xi32, #tpu.memory_space<vmem>> -> memref<1x128xi32, #tpu.memory_space<vmem>>
    %dma_start3A_147 = tpu.memref_squeeze %dma_start3A_146 : memref<1x128xi32, #tpu.memory_space<vmem>> -> memref<128xi32, #tpu.memory_space<vmem>>
    %dma_start3A_148 = arith.constant 0 : i32
    %dma_start3A_149 = arith.constant 0 : i32
    %dma_start3A_150 = tpu.memref_slice %arg2[%dma_start3A_148, %dma_start3A_149] : memref<100000x16xf32, #tpu.memory_space<hbm>> -> memref<100000x16xf32, #tpu.memory_space<hbm>>
    tpu.enqueue_indirect_dma source(%dma_start3A_150 : memref<100000x16xf32, #tpu.memory_space<hbm>>) target(%dma_start3A_144 : memref<128x16xf32, #tpu.memory_space<vmem>>) offsets(%dma_start3A_147 : memref<128xi32, #tpu.memory_space<vmem>>) semaphore(%arg35 : memref<!tpu.dma_semaphore, #tpu.memory_space<semaphore_mem>>)
    %dma_start3A_151 = arith.constant 3 : i32
    %dma_start3A_152 = arith.constant 3 : i32
    %dma_start3A_153 = arith.constant 0 : i32
    %dma_start3A_154 = arith.constant 0 : i32
    %dma_start3A_155 = tpu.memref_slice %arg21[%dma_start3A_152, %dma_start3A_153, %dma_start3A_154] : memref<8x128x16xf32, #tpu.memory_space<vmem>> -> memref<1x128x16xf32, #tpu.memory_space<vmem>>
    %dma_start3A_156 = tpu.memref_squeeze %dma_start3A_155 : memref<1x128x16xf32, #tpu.memory_space<vmem>> -> memref<128x16xf32, #tpu.memory_space<vmem>>
    %dma_start3A_157 = arith.constant 0 : i32
    %dma_start3A_158 = tpu.memref_slice %arg11[%dma_start3A_151, %dma_start3A_157] : memref<8x128xi32, #tpu.memory_space<vmem>> -> memref<1x128xi32, #tpu.memory_space<vmem>>
    %dma_start3A_159 = tpu.memref_squeeze %dma_start3A_158 : memref<1x128xi32, #tpu.memory_space<vmem>> -> memref<128xi32, #tpu.memory_space<vmem>>
    %dma_start3A_160 = arith.constant 0 : i32
    %dma_start3A_161 = arith.constant 0 : i32
    %dma_start3A_162 = tpu.memref_slice %arg2[%dma_start3A_160, %dma_start3A_161] : memref<100000x16xf32, #tpu.memory_space<hbm>> -> memref<100000x16xf32, #tpu.memory_space<hbm>>
    tpu.enqueue_indirect_dma source(%dma_start3A_162 : memref<100000x16xf32, #tpu.memory_space<hbm>>) target(%dma_start3A_156 : memref<128x16xf32, #tpu.memory_space<vmem>>) offsets(%dma_start3A_159 : memref<128xi32, #tpu.memory_space<vmem>>) semaphore(%arg35 : memref<!tpu.dma_semaphore, #tpu.memory_space<semaphore_mem>>)
    %dma_start3A_163 = arith.constant 3 : i32
    %dma_start3A_164 = arith.constant 3 : i32
    %dma_start3A_165 = arith.constant 0 : i32
    %dma_start3A_166 = arith.constant 0 : i32
    %dma_start3A_167 = tpu.memref_slice %arg23[%dma_start3A_164, %dma_start3A_165, %dma_start3A_166] : memref<8x128x16xf32, #tpu.memory_space<vmem>> -> memref<1x128x16xf32, #tpu.memory_space<vmem>>
    %dma_start3A_168 = tpu.memref_squeeze %dma_start3A_167 : memref<1x128x16xf32, #tpu.memory_space<vmem>> -> memref<128x16xf32, #tpu.memory_space<vmem>>
    %dma_start3A_169 = arith.constant 0 : i32
    %dma_start3A_170 = tpu.memref_slice %arg13[%dma_start3A_163, %dma_start3A_169] : memref<8x128xi32, #tpu.memory_space<vmem>> -> memref<1x128xi32, #tpu.memory_space<vmem>>
    %dma_start3A_171 = tpu.memref_squeeze %dma_start3A_170 : memref<1x128xi32, #tpu.memory_space<vmem>> -> memref<128xi32, #tpu.memory_space<vmem>>
    %dma_start3A_172 = arith.constant 0 : i32
    %dma_start3A_173 = arith.constant 0 : i32
    %dma_start3A_174 = tpu.memref_slice %arg2[%dma_start3A_172, %dma_start3A_173] : memref<100000x16xf32, #tpu.memory_space<hbm>> -> memref<100000x16xf32, #tpu.memory_space<hbm>>
    tpu.enqueue_indirect_dma source(%dma_start3A_174 : memref<100000x16xf32, #tpu.memory_space<hbm>>) target(%dma_start3A_168 : memref<128x16xf32, #tpu.memory_space<vmem>>) offsets(%dma_start3A_171 : memref<128xi32, #tpu.memory_space<vmem>>) semaphore(%arg35 : memref<!tpu.dma_semaphore, #tpu.memory_space<semaphore_mem>>)
    %dma_start3A_175 = arith.constant 4 : i32
    %dma_start3A_176 = arith.constant 4 : i32
    %dma_start3A_177 = arith.constant 0 : i32
    %dma_start3A_178 = arith.constant 0 : i32
    %dma_start3A_179 = tpu.memref_slice %arg21[%dma_start3A_176, %dma_start3A_177, %dma_start3A_178] : memref<8x128x16xf32, #tpu.memory_space<vmem>> -> memref<1x128x16xf32, #tpu.memory_space<vmem>>
    %dma_start3A_180 = tpu.memref_squeeze %dma_start3A_179 : memref<1x128x16xf32, #tpu.memory_space<vmem>> -> memref<128x16xf32, #tpu.memory_space<vmem>>
    %dma_start3A_181 = arith.constant 0 : i32
    %dma_start3A_182 = tpu.memref_slice %arg11[%dma_start3A_175, %dma_start3A_181] : memref<8x128xi32, #tpu.memory_space<vmem>> -> memref<1x128xi32, #tpu.memory_space<vmem>>
    %dma_start3A_183 = tpu.memref_squeeze %dma_start3A_182 : memref<1x128xi32, #tpu.memory_space<vmem>> -> memref<128xi32, #tpu.memory_space<vmem>>
    %dma_start3A_184 = arith.constant 0 : i32
    %dma_start3A_185 = arith.constant 0 : i32
    %dma_start3A_186 = tpu.memref_slice %arg2[%dma_start3A_184, %dma_start3A_185] : memref<100000x16xf32, #tpu.memory_space<hbm>> -> memref<100000x16xf32, #tpu.memory_space<hbm>>
    tpu.enqueue_indirect_dma source(%dma_start3A_186 : memref<100000x16xf32, #tpu.memory_space<hbm>>) target(%dma_start3A_180 : memref<128x16xf32, #tpu.memory_space<vmem>>) offsets(%dma_start3A_183 : memref<128xi32, #tpu.memory_space<vmem>>) semaphore(%arg35 : memref<!tpu.dma_semaphore, #tpu.memory_space<semaphore_mem>>)
    %dma_start3A_187 = arith.constant 4 : i32
    %dma_start3A_188 = arith.constant 4 : i32
    %dma_start3A_189 = arith.constant 0 : i32
    %dma_start3A_190 = arith.constant 0 : i32
    %dma_start3A_191 = tpu.memref_slice %arg23[%dma_start3A_188, %dma_start3A_189, %dma_start3A_190] : memref<8x128x16xf32, #tpu.memory_space<vmem>> -> memref<1x128x16xf32, #tpu.memory_space<vmem>>
    %dma_start3A_192 = tpu.memref_squeeze %dma_start3A_191 : memref<1x128x16xf32, #tpu.memory_space<vmem>> -> memref<128x16xf32, #tpu.memory_space<vmem>>
    %dma_start3A_193 = arith.constant 0 : i32
    %dma_start3A_194 = tpu.memref_slice %arg13[%dma_start3A_187, %dma_start3A_193] : memref<8x128xi32, #tpu.memory_space<vmem>> -> memref<1x128xi32, #tpu.memory_space<vmem>>
    %dma_start3A_195 = tpu.memref_squeeze %dma_start3A_194 : memref<1x128xi32, #tpu.memory_space<vmem>> -> memref<128xi32, #tpu.memory_space<vmem>>
    %dma_start3A_196 = arith.constant 0 : i32
    %dma_start3A_197 = arith.constant 0 : i32
    %dma_start3A_198 = tpu.memref_slice %arg2[%dma_start3A_196, %dma_start3A_197] : memref<100000x16xf32, #tpu.memory_space<hbm>> -> memref<100000x16xf32, #tpu.memory_space<hbm>>
    tpu.enqueue_indirect_dma source(%dma_start3A_198 : memref<100000x16xf32, #tpu.memory_space<hbm>>) target(%dma_start3A_192 : memref<128x16xf32, #tpu.memory_space<vmem>>) offsets(%dma_start3A_195 : memref<128xi32, #tpu.memory_space<vmem>>) semaphore(%arg35 : memref<!tpu.dma_semaphore, #tpu.memory_space<semaphore_mem>>)
    %dma_start3A_199 = arith.constant 5 : i32
    %dma_start3A_200 = arith.constant 5 : i32
    %dma_start3A_201 = arith.constant 0 : i32
    %dma_start3A_202 = arith.constant 0 : i32
    %dma_start3A_203 = tpu.memref_slice %arg21[%dma_start3A_200, %dma_start3A_201, %dma_start3A_202] : memref<8x128x16xf32, #tpu.memory_space<vmem>> -> memref<1x128x16xf32, #tpu.memory_space<vmem>>
    %dma_start3A_204 = tpu.memref_squeeze %dma_start3A_203 : memref<1x128x16xf32, #tpu.memory_space<vmem>> -> memref<128x16xf32, #tpu.memory_space<vmem>>
    %dma_start3A_205 = arith.constant 0 : i32
    %dma_start3A_206 = tpu.memref_slice %arg11[%dma_start3A_199, %dma_start3A_205] : memref<8x128xi32, #tpu.memory_space<vmem>> -> memref<1x128xi32, #tpu.memory_space<vmem>>
    %dma_start3A_207 = tpu.memref_squeeze %dma_start3A_206 : memref<1x128xi32, #tpu.memory_space<vmem>> -> memref<128xi32, #tpu.memory_space<vmem>>
    %dma_start3A_208 = arith.constant 0 : i32
    %dma_start3A_209 = arith.constant 0 : i32
    %dma_start3A_210 = tpu.memref_slice %arg2[%dma_start3A_208, %dma_start3A_209] : memref<100000x16xf32, #tpu.memory_space<hbm>> -> memref<100000x16xf32, #tpu.memory_space<hbm>>
    tpu.enqueue_indirect_dma source(%dma_start3A_210 : memref<100000x16xf32, #tpu.memory_space<hbm>>) target(%dma_start3A_204 : memref<128x16xf32, #tpu.memory_space<vmem>>) offsets(%dma_start3A_207 : memref<128xi32, #tpu.memory_space<vmem>>) semaphore(%arg35 : memref<!tpu.dma_semaphore, #tpu.memory_space<semaphore_mem>>)
    %dma_start3A_211 = arith.constant 5 : i32
    %dma_start3A_212 = arith.constant 5 : i32
    %dma_start3A_213 = arith.constant 0 : i32
    %dma_start3A_214 = arith.constant 0 : i32
    %dma_start3A_215 = tpu.memref_slice %arg23[%dma_start3A_212, %dma_start3A_213, %dma_start3A_214] : memref<8x128x16xf32, #tpu.memory_space<vmem>> -> memref<1x128x16xf32, #tpu.memory_space<vmem>>
    %dma_start3A_216 = tpu.memref_squeeze %dma_start3A_215 : memref<1x128x16xf32, #tpu.memory_space<vmem>> -> memref<128x16xf32, #tpu.memory_space<vmem>>
    %dma_start3A_217 = arith.constant 0 : i32
    %dma_start3A_218 = tpu.memref_slice %arg13[%dma_start3A_211, %dma_start3A_217] : memref<8x128xi32, #tpu.memory_space<vmem>> -> memref<1x128xi32, #tpu.memory_space<vmem>>
    %dma_start3A_219 = tpu.memref_squeeze %dma_start3A_218 : memref<1x128xi32, #tpu.memory_space<vmem>> -> memref<128xi32, #tpu.memory_space<vmem>>
    %dma_start3A_220 = arith.constant 0 : i32
    %dma_start3A_221 = arith.constant 0 : i32
    %dma_start3A_222 = tpu.memref_slice %arg2[%dma_start3A_220, %dma_start3A_221] : memref<100000x16xf32, #tpu.memory_space<hbm>> -> memref<100000x16xf32, #tpu.memory_space<hbm>>
    tpu.enqueue_indirect_dma source(%dma_start3A_222 : memref<100000x16xf32, #tpu.memory_space<hbm>>) target(%dma_start3A_216 : memref<128x16xf32, #tpu.memory_space<vmem>>) offsets(%dma_start3A_219 : memref<128xi32, #tpu.memory_space<vmem>>) semaphore(%arg35 : memref<!tpu.dma_semaphore, #tpu.memory_space<semaphore_mem>>)
    %dma_start3A_223 = arith.constant 6 : i32
    %dma_start3A_224 = arith.constant 6 : i32
    %dma_start3A_225 = arith.constant 0 : i32
    %dma_start3A_226 = arith.constant 0 : i32
    %dma_start3A_227 = tpu.memref_slice %arg21[%dma_start3A_224, %dma_start3A_225, %dma_start3A_226] : memref<8x128x16xf32, #tpu.memory_space<vmem>> -> memref<1x128x16xf32, #tpu.memory_space<vmem>>
    %dma_start3A_228 = tpu.memref_squeeze %dma_start3A_227 : memref<1x128x16xf32, #tpu.memory_space<vmem>> -> memref<128x16xf32, #tpu.memory_space<vmem>>
    %dma_start3A_229 = arith.constant 0 : i32
    %dma_start3A_230 = tpu.memref_slice %arg11[%dma_start3A_223, %dma_start3A_229] : memref<8x128xi32, #tpu.memory_space<vmem>> -> memref<1x128xi32, #tpu.memory_space<vmem>>
    %dma_start3A_231 = tpu.memref_squeeze %dma_start3A_230 : memref<1x128xi32, #tpu.memory_space<vmem>> -> memref<128xi32, #tpu.memory_space<vmem>>
    %dma_start3A_232 = arith.constant 0 : i32
    %dma_start3A_233 = arith.constant 0 : i32
    %dma_start3A_234 = tpu.memref_slice %arg2[%dma_start3A_232, %dma_start3A_233] : memref<100000x16xf32, #tpu.memory_space<hbm>> -> memref<100000x16xf32, #tpu.memory_space<hbm>>
    tpu.enqueue_indirect_dma source(%dma_start3A_234 : memref<100000x16xf32, #tpu.memory_space<hbm>>) target(%dma_start3A_228 : memref<128x16xf32, #tpu.memory_space<vmem>>) offsets(%dma_start3A_231 : memref<128xi32, #tpu.memory_space<vmem>>) semaphore(%arg35 : memref<!tpu.dma_semaphore, #tpu.memory_space<semaphore_mem>>)
    %dma_start3A_235 = arith.constant 6 : i32
    %dma_start3A_236 = arith.constant 6 : i32
    %dma_start3A_237 = arith.constant 0 : i32
    %dma_start3A_238 = arith.constant 0 : i32
    %dma_start3A_239 = tpu.memref_slice %arg23[%dma_start3A_236, %dma_start3A_237, %dma_start3A_238] : memref<8x128x16xf32, #tpu.memory_space<vmem>> -> memref<1x128x16xf32, #tpu.memory_space<vmem>>
    %dma_start3A_240 = tpu.memref_squeeze %dma_start3A_239 : memref<1x128x16xf32, #tpu.memory_space<vmem>> -> memref<128x16xf32, #tpu.memory_space<vmem>>
    %dma_start3A_241 = arith.constant 0 : i32
    %dma_start3A_242 = tpu.memref_slice %arg13[%dma_start3A_235, %dma_start3A_241] : memref<8x128xi32, #tpu.memory_space<vmem>> -> memref<1x128xi32, #tpu.memory_space<vmem>>
    %dma_start3A_243 = tpu.memref_squeeze %dma_start3A_242 : memref<1x128xi32, #tpu.memory_space<vmem>> -> memref<128xi32, #tpu.memory_space<vmem>>
    %dma_start3A_244 = arith.constant 0 : i32
    %dma_start3A_245 = arith.constant 0 : i32
    %dma_start3A_246 = tpu.memref_slice %arg2[%dma_start3A_244, %dma_start3A_245] : memref<100000x16xf32, #tpu.memory_space<hbm>> -> memref<100000x16xf32, #tpu.memory_space<hbm>>
    tpu.enqueue_indirect_dma source(%dma_start3A_246 : memref<100000x16xf32, #tpu.memory_space<hbm>>) target(%dma_start3A_240 : memref<128x16xf32, #tpu.memory_space<vmem>>) offsets(%dma_start3A_243 : memref<128xi32, #tpu.memory_space<vmem>>) semaphore(%arg35 : memref<!tpu.dma_semaphore, #tpu.memory_space<semaphore_mem>>)
    %dma_start3A_247 = arith.constant 7 : i32
    %dma_start3A_248 = arith.constant 7 : i32
    %dma_start3A_249 = arith.constant 0 : i32
    %dma_start3A_250 = arith.constant 0 : i32
    %dma_start3A_251 = tpu.memref_slice %arg21[%dma_start3A_248, %dma_start3A_249, %dma_start3A_250] : memref<8x128x16xf32, #tpu.memory_space<vmem>> -> memref<1x128x16xf32, #tpu.memory_space<vmem>>
    %dma_start3A_252 = tpu.memref_squeeze %dma_start3A_251 : memref<1x128x16xf32, #tpu.memory_space<vmem>> -> memref<128x16xf32, #tpu.memory_space<vmem>>
    %dma_start3A_253 = arith.constant 0 : i32
    %dma_start3A_254 = tpu.memref_slice %arg11[%dma_start3A_247, %dma_start3A_253] : memref<8x128xi32, #tpu.memory_space<vmem>> -> memref<1x128xi32, #tpu.memory_space<vmem>>
    %dma_start3A_255 = tpu.memref_squeeze %dma_start3A_254 : memref<1x128xi32, #tpu.memory_space<vmem>> -> memref<128xi32, #tpu.memory_space<vmem>>
    %dma_start3A_256 = arith.constant 0 : i32
    %dma_start3A_257 = arith.constant 0 : i32
    %dma_start3A_258 = tpu.memref_slice %arg2[%dma_start3A_256, %dma_start3A_257] : memref<100000x16xf32, #tpu.memory_space<hbm>> -> memref<100000x16xf32, #tpu.memory_space<hbm>>
    tpu.enqueue_indirect_dma source(%dma_start3A_258 : memref<100000x16xf32, #tpu.memory_space<hbm>>) target(%dma_start3A_252 : memref<128x16xf32, #tpu.memory_space<vmem>>) offsets(%dma_start3A_255 : memref<128xi32, #tpu.memory_space<vmem>>) semaphore(%arg35 : memref<!tpu.dma_semaphore, #tpu.memory_space<semaphore_mem>>)
    %dma_start3A_259 = arith.constant 7 : i32
    %dma_start3A_260 = arith.constant 7 : i32
    %dma_start3A_261 = arith.constant 0 : i32
    %dma_start3A_262 = arith.constant 0 : i32
    %dma_start3A_263 = tpu.memref_slice %arg23[%dma_start3A_260, %dma_start3A_261, %dma_start3A_262] : memref<8x128x16xf32, #tpu.memory_space<vmem>> -> memref<1x128x16xf32, #tpu.memory_space<vmem>>
    %dma_start3A_264 = tpu.memref_squeeze %dma_start3A_263 : memref<1x128x16xf32, #tpu.memory_space<vmem>> -> memref<128x16xf32, #tpu.memory_space<vmem>>
    %dma_start3A_265 = arith.constant 0 : i32
    %dma_start3A_266 = tpu.memref_slice %arg13[%dma_start3A_259, %dma_start3A_265] : memref<8x128xi32, #tpu.memory_space<vmem>> -> memref<1x128xi32, #tpu.memory_space<vmem>>
    %dma_start3A_267 = tpu.memref_squeeze %dma_start3A_266 : memref<1x128xi32, #tpu.memory_space<vmem>> -> memref<128xi32, #tpu.memory_space<vmem>>
    %dma_start3A_268 = arith.constant 0 : i32
    %dma_start3A_269 = arith.constant 0 : i32
    %dma_start3A_270 = tpu.memref_slice %arg2[%dma_start3A_268, %dma_start3A_269] : memref<100000x16xf32, #tpu.memory_space<hbm>> -> memref<100000x16xf32, #tpu.memory_space<hbm>>
    tpu.enqueue_indirect_dma source(%dma_start3A_270 : memref<100000x16xf32, #tpu.memory_space<hbm>>) target(%dma_start3A_264 : memref<128x16xf32, #tpu.memory_space<vmem>>) offsets(%dma_start3A_267 : memref<128xi32, #tpu.memory_space<vmem>>) semaphore(%arg35 : memref<!tpu.dma_semaphore, #tpu.memory_space<semaphore_mem>>)
    %add3A_271 = arith.constant 1 : i32
    %add3A_272 = arith.addi %select_n3A, %add3A_271 : i32
    %jit3A_273 = arith.constant 2 : i32
    %div3A_274 = arith.divsi %add3A_272, %jit3A_273 : i32
    %sign3A_275 = arith.constant 0 : i32
    %sign3A_276 = arith.cmpi sgt, %add3A_272, %sign3A_275 : i32
    %sign3A_277 = arith.extui %sign3A_276 : i1 to i32
    %sign3A_278 = arith.constant 0 : i32
    %sign3A_279 = arith.cmpi slt, %add3A_272, %sign3A_278 : i32
    %sign3A_280 = arith.extui %sign3A_279 : i1 to i32
    %sign3A_281 = arith.subi %sign3A_277, %sign3A_280 : i32
    %sign3A_282 = arith.constant 0 : i32
    %sign3A_283 = arith.cmpi sgt, %jit3A_273, %sign3A_282 : i32
    %sign3A_284 = arith.extui %sign3A_283 : i1 to i32
    %sign3A_285 = arith.constant 0 : i32
    %sign3A_286 = arith.cmpi slt, %jit3A_273, %sign3A_285 : i32
    %sign3A_287 = arith.extui %sign3A_286 : i1 to i32
    %sign3A_288 = arith.subi %sign3A_284, %sign3A_287 : i32
    %ne3A_289 = arith.cmpi ne, %sign3A_281, %sign3A_288 : i32
    %rem3A_290 = arith.remsi %add3A_272, %jit3A_273 : i32
    %ne3A_291 = arith.constant 0 : i32
    %ne3A_292 = arith.cmpi ne, %rem3A_290, %ne3A_291 : i32
    %and3A_293 = arith.andi %ne3A_289, %ne3A_292 : i1
    %sub3A_294 = arith.constant 1 : i32
    %sub3A_295 = arith.subi %div3A_274, %sub3A_294 : i32
    %select_n3A_296 = arith.select %and3A_293, %sub3A_295, %div3A_274 : i32
    %while3A = arith.constant 0 : i32
    %while3A_297 = arith.constant 0 : i32
    %while3A_298 = arith.subi %select_n3A_296, %while3A_297 : i32
    %while3A_299 = arith.addi %while3A_297, %while3A_298 : i32
    %while3A_300 = arith.constant 1 : i32
    %while3A_301 = arith.divsi %while3A_298, %while3A_300 : i32
    %while3A_302 = arith.muli %while3A_301, %while3A_300 : i32
    %while3A_303 = arith.addi %while3A_297, %while3A_302 : i32
    %while3A_304 = arith.constant 1 : i32
    scf.for %while3A_327 = %while3A_297 to %while3A_303 step %while3A_304  : i32 {
      %mul3A_328 = arith.constant 2 : i32
      %mul3A_329 = arith.muli %mul3A_328, %while3A_327 : i32
      %add3A_330 = arith.constant 1 : i32
      %add3A_331 = arith.addi %mul3A_329, %add3A_330 : i32
      %add3A_332 = arith.constant 2 : i32
      %add3A_333 = arith.addi %mul3A_329, %add3A_332 : i32
      %add3A_334 = arith.constant 3 : i32
      %add3A_335 = arith.addi %mul3A_329, %add3A_334 : i32
      %dma_wait3A_336 = arith.constant 0 : i32
      %dma_wait3A_337 = arith.constant 0 : i32
      %dma_wait3A_338 = arith.constant 0 : i32
      %dma_wait3A_339 = arith.constant 0 : i32
      %dma_wait3A_340 = tpu.memref_slice %arg21[%dma_wait3A_337, %dma_wait3A_338, %dma_wait3A_339] : memref<8x128x16xf32, #tpu.memory_space<vmem>> -> memref<1x128x16xf32, #tpu.memory_space<vmem>>
      %dma_wait3A_341 = tpu.memref_squeeze %dma_wait3A_340 : memref<1x128x16xf32, #tpu.memory_space<vmem>> -> memref<128x16xf32, #tpu.memory_space<vmem>>
      %dma_wait3A_342 = arith.constant 0 : i32
      %dma_wait3A_343 = tpu.memref_slice %arg11[%dma_wait3A_336, %dma_wait3A_342] : memref<8x128xi32, #tpu.memory_space<vmem>> -> memref<1x128xi32, #tpu.memory_space<vmem>>
      %dma_wait3A_344 = tpu.memref_squeeze %dma_wait3A_343 : memref<1x128xi32, #tpu.memory_space<vmem>> -> memref<128xi32, #tpu.memory_space<vmem>>
      %dma_wait3A_345 = arith.constant 0 : i32
      %dma_wait3A_346 = arith.constant 0 : i32
      %dma_wait3A_347 = tpu.memref_slice %arg2[%dma_wait3A_345, %dma_wait3A_346] : memref<100000x16xf32, #tpu.memory_space<hbm>> -> memref<100000x16xf32, #tpu.memory_space<hbm>>
      tpu.wait_indirect_dma semaphore(%arg35 : memref<!tpu.dma_semaphore, #tpu.memory_space<semaphore_mem>>) src(%dma_wait3A_347 : memref<100000x16xf32, #tpu.memory_space<hbm>>) dst(%dma_wait3A_341 : memref<128x16xf32, #tpu.memory_space<vmem>>)
      %dma_wait3A_348 = arith.constant 0 : i32
      %dma_wait3A_349 = arith.constant 0 : i32
      %dma_wait3A_350 = arith.constant 0 : i32
      %dma_wait3A_351 = arith.constant 0 : i32
      %dma_wait3A_352 = tpu.memref_slice %arg23[%dma_wait3A_349, %dma_wait3A_350, %dma_wait3A_351] : memref<8x128x16xf32, #tpu.memory_space<vmem>> -> memref<1x128x16xf32, #tpu.memory_space<vmem>>
      %dma_wait3A_353 = tpu.memref_squeeze %dma_wait3A_352 : memref<1x128x16xf32, #tpu.memory_space<vmem>> -> memref<128x16xf32, #tpu.memory_space<vmem>>
      %dma_wait3A_354 = arith.constant 0 : i32
      %dma_wait3A_355 = tpu.memref_slice %arg13[%dma_wait3A_348, %dma_wait3A_354] : memref<8x128xi32, #tpu.memory_space<vmem>> -> memref<1x128xi32, #tpu.memory_space<vmem>>
      %dma_wait3A_356 = tpu.memref_squeeze %dma_wait3A_355 : memref<1x128xi32, #tpu.memory_space<vmem>> -> memref<128xi32, #tpu.memory_space<vmem>>
      %dma_wait3A_357 = arith.constant 0 : i32
      %dma_wait3A_358 = arith.constant 0 : i32
      %dma_wait3A_359 = tpu.memref_slice %arg2[%dma_wait3A_357, %dma_wait3A_358] : memref<100000x16xf32, #tpu.memory_space<hbm>> -> memref<100000x16xf32, #tpu.memory_space<hbm>>
      tpu.wait_indirect_dma semaphore(%arg35 : memref<!tpu.dma_semaphore, #tpu.memory_space<semaphore_mem>>) src(%dma_wait3A_359 : memref<100000x16xf32, #tpu.memory_space<hbm>>) dst(%dma_wait3A_353 : memref<128x16xf32, #tpu.memory_space<vmem>>)
      %dma_wait3A_360 = arith.constant 1 : i32
      %dma_wait3A_361 = arith.constant 1 : i32
      %dma_wait3A_362 = arith.constant 0 : i32
      %dma_wait3A_363 = arith.constant 0 : i32
      %dma_wait3A_364 = tpu.memref_slice %arg21[%dma_wait3A_361, %dma_wait3A_362, %dma_wait3A_363] : memref<8x128x16xf32, #tpu.memory_space<vmem>> -> memref<1x128x16xf32, #tpu.memory_space<vmem>>
      %dma_wait3A_365 = tpu.memref_squeeze %dma_wait3A_364 : memref<1x128x16xf32, #tpu.memory_space<vmem>> -> memref<128x16xf32, #tpu.memory_space<vmem>>
      %dma_wait3A_366 = arith.constant 0 : i32
      %dma_wait3A_367 = tpu.memref_slice %arg11[%dma_wait3A_360, %dma_wait3A_366] : memref<8x128xi32, #tpu.memory_space<vmem>> -> memref<1x128xi32, #tpu.memory_space<vmem>>
      %dma_wait3A_368 = tpu.memref_squeeze %dma_wait3A_367 : memref<1x128xi32, #tpu.memory_space<vmem>> -> memref<128xi32, #tpu.memory_space<vmem>>
      %dma_wait3A_369 = arith.constant 0 : i32
      %dma_wait3A_370 = arith.constant 0 : i32
      %dma_wait3A_371 = tpu.memref_slice %arg2[%dma_wait3A_369, %dma_wait3A_370] : memref<100000x16xf32, #tpu.memory_space<hbm>> -> memref<100000x16xf32, #tpu.memory_space<hbm>>
      tpu.wait_indirect_dma semaphore(%arg35 : memref<!tpu.dma_semaphore, #tpu.memory_space<semaphore_mem>>) src(%dma_wait3A_371 : memref<100000x16xf32, #tpu.memory_space<hbm>>) dst(%dma_wait3A_365 : memref<128x16xf32, #tpu.memory_space<vmem>>)
      %dma_wait3A_372 = arith.constant 1 : i32
      %dma_wait3A_373 = arith.constant 1 : i32
      %dma_wait3A_374 = arith.constant 0 : i32
      %dma_wait3A_375 = arith.constant 0 : i32
      %dma_wait3A_376 = tpu.memref_slice %arg23[%dma_wait3A_373, %dma_wait3A_374, %dma_wait3A_375] : memref<8x128x16xf32, #tpu.memory_space<vmem>> -> memref<1x128x16xf32, #tpu.memory_space<vmem>>
      %dma_wait3A_377 = tpu.memref_squeeze %dma_wait3A_376 : memref<1x128x16xf32, #tpu.memory_space<vmem>> -> memref<128x16xf32, #tpu.memory_space<vmem>>
      %dma_wait3A_378 = arith.constant 0 : i32
      %dma_wait3A_379 = tpu.memref_slice %arg13[%dma_wait3A_372, %dma_wait3A_378] : memref<8x128xi32, #tpu.memory_space<vmem>> -> memref<1x128xi32, #tpu.memory_space<vmem>>
      %dma_wait3A_380 = tpu.memref_squeeze %dma_wait3A_379 : memref<1x128xi32, #tpu.memory_space<vmem>> -> memref<128xi32, #tpu.memory_space<vmem>>
      %dma_wait3A_381 = arith.constant 0 : i32
      %dma_wait3A_382 = arith.constant 0 : i32
      %dma_wait3A_383 = tpu.memref_slice %arg2[%dma_wait3A_381, %dma_wait3A_382] : memref<100000x16xf32, #tpu.memory_space<hbm>> -> memref<100000x16xf32, #tpu.memory_space<hbm>>
      tpu.wait_indirect_dma semaphore(%arg35 : memref<!tpu.dma_semaphore, #tpu.memory_space<semaphore_mem>>) src(%dma_wait3A_383 : memref<100000x16xf32, #tpu.memory_space<hbm>>) dst(%dma_wait3A_377 : memref<128x16xf32, #tpu.memory_space<vmem>>)
      %dma_wait3A_384 = arith.constant 2 : i32
      %dma_wait3A_385 = arith.constant 2 : i32
      %dma_wait3A_386 = arith.constant 0 : i32
      %dma_wait3A_387 = arith.constant 0 : i32
      %dma_wait3A_388 = tpu.memref_slice %arg21[%dma_wait3A_385, %dma_wait3A_386, %dma_wait3A_387] : memref<8x128x16xf32, #tpu.memory_space<vmem>> -> memref<1x128x16xf32, #tpu.memory_space<vmem>>
      %dma_wait3A_389 = tpu.memref_squeeze %dma_wait3A_388 : memref<1x128x16xf32, #tpu.memory_space<vmem>> -> memref<128x16xf32, #tpu.memory_space<vmem>>
      %dma_wait3A_390 = arith.constant 0 : i32
      %dma_wait3A_391 = tpu.memref_slice %arg11[%dma_wait3A_384, %dma_wait3A_390] : memref<8x128xi32, #tpu.memory_space<vmem>> -> memref<1x128xi32, #tpu.memory_space<vmem>>
      %dma_wait3A_392 = tpu.memref_squeeze %dma_wait3A_391 : memref<1x128xi32, #tpu.memory_space<vmem>> -> memref<128xi32, #tpu.memory_space<vmem>>
      %dma_wait3A_393 = arith.constant 0 : i32
      %dma_wait3A_394 = arith.constant 0 : i32
      %dma_wait3A_395 = tpu.memref_slice %arg2[%dma_wait3A_393, %dma_wait3A_394] : memref<100000x16xf32, #tpu.memory_space<hbm>> -> memref<100000x16xf32, #tpu.memory_space<hbm>>
      tpu.wait_indirect_dma semaphore(%arg35 : memref<!tpu.dma_semaphore, #tpu.memory_space<semaphore_mem>>) src(%dma_wait3A_395 : memref<100000x16xf32, #tpu.memory_space<hbm>>) dst(%dma_wait3A_389 : memref<128x16xf32, #tpu.memory_space<vmem>>)
      %dma_wait3A_396 = arith.constant 2 : i32
      %dma_wait3A_397 = arith.constant 2 : i32
      %dma_wait3A_398 = arith.constant 0 : i32
      %dma_wait3A_399 = arith.constant 0 : i32
      %dma_wait3A_400 = tpu.memref_slice %arg23[%dma_wait3A_397, %dma_wait3A_398, %dma_wait3A_399] : memref<8x128x16xf32, #tpu.memory_space<vmem>> -> memref<1x128x16xf32, #tpu.memory_space<vmem>>
      %dma_wait3A_401 = tpu.memref_squeeze %dma_wait3A_400 : memref<1x128x16xf32, #tpu.memory_space<vmem>> -> memref<128x16xf32, #tpu.memory_space<vmem>>
      %dma_wait3A_402 = arith.constant 0 : i32
      %dma_wait3A_403 = tpu.memref_slice %arg13[%dma_wait3A_396, %dma_wait3A_402] : memref<8x128xi32, #tpu.memory_space<vmem>> -> memref<1x128xi32, #tpu.memory_space<vmem>>
      %dma_wait3A_404 = tpu.memref_squeeze %dma_wait3A_403 : memref<1x128xi32, #tpu.memory_space<vmem>> -> memref<128xi32, #tpu.memory_space<vmem>>
      %dma_wait3A_405 = arith.constant 0 : i32
      %dma_wait3A_406 = arith.constant 0 : i32
      %dma_wait3A_407 = tpu.memref_slice %arg2[%dma_wait3A_405, %dma_wait3A_406] : memref<100000x16xf32, #tpu.memory_space<hbm>> -> memref<100000x16xf32, #tpu.memory_space<hbm>>
      tpu.wait_indirect_dma semaphore(%arg35 : memref<!tpu.dma_semaphore, #tpu.memory_space<semaphore_mem>>) src(%dma_wait3A_407 : memref<100000x16xf32, #tpu.memory_space<hbm>>) dst(%dma_wait3A_401 : memref<128x16xf32, #tpu.memory_space<vmem>>)
      %dma_wait3A_408 = arith.constant 3 : i32
      %dma_wait3A_409 = arith.constant 3 : i32
      %dma_wait3A_410 = arith.constant 0 : i32
      %dma_wait3A_411 = arith.constant 0 : i32
      %dma_wait3A_412 = tpu.memref_slice %arg21[%dma_wait3A_409, %dma_wait3A_410, %dma_wait3A_411] : memref<8x128x16xf32, #tpu.memory_space<vmem>> -> memref<1x128x16xf32, #tpu.memory_space<vmem>>
      %dma_wait3A_413 = tpu.memref_squeeze %dma_wait3A_412 : memref<1x128x16xf32, #tpu.memory_space<vmem>> -> memref<128x16xf32, #tpu.memory_space<vmem>>
      %dma_wait3A_414 = arith.constant 0 : i32
      %dma_wait3A_415 = tpu.memref_slice %arg11[%dma_wait3A_408, %dma_wait3A_414] : memref<8x128xi32, #tpu.memory_space<vmem>> -> memref<1x128xi32, #tpu.memory_space<vmem>>
      %dma_wait3A_416 = tpu.memref_squeeze %dma_wait3A_415 : memref<1x128xi32, #tpu.memory_space<vmem>> -> memref<128xi32, #tpu.memory_space<vmem>>
      %dma_wait3A_417 = arith.constant 0 : i32
      %dma_wait3A_418 = arith.constant 0 : i32
      %dma_wait3A_419 = tpu.memref_slice %arg2[%dma_wait3A_417, %dma_wait3A_418] : memref<100000x16xf32, #tpu.memory_space<hbm>> -> memref<100000x16xf32, #tpu.memory_space<hbm>>
      tpu.wait_indirect_dma semaphore(%arg35 : memref<!tpu.dma_semaphore, #tpu.memory_space<semaphore_mem>>) src(%dma_wait3A_419 : memref<100000x16xf32, #tpu.memory_space<hbm>>) dst(%dma_wait3A_413 : memref<128x16xf32, #tpu.memory_space<vmem>>)
      %dma_wait3A_420 = arith.constant 3 : i32
      %dma_wait3A_421 = arith.constant 3 : i32
      %dma_wait3A_422 = arith.constant 0 : i32
      %dma_wait3A_423 = arith.constant 0 : i32
      %dma_wait3A_424 = tpu.memref_slice %arg23[%dma_wait3A_421, %dma_wait3A_422, %dma_wait3A_423] : memref<8x128x16xf32, #tpu.memory_space<vmem>> -> memref<1x128x16xf32, #tpu.memory_space<vmem>>
      %dma_wait3A_425 = tpu.memref_squeeze %dma_wait3A_424 : memref<1x128x16xf32, #tpu.memory_space<vmem>> -> memref<128x16xf32, #tpu.memory_space<vmem>>
      %dma_wait3A_426 = arith.constant 0 : i32
      %dma_wait3A_427 = tpu.memref_slice %arg13[%dma_wait3A_420, %dma_wait3A_426] : memref<8x128xi32, #tpu.memory_space<vmem>> -> memref<1x128xi32, #tpu.memory_space<vmem>>
      %dma_wait3A_428 = tpu.memref_squeeze %dma_wait3A_427 : memref<1x128xi32, #tpu.memory_space<vmem>> -> memref<128xi32, #tpu.memory_space<vmem>>
      %dma_wait3A_429 = arith.constant 0 : i32
      %dma_wait3A_430 = arith.constant 0 : i32
      %dma_wait3A_431 = tpu.memref_slice %arg2[%dma_wait3A_429, %dma_wait3A_430] : memref<100000x16xf32, #tpu.memory_space<hbm>> -> memref<100000x16xf32, #tpu.memory_space<hbm>>
      tpu.wait_indirect_dma semaphore(%arg35 : memref<!tpu.dma_semaphore, #tpu.memory_space<semaphore_mem>>) src(%dma_wait3A_431 : memref<100000x16xf32, #tpu.memory_space<hbm>>) dst(%dma_wait3A_425 : memref<128x16xf32, #tpu.memory_space<vmem>>)
      %dma_wait3A_432 = arith.constant 4 : i32
      %dma_wait3A_433 = arith.constant 4 : i32
      %dma_wait3A_434 = arith.constant 0 : i32
      %dma_wait3A_435 = arith.constant 0 : i32
      %dma_wait3A_436 = tpu.memref_slice %arg21[%dma_wait3A_433, %dma_wait3A_434, %dma_wait3A_435] : memref<8x128x16xf32, #tpu.memory_space<vmem>> -> memref<1x128x16xf32, #tpu.memory_space<vmem>>
      %dma_wait3A_437 = tpu.memref_squeeze %dma_wait3A_436 : memref<1x128x16xf32, #tpu.memory_space<vmem>> -> memref<128x16xf32, #tpu.memory_space<vmem>>
      %dma_wait3A_438 = arith.constant 0 : i32
      %dma_wait3A_439 = tpu.memref_slice %arg11[%dma_wait3A_432, %dma_wait3A_438] : memref<8x128xi32, #tpu.memory_space<vmem>> -> memref<1x128xi32, #tpu.memory_space<vmem>>
      %dma_wait3A_440 = tpu.memref_squeeze %dma_wait3A_439 : memref<1x128xi32, #tpu.memory_space<vmem>> -> memref<128xi32, #tpu.memory_space<vmem>>
      %dma_wait3A_441 = arith.constant 0 : i32
      %dma_wait3A_442 = arith.constant 0 : i32
      %dma_wait3A_443 = tpu.memref_slice %arg2[%dma_wait3A_441, %dma_wait3A_442] : memref<100000x16xf32, #tpu.memory_space<hbm>> -> memref<100000x16xf32, #tpu.memory_space<hbm>>
      tpu.wait_indirect_dma semaphore(%arg35 : memref<!tpu.dma_semaphore, #tpu.memory_space<semaphore_mem>>) src(%dma_wait3A_443 : memref<100000x16xf32, #tpu.memory_space<hbm>>) dst(%dma_wait3A_437 : memref<128x16xf32, #tpu.memory_space<vmem>>)
      %dma_wait3A_444 = arith.constant 4 : i32
      %dma_wait3A_445 = arith.constant 4 : i32
      %dma_wait3A_446 = arith.constant 0 : i32
      %dma_wait3A_447 = arith.constant 0 : i32
      %dma_wait3A_448 = tpu.memref_slice %arg23[%dma_wait3A_445, %dma_wait3A_446, %dma_wait3A_447] : memref<8x128x16xf32, #tpu.memory_space<vmem>> -> memref<1x128x16xf32, #tpu.memory_space<vmem>>
      %dma_wait3A_449 = tpu.memref_squeeze %dma_wait3A_448 : memref<1x128x16xf32, #tpu.memory_space<vmem>> -> memref<128x16xf32, #tpu.memory_space<vmem>>
      %dma_wait3A_450 = arith.constant 0 : i32
      %dma_wait3A_451 = tpu.memref_slice %arg13[%dma_wait3A_444, %dma_wait3A_450] : memref<8x128xi32, #tpu.memory_space<vmem>> -> memref<1x128xi32, #tpu.memory_space<vmem>>
      %dma_wait3A_452 = tpu.memref_squeeze %dma_wait3A_451 : memref<1x128xi32, #tpu.memory_space<vmem>> -> memref<128xi32, #tpu.memory_space<vmem>>
      %dma_wait3A_453 = arith.constant 0 : i32
      %dma_wait3A_454 = arith.constant 0 : i32
      %dma_wait3A_455 = tpu.memref_slice %arg2[%dma_wait3A_453, %dma_wait3A_454] : memref<100000x16xf32, #tpu.memory_space<hbm>> -> memref<100000x16xf32, #tpu.memory_space<hbm>>
      tpu.wait_indirect_dma semaphore(%arg35 : memref<!tpu.dma_semaphore, #tpu.memory_space<semaphore_mem>>) src(%dma_wait3A_455 : memref<100000x16xf32, #tpu.memory_space<hbm>>) dst(%dma_wait3A_449 : memref<128x16xf32, #tpu.memory_space<vmem>>)
      %dma_wait3A_456 = arith.constant 5 : i32
      %dma_wait3A_457 = arith.constant 5 : i32
      %dma_wait3A_458 = arith.constant 0 : i32
      %dma_wait3A_459 = arith.constant 0 : i32
      %dma_wait3A_460 = tpu.memref_slice %arg21[%dma_wait3A_457, %dma_wait3A_458, %dma_wait3A_459] : memref<8x128x16xf32, #tpu.memory_space<vmem>> -> memref<1x128x16xf32, #tpu.memory_space<vmem>>
      %dma_wait3A_461 = tpu.memref_squeeze %dma_wait3A_460 : memref<1x128x16xf32, #tpu.memory_space<vmem>> -> memref<128x16xf32, #tpu.memory_space<vmem>>
      %dma_wait3A_462 = arith.constant 0 : i32
      %dma_wait3A_463 = tpu.memref_slice %arg11[%dma_wait3A_456, %dma_wait3A_462] : memref<8x128xi32, #tpu.memory_space<vmem>> -> memref<1x128xi32, #tpu.memory_space<vmem>>
      %dma_wait3A_464 = tpu.memref_squeeze %dma_wait3A_463 : memref<1x128xi32, #tpu.memory_space<vmem>> -> memref<128xi32, #tpu.memory_space<vmem>>
      %dma_wait3A_465 = arith.constant 0 : i32
      %dma_wait3A_466 = arith.constant 0 : i32
      %dma_wait3A_467 = tpu.memref_slice %arg2[%dma_wait3A_465, %dma_wait3A_466] : memref<100000x16xf32, #tpu.memory_space<hbm>> -> memref<100000x16xf32, #tpu.memory_space<hbm>>
      tpu.wait_indirect_dma semaphore(%arg35 : memref<!tpu.dma_semaphore, #tpu.memory_space<semaphore_mem>>) src(%dma_wait3A_467 : memref<100000x16xf32, #tpu.memory_space<hbm>>) dst(%dma_wait3A_461 : memref<128x16xf32, #tpu.memory_space<vmem>>)
      %dma_wait3A_468 = arith.constant 5 : i32
      %dma_wait3A_469 = arith.constant 5 : i32
      %dma_wait3A_470 = arith.constant 0 : i32
      %dma_wait3A_471 = arith.constant 0 : i32
      %dma_wait3A_472 = tpu.memref_slice %arg23[%dma_wait3A_469, %dma_wait3A_470, %dma_wait3A_471] : memref<8x128x16xf32, #tpu.memory_space<vmem>> -> memref<1x128x16xf32, #tpu.memory_space<vmem>>
      %dma_wait3A_473 = tpu.memref_squeeze %dma_wait3A_472 : memref<1x128x16xf32, #tpu.memory_space<vmem>> -> memref<128x16xf32, #tpu.memory_space<vmem>>
      %dma_wait3A_474 = arith.constant 0 : i32
      %dma_wait3A_475 = tpu.memref_slice %arg13[%dma_wait3A_468, %dma_wait3A_474] : memref<8x128xi32, #tpu.memory_space<vmem>> -> memref<1x128xi32, #tpu.memory_space<vmem>>
      %dma_wait3A_476 = tpu.memref_squeeze %dma_wait3A_475 : memref<1x128xi32, #tpu.memory_space<vmem>> -> memref<128xi32, #tpu.memory_space<vmem>>
      %dma_wait3A_477 = arith.constant 0 : i32
      %dma_wait3A_478 = arith.constant 0 : i32
      %dma_wait3A_479 = tpu.memref_slice %arg2[%dma_wait3A_477, %dma_wait3A_478] : memref<100000x16xf32, #tpu.memory_space<hbm>> -> memref<100000x16xf32, #tpu.memory_space<hbm>>
      tpu.wait_indirect_dma semaphore(%arg35 : memref<!tpu.dma_semaphore, #tpu.memory_space<semaphore_mem>>) src(%dma_wait3A_479 : memref<100000x16xf32, #tpu.memory_space<hbm>>) dst(%dma_wait3A_473 : memref<128x16xf32, #tpu.memory_space<vmem>>)
      %dma_wait3A_480 = arith.constant 6 : i32
      %dma_wait3A_481 = arith.constant 6 : i32
      %dma_wait3A_482 = arith.constant 0 : i32
      %dma_wait3A_483 = arith.constant 0 : i32
      %dma_wait3A_484 = tpu.memref_slice %arg21[%dma_wait3A_481, %dma_wait3A_482, %dma_wait3A_483] : memref<8x128x16xf32, #tpu.memory_space<vmem>> -> memref<1x128x16xf32, #tpu.memory_space<vmem>>
      %dma_wait3A_485 = tpu.memref_squeeze %dma_wait3A_484 : memref<1x128x16xf32, #tpu.memory_space<vmem>> -> memref<128x16xf32, #tpu.memory_space<vmem>>
      %dma_wait3A_486 = arith.constant 0 : i32
      %dma_wait3A_487 = tpu.memref_slice %arg11[%dma_wait3A_480, %dma_wait3A_486] : memref<8x128xi32, #tpu.memory_space<vmem>> -> memref<1x128xi32, #tpu.memory_space<vmem>>
      %dma_wait3A_488 = tpu.memref_squeeze %dma_wait3A_487 : memref<1x128xi32, #tpu.memory_space<vmem>> -> memref<128xi32, #tpu.memory_space<vmem>>
      %dma_wait3A_489 = arith.constant 0 : i32
      %dma_wait3A_490 = arith.constant 0 : i32
      %dma_wait3A_491 = tpu.memref_slice %arg2[%dma_wait3A_489, %dma_wait3A_490] : memref<100000x16xf32, #tpu.memory_space<hbm>> -> memref<100000x16xf32, #tpu.memory_space<hbm>>
      tpu.wait_indirect_dma semaphore(%arg35 : memref<!tpu.dma_semaphore, #tpu.memory_space<semaphore_mem>>) src(%dma_wait3A_491 : memref<100000x16xf32, #tpu.memory_space<hbm>>) dst(%dma_wait3A_485 : memref<128x16xf32, #tpu.memory_space<vmem>>)
      %dma_wait3A_492 = arith.constant 6 : i32
      %dma_wait3A_493 = arith.constant 6 : i32
      %dma_wait3A_494 = arith.constant 0 : i32
      %dma_wait3A_495 = arith.constant 0 : i32
      %dma_wait3A_496 = tpu.memref_slice %arg23[%dma_wait3A_493, %dma_wait3A_494, %dma_wait3A_495] : memref<8x128x16xf32, #tpu.memory_space<vmem>> -> memref<1x128x16xf32, #tpu.memory_space<vmem>>
      %dma_wait3A_497 = tpu.memref_squeeze %dma_wait3A_496 : memref<1x128x16xf32, #tpu.memory_space<vmem>> -> memref<128x16xf32, #tpu.memory_space<vmem>>
      %dma_wait3A_498 = arith.constant 0 : i32
      %dma_wait3A_499 = tpu.memref_slice %arg13[%dma_wait3A_492, %dma_wait3A_498] : memref<8x128xi32, #tpu.memory_space<vmem>> -> memref<1x128xi32, #tpu.memory_space<vmem>>
      %dma_wait3A_500 = tpu.memref_squeeze %dma_wait3A_499 : memref<1x128xi32, #tpu.memory_space<vmem>> -> memref<128xi32, #tpu.memory_space<vmem>>
      %dma_wait3A_501 = arith.constant 0 : i32
      %dma_wait3A_502 = arith.constant 0 : i32
      %dma_wait3A_503 = tpu.memref_slice %arg2[%dma_wait3A_501, %dma_wait3A_502] : memref<100000x16xf32, #tpu.memory_space<hbm>> -> memref<100000x16xf32, #tpu.memory_space<hbm>>
      tpu.wait_indirect_dma semaphore(%arg35 : memref<!tpu.dma_semaphore, #tpu.memory_space<semaphore_mem>>) src(%dma_wait3A_503 : memref<100000x16xf32, #tpu.memory_space<hbm>>) dst(%dma_wait3A_497 : memref<128x16xf32, #tpu.memory_space<vmem>>)
      %dma_wait3A_504 = arith.constant 7 : i32
      %dma_wait3A_505 = arith.constant 7 : i32
      %dma_wait3A_506 = arith.constant 0 : i32
      %dma_wait3A_507 = arith.constant 0 : i32
      %dma_wait3A_508 = tpu.memref_slice %arg21[%dma_wait3A_505, %dma_wait3A_506, %dma_wait3A_507] : memref<8x128x16xf32, #tpu.memory_space<vmem>> -> memref<1x128x16xf32, #tpu.memory_space<vmem>>
      %dma_wait3A_509 = tpu.memref_squeeze %dma_wait3A_508 : memref<1x128x16xf32, #tpu.memory_space<vmem>> -> memref<128x16xf32, #tpu.memory_space<vmem>>
      %dma_wait3A_510 = arith.constant 0 : i32
      %dma_wait3A_511 = tpu.memref_slice %arg11[%dma_wait3A_504, %dma_wait3A_510] : memref<8x128xi32, #tpu.memory_space<vmem>> -> memref<1x128xi32, #tpu.memory_space<vmem>>
      %dma_wait3A_512 = tpu.memref_squeeze %dma_wait3A_511 : memref<1x128xi32, #tpu.memory_space<vmem>> -> memref<128xi32, #tpu.memory_space<vmem>>
      %dma_wait3A_513 = arith.constant 0 : i32
      %dma_wait3A_514 = arith.constant 0 : i32
      %dma_wait3A_515 = tpu.memref_slice %arg2[%dma_wait3A_513, %dma_wait3A_514] : memref<100000x16xf32, #tpu.memory_space<hbm>> -> memref<100000x16xf32, #tpu.memory_space<hbm>>
      tpu.wait_indirect_dma semaphore(%arg35 : memref<!tpu.dma_semaphore, #tpu.memory_space<semaphore_mem>>) src(%dma_wait3A_515 : memref<100000x16xf32, #tpu.memory_space<hbm>>) dst(%dma_wait3A_509 : memref<128x16xf32, #tpu.memory_space<vmem>>)
      %dma_wait3A_516 = arith.constant 7 : i32
      %dma_wait3A_517 = arith.constant 7 : i32
      %dma_wait3A_518 = arith.constant 0 : i32
      %dma_wait3A_519 = arith.constant 0 : i32
      %dma_wait3A_520 = tpu.memref_slice %arg23[%dma_wait3A_517, %dma_wait3A_518, %dma_wait3A_519] : memref<8x128x16xf32, #tpu.memory_space<vmem>> -> memref<1x128x16xf32, #tpu.memory_space<vmem>>
      %dma_wait3A_521 = tpu.memref_squeeze %dma_wait3A_520 : memref<1x128x16xf32, #tpu.memory_space<vmem>> -> memref<128x16xf32, #tpu.memory_space<vmem>>
      %dma_wait3A_522 = arith.constant 0 : i32
      %dma_wait3A_523 = tpu.memref_slice %arg13[%dma_wait3A_516, %dma_wait3A_522] : memref<8x128xi32, #tpu.memory_space<vmem>> -> memref<1x128xi32, #tpu.memory_space<vmem>>
      %dma_wait3A_524 = tpu.memref_squeeze %dma_wait3A_523 : memref<1x128xi32, #tpu.memory_space<vmem>> -> memref<128xi32, #tpu.memory_space<vmem>>
      %dma_wait3A_525 = arith.constant 0 : i32
      %dma_wait3A_526 = arith.constant 0 : i32
      %dma_wait3A_527 = tpu.memref_slice %arg2[%dma_wait3A_525, %dma_wait3A_526] : memref<100000x16xf32, #tpu.memory_space<hbm>> -> memref<100000x16xf32, #tpu.memory_space<hbm>>
      tpu.wait_indirect_dma semaphore(%arg35 : memref<!tpu.dma_semaphore, #tpu.memory_space<semaphore_mem>>) src(%dma_wait3A_527 : memref<100000x16xf32, #tpu.memory_space<hbm>>) dst(%dma_wait3A_521 : memref<128x16xf32, #tpu.memory_space<vmem>>)
      %lt3A = arith.cmpi slt, %add3A_331, %select_n3A : i32
      %convert_element_type3A_528 = arith.extui %lt3A : i1 to i32
      %cond3A_529 = arith.constant 0 : i32
      %cond3A_530 = arith.cmpi ne, %convert_element_type3A_528, %cond3A_529 : i32
      scf.if %cond3A_530 {
        %dma_wait3A_566 = arith.constant 0 : i32
        %dma_wait3A_567 = arith.constant 0 : i32
        %dma_wait3A_568 = arith.constant 0 : i32
        %dma_wait3A_569 = tpu.memref_slice %arg6[%dma_wait3A_566, %dma_wait3A_567, %dma_wait3A_568] : memref<2x25000x128xi32, #tpu.memory_space<hbm>> -> memref<1x8x128xi32, #tpu.memory_space<hbm>>
        %dma_wait3A_570 = tpu.memref_squeeze %dma_wait3A_569 : memref<1x8x128xi32, #tpu.memory_space<hbm>> -> memref<8x128xi32, #tpu.memory_space<hbm>>
        %dma_wait3A_571 = arith.constant 0 : i32
        %dma_wait3A_572 = arith.constant 0 : i32
        %dma_wait3A_573 = tpu.memref_slice %arg6[%dma_wait3A_566, %dma_wait3A_571, %dma_wait3A_572] : memref<2x25000x128xi32, #tpu.memory_space<hbm>> -> memref<1x8x128xi32, #tpu.memory_space<hbm>>
        %dma_wait3A_574 = tpu.memref_squeeze %dma_wait3A_573 : memref<1x8x128xi32, #tpu.memory_space<hbm>> -> memref<8x128xi32, #tpu.memory_space<hbm>>
        tpu.wait_dma2 semaphore(%arg34 : memref<!tpu.dma_semaphore, #tpu.memory_space<semaphore_mem>>) src(%dma_wait3A_574 : memref<8x128xi32, #tpu.memory_space<hbm>>) dst(%arg12 : memref<8x128xi32, #tpu.memory_space<vmem>>)
        %dma_wait3A_575 = arith.constant 1 : i32
        %dma_wait3A_576 = arith.constant 0 : i32
        %dma_wait3A_577 = arith.constant 0 : i32
        %dma_wait3A_578 = tpu.memref_slice %arg6[%dma_wait3A_575, %dma_wait3A_576, %dma_wait3A_577] : memref<2x25000x128xi32, #tpu.memory_space<hbm>> -> memref<1x8x128xi32, #tpu.memory_space<hbm>>
        %dma_wait3A_579 = tpu.memref_squeeze %dma_wait3A_578 : memref<1x8x128xi32, #tpu.memory_space<hbm>> -> memref<8x128xi32, #tpu.memory_space<hbm>>
        %dma_wait3A_580 = arith.constant 0 : i32
        %dma_wait3A_581 = arith.constant 0 : i32
        %dma_wait3A_582 = tpu.memref_slice %arg6[%dma_wait3A_575, %dma_wait3A_580, %dma_wait3A_581] : memref<2x25000x128xi32, #tpu.memory_space<hbm>> -> memref<1x8x128xi32, #tpu.memory_space<hbm>>
        %dma_wait3A_583 = tpu.memref_squeeze %dma_wait3A_582 : memref<1x8x128xi32, #tpu.memory_space<hbm>> -> memref<8x128xi32, #tpu.memory_space<hbm>>
        tpu.wait_dma2 semaphore(%arg34 : memref<!tpu.dma_semaphore, #tpu.memory_space<semaphore_mem>>) src(%dma_wait3A_583 : memref<8x128xi32, #tpu.memory_space<hbm>>) dst(%arg14 : memref<8x128xi32, #tpu.memory_space<vmem>>)
        %dma_wait3A_584 = arith.constant 0 : i32
        %dma_wait3A_585 = tpu.memref_slice %arg3[%dma_wait3A_584] : memref<3200000xf32, #tpu.memory_space<hbm>> -> memref<1024xf32, #tpu.memory_space<hbm>>
        %dma_wait3A_586 = arith.constant 0 : i32
        %dma_wait3A_587 = tpu.memref_slice %arg3[%dma_wait3A_586] : memref<3200000xf32, #tpu.memory_space<hbm>> -> memref<1024xf32, #tpu.memory_space<hbm>>
        tpu.wait_dma2 semaphore(%arg34 : memref<!tpu.dma_semaphore, #tpu.memory_space<semaphore_mem>>) src(%dma_wait3A_587 : memref<1024xf32, #tpu.memory_space<hbm>>) dst(%arg16 : memref<1024xf32, #tpu.memory_space<vmem>>)
        %dma_wait3A_588 = arith.constant 0 : i32
        %dma_wait3A_589 = tpu.memref_slice %arg4[%dma_wait3A_588] : memref<3200000xf32, #tpu.memory_space<hbm>> -> memref<1024xf32, #tpu.memory_space<hbm>>
        %dma_wait3A_590 = arith.constant 0 : i32
        %dma_wait3A_591 = tpu.memref_slice %arg4[%dma_wait3A_590] : memref<3200000xf32, #tpu.memory_space<hbm>> -> memref<1024xf32, #tpu.memory_space<hbm>>
        tpu.wait_dma2 semaphore(%arg34 : memref<!tpu.dma_semaphore, #tpu.memory_space<semaphore_mem>>) src(%dma_wait3A_591 : memref<1024xf32, #tpu.memory_space<hbm>>) dst(%arg18 : memref<1024xf32, #tpu.memory_space<vmem>>)
        %dma_wait3A_592 = arith.constant 0 : i32
        %dma_wait3A_593 = tpu.memref_slice %arg5[%dma_wait3A_592] : memref<3200000xf32, #tpu.memory_space<hbm>> -> memref<1024xf32, #tpu.memory_space<hbm>>
        %dma_wait3A_594 = arith.constant 0 : i32
        %dma_wait3A_595 = tpu.memref_slice %arg5[%dma_wait3A_594] : memref<3200000xf32, #tpu.memory_space<hbm>> -> memref<1024xf32, #tpu.memory_space<hbm>>
        tpu.wait_dma2 semaphore(%arg34 : memref<!tpu.dma_semaphore, #tpu.memory_space<semaphore_mem>>) src(%dma_wait3A_595 : memref<1024xf32, #tpu.memory_space<hbm>>) dst(%arg20 : memref<1024xf32, #tpu.memory_space<vmem>>)
        %dma_start3A_596 = arith.constant 0 : i32
        %dma_start3A_597 = arith.constant 0 : i32
        %dma_start3A_598 = arith.constant 0 : i32
        %dma_start3A_599 = arith.constant 0 : i32
        %dma_start3A_600 = tpu.memref_slice %arg22[%dma_start3A_597, %dma_start3A_598, %dma_start3A_599] : memref<8x128x16xf32, #tpu.memory_space<vmem>> -> memref<1x128x16xf32, #tpu.memory_space<vmem>>
        %dma_start3A_601 = tpu.memref_squeeze %dma_start3A_600 : memref<1x128x16xf32, #tpu.memory_space<vmem>> -> memref<128x16xf32, #tpu.memory_space<vmem>>
        %dma_start3A_602 = arith.constant 0 : i32
        %dma_start3A_603 = tpu.memref_slice %arg12[%dma_start3A_596, %dma_start3A_602] : memref<8x128xi32, #tpu.memory_space<vmem>> -> memref<1x128xi32, #tpu.memory_space<vmem>>
        %dma_start3A_604 = tpu.memref_squeeze %dma_start3A_603 : memref<1x128xi32, #tpu.memory_space<vmem>> -> memref<128xi32, #tpu.memory_space<vmem>>
        %dma_start3A_605 = arith.constant 0 : i32
        %dma_start3A_606 = arith.constant 0 : i32
        %dma_start3A_607 = tpu.memref_slice %arg2[%dma_start3A_605, %dma_start3A_606] : memref<100000x16xf32, #tpu.memory_space<hbm>> -> memref<100000x16xf32, #tpu.memory_space<hbm>>
        tpu.enqueue_indirect_dma source(%dma_start3A_607 : memref<100000x16xf32, #tpu.memory_space<hbm>>) target(%dma_start3A_601 : memref<128x16xf32, #tpu.memory_space<vmem>>) offsets(%dma_start3A_604 : memref<128xi32, #tpu.memory_space<vmem>>) semaphore(%arg36 : memref<!tpu.dma_semaphore, #tpu.memory_space<semaphore_mem>>)
        %dma_start3A_608 = arith.constant 0 : i32
        %dma_start3A_609 = arith.constant 0 : i32
        %dma_start3A_610 = arith.constant 0 : i32
        %dma_start3A_611 = arith.constant 0 : i32
        %dma_start3A_612 = tpu.memref_slice %arg24[%dma_start3A_609, %dma_start3A_610, %dma_start3A_611] : memref<8x128x16xf32, #tpu.memory_space<vmem>> -> memref<1x128x16xf32, #tpu.memory_space<vmem>>
        %dma_start3A_613 = tpu.memref_squeeze %dma_start3A_612 : memref<1x128x16xf32, #tpu.memory_space<vmem>> -> memref<128x16xf32, #tpu.memory_space<vmem>>
        %dma_start3A_614 = arith.constant 0 : i32
        %dma_start3A_615 = tpu.memref_slice %arg14[%dma_start3A_608, %dma_start3A_614] : memref<8x128xi32, #tpu.memory_space<vmem>> -> memref<1x128xi32, #tpu.memory_space<vmem>>
        %dma_start3A_616 = tpu.memref_squeeze %dma_start3A_615 : memref<1x128xi32, #tpu.memory_space<vmem>> -> memref<128xi32, #tpu.memory_space<vmem>>
        %dma_start3A_617 = arith.constant 0 : i32
        %dma_start3A_618 = arith.constant 0 : i32
        %dma_start3A_619 = tpu.memref_slice %arg2[%dma_start3A_617, %dma_start3A_618] : memref<100000x16xf32, #tpu.memory_space<hbm>> -> memref<100000x16xf32, #tpu.memory_space<hbm>>
        tpu.enqueue_indirect_dma source(%dma_start3A_619 : memref<100000x16xf32, #tpu.memory_space<hbm>>) target(%dma_start3A_613 : memref<128x16xf32, #tpu.memory_space<vmem>>) offsets(%dma_start3A_616 : memref<128xi32, #tpu.memory_space<vmem>>) semaphore(%arg36 : memref<!tpu.dma_semaphore, #tpu.memory_space<semaphore_mem>>)
        %dma_start3A_620 = arith.constant 1 : i32
        %dma_start3A_621 = arith.constant 1 : i32
        %dma_start3A_622 = arith.constant 0 : i32
        %dma_start3A_623 = arith.constant 0 : i32
        %dma_start3A_624 = tpu.memref_slice %arg22[%dma_start3A_621, %dma_start3A_622, %dma_start3A_623] : memref<8x128x16xf32, #tpu.memory_space<vmem>> -> memref<1x128x16xf32, #tpu.memory_space<vmem>>
        %dma_start3A_625 = tpu.memref_squeeze %dma_start3A_624 : memref<1x128x16xf32, #tpu.memory_space<vmem>> -> memref<128x16xf32, #tpu.memory_space<vmem>>
        %dma_start3A_626 = arith.constant 0 : i32
        %dma_start3A_627 = tpu.memref_slice %arg12[%dma_start3A_620, %dma_start3A_626] : memref<8x128xi32, #tpu.memory_space<vmem>> -> memref<1x128xi32, #tpu.memory_space<vmem>>
        %dma_start3A_628 = tpu.memref_squeeze %dma_start3A_627 : memref<1x128xi32, #tpu.memory_space<vmem>> -> memref<128xi32, #tpu.memory_space<vmem>>
        %dma_start3A_629 = arith.constant 0 : i32
        %dma_start3A_630 = arith.constant 0 : i32
        %dma_start3A_631 = tpu.memref_slice %arg2[%dma_start3A_629, %dma_start3A_630] : memref<100000x16xf32, #tpu.memory_space<hbm>> -> memref<100000x16xf32, #tpu.memory_space<hbm>>
        tpu.enqueue_indirect_dma source(%dma_start3A_631 : memref<100000x16xf32, #tpu.memory_space<hbm>>) target(%dma_start3A_625 : memref<128x16xf32, #tpu.memory_space<vmem>>) offsets(%dma_start3A_628 : memref<128xi32, #tpu.memory_space<vmem>>) semaphore(%arg36 : memref<!tpu.dma_semaphore, #tpu.memory_space<semaphore_mem>>)
        %dma_start3A_632 = arith.constant 1 : i32
        %dma_start3A_633 = arith.constant 1 : i32
        %dma_start3A_634 = arith.constant 0 : i32
        %dma_start3A_635 = arith.constant 0 : i32
        %dma_start3A_636 = tpu.memref_slice %arg24[%dma_start3A_633, %dma_start3A_634, %dma_start3A_635] : memref<8x128x16xf32, #tpu.memory_space<vmem>> -> memref<1x128x16xf32, #tpu.memory_space<vmem>>
        %dma_start3A_637 = tpu.memref_squeeze %dma_start3A_636 : memref<1x128x16xf32, #tpu.memory_space<vmem>> -> memref<128x16xf32, #tpu.memory_space<vmem>>
        %dma_start3A_638 = arith.constant 0 : i32
        %dma_start3A_639 = tpu.memref_slice %arg14[%dma_start3A_632, %dma_start3A_638] : memref<8x128xi32, #tpu.memory_space<vmem>> -> memref<1x128xi32, #tpu.memory_space<vmem>>
        %dma_start3A_640 = tpu.memref_squeeze %dma_start3A_639 : memref<1x128xi32, #tpu.memory_space<vmem>> -> memref<128xi32, #tpu.memory_space<vmem>>
        %dma_start3A_641 = arith.constant 0 : i32
        %dma_start3A_642 = arith.constant 0 : i32
        %dma_start3A_643 = tpu.memref_slice %arg2[%dma_start3A_641, %dma_start3A_642] : memref<100000x16xf32, #tpu.memory_space<hbm>> -> memref<100000x16xf32, #tpu.memory_space<hbm>>
        tpu.enqueue_indirect_dma source(%dma_start3A_643 : memref<100000x16xf32, #tpu.memory_space<hbm>>) target(%dma_start3A_637 : memref<128x16xf32, #tpu.memory_space<vmem>>) offsets(%dma_start3A_640 : memref<128xi32, #tpu.memory_space<vmem>>) semaphore(%arg36 : memref<!tpu.dma_semaphore, #tpu.memory_space<semaphore_mem>>)
        %dma_start3A_644 = arith.constant 2 : i32
        %dma_start3A_645 = arith.constant 2 : i32
        %dma_start3A_646 = arith.constant 0 : i32
        %dma_start3A_647 = arith.constant 0 : i32
        %dma_start3A_648 = tpu.memref_slice %arg22[%dma_start3A_645, %dma_start3A_646, %dma_start3A_647] : memref<8x128x16xf32, #tpu.memory_space<vmem>> -> memref<1x128x16xf32, #tpu.memory_space<vmem>>
        %dma_start3A_649 = tpu.memref_squeeze %dma_start3A_648 : memref<1x128x16xf32, #tpu.memory_space<vmem>> -> memref<128x16xf32, #tpu.memory_space<vmem>>
        %dma_start3A_650 = arith.constant 0 : i32
        %dma_start3A_651 = tpu.memref_slice %arg12[%dma_start3A_644, %dma_start3A_650] : memref<8x128xi32, #tpu.memory_space<vmem>> -> memref<1x128xi32, #tpu.memory_space<vmem>>
        %dma_start3A_652 = tpu.memref_squeeze %dma_start3A_651 : memref<1x128xi32, #tpu.memory_space<vmem>> -> memref<128xi32, #tpu.memory_space<vmem>>
        %dma_start3A_653 = arith.constant 0 : i32
        %dma_start3A_654 = arith.constant 0 : i32
        %dma_start3A_655 = tpu.memref_slice %arg2[%dma_start3A_653, %dma_start3A_654] : memref<100000x16xf32, #tpu.memory_space<hbm>> -> memref<100000x16xf32, #tpu.memory_space<hbm>>
        tpu.enqueue_indirect_dma source(%dma_start3A_655 : memref<100000x16xf32, #tpu.memory_space<hbm>>) target(%dma_start3A_649 : memref<128x16xf32, #tpu.memory_space<vmem>>) offsets(%dma_start3A_652 : memref<128xi32, #tpu.memory_space<vmem>>) semaphore(%arg36 : memref<!tpu.dma_semaphore, #tpu.memory_space<semaphore_mem>>)
        %dma_start3A_656 = arith.constant 2 : i32
        %dma_start3A_657 = arith.constant 2 : i32
        %dma_start3A_658 = arith.constant 0 : i32
        %dma_start3A_659 = arith.constant 0 : i32
        %dma_start3A_660 = tpu.memref_slice %arg24[%dma_start3A_657, %dma_start3A_658, %dma_start3A_659] : memref<8x128x16xf32, #tpu.memory_space<vmem>> -> memref<1x128x16xf32, #tpu.memory_space<vmem>>
        %dma_start3A_661 = tpu.memref_squeeze %dma_start3A_660 : memref<1x128x16xf32, #tpu.memory_space<vmem>> -> memref<128x16xf32, #tpu.memory_space<vmem>>
        %dma_start3A_662 = arith.constant 0 : i32
        %dma_start3A_663 = tpu.memref_slice %arg14[%dma_start3A_656, %dma_start3A_662] : memref<8x128xi32, #tpu.memory_space<vmem>> -> memref<1x128xi32, #tpu.memory_space<vmem>>
        %dma_start3A_664 = tpu.memref_squeeze %dma_start3A_663 : memref<1x128xi32, #tpu.memory_space<vmem>> -> memref<128xi32, #tpu.memory_space<vmem>>
        %dma_start3A_665 = arith.constant 0 : i32
        %dma_start3A_666 = arith.constant 0 : i32
        %dma_start3A_667 = tpu.memref_slice %arg2[%dma_start3A_665, %dma_start3A_666] : memref<100000x16xf32, #tpu.memory_space<hbm>> -> memref<100000x16xf32, #tpu.memory_space<hbm>>
        tpu.enqueue_indirect_dma source(%dma_start3A_667 : memref<100000x16xf32, #tpu.memory_space<hbm>>) target(%dma_start3A_661 : memref<128x16xf32, #tpu.memory_space<vmem>>) offsets(%dma_start3A_664 : memref<128xi32, #tpu.memory_space<vmem>>) semaphore(%arg36 : memref<!tpu.dma_semaphore, #tpu.memory_space<semaphore_mem>>)
        %dma_start3A_668 = arith.constant 3 : i32
        %dma_start3A_669 = arith.constant 3 : i32
        %dma_start3A_670 = arith.constant 0 : i32
        %dma_start3A_671 = arith.constant 0 : i32
        %dma_start3A_672 = tpu.memref_slice %arg22[%dma_start3A_669, %dma_start3A_670, %dma_start3A_671] : memref<8x128x16xf32, #tpu.memory_space<vmem>> -> memref<1x128x16xf32, #tpu.memory_space<vmem>>
        %dma_start3A_673 = tpu.memref_squeeze %dma_start3A_672 : memref<1x128x16xf32, #tpu.memory_space<vmem>> -> memref<128x16xf32, #tpu.memory_space<vmem>>
        %dma_start3A_674 = arith.constant 0 : i32
        %dma_start3A_675 = tpu.memref_slice %arg12[%dma_start3A_668, %dma_start3A_674] : memref<8x128xi32, #tpu.memory_space<vmem>> -> memref<1x128xi32, #tpu.memory_space<vmem>>
        %dma_start3A_676 = tpu.memref_squeeze %dma_start3A_675 : memref<1x128xi32, #tpu.memory_space<vmem>> -> memref<128xi32, #tpu.memory_space<vmem>>
        %dma_start3A_677 = arith.constant 0 : i32
        %dma_start3A_678 = arith.constant 0 : i32
        %dma_start3A_679 = tpu.memref_slice %arg2[%dma_start3A_677, %dma_start3A_678] : memref<100000x16xf32, #tpu.memory_space<hbm>> -> memref<100000x16xf32, #tpu.memory_space<hbm>>
        tpu.enqueue_indirect_dma source(%dma_start3A_679 : memref<100000x16xf32, #tpu.memory_space<hbm>>) target(%dma_start3A_673 : memref<128x16xf32, #tpu.memory_space<vmem>>) offsets(%dma_start3A_676 : memref<128xi32, #tpu.memory_space<vmem>>) semaphore(%arg36 : memref<!tpu.dma_semaphore, #tpu.memory_space<semaphore_mem>>)
        %dma_start3A_680 = arith.constant 3 : i32
        %dma_start3A_681 = arith.constant 3 : i32
        %dma_start3A_682 = arith.constant 0 : i32
        %dma_start3A_683 = arith.constant 0 : i32
        %dma_start3A_684 = tpu.memref_slice %arg24[%dma_start3A_681, %dma_start3A_682, %dma_start3A_683] : memref<8x128x16xf32, #tpu.memory_space<vmem>> -> memref<1x128x16xf32, #tpu.memory_space<vmem>>
        %dma_start3A_685 = tpu.memref_squeeze %dma_start3A_684 : memref<1x128x16xf32, #tpu.memory_space<vmem>> -> memref<128x16xf32, #tpu.memory_space<vmem>>
        %dma_start3A_686 = arith.constant 0 : i32
        %dma_start3A_687 = tpu.memref_slice %arg14[%dma_start3A_680, %dma_start3A_686] : memref<8x128xi32, #tpu.memory_space<vmem>> -> memref<1x128xi32, #tpu.memory_space<vmem>>
        %dma_start3A_688 = tpu.memref_squeeze %dma_start3A_687 : memref<1x128xi32, #tpu.memory_space<vmem>> -> memref<128xi32, #tpu.memory_space<vmem>>
        %dma_start3A_689 = arith.constant 0 : i32
        %dma_start3A_690 = arith.constant 0 : i32
        %dma_start3A_691 = tpu.memref_slice %arg2[%dma_start3A_689, %dma_start3A_690] : memref<100000x16xf32, #tpu.memory_space<hbm>> -> memref<100000x16xf32, #tpu.memory_space<hbm>>
        tpu.enqueue_indirect_dma source(%dma_start3A_691 : memref<100000x16xf32, #tpu.memory_space<hbm>>) target(%dma_start3A_685 : memref<128x16xf32, #tpu.memory_space<vmem>>) offsets(%dma_start3A_688 : memref<128xi32, #tpu.memory_space<vmem>>) semaphore(%arg36 : memref<!tpu.dma_semaphore, #tpu.memory_space<semaphore_mem>>)
        %dma_start3A_692 = arith.constant 4 : i32
        %dma_start3A_693 = arith.constant 4 : i32
        %dma_start3A_694 = arith.constant 0 : i32
        %dma_start3A_695 = arith.constant 0 : i32
        %dma_start3A_696 = tpu.memref_slice %arg22[%dma_start3A_693, %dma_start3A_694, %dma_start3A_695] : memref<8x128x16xf32, #tpu.memory_space<vmem>> -> memref<1x128x16xf32, #tpu.memory_space<vmem>>
        %dma_start3A_697 = tpu.memref_squeeze %dma_start3A_696 : memref<1x128x16xf32, #tpu.memory_space<vmem>> -> memref<128x16xf32, #tpu.memory_space<vmem>>
        %dma_start3A_698 = arith.constant 0 : i32
        %dma_start3A_699 = tpu.memref_slice %arg12[%dma_start3A_692, %dma_start3A_698] : memref<8x128xi32, #tpu.memory_space<vmem>> -> memref<1x128xi32, #tpu.memory_space<vmem>>
        %dma_start3A_700 = tpu.memref_squeeze %dma_start3A_699 : memref<1x128xi32, #tpu.memory_space<vmem>> -> memref<128xi32, #tpu.memory_space<vmem>>
        %dma_start3A_701 = arith.constant 0 : i32
        %dma_start3A_702 = arith.constant 0 : i32
        %dma_start3A_703 = tpu.memref_slice %arg2[%dma_start3A_701, %dma_start3A_702] : memref<100000x16xf32, #tpu.memory_space<hbm>> -> memref<100000x16xf32, #tpu.memory_space<hbm>>
        tpu.enqueue_indirect_dma source(%dma_start3A_703 : memref<100000x16xf32, #tpu.memory_space<hbm>>) target(%dma_start3A_697 : memref<128x16xf32, #tpu.memory_space<vmem>>) offsets(%dma_start3A_700 : memref<128xi32, #tpu.memory_space<vmem>>) semaphore(%arg36 : memref<!tpu.dma_semaphore, #tpu.memory_space<semaphore_mem>>)
        %dma_start3A_704 = arith.constant 4 : i32
        %dma_start3A_705 = arith.constant 4 : i32
        %dma_start3A_706 = arith.constant 0 : i32
        %dma_start3A_707 = arith.constant 0 : i32
        %dma_start3A_708 = tpu.memref_slice %arg24[%dma_start3A_705, %dma_start3A_706, %dma_start3A_707] : memref<8x128x16xf32, #tpu.memory_space<vmem>> -> memref<1x128x16xf32, #tpu.memory_space<vmem>>
        %dma_start3A_709 = tpu.memref_squeeze %dma_start3A_708 : memref<1x128x16xf32, #tpu.memory_space<vmem>> -> memref<128x16xf32, #tpu.memory_space<vmem>>
        %dma_start3A_710 = arith.constant 0 : i32
        %dma_start3A_711 = tpu.memref_slice %arg14[%dma_start3A_704, %dma_start3A_710] : memref<8x128xi32, #tpu.memory_space<vmem>> -> memref<1x128xi32, #tpu.memory_space<vmem>>
        %dma_start3A_712 = tpu.memref_squeeze %dma_start3A_711 : memref<1x128xi32, #tpu.memory_space<vmem>> -> memref<128xi32, #tpu.memory_space<vmem>>
        %dma_start3A_713 = arith.constant 0 : i32
        %dma_start3A_714 = arith.constant 0 : i32
        %dma_start3A_715 = tpu.memref_slice %arg2[%dma_start3A_713, %dma_start3A_714] : memref<100000x16xf32, #tpu.memory_space<hbm>> -> memref<100000x16xf32, #tpu.memory_space<hbm>>
        tpu.enqueue_indirect_dma source(%dma_start3A_715 : memref<100000x16xf32, #tpu.memory_space<hbm>>) target(%dma_start3A_709 : memref<128x16xf32, #tpu.memory_space<vmem>>) offsets(%dma_start3A_712 : memref<128xi32, #tpu.memory_space<vmem>>) semaphore(%arg36 : memref<!tpu.dma_semaphore, #tpu.memory_space<semaphore_mem>>)
        %dma_start3A_716 = arith.constant 5 : i32
        %dma_start3A_717 = arith.constant 5 : i32
        %dma_start3A_718 = arith.constant 0 : i32
        %dma_start3A_719 = arith.constant 0 : i32
        %dma_start3A_720 = tpu.memref_slice %arg22[%dma_start3A_717, %dma_start3A_718, %dma_start3A_719] : memref<8x128x16xf32, #tpu.memory_space<vmem>> -> memref<1x128x16xf32, #tpu.memory_space<vmem>>
        %dma_start3A_721 = tpu.memref_squeeze %dma_start3A_720 : memref<1x128x16xf32, #tpu.memory_space<vmem>> -> memref<128x16xf32, #tpu.memory_space<vmem>>
        %dma_start3A_722 = arith.constant 0 : i32
        %dma_start3A_723 = tpu.memref_slice %arg12[%dma_start3A_716, %dma_start3A_722] : memref<8x128xi32, #tpu.memory_space<vmem>> -> memref<1x128xi32, #tpu.memory_space<vmem>>
        %dma_start3A_724 = tpu.memref_squeeze %dma_start3A_723 : memref<1x128xi32, #tpu.memory_space<vmem>> -> memref<128xi32, #tpu.memory_space<vmem>>
        %dma_start3A_725 = arith.constant 0 : i32
        %dma_start3A_726 = arith.constant 0 : i32
        %dma_start3A_727 = tpu.memref_slice %arg2[%dma_start3A_725, %dma_start3A_726] : memref<100000x16xf32, #tpu.memory_space<hbm>> -> memref<100000x16xf32, #tpu.memory_space<hbm>>
        tpu.enqueue_indirect_dma source(%dma_start3A_727 : memref<100000x16xf32, #tpu.memory_space<hbm>>) target(%dma_start3A_721 : memref<128x16xf32, #tpu.memory_space<vmem>>) offsets(%dma_start3A_724 : memref<128xi32, #tpu.memory_space<vmem>>) semaphore(%arg36 : memref<!tpu.dma_semaphore, #tpu.memory_space<semaphore_mem>>)
        %dma_start3A_728 = arith.constant 5 : i32
        %dma_start3A_729 = arith.constant 5 : i32
        %dma_start3A_730 = arith.constant 0 : i32
        %dma_start3A_731 = arith.constant 0 : i32
        %dma_start3A_732 = tpu.memref_slice %arg24[%dma_start3A_729, %dma_start3A_730, %dma_start3A_731] : memref<8x128x16xf32, #tpu.memory_space<vmem>> -> memref<1x128x16xf32, #tpu.memory_space<vmem>>
        %dma_start3A_733 = tpu.memref_squeeze %dma_start3A_732 : memref<1x128x16xf32, #tpu.memory_space<vmem>> -> memref<128x16xf32, #tpu.memory_space<vmem>>
        %dma_start3A_734 = arith.constant 0 : i32
        %dma_start3A_735 = tpu.memref_slice %arg14[%dma_start3A_728, %dma_start3A_734] : memref<8x128xi32, #tpu.memory_space<vmem>> -> memref<1x128xi32, #tpu.memory_space<vmem>>
        %dma_start3A_736 = tpu.memref_squeeze %dma_start3A_735 : memref<1x128xi32, #tpu.memory_space<vmem>> -> memref<128xi32, #tpu.memory_space<vmem>>
        %dma_start3A_737 = arith.constant 0 : i32
        %dma_start3A_738 = arith.constant 0 : i32
        %dma_start3A_739 = tpu.memref_slice %arg2[%dma_start3A_737, %dma_start3A_738] : memref<100000x16xf32, #tpu.memory_space<hbm>> -> memref<100000x16xf32, #tpu.memory_space<hbm>>
        tpu.enqueue_indirect_dma source(%dma_start3A_739 : memref<100000x16xf32, #tpu.memory_space<hbm>>) target(%dma_start3A_733 : memref<128x16xf32, #tpu.memory_space<vmem>>) offsets(%dma_start3A_736 : memref<128xi32, #tpu.memory_space<vmem>>) semaphore(%arg36 : memref<!tpu.dma_semaphore, #tpu.memory_space<semaphore_mem>>)
        %dma_start3A_740 = arith.constant 6 : i32
        %dma_start3A_741 = arith.constant 6 : i32
        %dma_start3A_742 = arith.constant 0 : i32
        %dma_start3A_743 = arith.constant 0 : i32
        %dma_start3A_744 = tpu.memref_slice %arg22[%dma_start3A_741, %dma_start3A_742, %dma_start3A_743] : memref<8x128x16xf32, #tpu.memory_space<vmem>> -> memref<1x128x16xf32, #tpu.memory_space<vmem>>
        %dma_start3A_745 = tpu.memref_squeeze %dma_start3A_744 : memref<1x128x16xf32, #tpu.memory_space<vmem>> -> memref<128x16xf32, #tpu.memory_space<vmem>>
        %dma_start3A_746 = arith.constant 0 : i32
        %dma_start3A_747 = tpu.memref_slice %arg12[%dma_start3A_740, %dma_start3A_746] : memref<8x128xi32, #tpu.memory_space<vmem>> -> memref<1x128xi32, #tpu.memory_space<vmem>>
        %dma_start3A_748 = tpu.memref_squeeze %dma_start3A_747 : memref<1x128xi32, #tpu.memory_space<vmem>> -> memref<128xi32, #tpu.memory_space<vmem>>
        %dma_start3A_749 = arith.constant 0 : i32
        %dma_start3A_750 = arith.constant 0 : i32
        %dma_start3A_751 = tpu.memref_slice %arg2[%dma_start3A_749, %dma_start3A_750] : memref<100000x16xf32, #tpu.memory_space<hbm>> -> memref<100000x16xf32, #tpu.memory_space<hbm>>
        tpu.enqueue_indirect_dma source(%dma_start3A_751 : memref<100000x16xf32, #tpu.memory_space<hbm>>) target(%dma_start3A_745 : memref<128x16xf32, #tpu.memory_space<vmem>>) offsets(%dma_start3A_748 : memref<128xi32, #tpu.memory_space<vmem>>) semaphore(%arg36 : memref<!tpu.dma_semaphore, #tpu.memory_space<semaphore_mem>>)
        %dma_start3A_752 = arith.constant 6 : i32
        %dma_start3A_753 = arith.constant 6 : i32
        %dma_start3A_754 = arith.constant 0 : i32
        %dma_start3A_755 = arith.constant 0 : i32
        %dma_start3A_756 = tpu.memref_slice %arg24[%dma_start3A_753, %dma_start3A_754, %dma_start3A_755] : memref<8x128x16xf32, #tpu.memory_space<vmem>> -> memref<1x128x16xf32, #tpu.memory_space<vmem>>
        %dma_start3A_757 = tpu.memref_squeeze %dma_start3A_756 : memref<1x128x16xf32, #tpu.memory_space<vmem>> -> memref<128x16xf32, #tpu.memory_space<vmem>>
        %dma_start3A_758 = arith.constant 0 : i32
        %dma_start3A_759 = tpu.memref_slice %arg14[%dma_start3A_752, %dma_start3A_758] : memref<8x128xi32, #tpu.memory_space<vmem>> -> memref<1x128xi32, #tpu.memory_space<vmem>>
        %dma_start3A_760 = tpu.memref_squeeze %dma_start3A_759 : memref<1x128xi32, #tpu.memory_space<vmem>> -> memref<128xi32, #tpu.memory_space<vmem>>
        %dma_start3A_761 = arith.constant 0 : i32
        %dma_start3A_762 = arith.constant 0 : i32
        %dma_start3A_763 = tpu.memref_slice %arg2[%dma_start3A_761, %dma_start3A_762] : memref<100000x16xf32, #tpu.memory_space<hbm>> -> memref<100000x16xf32, #tpu.memory_space<hbm>>
        tpu.enqueue_indirect_dma source(%dma_start3A_763 : memref<100000x16xf32, #tpu.memory_space<hbm>>) target(%dma_start3A_757 : memref<128x16xf32, #tpu.memory_space<vmem>>) offsets(%dma_start3A_760 : memref<128xi32, #tpu.memory_space<vmem>>) semaphore(%arg36 : memref<!tpu.dma_semaphore, #tpu.memory_space<semaphore_mem>>)
        %dma_start3A_764 = arith.constant 7 : i32
        %dma_start3A_765 = arith.constant 7 : i32
        %dma_start3A_766 = arith.constant 0 : i32
        %dma_start3A_767 = arith.constant 0 : i32
        %dma_start3A_768 = tpu.memref_slice %arg22[%dma_start3A_765, %dma_start3A_766, %dma_start3A_767] : memref<8x128x16xf32, #tpu.memory_space<vmem>> -> memref<1x128x16xf32, #tpu.memory_space<vmem>>
        %dma_start3A_769 = tpu.memref_squeeze %dma_start3A_768 : memref<1x128x16xf32, #tpu.memory_space<vmem>> -> memref<128x16xf32, #tpu.memory_space<vmem>>
        %dma_start3A_770 = arith.constant 0 : i32
        %dma_start3A_771 = tpu.memref_slice %arg12[%dma_start3A_764, %dma_start3A_770] : memref<8x128xi32, #tpu.memory_space<vmem>> -> memref<1x128xi32, #tpu.memory_space<vmem>>
        %dma_start3A_772 = tpu.memref_squeeze %dma_start3A_771 : memref<1x128xi32, #tpu.memory_space<vmem>> -> memref<128xi32, #tpu.memory_space<vmem>>
        %dma_start3A_773 = arith.constant 0 : i32
        %dma_start3A_774 = arith.constant 0 : i32
        %dma_start3A_775 = tpu.memref_slice %arg2[%dma_start3A_773, %dma_start3A_774] : memref<100000x16xf32, #tpu.memory_space<hbm>> -> memref<100000x16xf32, #tpu.memory_space<hbm>>
        tpu.enqueue_indirect_dma source(%dma_start3A_775 : memref<100000x16xf32, #tpu.memory_space<hbm>>) target(%dma_start3A_769 : memref<128x16xf32, #tpu.memory_space<vmem>>) offsets(%dma_start3A_772 : memref<128xi32, #tpu.memory_space<vmem>>) semaphore(%arg36 : memref<!tpu.dma_semaphore, #tpu.memory_space<semaphore_mem>>)
        %dma_start3A_776 = arith.constant 7 : i32
        %dma_start3A_777 = arith.constant 7 : i32
        %dma_start3A_778 = arith.constant 0 : i32
        %dma_start3A_779 = arith.constant 0 : i32
        %dma_start3A_780 = tpu.memref_slice %arg24[%dma_start3A_777, %dma_start3A_778, %dma_start3A_779] : memref<8x128x16xf32, #tpu.memory_space<vmem>> -> memref<1x128x16xf32, #tpu.memory_space<vmem>>
        %dma_start3A_781 = tpu.memref_squeeze %dma_start3A_780 : memref<1x128x16xf32, #tpu.memory_space<vmem>> -> memref<128x16xf32, #tpu.memory_space<vmem>>
        %dma_start3A_782 = arith.constant 0 : i32
        %dma_start3A_783 = tpu.memref_slice %arg14[%dma_start3A_776, %dma_start3A_782] : memref<8x128xi32, #tpu.memory_space<vmem>> -> memref<1x128xi32, #tpu.memory_space<vmem>>
        %dma_start3A_784 = tpu.memref_squeeze %dma_start3A_783 : memref<1x128xi32, #tpu.memory_space<vmem>> -> memref<128xi32, #tpu.memory_space<vmem>>
        %dma_start3A_785 = arith.constant 0 : i32
        %dma_start3A_786 = arith.constant 0 : i32
        %dma_start3A_787 = tpu.memref_slice %arg2[%dma_start3A_785, %dma_start3A_786] : memref<100000x16xf32, #tpu.memory_space<hbm>> -> memref<100000x16xf32, #tpu.memory_space<hbm>>
        tpu.enqueue_indirect_dma source(%dma_start3A_787 : memref<100000x16xf32, #tpu.memory_space<hbm>>) target(%dma_start3A_781 : memref<128x16xf32, #tpu.memory_space<vmem>>) offsets(%dma_start3A_784 : memref<128xi32, #tpu.memory_space<vmem>>) semaphore(%arg36 : memref<!tpu.dma_semaphore, #tpu.memory_space<semaphore_mem>>)
      } else {
      }
      %gt3A_531 = arith.constant 0 : i32
      %gt3A_532 = arith.cmpi sgt, %while3A_327, %gt3A_531 : i32
      %convert_element_type3A_533 = arith.extui %gt3A_532 : i1 to i32
      %cond3A_534 = arith.constant 0 : i32
      %cond3A_535 = arith.cmpi ne, %convert_element_type3A_533, %cond3A_534 : i32
      scf.if %cond3A_535 {
        %dma_wait3A_566 = arith.constant 0 : i32
        %dma_wait3A_567 = tpu.memref_slice %arg7[%dma_wait3A_566] : memref<3200000xf32, #tpu.memory_space<hbm>> -> memref<1024xf32, #tpu.memory_space<hbm>>
        %dma_wait3A_568 = arith.constant 0 : i32
        %dma_wait3A_569 = tpu.memref_slice %arg7[%dma_wait3A_568] : memref<3200000xf32, #tpu.memory_space<hbm>> -> memref<1024xf32, #tpu.memory_space<hbm>>
        tpu.wait_dma2 semaphore(%arg37 : memref<!tpu.dma_semaphore, #tpu.memory_space<semaphore_mem>>) src(%arg25 : memref<1024xf32, #tpu.memory_space<vmem>>) dst(%dma_wait3A_569 : memref<1024xf32, #tpu.memory_space<hbm>>)
        %dma_wait3A_570 = arith.constant 0 : i32
        %dma_wait3A_571 = tpu.memref_slice %arg8[%dma_wait3A_570] : memref<3200000xf32, #tpu.memory_space<hbm>> -> memref<1024xf32, #tpu.memory_space<hbm>>
        %dma_wait3A_572 = arith.constant 0 : i32
        %dma_wait3A_573 = tpu.memref_slice %arg8[%dma_wait3A_572] : memref<3200000xf32, #tpu.memory_space<hbm>> -> memref<1024xf32, #tpu.memory_space<hbm>>
        tpu.wait_dma2 semaphore(%arg37 : memref<!tpu.dma_semaphore, #tpu.memory_space<semaphore_mem>>) src(%arg27 : memref<1024xf32, #tpu.memory_space<vmem>>) dst(%dma_wait3A_573 : memref<1024xf32, #tpu.memory_space<hbm>>)
        %dma_wait3A_574 = arith.constant 0 : i32
        %dma_wait3A_575 = tpu.memref_slice %arg9[%dma_wait3A_574] : memref<3200000xf32, #tpu.memory_space<hbm>> -> memref<1024xf32, #tpu.memory_space<hbm>>
        %dma_wait3A_576 = arith.constant 0 : i32
        %dma_wait3A_577 = tpu.memref_slice %arg9[%dma_wait3A_576] : memref<3200000xf32, #tpu.memory_space<hbm>> -> memref<1024xf32, #tpu.memory_space<hbm>>
        tpu.wait_dma2 semaphore(%arg37 : memref<!tpu.dma_semaphore, #tpu.memory_space<semaphore_mem>>) src(%arg29 : memref<1024xf32, #tpu.memory_space<vmem>>) dst(%dma_wait3A_577 : memref<1024xf32, #tpu.memory_space<hbm>>)
        %dma_wait3A_578 = arith.constant 0 : i32
        %dma_wait3A_579 = tpu.memref_slice %arg10[%dma_wait3A_578] : memref<3200000xf32, #tpu.memory_space<hbm>> -> memref<1024xf32, #tpu.memory_space<hbm>>
        %dma_wait3A_580 = arith.constant 0 : i32
        %dma_wait3A_581 = tpu.memref_slice %arg10[%dma_wait3A_580] : memref<3200000xf32, #tpu.memory_space<hbm>> -> memref<1024xf32, #tpu.memory_space<hbm>>
        tpu.wait_dma2 semaphore(%arg37 : memref<!tpu.dma_semaphore, #tpu.memory_space<semaphore_mem>>) src(%arg31 : memref<1024xf32, #tpu.memory_space<vmem>>) dst(%dma_wait3A_581 : memref<1024xf32, #tpu.memory_space<hbm>>)
      } else {
      }
      %scan3A = arith.constant 0 : i32
      %scan3A_536 = arith.constant 0 : i32
      %scan3A_537 = arith.constant 64 : i32
      %scan3A_538 = arith.addi %scan3A_536, %scan3A_537 : i32
      %scan3A_539 = arith.constant 2 : i32
      scf.for %scan3A_566 = %scan3A_536 to %scan3A_538 step %scan3A_539  : i32 {
        %mul3A_567 = arith.constant 16 : i32
        %mul3A_568 = arith.muli %scan3A_566, %mul3A_567 : i32
        %mul3A_569 = arith.constant 16 : i32
        %mul3A_570 = arith.muli %scan3A_566, %mul3A_569 : i32
        %iota3A = tpu.iota {dimensions = array<i32: 0>} : vector<16xi32>
        %add3A_571 = vector.broadcast %mul3A_570 : i32 to vector<16xi32>
        %add3A_572 = arith.addi %add3A_571, %iota3A : vector<16xi32>
        %shift_right_arithmetic3A = arith.constant 7 : i32
        %shift_right_arithmetic3A_573 = vector.broadcast %shift_right_arithmetic3A : i32 to vector<16xi32>
        %shift_right_arithmetic3A_574 = arith.shrsi %add3A_572, %shift_right_arithmetic3A_573 : vector<16xi32>
        %and3A_575 = arith.constant 127 : i32
        %and3A_576 = vector.broadcast %and3A_575 : i32 to vector<16xi32>
        %and3A_577 = arith.andi %add3A_572, %and3A_576 : vector<16xi32>
        %broadcast_in_dim3A = arith.constant 0 : i32
        %broadcast_in_dim3A_578 = vector.broadcast %broadcast_in_dim3A : i32 to vector<16xi32>
        %gather3A = tpu.vector_load_idx %arg23[%shift_right_arithmetic3A_574, %and3A_577, %broadcast_in_dim3A_578] : memref<8x128x16xf32, #tpu.memory_space<vmem>>[vector<16xi32>, vector<16xi32>, vector<16xi32>], vector<16xf32>,
        %broadcast_in_dim3A_579 = arith.constant 0 : i32
        %broadcast_in_dim3A_580 = vector.broadcast %broadcast_in_dim3A_579 : i32 to vector<16xi32>
        %gather3A_581 = tpu.vector_load_idx %arg21[%shift_right_arithmetic3A_574, %and3A_577, %broadcast_in_dim3A_580] : memref<8x128x16xf32, #tpu.memory_space<vmem>>[vector<16xi32>, vector<16xi32>, vector<16xi32>], vector<16xf32>,
        %sub3A_582 = arith.subf %gather3A, %gather3A_581 : vector<16xf32>
        %broadcast_in_dim3A_583 = arith.constant 1 : i32
        %broadcast_in_dim3A_584 = vector.broadcast %broadcast_in_dim3A_583 : i32 to vector<16xi32>
        %gather3A_585 = tpu.vector_load_idx %arg23[%shift_right_arithmetic3A_574, %and3A_577, %broadcast_in_dim3A_584] : memref<8x128x16xf32, #tpu.memory_space<vmem>>[vector<16xi32>, vector<16xi32>, vector<16xi32>], vector<16xf32>,
        %broadcast_in_dim3A_586 = arith.constant 1 : i32
        %broadcast_in_dim3A_587 = vector.broadcast %broadcast_in_dim3A_586 : i32 to vector<16xi32>
        %gather3A_588 = tpu.vector_load_idx %arg21[%shift_right_arithmetic3A_574, %and3A_577, %broadcast_in_dim3A_587] : memref<8x128x16xf32, #tpu.memory_space<vmem>>[vector<16xi32>, vector<16xi32>, vector<16xi32>], vector<16xf32>,
        %sub3A_589 = arith.subf %gather3A_585, %gather3A_588 : vector<16xf32>
        %broadcast_in_dim3A_590 = arith.constant 2 : i32
        %broadcast_in_dim3A_591 = vector.broadcast %broadcast_in_dim3A_590 : i32 to vector<16xi32>
        %gather3A_592 = tpu.vector_load_idx %arg23[%shift_right_arithmetic3A_574, %and3A_577, %broadcast_in_dim3A_591] : memref<8x128x16xf32, #tpu.memory_space<vmem>>[vector<16xi32>, vector<16xi32>, vector<16xi32>], vector<16xf32>,
        %broadcast_in_dim3A_593 = arith.constant 2 : i32
        %broadcast_in_dim3A_594 = vector.broadcast %broadcast_in_dim3A_593 : i32 to vector<16xi32>
        %gather3A_595 = tpu.vector_load_idx %arg21[%shift_right_arithmetic3A_574, %and3A_577, %broadcast_in_dim3A_594] : memref<8x128x16xf32, #tpu.memory_space<vmem>>[vector<16xi32>, vector<16xi32>, vector<16xi32>], vector<16xf32>,
        %sub3A_596 = arith.subf %gather3A_592, %gather3A_595 : vector<16xf32>
        %get3A = arith.index_cast %mul3A_568 : i32 to index
        %get3A_597 = tpu.vector_load %arg15[%get3A] {strides = array<i32>} : memref<1024xf32, #tpu.memory_space<vmem>>, vector<16xf32>,
        %get3A_598 = arith.index_cast %mul3A_568 : i32 to index
        %get3A_599 = tpu.vector_load %arg17[%get3A_598] {strides = array<i32>} : memref<1024xf32, #tpu.memory_space<vmem>>, vector<16xf32>,
        %get3A_600 = arith.index_cast %mul3A_568 : i32 to index
        %get3A_601 = tpu.vector_load %arg19[%get3A_600] {strides = array<i32>} : memref<1024xf32, #tpu.memory_space<vmem>>, vector<16xf32>,
        %broadcast_in_dim3A_602 = arith.constant 3 : i32
        %broadcast_in_dim3A_603 = vector.broadcast %broadcast_in_dim3A_602 : i32 to vector<16xi32>
        %gather3A_604 = tpu.vector_load_idx %arg21[%shift_right_arithmetic3A_574, %and3A_577, %broadcast_in_dim3A_603] : memref<8x128x16xf32, #tpu.memory_space<vmem>>[vector<16xi32>, vector<16xi32>, vector<16xi32>], vector<16xf32>,
        %mul3A_605 = arith.mulf %get3A_597, %gather3A_604 : vector<16xf32>
        %add3A_606 = arith.addf %sub3A_582, %mul3A_605 : vector<16xf32>
        %broadcast_in_dim3A_607 = arith.constant 6 : i32
        %broadcast_in_dim3A_608 = vector.broadcast %broadcast_in_dim3A_607 : i32 to vector<16xi32>
        %gather3A_609 = tpu.vector_load_idx %arg21[%shift_right_arithmetic3A_574, %and3A_577, %broadcast_in_dim3A_608] : memref<8x128x16xf32, #tpu.memory_space<vmem>>[vector<16xi32>, vector<16xi32>, vector<16xi32>], vector<16xf32>,
        %mul3A_610 = arith.mulf %get3A_599, %gather3A_609 : vector<16xf32>
        %add3A_611 = arith.addf %add3A_606, %mul3A_610 : vector<16xf32>
        %broadcast_in_dim3A_612 = arith.constant 9 : i32
        %broadcast_in_dim3A_613 = vector.broadcast %broadcast_in_dim3A_612 : i32 to vector<16xi32>
        %gather3A_614 = tpu.vector_load_idx %arg21[%shift_right_arithmetic3A_574, %and3A_577, %broadcast_in_dim3A_613] : memref<8x128x16xf32, #tpu.memory_space<vmem>>[vector<16xi32>, vector<16xi32>, vector<16xi32>], vector<16xf32>,
        %mul3A_615 = arith.mulf %get3A_601, %gather3A_614 : vector<16xf32>
        %add3A_616 = arith.addf %add3A_611, %mul3A_615 : vector<16xf32>
        %broadcast_in_dim3A_617 = arith.constant 4 : i32
        %broadcast_in_dim3A_618 = vector.broadcast %broadcast_in_dim3A_617 : i32 to vector<16xi32>
        %gather3A_619 = tpu.vector_load_idx %arg21[%shift_right_arithmetic3A_574, %and3A_577, %broadcast_in_dim3A_618] : memref<8x128x16xf32, #tpu.memory_space<vmem>>[vector<16xi32>, vector<16xi32>, vector<16xi32>], vector<16xf32>,
        %mul3A_620 = arith.mulf %get3A_597, %gather3A_619 : vector<16xf32>
        %add3A_621 = arith.addf %sub3A_589, %mul3A_620 : vector<16xf32>
        %broadcast_in_dim3A_622 = arith.constant 7 : i32
        %broadcast_in_dim3A_623 = vector.broadcast %broadcast_in_dim3A_622 : i32 to vector<16xi32>
        %gather3A_624 = tpu.vector_load_idx %arg21[%shift_right_arithmetic3A_574, %and3A_577, %broadcast_in_dim3A_623] : memref<8x128x16xf32, #tpu.memory_space<vmem>>[vector<16xi32>, vector<16xi32>, vector<16xi32>], vector<16xf32>,
        %mul3A_625 = arith.mulf %get3A_599, %gather3A_624 : vector<16xf32>
        %add3A_626 = arith.addf %add3A_621, %mul3A_625 : vector<16xf32>
        %broadcast_in_dim3A_627 = arith.constant 10 : i32
        %broadcast_in_dim3A_628 = vector.broadcast %broadcast_in_dim3A_627 : i32 to vector<16xi32>
        %gather3A_629 = tpu.vector_load_idx %arg21[%shift_right_arithmetic3A_574, %and3A_577, %broadcast_in_dim3A_628] : memref<8x128x16xf32, #tpu.memory_space<vmem>>[vector<16xi32>, vector<16xi32>, vector<16xi32>], vector<16xf32>,
        %mul3A_630 = arith.mulf %get3A_601, %gather3A_629 : vector<16xf32>
        %add3A_631 = arith.addf %add3A_626, %mul3A_630 : vector<16xf32>
        %broadcast_in_dim3A_632 = arith.constant 5 : i32
        %broadcast_in_dim3A_633 = vector.broadcast %broadcast_in_dim3A_632 : i32 to vector<16xi32>
        %gather3A_634 = tpu.vector_load_idx %arg21[%shift_right_arithmetic3A_574, %and3A_577, %broadcast_in_dim3A_633] : memref<8x128x16xf32, #tpu.memory_space<vmem>>[vector<16xi32>, vector<16xi32>, vector<16xi32>], vector<16xf32>,
        %mul3A_635 = arith.mulf %get3A_597, %gather3A_634 : vector<16xf32>
        %add3A_636 = arith.addf %sub3A_596, %mul3A_635 : vector<16xf32>
        %broadcast_in_dim3A_637 = arith.constant 8 : i32
        %broadcast_in_dim3A_638 = vector.broadcast %broadcast_in_dim3A_637 : i32 to vector<16xi32>
        %gather3A_639 = tpu.vector_load_idx %arg21[%shift_right_arithmetic3A_574, %and3A_577, %broadcast_in_dim3A_638] : memref<8x128x16xf32, #tpu.memory_space<vmem>>[vector<16xi32>, vector<16xi32>, vector<16xi32>], vector<16xf32>,
        %mul3A_640 = arith.mulf %get3A_599, %gather3A_639 : vector<16xf32>
        %add3A_641 = arith.addf %add3A_636, %mul3A_640 : vector<16xf32>
        %broadcast_in_dim3A_642 = arith.constant 11 : i32
        %broadcast_in_dim3A_643 = vector.broadcast %broadcast_in_dim3A_642 : i32 to vector<16xi32>
        %gather3A_644 = tpu.vector_load_idx %arg21[%shift_right_arithmetic3A_574, %and3A_577, %broadcast_in_dim3A_643] : memref<8x128x16xf32, #tpu.memory_space<vmem>>[vector<16xi32>, vector<16xi32>, vector<16xi32>], vector<16xf32>,
        %mul3A_645 = arith.mulf %get3A_601, %gather3A_644 : vector<16xf32>
        %add3A_646 = arith.addf %add3A_641, %mul3A_645 : vector<16xf32>
        %mul3A_647 = arith.mulf %add3A_616, %add3A_616 : vector<16xf32>
        %mul3A_648 = arith.mulf %add3A_631, %add3A_631 : vector<16xf32>
        %add3A_649 = arith.addf %mul3A_647, %mul3A_648 : vector<16xf32>
        %mul3A_650 = arith.mulf %add3A_646, %add3A_646 : vector<16xf32>
        %add3A_651 = arith.addf %add3A_649, %mul3A_650 : vector<16xf32>
        %bitcast3A = vector.bitcast %add3A_651 : vector<16xf32> to vector<16xi32>
        %shift_right_arithmetic3A_652 = arith.constant 1 : i32
        %shift_right_arithmetic3A_653 = vector.broadcast %shift_right_arithmetic3A_652 : i32 to vector<16xi32>
        %shift_right_arithmetic3A_654 = arith.shrsi %bitcast3A, %shift_right_arithmetic3A_653 : vector<16xi32>
        %sub3A_655 = arith.constant 1597463007 : i32
        %sub3A_656 = vector.broadcast %sub3A_655 : i32 to vector<16xi32>
        %sub3A_657 = arith.subi %sub3A_656, %shift_right_arithmetic3A_654 : vector<16xi32>
        %bitcast3A_658 = vector.bitcast %sub3A_657 : vector<16xi32> to vector<16xf32>
        %mul3A_659 = arith.constant 5.000000e-01 : f32
        %mul3A_660 = vector.broadcast %mul3A_659 : f32 to vector<16xf32>
        %mul3A_661 = arith.mulf %mul3A_660, %add3A_651 : vector<16xf32>
        %mul3A_662 = arith.mulf %mul3A_661, %bitcast3A_658 : vector<16xf32>
        %mul3A_663 = arith.mulf %mul3A_662, %bitcast3A_658 : vector<16xf32>
        %sub3A_664 = arith.constant 1.500000e+00 : f32
        %sub3A_665 = vector.broadcast %sub3A_664 : f32 to vector<16xf32>
        %sub3A_666 = arith.subf %sub3A_665, %mul3A_663 : vector<16xf32>
        %mul3A_667 = arith.mulf %bitcast3A_658, %sub3A_666 : vector<16xf32>
        %mul3A_668 = arith.constant 5.000000e-01 : f32
        %mul3A_669 = vector.broadcast %mul3A_668 : f32 to vector<16xf32>
        %mul3A_670 = arith.mulf %mul3A_669, %add3A_651 : vector<16xf32>
        %mul3A_671 = arith.mulf %mul3A_670, %mul3A_667 : vector<16xf32>
        %mul3A_672 = arith.mulf %mul3A_671, %mul3A_667 : vector<16xf32>
        %sub3A_673 = arith.constant 1.500000e+00 : f32
        %sub3A_674 = vector.broadcast %sub3A_673 : f32 to vector<16xf32>
        %sub3A_675 = arith.subf %sub3A_674, %mul3A_672 : vector<16xf32>
        %mul3A_676 = arith.mulf %mul3A_667, %sub3A_675 : vector<16xf32>
        %mul3A_677 = arith.constant 5.000000e-01 : f32
        %mul3A_678 = vector.broadcast %mul3A_677 : f32 to vector<16xf32>
        %mul3A_679 = arith.mulf %mul3A_678, %add3A_651 : vector<16xf32>
        %mul3A_680 = arith.mulf %mul3A_679, %mul3A_676 : vector<16xf32>
        %mul3A_681 = arith.mulf %mul3A_680, %mul3A_676 : vector<16xf32>
        %sub3A_682 = arith.constant 1.500000e+00 : f32
        %sub3A_683 = vector.broadcast %sub3A_682 : f32 to vector<16xf32>
        %sub3A_684 = arith.subf %sub3A_683, %mul3A_681 : vector<16xf32>
        %mul3A_685 = arith.mulf %mul3A_676, %sub3A_684 : vector<16xf32>
        %swap3A = arith.index_cast %mul3A_568 : i32 to index
        %swap3A_686 = tpu.vector_load %arg25[%swap3A] {strides = array<i32>} : memref<1024xf32, #tpu.memory_space<vmem>>, vector<16xf32>,
        tpu.vector_store %arg25[%swap3A], %add3A_616 {strides = array<i32>} : memref<1024xf32, #tpu.memory_space<vmem>>, vector<16xf32>,
        %swap3A_687 = arith.index_cast %mul3A_568 : i32 to index
        %swap3A_688 = tpu.vector_load %arg27[%swap3A_687] {strides = array<i32>} : memref<1024xf32, #tpu.memory_space<vmem>>, vector<16xf32>,
        tpu.vector_store %arg27[%swap3A_687], %add3A_631 {strides = array<i32>} : memref<1024xf32, #tpu.memory_space<vmem>>, vector<16xf32>,
        %swap3A_689 = arith.index_cast %mul3A_568 : i32 to index
        %swap3A_690 = tpu.vector_load %arg29[%swap3A_689] {strides = array<i32>} : memref<1024xf32, #tpu.memory_space<vmem>>, vector<16xf32>,
        tpu.vector_store %arg29[%swap3A_689], %add3A_646 {strides = array<i32>} : memref<1024xf32, #tpu.memory_space<vmem>>, vector<16xf32>,
        %mul3A_691 = arith.mulf %add3A_651, %mul3A_685 : vector<16xf32>
        %swap3A_692 = arith.index_cast %mul3A_568 : i32 to index
        %swap3A_693 = tpu.vector_load %arg31[%swap3A_692] {strides = array<i32>} : memref<1024xf32, #tpu.memory_space<vmem>>, vector<16xf32>,
        tpu.vector_store %arg31[%swap3A_692], %mul3A_691 {strides = array<i32>} : memref<1024xf32, #tpu.memory_space<vmem>>, vector<16xf32>,
        %scan3A_694 = arith.constant 1 : i32
        %scan3A_695 = arith.addi %scan3A_566, %scan3A_694 : i32
        %mul3A_696 = arith.constant 16 : i32
        %mul3A_697 = arith.muli %scan3A_695, %mul3A_696 : i32
        %mul3A_698 = arith.constant 16 : i32
        %mul3A_699 = arith.muli %scan3A_695, %mul3A_698 : i32
        %iota3A_700 = tpu.iota {dimensions = array<i32: 0>} : vector<16xi32>
        %add3A_701 = vector.broadcast %mul3A_699 : i32 to vector<16xi32>
        %add3A_702 = arith.addi %add3A_701, %iota3A_700 : vector<16xi32>
        %shift_right_arithmetic3A_703 = arith.constant 7 : i32
        %shift_right_arithmetic3A_704 = vector.broadcast %shift_right_arithmetic3A_703 : i32 to vector<16xi32>
        %shift_right_arithmetic3A_705 = arith.shrsi %add3A_702, %shift_right_arithmetic3A_704 : vector<16xi32>
        %and3A_706 = arith.constant 127 : i32
        %and3A_707 = vector.broadcast %and3A_706 : i32 to vector<16xi32>
        %and3A_708 = arith.andi %add3A_702, %and3A_707 : vector<16xi32>
        %broadcast_in_dim3A_709 = arith.constant 0 : i32
        %broadcast_in_dim3A_710 = vector.broadcast %broadcast_in_dim3A_709 : i32 to vector<16xi32>
        %gather3A_711 = tpu.vector_load_idx %arg23[%shift_right_arithmetic3A_705, %and3A_708, %broadcast_in_dim3A_710] : memref<8x128x16xf32, #tpu.memory_space<vmem>>[vector<16xi32>, vector<16xi32>, vector<16xi32>], vector<16xf32>,
        %broadcast_in_dim3A_712 = arith.constant 0 : i32
        %broadcast_in_dim3A_713 = vector.broadcast %broadcast_in_dim3A_712 : i32 to vector<16xi32>
        %gather3A_714 = tpu.vector_load_idx %arg21[%shift_right_arithmetic3A_705, %and3A_708, %broadcast_in_dim3A_713] : memref<8x128x16xf32, #tpu.memory_space<vmem>>[vector<16xi32>, vector<16xi32>, vector<16xi32>], vector<16xf32>,
        %sub3A_715 = arith.subf %gather3A_711, %gather3A_714 : vector<16xf32>
        %broadcast_in_dim3A_716 = arith.constant 1 : i32
        %broadcast_in_dim3A_717 = vector.broadcast %broadcast_in_dim3A_716 : i32 to vector<16xi32>
        %gather3A_718 = tpu.vector_load_idx %arg23[%shift_right_arithmetic3A_705, %and3A_708, %broadcast_in_dim3A_717] : memref<8x128x16xf32, #tpu.memory_space<vmem>>[vector<16xi32>, vector<16xi32>, vector<16xi32>], vector<16xf32>,
        %broadcast_in_dim3A_719 = arith.constant 1 : i32
        %broadcast_in_dim3A_720 = vector.broadcast %broadcast_in_dim3A_719 : i32 to vector<16xi32>
        %gather3A_721 = tpu.vector_load_idx %arg21[%shift_right_arithmetic3A_705, %and3A_708, %broadcast_in_dim3A_720] : memref<8x128x16xf32, #tpu.memory_space<vmem>>[vector<16xi32>, vector<16xi32>, vector<16xi32>], vector<16xf32>,
        %sub3A_722 = arith.subf %gather3A_718, %gather3A_721 : vector<16xf32>
        %broadcast_in_dim3A_723 = arith.constant 2 : i32
        %broadcast_in_dim3A_724 = vector.broadcast %broadcast_in_dim3A_723 : i32 to vector<16xi32>
        %gather3A_725 = tpu.vector_load_idx %arg23[%shift_right_arithmetic3A_705, %and3A_708, %broadcast_in_dim3A_724] : memref<8x128x16xf32, #tpu.memory_space<vmem>>[vector<16xi32>, vector<16xi32>, vector<16xi32>], vector<16xf32>,
        %broadcast_in_dim3A_726 = arith.constant 2 : i32
        %broadcast_in_dim3A_727 = vector.broadcast %broadcast_in_dim3A_726 : i32 to vector<16xi32>
        %gather3A_728 = tpu.vector_load_idx %arg21[%shift_right_arithmetic3A_705, %and3A_708, %broadcast_in_dim3A_727] : memref<8x128x16xf32, #tpu.memory_space<vmem>>[vector<16xi32>, vector<16xi32>, vector<16xi32>], vector<16xf32>,
        %sub3A_729 = arith.subf %gather3A_725, %gather3A_728 : vector<16xf32>
        %get3A_730 = arith.index_cast %mul3A_697 : i32 to index
        %get3A_731 = tpu.vector_load %arg15[%get3A_730] {strides = array<i32>} : memref<1024xf32, #tpu.memory_space<vmem>>, vector<16xf32>,
        %get3A_732 = arith.index_cast %mul3A_697 : i32 to index
        %get3A_733 = tpu.vector_load %arg17[%get3A_732] {strides = array<i32>} : memref<1024xf32, #tpu.memory_space<vmem>>, vector<16xf32>,
        %get3A_734 = arith.index_cast %mul3A_697 : i32 to index
        %get3A_735 = tpu.vector_load %arg19[%get3A_734] {strides = array<i32>} : memref<1024xf32, #tpu.memory_space<vmem>>, vector<16xf32>,
        %broadcast_in_dim3A_736 = arith.constant 3 : i32
        %broadcast_in_dim3A_737 = vector.broadcast %broadcast_in_dim3A_736 : i32 to vector<16xi32>
        %gather3A_738 = tpu.vector_load_idx %arg21[%shift_right_arithmetic3A_705, %and3A_708, %broadcast_in_dim3A_737] : memref<8x128x16xf32, #tpu.memory_space<vmem>>[vector<16xi32>, vector<16xi32>, vector<16xi32>], vector<16xf32>,
        %mul3A_739 = arith.mulf %get3A_731, %gather3A_738 : vector<16xf32>
        %add3A_740 = arith.addf %sub3A_715, %mul3A_739 : vector<16xf32>
        %broadcast_in_dim3A_741 = arith.constant 6 : i32
        %broadcast_in_dim3A_742 = vector.broadcast %broadcast_in_dim3A_741 : i32 to vector<16xi32>
        %gather3A_743 = tpu.vector_load_idx %arg21[%shift_right_arithmetic3A_705, %and3A_708, %broadcast_in_dim3A_742] : memref<8x128x16xf32, #tpu.memory_space<vmem>>[vector<16xi32>, vector<16xi32>, vector<16xi32>], vector<16xf32>,
        %mul3A_744 = arith.mulf %get3A_733, %gather3A_743 : vector<16xf32>
        %add3A_745 = arith.addf %add3A_740, %mul3A_744 : vector<16xf32>
        %broadcast_in_dim3A_746 = arith.constant 9 : i32
        %broadcast_in_dim3A_747 = vector.broadcast %broadcast_in_dim3A_746 : i32 to vector<16xi32>
        %gather3A_748 = tpu.vector_load_idx %arg21[%shift_right_arithmetic3A_705, %and3A_708, %broadcast_in_dim3A_747] : memref<8x128x16xf32, #tpu.memory_space<vmem>>[vector<16xi32>, vector<16xi32>, vector<16xi32>], vector<16xf32>,
        %mul3A_749 = arith.mulf %get3A_735, %gather3A_748 : vector<16xf32>
        %add3A_750 = arith.addf %add3A_745, %mul3A_749 : vector<16xf32>
        %broadcast_in_dim3A_751 = arith.constant 4 : i32
        %broadcast_in_dim3A_752 = vector.broadcast %broadcast_in_dim3A_751 : i32 to vector<16xi32>
        %gather3A_753 = tpu.vector_load_idx %arg21[%shift_right_arithmetic3A_705, %and3A_708, %broadcast_in_dim3A_752] : memref<8x128x16xf32, #tpu.memory_space<vmem>>[vector<16xi32>, vector<16xi32>, vector<16xi32>], vector<16xf32>,
        %mul3A_754 = arith.mulf %get3A_731, %gather3A_753 : vector<16xf32>
        %add3A_755 = arith.addf %sub3A_722, %mul3A_754 : vector<16xf32>
        %broadcast_in_dim3A_756 = arith.constant 7 : i32
        %broadcast_in_dim3A_757 = vector.broadcast %broadcast_in_dim3A_756 : i32 to vector<16xi32>
        %gather3A_758 = tpu.vector_load_idx %arg21[%shift_right_arithmetic3A_705, %and3A_708, %broadcast_in_dim3A_757] : memref<8x128x16xf32, #tpu.memory_space<vmem>>[vector<16xi32>, vector<16xi32>, vector<16xi32>], vector<16xf32>,
        %mul3A_759 = arith.mulf %get3A_733, %gather3A_758 : vector<16xf32>
        %add3A_760 = arith.addf %add3A_755, %mul3A_759 : vector<16xf32>
        %broadcast_in_dim3A_761 = arith.constant 10 : i32
        %broadcast_in_dim3A_762 = vector.broadcast %broadcast_in_dim3A_761 : i32 to vector<16xi32>
        %gather3A_763 = tpu.vector_load_idx %arg21[%shift_right_arithmetic3A_705, %and3A_708, %broadcast_in_dim3A_762] : memref<8x128x16xf32, #tpu.memory_space<vmem>>[vector<16xi32>, vector<16xi32>, vector<16xi32>], vector<16xf32>,
        %mul3A_764 = arith.mulf %get3A_735, %gather3A_763 : vector<16xf32>
        %add3A_765 = arith.addf %add3A_760, %mul3A_764 : vector<16xf32>
        %broadcast_in_dim3A_766 = arith.constant 5 : i32
        %broadcast_in_dim3A_767 = vector.broadcast %broadcast_in_dim3A_766 : i32 to vector<16xi32>
        %gather3A_768 = tpu.vector_load_idx %arg21[%shift_right_arithmetic3A_705, %and3A_708, %broadcast_in_dim3A_767] : memref<8x128x16xf32, #tpu.memory_space<vmem>>[vector<16xi32>, vector<16xi32>, vector<16xi32>], vector<16xf32>,
        %mul3A_769 = arith.mulf %get3A_731, %gather3A_768 : vector<16xf32>
        %add3A_770 = arith.addf %sub3A_729, %mul3A_769 : vector<16xf32>
        %broadcast_in_dim3A_771 = arith.constant 8 : i32
        %broadcast_in_dim3A_772 = vector.broadcast %broadcast_in_dim3A_771 : i32 to vector<16xi32>
        %gather3A_773 = tpu.vector_load_idx %arg21[%shift_right_arithmetic3A_705, %and3A_708, %broadcast_in_dim3A_772] : memref<8x128x16xf32, #tpu.memory_space<vmem>>[vector<16xi32>, vector<16xi32>, vector<16xi32>], vector<16xf32>,
        %mul3A_774 = arith.mulf %get3A_733, %gather3A_773 : vector<16xf32>
        %add3A_775 = arith.addf %add3A_770, %mul3A_774 : vector<16xf32>
        %broadcast_in_dim3A_776 = arith.constant 11 : i32
        %broadcast_in_dim3A_777 = vector.broadcast %broadcast_in_dim3A_776 : i32 to vector<16xi32>
        %gather3A_778 = tpu.vector_load_idx %arg21[%shift_right_arithmetic3A_705, %and3A_708, %broadcast_in_dim3A_777] : memref<8x128x16xf32, #tpu.memory_space<vmem>>[vector<16xi32>, vector<16xi32>, vector<16xi32>], vector<16xf32>,
        %mul3A_779 = arith.mulf %get3A_735, %gather3A_778 : vector<16xf32>
        %add3A_780 = arith.addf %add3A_775, %mul3A_779 : vector<16xf32>
        %mul3A_781 = arith.mulf %add3A_750, %add3A_750 : vector<16xf32>
        %mul3A_782 = arith.mulf %add3A_765, %add3A_765 : vector<16xf32>
        %add3A_783 = arith.addf %mul3A_781, %mul3A_782 : vector<16xf32>
        %mul3A_784 = arith.mulf %add3A_780, %add3A_780 : vector<16xf32>
        %add3A_785 = arith.addf %add3A_783, %mul3A_784 : vector<16xf32>
        %bitcast3A_786 = vector.bitcast %add3A_785 : vector<16xf32> to vector<16xi32>
        %shift_right_arithmetic3A_787 = arith.constant 1 : i32
        %shift_right_arithmetic3A_788 = vector.broadcast %shift_right_arithmetic3A_787 : i32 to vector<16xi32>
        %shift_right_arithmetic3A_789 = arith.shrsi %bitcast3A_786, %shift_right_arithmetic3A_788 : vector<16xi32>
        %sub3A_790 = arith.constant 1597463007 : i32
        %sub3A_791 = vector.broadcast %sub3A_790 : i32 to vector<16xi32>
        %sub3A_792 = arith.subi %sub3A_791, %shift_right_arithmetic3A_789 : vector<16xi32>
        %bitcast3A_793 = vector.bitcast %sub3A_792 : vector<16xi32> to vector<16xf32>
        %mul3A_794 = arith.constant 5.000000e-01 : f32
        %mul3A_795 = vector.broadcast %mul3A_794 : f32 to vector<16xf32>
        %mul3A_796 = arith.mulf %mul3A_795, %add3A_785 : vector<16xf32>
        %mul3A_797 = arith.mulf %mul3A_796, %bitcast3A_793 : vector<16xf32>
        %mul3A_798 = arith.mulf %mul3A_797, %bitcast3A_793 : vector<16xf32>
        %sub3A_799 = arith.constant 1.500000e+00 : f32
        %sub3A_800 = vector.broadcast %sub3A_799 : f32 to vector<16xf32>
        %sub3A_801 = arith.subf %sub3A_800, %mul3A_798 : vector<16xf32>
        %mul3A_802 = arith.mulf %bitcast3A_793, %sub3A_801 : vector<16xf32>
        %mul3A_803 = arith.constant 5.000000e-01 : f32
        %mul3A_804 = vector.broadcast %mul3A_803 : f32 to vector<16xf32>
        %mul3A_805 = arith.mulf %mul3A_804, %add3A_785 : vector<16xf32>
        %mul3A_806 = arith.mulf %mul3A_805, %mul3A_802 : vector<16xf32>
        %mul3A_807 = arith.mulf %mul3A_806, %mul3A_802 : vector<16xf32>
        %sub3A_808 = arith.constant 1.500000e+00 : f32
        %sub3A_809 = vector.broadcast %sub3A_808 : f32 to vector<16xf32>
        %sub3A_810 = arith.subf %sub3A_809, %mul3A_807 : vector<16xf32>
        %mul3A_811 = arith.mulf %mul3A_802, %sub3A_810 : vector<16xf32>
        %mul3A_812 = arith.constant 5.000000e-01 : f32
        %mul3A_813 = vector.broadcast %mul3A_812 : f32 to vector<16xf32>
        %mul3A_814 = arith.mulf %mul3A_813, %add3A_785 : vector<16xf32>
        %mul3A_815 = arith.mulf %mul3A_814, %mul3A_811 : vector<16xf32>
        %mul3A_816 = arith.mulf %mul3A_815, %mul3A_811 : vector<16xf32>
        %sub3A_817 = arith.constant 1.500000e+00 : f32
        %sub3A_818 = vector.broadcast %sub3A_817 : f32 to vector<16xf32>
        %sub3A_819 = arith.subf %sub3A_818, %mul3A_816 : vector<16xf32>
        %mul3A_820 = arith.mulf %mul3A_811, %sub3A_819 : vector<16xf32>
        %swap3A_821 = arith.index_cast %mul3A_697 : i32 to index
        %swap3A_822 = tpu.vector_load %arg25[%swap3A_821] {strides = array<i32>} : memref<1024xf32, #tpu.memory_space<vmem>>, vector<16xf32>,
        tpu.vector_store %arg25[%swap3A_821], %add3A_750 {strides = array<i32>} : memref<1024xf32, #tpu.memory_space<vmem>>, vector<16xf32>,
        %swap3A_823 = arith.index_cast %mul3A_697 : i32 to index
        %swap3A_824 = tpu.vector_load %arg27[%swap3A_823] {strides = array<i32>} : memref<1024xf32, #tpu.memory_space<vmem>>, vector<16xf32>,
        tpu.vector_store %arg27[%swap3A_823], %add3A_765 {strides = array<i32>} : memref<1024xf32, #tpu.memory_space<vmem>>, vector<16xf32>,
        %swap3A_825 = arith.index_cast %mul3A_697 : i32 to index
        %swap3A_826 = tpu.vector_load %arg29[%swap3A_825] {strides = array<i32>} : memref<1024xf32, #tpu.memory_space<vmem>>, vector<16xf32>,
        tpu.vector_store %arg29[%swap3A_825], %add3A_780 {strides = array<i32>} : memref<1024xf32, #tpu.memory_space<vmem>>, vector<16xf32>,
        %mul3A_827 = arith.mulf %add3A_785, %mul3A_820 : vector<16xf32>
        %swap3A_828 = arith.index_cast %mul3A_697 : i32 to index
        %swap3A_829 = tpu.vector_load %arg31[%swap3A_828] {strides = array<i32>} : memref<1024xf32, #tpu.memory_space<vmem>>, vector<16xf32>,
        tpu.vector_store %arg31[%swap3A_828], %mul3A_827 {strides = array<i32>} : memref<1024xf32, #tpu.memory_space<vmem>>, vector<16xf32>,
      }
      %scan3A_540 = arith.constant 64 : i32
      %mul3A_541 = arith.constant 32 : i32
      %mul3A_542 = arith.muli %mul3A_329, %mul3A_541 : i32
      %add3A_543 = arith.addi %add3A, %mul3A_542 : i32
      %mul3A_544 = arith.constant 1024 : i32
      %mul3A_545 = arith.muli %add3A_543, %mul3A_544 : i32
      %dma_start3A_546 = tpu.memref_slice %arg7[%mul3A_545] : memref<3200000xf32, #tpu.memory_space<hbm>> -> memref<1024xf32, #tpu.memory_space<hbm>>
      %dma_start3A_547 = tpu.memref_slice %arg7[%mul3A_545] : memref<3200000xf32, #tpu.memory_space<hbm>> -> memref<1024xf32, #tpu.memory_space<hbm>>
      tpu.enqueue_dma source(%arg25 : memref<1024xf32, #tpu.memory_space<vmem>>) target(%dma_start3A_547 : memref<1024xf32, #tpu.memory_space<hbm>>) target_semaphore(%arg37 : memref<!tpu.dma_semaphore, #tpu.memory_space<semaphore_mem>>)
      %dma_start3A_548 = tpu.memref_slice %arg8[%mul3A_545] : memref<3200000xf32, #tpu.memory_space<hbm>> -> memref<1024xf32, #tpu.memory_space<hbm>>
      %dma_start3A_549 = tpu.memref_slice %arg8[%mul3A_545] : memref<3200000xf32, #tpu.memory_space<hbm>> -> memref<1024xf32, #tpu.memory_space<hbm>>
      tpu.enqueue_dma source(%arg27 : memref<1024xf32, #tpu.memory_space<vmem>>) target(%dma_start3A_549 : memref<1024xf32, #tpu.memory_space<hbm>>) target_semaphore(%arg37 : memref<!tpu.dma_semaphore, #tpu.memory_space<semaphore_mem>>)
      %dma_start3A_550 = tpu.memref_slice %arg9[%mul3A_545] : memref<3200000xf32, #tpu.memory_space<hbm>> -> memref<1024xf32, #tpu.memory_space<hbm>>
      %dma_start3A_551 = tpu.memref_slice %arg9[%mul3A_545] : memref<3200000xf32, #tpu.memory_space<hbm>> -> memref<1024xf32, #tpu.memory_space<hbm>>
      tpu.enqueue_dma source(%arg29 : memref<1024xf32, #tpu.memory_space<vmem>>) target(%dma_start3A_551 : memref<1024xf32, #tpu.memory_space<hbm>>) target_semaphore(%arg37 : memref<!tpu.dma_semaphore, #tpu.memory_space<semaphore_mem>>)
      %dma_start3A_552 = tpu.memref_slice %arg10[%mul3A_545] : memref<3200000xf32, #tpu.memory_space<hbm>> -> memref<1024xf32, #tpu.memory_space<hbm>>
      %dma_start3A_553 = tpu.memref_slice %arg10[%mul3A_545] : memref<3200000xf32, #tpu.memory_space<hbm>> -> memref<1024xf32, #tpu.memory_space<hbm>>
      tpu.enqueue_dma source(%arg31 : memref<1024xf32, #tpu.memory_space<vmem>>) target(%dma_start3A_553 : memref<1024xf32, #tpu.memory_space<hbm>>) target_semaphore(%arg37 : memref<!tpu.dma_semaphore, #tpu.memory_space<semaphore_mem>>)
      %lt3A_554 = arith.cmpi slt, %add3A_333, %select_n3A : i32
      %convert_element_type3A_555 = arith.extui %lt3A_554 : i1 to i32
      %cond3A_556 = arith.constant 0 : i32
      %cond3A_557 = arith.cmpi ne, %convert_element_type3A_555, %cond3A_556 : i32
      scf.if %cond3A_557 {
        %mul3A_566 = arith.constant 32 : i32
        %mul3A_567 = arith.muli %add3A_333, %mul3A_566 : i32
        %add3A_568 = arith.addi %add3A, %mul3A_567 : i32
        %mul3A_569 = arith.constant 1024 : i32
        %mul3A_570 = arith.muli %add3A_568, %mul3A_569 : i32
        %mul3A_571 = arith.constant 8 : i32
        %mul3A_572 = arith.muli %add3A_568, %mul3A_571 : i32
        %dma_start3A_573 = arith.constant 0 : i32
        %dma_start3A_574 = arith.constant 0 : i32
        %dma_start3A_575 = tpu.memref_slice %arg6[%dma_start3A_573, %mul3A_572, %dma_start3A_574] : memref<2x25000x128xi32, #tpu.memory_space<hbm>> -> memref<1x8x128xi32, #tpu.memory_space<hbm>>
        %dma_start3A_576 = tpu.memref_squeeze %dma_start3A_575 : memref<1x8x128xi32, #tpu.memory_space<hbm>> -> memref<8x128xi32, #tpu.memory_space<hbm>>
        %dma_start3A_577 = arith.constant 0 : i32
        %dma_start3A_578 = tpu.memref_slice %arg6[%dma_start3A_573, %mul3A_572, %dma_start3A_577] : memref<2x25000x128xi32, #tpu.memory_space<hbm>> -> memref<1x8x128xi32, #tpu.memory_space<hbm>>
        %dma_start3A_579 = tpu.memref_squeeze %dma_start3A_578 : memref<1x8x128xi32, #tpu.memory_space<hbm>> -> memref<8x128xi32, #tpu.memory_space<hbm>>
        tpu.enqueue_dma source(%dma_start3A_579 : memref<8x128xi32, #tpu.memory_space<hbm>>) target(%arg11 : memref<8x128xi32, #tpu.memory_space<vmem>>) target_semaphore(%arg33 : memref<!tpu.dma_semaphore, #tpu.memory_space<semaphore_mem>>)
        %dma_start3A_580 = arith.constant 1 : i32
        %dma_start3A_581 = arith.constant 0 : i32
        %dma_start3A_582 = tpu.memref_slice %arg6[%dma_start3A_580, %mul3A_572, %dma_start3A_581] : memref<2x25000x128xi32, #tpu.memory_space<hbm>> -> memref<1x8x128xi32, #tpu.memory_space<hbm>>
        %dma_start3A_583 = tpu.memref_squeeze %dma_start3A_582 : memref<1x8x128xi32, #tpu.memory_space<hbm>> -> memref<8x128xi32, #tpu.memory_space<hbm>>
        %dma_start3A_584 = arith.constant 0 : i32
        %dma_start3A_585 = tpu.memref_slice %arg6[%dma_start3A_580, %mul3A_572, %dma_start3A_584] : memref<2x25000x128xi32, #tpu.memory_space<hbm>> -> memref<1x8x128xi32, #tpu.memory_space<hbm>>
        %dma_start3A_586 = tpu.memref_squeeze %dma_start3A_585 : memref<1x8x128xi32, #tpu.memory_space<hbm>> -> memref<8x128xi32, #tpu.memory_space<hbm>>
        tpu.enqueue_dma source(%dma_start3A_586 : memref<8x128xi32, #tpu.memory_space<hbm>>) target(%arg13 : memref<8x128xi32, #tpu.memory_space<vmem>>) target_semaphore(%arg33 : memref<!tpu.dma_semaphore, #tpu.memory_space<semaphore_mem>>)
        %dma_start3A_587 = tpu.memref_slice %arg3[%mul3A_570] : memref<3200000xf32, #tpu.memory_space<hbm>> -> memref<1024xf32, #tpu.memory_space<hbm>>
        %dma_start3A_588 = tpu.memref_slice %arg3[%mul3A_570] : memref<3200000xf32, #tpu.memory_space<hbm>> -> memref<1024xf32, #tpu.memory_space<hbm>>
        tpu.enqueue_dma source(%dma_start3A_588 : memref<1024xf32, #tpu.memory_space<hbm>>) target(%arg15 : memref<1024xf32, #tpu.memory_space<vmem>>) target_semaphore(%arg33 : memref<!tpu.dma_semaphore, #tpu.memory_space<semaphore_mem>>)
        %dma_start3A_589 = tpu.memref_slice %arg4[%mul3A_570] : memref<3200000xf32, #tpu.memory_space<hbm>> -> memref<1024xf32, #tpu.memory_space<hbm>>
        %dma_start3A_590 = tpu.memref_slice %arg4[%mul3A_570] : memref<3200000xf32, #tpu.memory_space<hbm>> -> memref<1024xf32, #tpu.memory_space<hbm>>
        tpu.enqueue_dma source(%dma_start3A_590 : memref<1024xf32, #tpu.memory_space<hbm>>) target(%arg17 : memref<1024xf32, #tpu.memory_space<vmem>>) target_semaphore(%arg33 : memref<!tpu.dma_semaphore, #tpu.memory_space<semaphore_mem>>)
        %dma_start3A_591 = tpu.memref_slice %arg5[%mul3A_570] : memref<3200000xf32, #tpu.memory_space<hbm>> -> memref<1024xf32, #tpu.memory_space<hbm>>
        %dma_start3A_592 = tpu.memref_slice %arg5[%mul3A_570] : memref<3200000xf32, #tpu.memory_space<hbm>> -> memref<1024xf32, #tpu.memory_space<hbm>>
        tpu.enqueue_dma source(%dma_start3A_592 : memref<1024xf32, #tpu.memory_space<hbm>>) target(%arg19 : memref<1024xf32, #tpu.memory_space<vmem>>) target_semaphore(%arg33 : memref<!tpu.dma_semaphore, #tpu.memory_space<semaphore_mem>>)
        %dma_wait3A_593 = arith.constant 0 : i32
        %dma_wait3A_594 = arith.constant 0 : i32
        %dma_wait3A_595 = arith.constant 0 : i32
        %dma_wait3A_596 = tpu.memref_slice %arg6[%dma_wait3A_593, %dma_wait3A_594, %dma_wait3A_595] : memref<2x25000x128xi32, #tpu.memory_space<hbm>> -> memref<1x8x128xi32, #tpu.memory_space<hbm>>
        %dma_wait3A_597 = tpu.memref_squeeze %dma_wait3A_596 : memref<1x8x128xi32, #tpu.memory_space<hbm>> -> memref<8x128xi32, #tpu.memory_space<hbm>>
        %dma_wait3A_598 = arith.constant 0 : i32
        %dma_wait3A_599 = arith.constant 0 : i32
        %dma_wait3A_600 = tpu.memref_slice %arg6[%dma_wait3A_593, %dma_wait3A_598, %dma_wait3A_599] : memref<2x25000x128xi32, #tpu.memory_space<hbm>> -> memref<1x8x128xi32, #tpu.memory_space<hbm>>
        %dma_wait3A_601 = tpu.memref_squeeze %dma_wait3A_600 : memref<1x8x128xi32, #tpu.memory_space<hbm>> -> memref<8x128xi32, #tpu.memory_space<hbm>>
        tpu.wait_dma2 semaphore(%arg33 : memref<!tpu.dma_semaphore, #tpu.memory_space<semaphore_mem>>) src(%dma_wait3A_601 : memref<8x128xi32, #tpu.memory_space<hbm>>) dst(%arg11 : memref<8x128xi32, #tpu.memory_space<vmem>>)
        %dma_wait3A_602 = arith.constant 1 : i32
        %dma_wait3A_603 = arith.constant 0 : i32
        %dma_wait3A_604 = arith.constant 0 : i32
        %dma_wait3A_605 = tpu.memref_slice %arg6[%dma_wait3A_602, %dma_wait3A_603, %dma_wait3A_604] : memref<2x25000x128xi32, #tpu.memory_space<hbm>> -> memref<1x8x128xi32, #tpu.memory_space<hbm>>
        %dma_wait3A_606 = tpu.memref_squeeze %dma_wait3A_605 : memref<1x8x128xi32, #tpu.memory_space<hbm>> -> memref<8x128xi32, #tpu.memory_space<hbm>>
        %dma_wait3A_607 = arith.constant 0 : i32
        %dma_wait3A_608 = arith.constant 0 : i32
        %dma_wait3A_609 = tpu.memref_slice %arg6[%dma_wait3A_602, %dma_wait3A_607, %dma_wait3A_608] : memref<2x25000x128xi32, #tpu.memory_space<hbm>> -> memref<1x8x128xi32, #tpu.memory_space<hbm>>
        %dma_wait3A_610 = tpu.memref_squeeze %dma_wait3A_609 : memref<1x8x128xi32, #tpu.memory_space<hbm>> -> memref<8x128xi32, #tpu.memory_space<hbm>>
        tpu.wait_dma2 semaphore(%arg33 : memref<!tpu.dma_semaphore, #tpu.memory_space<semaphore_mem>>) src(%dma_wait3A_610 : memref<8x128xi32, #tpu.memory_space<hbm>>) dst(%arg13 : memref<8x128xi32, #tpu.memory_space<vmem>>)
        %dma_wait3A_611 = arith.constant 0 : i32
        %dma_wait3A_612 = tpu.memref_slice %arg3[%dma_wait3A_611] : memref<3200000xf32, #tpu.memory_space<hbm>> -> memref<1024xf32, #tpu.memory_space<hbm>>
        %dma_wait3A_613 = arith.constant 0 : i32
        %dma_wait3A_614 = tpu.memref_slice %arg3[%dma_wait3A_613] : memref<3200000xf32, #tpu.memory_space<hbm>> -> memref<1024xf32, #tpu.memory_space<hbm>>
        tpu.wait_dma2 semaphore(%arg33 : memref<!tpu.dma_semaphore, #tpu.memory_space<semaphore_mem>>) src(%dma_wait3A_614 : memref<1024xf32, #tpu.memory_space<hbm>>) dst(%arg15 : memref<1024xf32, #tpu.memory_space<vmem>>)
        %dma_wait3A_615 = arith.constant 0 : i32
        %dma_wait3A_616 = tpu.memref_slice %arg4[%dma_wait3A_615] : memref<3200000xf32, #tpu.memory_space<hbm>> -> memref<1024xf32, #tpu.memory_space<hbm>>
        %dma_wait3A_617 = arith.constant 0 : i32
        %dma_wait3A_618 = tpu.memref_slice %arg4[%dma_wait3A_617] : memref<3200000xf32, #tpu.memory_space<hbm>> -> memref<1024xf32, #tpu.memory_space<hbm>>
        tpu.wait_dma2 semaphore(%arg33 : memref<!tpu.dma_semaphore, #tpu.memory_space<semaphore_mem>>) src(%dma_wait3A_618 : memref<1024xf32, #tpu.memory_space<hbm>>) dst(%arg17 : memref<1024xf32, #tpu.memory_space<vmem>>)
        %dma_wait3A_619 = arith.constant 0 : i32
        %dma_wait3A_620 = tpu.memref_slice %arg5[%dma_wait3A_619] : memref<3200000xf32, #tpu.memory_space<hbm>> -> memref<1024xf32, #tpu.memory_space<hbm>>
        %dma_wait3A_621 = arith.constant 0 : i32
        %dma_wait3A_622 = tpu.memref_slice %arg5[%dma_wait3A_621] : memref<3200000xf32, #tpu.memory_space<hbm>> -> memref<1024xf32, #tpu.memory_space<hbm>>
        tpu.wait_dma2 semaphore(%arg33 : memref<!tpu.dma_semaphore, #tpu.memory_space<semaphore_mem>>) src(%dma_wait3A_622 : memref<1024xf32, #tpu.memory_space<hbm>>) dst(%arg19 : memref<1024xf32, #tpu.memory_space<vmem>>)
        %dma_start3A_623 = arith.constant 0 : i32
        %dma_start3A_624 = arith.constant 0 : i32
        %dma_start3A_625 = arith.constant 0 : i32
        %dma_start3A_626 = arith.constant 0 : i32
        %dma_start3A_627 = tpu.memref_slice %arg21[%dma_start3A_624, %dma_start3A_625, %dma_start3A_626] : memref<8x128x16xf32, #tpu.memory_space<vmem>> -> memref<1x128x16xf32, #tpu.memory_space<vmem>>
        %dma_start3A_628 = tpu.memref_squeeze %dma_start3A_627 : memref<1x128x16xf32, #tpu.memory_space<vmem>> -> memref<128x16xf32, #tpu.memory_space<vmem>>
        %dma_start3A_629 = arith.constant 0 : i32
        %dma_start3A_630 = tpu.memref_slice %arg11[%dma_start3A_623, %dma_start3A_629] : memref<8x128xi32, #tpu.memory_space<vmem>> -> memref<1x128xi32, #tpu.memory_space<vmem>>
        %dma_start3A_631 = tpu.memref_squeeze %dma_start3A_630 : memref<1x128xi32, #tpu.memory_space<vmem>> -> memref<128xi32, #tpu.memory_space<vmem>>
        %dma_start3A_632 = arith.constant 0 : i32
        %dma_start3A_633 = arith.constant 0 : i32
        %dma_start3A_634 = tpu.memref_slice %arg2[%dma_start3A_632, %dma_start3A_633] : memref<100000x16xf32, #tpu.memory_space<hbm>> -> memref<100000x16xf32, #tpu.memory_space<hbm>>
        tpu.enqueue_indirect_dma source(%dma_start3A_634 : memref<100000x16xf32, #tpu.memory_space<hbm>>) target(%dma_start3A_628 : memref<128x16xf32, #tpu.memory_space<vmem>>) offsets(%dma_start3A_631 : memref<128xi32, #tpu.memory_space<vmem>>) semaphore(%arg35 : memref<!tpu.dma_semaphore, #tpu.memory_space<semaphore_mem>>)
        %dma_start3A_635 = arith.constant 0 : i32
        %dma_start3A_636 = arith.constant 0 : i32
        %dma_start3A_637 = arith.constant 0 : i32
        %dma_start3A_638 = arith.constant 0 : i32
        %dma_start3A_639 = tpu.memref_slice %arg23[%dma_start3A_636, %dma_start3A_637, %dma_start3A_638] : memref<8x128x16xf32, #tpu.memory_space<vmem>> -> memref<1x128x16xf32, #tpu.memory_space<vmem>>
        %dma_start3A_640 = tpu.memref_squeeze %dma_start3A_639 : memref<1x128x16xf32, #tpu.memory_space<vmem>> -> memref<128x16xf32, #tpu.memory_space<vmem>>
        %dma_start3A_641 = arith.constant 0 : i32
        %dma_start3A_642 = tpu.memref_slice %arg13[%dma_start3A_635, %dma_start3A_641] : memref<8x128xi32, #tpu.memory_space<vmem>> -> memref<1x128xi32, #tpu.memory_space<vmem>>
        %dma_start3A_643 = tpu.memref_squeeze %dma_start3A_642 : memref<1x128xi32, #tpu.memory_space<vmem>> -> memref<128xi32, #tpu.memory_space<vmem>>
        %dma_start3A_644 = arith.constant 0 : i32
        %dma_start3A_645 = arith.constant 0 : i32
        %dma_start3A_646 = tpu.memref_slice %arg2[%dma_start3A_644, %dma_start3A_645] : memref<100000x16xf32, #tpu.memory_space<hbm>> -> memref<100000x16xf32, #tpu.memory_space<hbm>>
        tpu.enqueue_indirect_dma source(%dma_start3A_646 : memref<100000x16xf32, #tpu.memory_space<hbm>>) target(%dma_start3A_640 : memref<128x16xf32, #tpu.memory_space<vmem>>) offsets(%dma_start3A_643 : memref<128xi32, #tpu.memory_space<vmem>>) semaphore(%arg35 : memref<!tpu.dma_semaphore, #tpu.memory_space<semaphore_mem>>)
        %dma_start3A_647 = arith.constant 1 : i32
        %dma_start3A_648 = arith.constant 1 : i32
        %dma_start3A_649 = arith.constant 0 : i32
        %dma_start3A_650 = arith.constant 0 : i32
        %dma_start3A_651 = tpu.memref_slice %arg21[%dma_start3A_648, %dma_start3A_649, %dma_start3A_650] : memref<8x128x16xf32, #tpu.memory_space<vmem>> -> memref<1x128x16xf32, #tpu.memory_space<vmem>>
        %dma_start3A_652 = tpu.memref_squeeze %dma_start3A_651 : memref<1x128x16xf32, #tpu.memory_space<vmem>> -> memref<128x16xf32, #tpu.memory_space<vmem>>
        %dma_start3A_653 = arith.constant 0 : i32
        %dma_start3A_654 = tpu.memref_slice %arg11[%dma_start3A_647, %dma_start3A_653] : memref<8x128xi32, #tpu.memory_space<vmem>> -> memref<1x128xi32, #tpu.memory_space<vmem>>
        %dma_start3A_655 = tpu.memref_squeeze %dma_start3A_654 : memref<1x128xi32, #tpu.memory_space<vmem>> -> memref<128xi32, #tpu.memory_space<vmem>>
        %dma_start3A_656 = arith.constant 0 : i32
        %dma_start3A_657 = arith.constant 0 : i32
        %dma_start3A_658 = tpu.memref_slice %arg2[%dma_start3A_656, %dma_start3A_657] : memref<100000x16xf32, #tpu.memory_space<hbm>> -> memref<100000x16xf32, #tpu.memory_space<hbm>>
        tpu.enqueue_indirect_dma source(%dma_start3A_658 : memref<100000x16xf32, #tpu.memory_space<hbm>>) target(%dma_start3A_652 : memref<128x16xf32, #tpu.memory_space<vmem>>) offsets(%dma_start3A_655 : memref<128xi32, #tpu.memory_space<vmem>>) semaphore(%arg35 : memref<!tpu.dma_semaphore, #tpu.memory_space<semaphore_mem>>)
        %dma_start3A_659 = arith.constant 1 : i32
        %dma_start3A_660 = arith.constant 1 : i32
        %dma_start3A_661 = arith.constant 0 : i32
        %dma_start3A_662 = arith.constant 0 : i32
        %dma_start3A_663 = tpu.memref_slice %arg23[%dma_start3A_660, %dma_start3A_661, %dma_start3A_662] : memref<8x128x16xf32, #tpu.memory_space<vmem>> -> memref<1x128x16xf32, #tpu.memory_space<vmem>>
        %dma_start3A_664 = tpu.memref_squeeze %dma_start3A_663 : memref<1x128x16xf32, #tpu.memory_space<vmem>> -> memref<128x16xf32, #tpu.memory_space<vmem>>
        %dma_start3A_665 = arith.constant 0 : i32
        %dma_start3A_666 = tpu.memref_slice %arg13[%dma_start3A_659, %dma_start3A_665] : memref<8x128xi32, #tpu.memory_space<vmem>> -> memref<1x128xi32, #tpu.memory_space<vmem>>
        %dma_start3A_667 = tpu.memref_squeeze %dma_start3A_666 : memref<1x128xi32, #tpu.memory_space<vmem>> -> memref<128xi32, #tpu.memory_space<vmem>>
        %dma_start3A_668 = arith.constant 0 : i32
        %dma_start3A_669 = arith.constant 0 : i32
        %dma_start3A_670 = tpu.memref_slice %arg2[%dma_start3A_668, %dma_start3A_669] : memref<100000x16xf32, #tpu.memory_space<hbm>> -> memref<100000x16xf32, #tpu.memory_space<hbm>>
        tpu.enqueue_indirect_dma source(%dma_start3A_670 : memref<100000x16xf32, #tpu.memory_space<hbm>>) target(%dma_start3A_664 : memref<128x16xf32, #tpu.memory_space<vmem>>) offsets(%dma_start3A_667 : memref<128xi32, #tpu.memory_space<vmem>>) semaphore(%arg35 : memref<!tpu.dma_semaphore, #tpu.memory_space<semaphore_mem>>)
        %dma_start3A_671 = arith.constant 2 : i32
        %dma_start3A_672 = arith.constant 2 : i32
        %dma_start3A_673 = arith.constant 0 : i32
        %dma_start3A_674 = arith.constant 0 : i32
        %dma_start3A_675 = tpu.memref_slice %arg21[%dma_start3A_672, %dma_start3A_673, %dma_start3A_674] : memref<8x128x16xf32, #tpu.memory_space<vmem>> -> memref<1x128x16xf32, #tpu.memory_space<vmem>>
        %dma_start3A_676 = tpu.memref_squeeze %dma_start3A_675 : memref<1x128x16xf32, #tpu.memory_space<vmem>> -> memref<128x16xf32, #tpu.memory_space<vmem>>
        %dma_start3A_677 = arith.constant 0 : i32
        %dma_start3A_678 = tpu.memref_slice %arg11[%dma_start3A_671, %dma_start3A_677] : memref<8x128xi32, #tpu.memory_space<vmem>> -> memref<1x128xi32, #tpu.memory_space<vmem>>
        %dma_start3A_679 = tpu.memref_squeeze %dma_start3A_678 : memref<1x128xi32, #tpu.memory_space<vmem>> -> memref<128xi32, #tpu.memory_space<vmem>>
        %dma_start3A_680 = arith.constant 0 : i32
        %dma_start3A_681 = arith.constant 0 : i32
        %dma_start3A_682 = tpu.memref_slice %arg2[%dma_start3A_680, %dma_start3A_681] : memref<100000x16xf32, #tpu.memory_space<hbm>> -> memref<100000x16xf32, #tpu.memory_space<hbm>>
        tpu.enqueue_indirect_dma source(%dma_start3A_682 : memref<100000x16xf32, #tpu.memory_space<hbm>>) target(%dma_start3A_676 : memref<128x16xf32, #tpu.memory_space<vmem>>) offsets(%dma_start3A_679 : memref<128xi32, #tpu.memory_space<vmem>>) semaphore(%arg35 : memref<!tpu.dma_semaphore, #tpu.memory_space<semaphore_mem>>)
        %dma_start3A_683 = arith.constant 2 : i32
        %dma_start3A_684 = arith.constant 2 : i32
        %dma_start3A_685 = arith.constant 0 : i32
        %dma_start3A_686 = arith.constant 0 : i32
        %dma_start3A_687 = tpu.memref_slice %arg23[%dma_start3A_684, %dma_start3A_685, %dma_start3A_686] : memref<8x128x16xf32, #tpu.memory_space<vmem>> -> memref<1x128x16xf32, #tpu.memory_space<vmem>>
        %dma_start3A_688 = tpu.memref_squeeze %dma_start3A_687 : memref<1x128x16xf32, #tpu.memory_space<vmem>> -> memref<128x16xf32, #tpu.memory_space<vmem>>
        %dma_start3A_689 = arith.constant 0 : i32
        %dma_start3A_690 = tpu.memref_slice %arg13[%dma_start3A_683, %dma_start3A_689] : memref<8x128xi32, #tpu.memory_space<vmem>> -> memref<1x128xi32, #tpu.memory_space<vmem>>
        %dma_start3A_691 = tpu.memref_squeeze %dma_start3A_690 : memref<1x128xi32, #tpu.memory_space<vmem>> -> memref<128xi32, #tpu.memory_space<vmem>>
        %dma_start3A_692 = arith.constant 0 : i32
        %dma_start3A_693 = arith.constant 0 : i32
        %dma_start3A_694 = tpu.memref_slice %arg2[%dma_start3A_692, %dma_start3A_693] : memref<100000x16xf32, #tpu.memory_space<hbm>> -> memref<100000x16xf32, #tpu.memory_space<hbm>>
        tpu.enqueue_indirect_dma source(%dma_start3A_694 : memref<100000x16xf32, #tpu.memory_space<hbm>>) target(%dma_start3A_688 : memref<128x16xf32, #tpu.memory_space<vmem>>) offsets(%dma_start3A_691 : memref<128xi32, #tpu.memory_space<vmem>>) semaphore(%arg35 : memref<!tpu.dma_semaphore, #tpu.memory_space<semaphore_mem>>)
        %dma_start3A_695 = arith.constant 3 : i32
        %dma_start3A_696 = arith.constant 3 : i32
        %dma_start3A_697 = arith.constant 0 : i32
        %dma_start3A_698 = arith.constant 0 : i32
        %dma_start3A_699 = tpu.memref_slice %arg21[%dma_start3A_696, %dma_start3A_697, %dma_start3A_698] : memref<8x128x16xf32, #tpu.memory_space<vmem>> -> memref<1x128x16xf32, #tpu.memory_space<vmem>>
        %dma_start3A_700 = tpu.memref_squeeze %dma_start3A_699 : memref<1x128x16xf32, #tpu.memory_space<vmem>> -> memref<128x16xf32, #tpu.memory_space<vmem>>
        %dma_start3A_701 = arith.constant 0 : i32
        %dma_start3A_702 = tpu.memref_slice %arg11[%dma_start3A_695, %dma_start3A_701] : memref<8x128xi32, #tpu.memory_space<vmem>> -> memref<1x128xi32, #tpu.memory_space<vmem>>
        %dma_start3A_703 = tpu.memref_squeeze %dma_start3A_702 : memref<1x128xi32, #tpu.memory_space<vmem>> -> memref<128xi32, #tpu.memory_space<vmem>>
        %dma_start3A_704 = arith.constant 0 : i32
        %dma_start3A_705 = arith.constant 0 : i32
        %dma_start3A_706 = tpu.memref_slice %arg2[%dma_start3A_704, %dma_start3A_705] : memref<100000x16xf32, #tpu.memory_space<hbm>> -> memref<100000x16xf32, #tpu.memory_space<hbm>>
        tpu.enqueue_indirect_dma source(%dma_start3A_706 : memref<100000x16xf32, #tpu.memory_space<hbm>>) target(%dma_start3A_700 : memref<128x16xf32, #tpu.memory_space<vmem>>) offsets(%dma_start3A_703 : memref<128xi32, #tpu.memory_space<vmem>>) semaphore(%arg35 : memref<!tpu.dma_semaphore, #tpu.memory_space<semaphore_mem>>)
        %dma_start3A_707 = arith.constant 3 : i32
        %dma_start3A_708 = arith.constant 3 : i32
        %dma_start3A_709 = arith.constant 0 : i32
        %dma_start3A_710 = arith.constant 0 : i32
        %dma_start3A_711 = tpu.memref_slice %arg23[%dma_start3A_708, %dma_start3A_709, %dma_start3A_710] : memref<8x128x16xf32, #tpu.memory_space<vmem>> -> memref<1x128x16xf32, #tpu.memory_space<vmem>>
        %dma_start3A_712 = tpu.memref_squeeze %dma_start3A_711 : memref<1x128x16xf32, #tpu.memory_space<vmem>> -> memref<128x16xf32, #tpu.memory_space<vmem>>
        %dma_start3A_713 = arith.constant 0 : i32
        %dma_start3A_714 = tpu.memref_slice %arg13[%dma_start3A_707, %dma_start3A_713] : memref<8x128xi32, #tpu.memory_space<vmem>> -> memref<1x128xi32, #tpu.memory_space<vmem>>
        %dma_start3A_715 = tpu.memref_squeeze %dma_start3A_714 : memref<1x128xi32, #tpu.memory_space<vmem>> -> memref<128xi32, #tpu.memory_space<vmem>>
        %dma_start3A_716 = arith.constant 0 : i32
        %dma_start3A_717 = arith.constant 0 : i32
        %dma_start3A_718 = tpu.memref_slice %arg2[%dma_start3A_716, %dma_start3A_717] : memref<100000x16xf32, #tpu.memory_space<hbm>> -> memref<100000x16xf32, #tpu.memory_space<hbm>>
        tpu.enqueue_indirect_dma source(%dma_start3A_718 : memref<100000x16xf32, #tpu.memory_space<hbm>>) target(%dma_start3A_712 : memref<128x16xf32, #tpu.memory_space<vmem>>) offsets(%dma_start3A_715 : memref<128xi32, #tpu.memory_space<vmem>>) semaphore(%arg35 : memref<!tpu.dma_semaphore, #tpu.memory_space<semaphore_mem>>)
        %dma_start3A_719 = arith.constant 4 : i32
        %dma_start3A_720 = arith.constant 4 : i32
        %dma_start3A_721 = arith.constant 0 : i32
        %dma_start3A_722 = arith.constant 0 : i32
        %dma_start3A_723 = tpu.memref_slice %arg21[%dma_start3A_720, %dma_start3A_721, %dma_start3A_722] : memref<8x128x16xf32, #tpu.memory_space<vmem>> -> memref<1x128x16xf32, #tpu.memory_space<vmem>>
        %dma_start3A_724 = tpu.memref_squeeze %dma_start3A_723 : memref<1x128x16xf32, #tpu.memory_space<vmem>> -> memref<128x16xf32, #tpu.memory_space<vmem>>
        %dma_start3A_725 = arith.constant 0 : i32
        %dma_start3A_726 = tpu.memref_slice %arg11[%dma_start3A_719, %dma_start3A_725] : memref<8x128xi32, #tpu.memory_space<vmem>> -> memref<1x128xi32, #tpu.memory_space<vmem>>
        %dma_start3A_727 = tpu.memref_squeeze %dma_start3A_726 : memref<1x128xi32, #tpu.memory_space<vmem>> -> memref<128xi32, #tpu.memory_space<vmem>>
        %dma_start3A_728 = arith.constant 0 : i32
        %dma_start3A_729 = arith.constant 0 : i32
        %dma_start3A_730 = tpu.memref_slice %arg2[%dma_start3A_728, %dma_start3A_729] : memref<100000x16xf32, #tpu.memory_space<hbm>> -> memref<100000x16xf32, #tpu.memory_space<hbm>>
        tpu.enqueue_indirect_dma source(%dma_start3A_730 : memref<100000x16xf32, #tpu.memory_space<hbm>>) target(%dma_start3A_724 : memref<128x16xf32, #tpu.memory_space<vmem>>) offsets(%dma_start3A_727 : memref<128xi32, #tpu.memory_space<vmem>>) semaphore(%arg35 : memref<!tpu.dma_semaphore, #tpu.memory_space<semaphore_mem>>)
        %dma_start3A_731 = arith.constant 4 : i32
        %dma_start3A_732 = arith.constant 4 : i32
        %dma_start3A_733 = arith.constant 0 : i32
        %dma_start3A_734 = arith.constant 0 : i32
        %dma_start3A_735 = tpu.memref_slice %arg23[%dma_start3A_732, %dma_start3A_733, %dma_start3A_734] : memref<8x128x16xf32, #tpu.memory_space<vmem>> -> memref<1x128x16xf32, #tpu.memory_space<vmem>>
        %dma_start3A_736 = tpu.memref_squeeze %dma_start3A_735 : memref<1x128x16xf32, #tpu.memory_space<vmem>> -> memref<128x16xf32, #tpu.memory_space<vmem>>
        %dma_start3A_737 = arith.constant 0 : i32
        %dma_start3A_738 = tpu.memref_slice %arg13[%dma_start3A_731, %dma_start3A_737] : memref<8x128xi32, #tpu.memory_space<vmem>> -> memref<1x128xi32, #tpu.memory_space<vmem>>
        %dma_start3A_739 = tpu.memref_squeeze %dma_start3A_738 : memref<1x128xi32, #tpu.memory_space<vmem>> -> memref<128xi32, #tpu.memory_space<vmem>>
        %dma_start3A_740 = arith.constant 0 : i32
        %dma_start3A_741 = arith.constant 0 : i32
        %dma_start3A_742 = tpu.memref_slice %arg2[%dma_start3A_740, %dma_start3A_741] : memref<100000x16xf32, #tpu.memory_space<hbm>> -> memref<100000x16xf32, #tpu.memory_space<hbm>>
        tpu.enqueue_indirect_dma source(%dma_start3A_742 : memref<100000x16xf32, #tpu.memory_space<hbm>>) target(%dma_start3A_736 : memref<128x16xf32, #tpu.memory_space<vmem>>) offsets(%dma_start3A_739 : memref<128xi32, #tpu.memory_space<vmem>>) semaphore(%arg35 : memref<!tpu.dma_semaphore, #tpu.memory_space<semaphore_mem>>)
        %dma_start3A_743 = arith.constant 5 : i32
        %dma_start3A_744 = arith.constant 5 : i32
        %dma_start3A_745 = arith.constant 0 : i32
        %dma_start3A_746 = arith.constant 0 : i32
        %dma_start3A_747 = tpu.memref_slice %arg21[%dma_start3A_744, %dma_start3A_745, %dma_start3A_746] : memref<8x128x16xf32, #tpu.memory_space<vmem>> -> memref<1x128x16xf32, #tpu.memory_space<vmem>>
        %dma_start3A_748 = tpu.memref_squeeze %dma_start3A_747 : memref<1x128x16xf32, #tpu.memory_space<vmem>> -> memref<128x16xf32, #tpu.memory_space<vmem>>
        %dma_start3A_749 = arith.constant 0 : i32
        %dma_start3A_750 = tpu.memref_slice %arg11[%dma_start3A_743, %dma_start3A_749] : memref<8x128xi32, #tpu.memory_space<vmem>> -> memref<1x128xi32, #tpu.memory_space<vmem>>
        %dma_start3A_751 = tpu.memref_squeeze %dma_start3A_750 : memref<1x128xi32, #tpu.memory_space<vmem>> -> memref<128xi32, #tpu.memory_space<vmem>>
        %dma_start3A_752 = arith.constant 0 : i32
        %dma_start3A_753 = arith.constant 0 : i32
        %dma_start3A_754 = tpu.memref_slice %arg2[%dma_start3A_752, %dma_start3A_753] : memref<100000x16xf32, #tpu.memory_space<hbm>> -> memref<100000x16xf32, #tpu.memory_space<hbm>>
        tpu.enqueue_indirect_dma source(%dma_start3A_754 : memref<100000x16xf32, #tpu.memory_space<hbm>>) target(%dma_start3A_748 : memref<128x16xf32, #tpu.memory_space<vmem>>) offsets(%dma_start3A_751 : memref<128xi32, #tpu.memory_space<vmem>>) semaphore(%arg35 : memref<!tpu.dma_semaphore, #tpu.memory_space<semaphore_mem>>)
        %dma_start3A_755 = arith.constant 5 : i32
        %dma_start3A_756 = arith.constant 5 : i32
        %dma_start3A_757 = arith.constant 0 : i32
        %dma_start3A_758 = arith.constant 0 : i32
        %dma_start3A_759 = tpu.memref_slice %arg23[%dma_start3A_756, %dma_start3A_757, %dma_start3A_758] : memref<8x128x16xf32, #tpu.memory_space<vmem>> -> memref<1x128x16xf32, #tpu.memory_space<vmem>>
        %dma_start3A_760 = tpu.memref_squeeze %dma_start3A_759 : memref<1x128x16xf32, #tpu.memory_space<vmem>> -> memref<128x16xf32, #tpu.memory_space<vmem>>
        %dma_start3A_761 = arith.constant 0 : i32
        %dma_start3A_762 = tpu.memref_slice %arg13[%dma_start3A_755, %dma_start3A_761] : memref<8x128xi32, #tpu.memory_space<vmem>> -> memref<1x128xi32, #tpu.memory_space<vmem>>
        %dma_start3A_763 = tpu.memref_squeeze %dma_start3A_762 : memref<1x128xi32, #tpu.memory_space<vmem>> -> memref<128xi32, #tpu.memory_space<vmem>>
        %dma_start3A_764 = arith.constant 0 : i32
        %dma_start3A_765 = arith.constant 0 : i32
        %dma_start3A_766 = tpu.memref_slice %arg2[%dma_start3A_764, %dma_start3A_765] : memref<100000x16xf32, #tpu.memory_space<hbm>> -> memref<100000x16xf32, #tpu.memory_space<hbm>>
        tpu.enqueue_indirect_dma source(%dma_start3A_766 : memref<100000x16xf32, #tpu.memory_space<hbm>>) target(%dma_start3A_760 : memref<128x16xf32, #tpu.memory_space<vmem>>) offsets(%dma_start3A_763 : memref<128xi32, #tpu.memory_space<vmem>>) semaphore(%arg35 : memref<!tpu.dma_semaphore, #tpu.memory_space<semaphore_mem>>)
        %dma_start3A_767 = arith.constant 6 : i32
        %dma_start3A_768 = arith.constant 6 : i32
        %dma_start3A_769 = arith.constant 0 : i32
        %dma_start3A_770 = arith.constant 0 : i32
        %dma_start3A_771 = tpu.memref_slice %arg21[%dma_start3A_768, %dma_start3A_769, %dma_start3A_770] : memref<8x128x16xf32, #tpu.memory_space<vmem>> -> memref<1x128x16xf32, #tpu.memory_space<vmem>>
        %dma_start3A_772 = tpu.memref_squeeze %dma_start3A_771 : memref<1x128x16xf32, #tpu.memory_space<vmem>> -> memref<128x16xf32, #tpu.memory_space<vmem>>
        %dma_start3A_773 = arith.constant 0 : i32
        %dma_start3A_774 = tpu.memref_slice %arg11[%dma_start3A_767, %dma_start3A_773] : memref<8x128xi32, #tpu.memory_space<vmem>> -> memref<1x128xi32, #tpu.memory_space<vmem>>
        %dma_start3A_775 = tpu.memref_squeeze %dma_start3A_774 : memref<1x128xi32, #tpu.memory_space<vmem>> -> memref<128xi32, #tpu.memory_space<vmem>>
        %dma_start3A_776 = arith.constant 0 : i32
        %dma_start3A_777 = arith.constant 0 : i32
        %dma_start3A_778 = tpu.memref_slice %arg2[%dma_start3A_776, %dma_start3A_777] : memref<100000x16xf32, #tpu.memory_space<hbm>> -> memref<100000x16xf32, #tpu.memory_space<hbm>>
        tpu.enqueue_indirect_dma source(%dma_start3A_778 : memref<100000x16xf32, #tpu.memory_space<hbm>>) target(%dma_start3A_772 : memref<128x16xf32, #tpu.memory_space<vmem>>) offsets(%dma_start3A_775 : memref<128xi32, #tpu.memory_space<vmem>>) semaphore(%arg35 : memref<!tpu.dma_semaphore, #tpu.memory_space<semaphore_mem>>)
        %dma_start3A_779 = arith.constant 6 : i32
        %dma_start3A_780 = arith.constant 6 : i32
        %dma_start3A_781 = arith.constant 0 : i32
        %dma_start3A_782 = arith.constant 0 : i32
        %dma_start3A_783 = tpu.memref_slice %arg23[%dma_start3A_780, %dma_start3A_781, %dma_start3A_782] : memref<8x128x16xf32, #tpu.memory_space<vmem>> -> memref<1x128x16xf32, #tpu.memory_space<vmem>>
        %dma_start3A_784 = tpu.memref_squeeze %dma_start3A_783 : memref<1x128x16xf32, #tpu.memory_space<vmem>> -> memref<128x16xf32, #tpu.memory_space<vmem>>
        %dma_start3A_785 = arith.constant 0 : i32
        %dma_start3A_786 = tpu.memref_slice %arg13[%dma_start3A_779, %dma_start3A_785] : memref<8x128xi32, #tpu.memory_space<vmem>> -> memref<1x128xi32, #tpu.memory_space<vmem>>
        %dma_start3A_787 = tpu.memref_squeeze %dma_start3A_786 : memref<1x128xi32, #tpu.memory_space<vmem>> -> memref<128xi32, #tpu.memory_space<vmem>>
        %dma_start3A_788 = arith.constant 0 : i32
        %dma_start3A_789 = arith.constant 0 : i32
        %dma_start3A_790 = tpu.memref_slice %arg2[%dma_start3A_788, %dma_start3A_789] : memref<100000x16xf32, #tpu.memory_space<hbm>> -> memref<100000x16xf32, #tpu.memory_space<hbm>>
        tpu.enqueue_indirect_dma source(%dma_start3A_790 : memref<100000x16xf32, #tpu.memory_space<hbm>>) target(%dma_start3A_784 : memref<128x16xf32, #tpu.memory_space<vmem>>) offsets(%dma_start3A_787 : memref<128xi32, #tpu.memory_space<vmem>>) semaphore(%arg35 : memref<!tpu.dma_semaphore, #tpu.memory_space<semaphore_mem>>)
        %dma_start3A_791 = arith.constant 7 : i32
        %dma_start3A_792 = arith.constant 7 : i32
        %dma_start3A_793 = arith.constant 0 : i32
        %dma_start3A_794 = arith.constant 0 : i32
        %dma_start3A_795 = tpu.memref_slice %arg21[%dma_start3A_792, %dma_start3A_793, %dma_start3A_794] : memref<8x128x16xf32, #tpu.memory_space<vmem>> -> memref<1x128x16xf32, #tpu.memory_space<vmem>>
        %dma_start3A_796 = tpu.memref_squeeze %dma_start3A_795 : memref<1x128x16xf32, #tpu.memory_space<vmem>> -> memref<128x16xf32, #tpu.memory_space<vmem>>
        %dma_start3A_797 = arith.constant 0 : i32
        %dma_start3A_798 = tpu.memref_slice %arg11[%dma_start3A_791, %dma_start3A_797] : memref<8x128xi32, #tpu.memory_space<vmem>> -> memref<1x128xi32, #tpu.memory_space<vmem>>
        %dma_start3A_799 = tpu.memref_squeeze %dma_start3A_798 : memref<1x128xi32, #tpu.memory_space<vmem>> -> memref<128xi32, #tpu.memory_space<vmem>>
        %dma_start3A_800 = arith.constant 0 : i32
        %dma_start3A_801 = arith.constant 0 : i32
        %dma_start3A_802 = tpu.memref_slice %arg2[%dma_start3A_800, %dma_start3A_801] : memref<100000x16xf32, #tpu.memory_space<hbm>> -> memref<100000x16xf32, #tpu.memory_space<hbm>>
        tpu.enqueue_indirect_dma source(%dma_start3A_802 : memref<100000x16xf32, #tpu.memory_space<hbm>>) target(%dma_start3A_796 : memref<128x16xf32, #tpu.memory_space<vmem>>) offsets(%dma_start3A_799 : memref<128xi32, #tpu.memory_space<vmem>>) semaphore(%arg35 : memref<!tpu.dma_semaphore, #tpu.memory_space<semaphore_mem>>)
        %dma_start3A_803 = arith.constant 7 : i32
        %dma_start3A_804 = arith.constant 7 : i32
        %dma_start3A_805 = arith.constant 0 : i32
        %dma_start3A_806 = arith.constant 0 : i32
        %dma_start3A_807 = tpu.memref_slice %arg23[%dma_start3A_804, %dma_start3A_805, %dma_start3A_806] : memref<8x128x16xf32, #tpu.memory_space<vmem>> -> memref<1x128x16xf32, #tpu.memory_space<vmem>>
        %dma_start3A_808 = tpu.memref_squeeze %dma_start3A_807 : memref<1x128x16xf32, #tpu.memory_space<vmem>> -> memref<128x16xf32, #tpu.memory_space<vmem>>
        %dma_start3A_809 = arith.constant 0 : i32
        %dma_start3A_810 = tpu.memref_slice %arg13[%dma_start3A_803, %dma_start3A_809] : memref<8x128xi32, #tpu.memory_space<vmem>> -> memref<1x128xi32, #tpu.memory_space<vmem>>
        %dma_start3A_811 = tpu.memref_squeeze %dma_start3A_810 : memref<1x128xi32, #tpu.memory_space<vmem>> -> memref<128xi32, #tpu.memory_space<vmem>>
        %dma_start3A_812 = arith.constant 0 : i32
        %dma_start3A_813 = arith.constant 0 : i32
        %dma_start3A_814 = tpu.memref_slice %arg2[%dma_start3A_812, %dma_start3A_813] : memref<100000x16xf32, #tpu.memory_space<hbm>> -> memref<100000x16xf32, #tpu.memory_space<hbm>>
        tpu.enqueue_indirect_dma source(%dma_start3A_814 : memref<100000x16xf32, #tpu.memory_space<hbm>>) target(%dma_start3A_808 : memref<128x16xf32, #tpu.memory_space<vmem>>) offsets(%dma_start3A_811 : memref<128xi32, #tpu.memory_space<vmem>>) semaphore(%arg35 : memref<!tpu.dma_semaphore, #tpu.memory_space<semaphore_mem>>)
      } else {
      }
      %lt3A_558 = arith.cmpi slt, %add3A_331, %select_n3A : i32
      %convert_element_type3A_559 = arith.extui %lt3A_558 : i1 to i32
      %cond3A_560 = arith.constant 0 : i32
      %cond3A_561 = arith.cmpi ne, %convert_element_type3A_559, %cond3A_560 : i32
      scf.if %cond3A_561 {
        %dma_wait3A_566 = arith.constant 0 : i32
        %dma_wait3A_567 = arith.constant 0 : i32
        %dma_wait3A_568 = arith.constant 0 : i32
        %dma_wait3A_569 = arith.constant 0 : i32
        %dma_wait3A_570 = tpu.memref_slice %arg22[%dma_wait3A_567, %dma_wait3A_568, %dma_wait3A_569] : memref<8x128x16xf32, #tpu.memory_space<vmem>> -> memref<1x128x16xf32, #tpu.memory_space<vmem>>
        %dma_wait3A_571 = tpu.memref_squeeze %dma_wait3A_570 : memref<1x128x16xf32, #tpu.memory_space<vmem>> -> memref<128x16xf32, #tpu.memory_space<vmem>>
        %dma_wait3A_572 = arith.constant 0 : i32
        %dma_wait3A_573 = tpu.memref_slice %arg12[%dma_wait3A_566, %dma_wait3A_572] : memref<8x128xi32, #tpu.memory_space<vmem>> -> memref<1x128xi32, #tpu.memory_space<vmem>>
        %dma_wait3A_574 = tpu.memref_squeeze %dma_wait3A_573 : memref<1x128xi32, #tpu.memory_space<vmem>> -> memref<128xi32, #tpu.memory_space<vmem>>
        %dma_wait3A_575 = arith.constant 0 : i32
        %dma_wait3A_576 = arith.constant 0 : i32
        %dma_wait3A_577 = tpu.memref_slice %arg2[%dma_wait3A_575, %dma_wait3A_576] : memref<100000x16xf32, #tpu.memory_space<hbm>> -> memref<100000x16xf32, #tpu.memory_space<hbm>>
        tpu.wait_indirect_dma semaphore(%arg36 : memref<!tpu.dma_semaphore, #tpu.memory_space<semaphore_mem>>) src(%dma_wait3A_577 : memref<100000x16xf32, #tpu.memory_space<hbm>>) dst(%dma_wait3A_571 : memref<128x16xf32, #tpu.memory_space<vmem>>)
        %dma_wait3A_578 = arith.constant 0 : i32
        %dma_wait3A_579 = arith.constant 0 : i32
        %dma_wait3A_580 = arith.constant 0 : i32
        %dma_wait3A_581 = arith.constant 0 : i32
        %dma_wait3A_582 = tpu.memref_slice %arg24[%dma_wait3A_579, %dma_wait3A_580, %dma_wait3A_581] : memref<8x128x16xf32, #tpu.memory_space<vmem>> -> memref<1x128x16xf32, #tpu.memory_space<vmem>>
        %dma_wait3A_583 = tpu.memref_squeeze %dma_wait3A_582 : memref<1x128x16xf32, #tpu.memory_space<vmem>> -> memref<128x16xf32, #tpu.memory_space<vmem>>
        %dma_wait3A_584 = arith.constant 0 : i32
        %dma_wait3A_585 = tpu.memref_slice %arg14[%dma_wait3A_578, %dma_wait3A_584] : memref<8x128xi32, #tpu.memory_space<vmem>> -> memref<1x128xi32, #tpu.memory_space<vmem>>
        %dma_wait3A_586 = tpu.memref_squeeze %dma_wait3A_585 : memref<1x128xi32, #tpu.memory_space<vmem>> -> memref<128xi32, #tpu.memory_space<vmem>>
        %dma_wait3A_587 = arith.constant 0 : i32
        %dma_wait3A_588 = arith.constant 0 : i32
        %dma_wait3A_589 = tpu.memref_slice %arg2[%dma_wait3A_587, %dma_wait3A_588] : memref<100000x16xf32, #tpu.memory_space<hbm>> -> memref<100000x16xf32, #tpu.memory_space<hbm>>
        tpu.wait_indirect_dma semaphore(%arg36 : memref<!tpu.dma_semaphore, #tpu.memory_space<semaphore_mem>>) src(%dma_wait3A_589 : memref<100000x16xf32, #tpu.memory_space<hbm>>) dst(%dma_wait3A_583 : memref<128x16xf32, #tpu.memory_space<vmem>>)
        %dma_wait3A_590 = arith.constant 1 : i32
        %dma_wait3A_591 = arith.constant 1 : i32
        %dma_wait3A_592 = arith.constant 0 : i32
        %dma_wait3A_593 = arith.constant 0 : i32
        %dma_wait3A_594 = tpu.memref_slice %arg22[%dma_wait3A_591, %dma_wait3A_592, %dma_wait3A_593] : memref<8x128x16xf32, #tpu.memory_space<vmem>> -> memref<1x128x16xf32, #tpu.memory_space<vmem>>
        %dma_wait3A_595 = tpu.memref_squeeze %dma_wait3A_594 : memref<1x128x16xf32, #tpu.memory_space<vmem>> -> memref<128x16xf32, #tpu.memory_space<vmem>>
        %dma_wait3A_596 = arith.constant 0 : i32
        %dma_wait3A_597 = tpu.memref_slice %arg12[%dma_wait3A_590, %dma_wait3A_596] : memref<8x128xi32, #tpu.memory_space<vmem>> -> memref<1x128xi32, #tpu.memory_space<vmem>>
        %dma_wait3A_598 = tpu.memref_squeeze %dma_wait3A_597 : memref<1x128xi32, #tpu.memory_space<vmem>> -> memref<128xi32, #tpu.memory_space<vmem>>
        %dma_wait3A_599 = arith.constant 0 : i32
        %dma_wait3A_600 = arith.constant 0 : i32
        %dma_wait3A_601 = tpu.memref_slice %arg2[%dma_wait3A_599, %dma_wait3A_600] : memref<100000x16xf32, #tpu.memory_space<hbm>> -> memref<100000x16xf32, #tpu.memory_space<hbm>>
        tpu.wait_indirect_dma semaphore(%arg36 : memref<!tpu.dma_semaphore, #tpu.memory_space<semaphore_mem>>) src(%dma_wait3A_601 : memref<100000x16xf32, #tpu.memory_space<hbm>>) dst(%dma_wait3A_595 : memref<128x16xf32, #tpu.memory_space<vmem>>)
        %dma_wait3A_602 = arith.constant 1 : i32
        %dma_wait3A_603 = arith.constant 1 : i32
        %dma_wait3A_604 = arith.constant 0 : i32
        %dma_wait3A_605 = arith.constant 0 : i32
        %dma_wait3A_606 = tpu.memref_slice %arg24[%dma_wait3A_603, %dma_wait3A_604, %dma_wait3A_605] : memref<8x128x16xf32, #tpu.memory_space<vmem>> -> memref<1x128x16xf32, #tpu.memory_space<vmem>>
        %dma_wait3A_607 = tpu.memref_squeeze %dma_wait3A_606 : memref<1x128x16xf32, #tpu.memory_space<vmem>> -> memref<128x16xf32, #tpu.memory_space<vmem>>
        %dma_wait3A_608 = arith.constant 0 : i32
        %dma_wait3A_609 = tpu.memref_slice %arg14[%dma_wait3A_602, %dma_wait3A_608] : memref<8x128xi32, #tpu.memory_space<vmem>> -> memref<1x128xi32, #tpu.memory_space<vmem>>
        %dma_wait3A_610 = tpu.memref_squeeze %dma_wait3A_609 : memref<1x128xi32, #tpu.memory_space<vmem>> -> memref<128xi32, #tpu.memory_space<vmem>>
        %dma_wait3A_611 = arith.constant 0 : i32
        %dma_wait3A_612 = arith.constant 0 : i32
        %dma_wait3A_613 = tpu.memref_slice %arg2[%dma_wait3A_611, %dma_wait3A_612] : memref<100000x16xf32, #tpu.memory_space<hbm>> -> memref<100000x16xf32, #tpu.memory_space<hbm>>
        tpu.wait_indirect_dma semaphore(%arg36 : memref<!tpu.dma_semaphore, #tpu.memory_space<semaphore_mem>>) src(%dma_wait3A_613 : memref<100000x16xf32, #tpu.memory_space<hbm>>) dst(%dma_wait3A_607 : memref<128x16xf32, #tpu.memory_space<vmem>>)
        %dma_wait3A_614 = arith.constant 2 : i32
        %dma_wait3A_615 = arith.constant 2 : i32
        %dma_wait3A_616 = arith.constant 0 : i32
        %dma_wait3A_617 = arith.constant 0 : i32
        %dma_wait3A_618 = tpu.memref_slice %arg22[%dma_wait3A_615, %dma_wait3A_616, %dma_wait3A_617] : memref<8x128x16xf32, #tpu.memory_space<vmem>> -> memref<1x128x16xf32, #tpu.memory_space<vmem>>
        %dma_wait3A_619 = tpu.memref_squeeze %dma_wait3A_618 : memref<1x128x16xf32, #tpu.memory_space<vmem>> -> memref<128x16xf32, #tpu.memory_space<vmem>>
        %dma_wait3A_620 = arith.constant 0 : i32
        %dma_wait3A_621 = tpu.memref_slice %arg12[%dma_wait3A_614, %dma_wait3A_620] : memref<8x128xi32, #tpu.memory_space<vmem>> -> memref<1x128xi32, #tpu.memory_space<vmem>>
        %dma_wait3A_622 = tpu.memref_squeeze %dma_wait3A_621 : memref<1x128xi32, #tpu.memory_space<vmem>> -> memref<128xi32, #tpu.memory_space<vmem>>
        %dma_wait3A_623 = arith.constant 0 : i32
        %dma_wait3A_624 = arith.constant 0 : i32
        %dma_wait3A_625 = tpu.memref_slice %arg2[%dma_wait3A_623, %dma_wait3A_624] : memref<100000x16xf32, #tpu.memory_space<hbm>> -> memref<100000x16xf32, #tpu.memory_space<hbm>>
        tpu.wait_indirect_dma semaphore(%arg36 : memref<!tpu.dma_semaphore, #tpu.memory_space<semaphore_mem>>) src(%dma_wait3A_625 : memref<100000x16xf32, #tpu.memory_space<hbm>>) dst(%dma_wait3A_619 : memref<128x16xf32, #tpu.memory_space<vmem>>)
        %dma_wait3A_626 = arith.constant 2 : i32
        %dma_wait3A_627 = arith.constant 2 : i32
        %dma_wait3A_628 = arith.constant 0 : i32
        %dma_wait3A_629 = arith.constant 0 : i32
        %dma_wait3A_630 = tpu.memref_slice %arg24[%dma_wait3A_627, %dma_wait3A_628, %dma_wait3A_629] : memref<8x128x16xf32, #tpu.memory_space<vmem>> -> memref<1x128x16xf32, #tpu.memory_space<vmem>>
        %dma_wait3A_631 = tpu.memref_squeeze %dma_wait3A_630 : memref<1x128x16xf32, #tpu.memory_space<vmem>> -> memref<128x16xf32, #tpu.memory_space<vmem>>
        %dma_wait3A_632 = arith.constant 0 : i32
        %dma_wait3A_633 = tpu.memref_slice %arg14[%dma_wait3A_626, %dma_wait3A_632] : memref<8x128xi32, #tpu.memory_space<vmem>> -> memref<1x128xi32, #tpu.memory_space<vmem>>
        %dma_wait3A_634 = tpu.memref_squeeze %dma_wait3A_633 : memref<1x128xi32, #tpu.memory_space<vmem>> -> memref<128xi32, #tpu.memory_space<vmem>>
        %dma_wait3A_635 = arith.constant 0 : i32
        %dma_wait3A_636 = arith.constant 0 : i32
        %dma_wait3A_637 = tpu.memref_slice %arg2[%dma_wait3A_635, %dma_wait3A_636] : memref<100000x16xf32, #tpu.memory_space<hbm>> -> memref<100000x16xf32, #tpu.memory_space<hbm>>
        tpu.wait_indirect_dma semaphore(%arg36 : memref<!tpu.dma_semaphore, #tpu.memory_space<semaphore_mem>>) src(%dma_wait3A_637 : memref<100000x16xf32, #tpu.memory_space<hbm>>) dst(%dma_wait3A_631 : memref<128x16xf32, #tpu.memory_space<vmem>>)
        %dma_wait3A_638 = arith.constant 3 : i32
        %dma_wait3A_639 = arith.constant 3 : i32
        %dma_wait3A_640 = arith.constant 0 : i32
        %dma_wait3A_641 = arith.constant 0 : i32
        %dma_wait3A_642 = tpu.memref_slice %arg22[%dma_wait3A_639, %dma_wait3A_640, %dma_wait3A_641] : memref<8x128x16xf32, #tpu.memory_space<vmem>> -> memref<1x128x16xf32, #tpu.memory_space<vmem>>
        %dma_wait3A_643 = tpu.memref_squeeze %dma_wait3A_642 : memref<1x128x16xf32, #tpu.memory_space<vmem>> -> memref<128x16xf32, #tpu.memory_space<vmem>>
        %dma_wait3A_644 = arith.constant 0 : i32
        %dma_wait3A_645 = tpu.memref_slice %arg12[%dma_wait3A_638, %dma_wait3A_644] : memref<8x128xi32, #tpu.memory_space<vmem>> -> memref<1x128xi32, #tpu.memory_space<vmem>>
        %dma_wait3A_646 = tpu.memref_squeeze %dma_wait3A_645 : memref<1x128xi32, #tpu.memory_space<vmem>> -> memref<128xi32, #tpu.memory_space<vmem>>
        %dma_wait3A_647 = arith.constant 0 : i32
        %dma_wait3A_648 = arith.constant 0 : i32
        %dma_wait3A_649 = tpu.memref_slice %arg2[%dma_wait3A_647, %dma_wait3A_648] : memref<100000x16xf32, #tpu.memory_space<hbm>> -> memref<100000x16xf32, #tpu.memory_space<hbm>>
        tpu.wait_indirect_dma semaphore(%arg36 : memref<!tpu.dma_semaphore, #tpu.memory_space<semaphore_mem>>) src(%dma_wait3A_649 : memref<100000x16xf32, #tpu.memory_space<hbm>>) dst(%dma_wait3A_643 : memref<128x16xf32, #tpu.memory_space<vmem>>)
        %dma_wait3A_650 = arith.constant 3 : i32
        %dma_wait3A_651 = arith.constant 3 : i32
        %dma_wait3A_652 = arith.constant 0 : i32
        %dma_wait3A_653 = arith.constant 0 : i32
        %dma_wait3A_654 = tpu.memref_slice %arg24[%dma_wait3A_651, %dma_wait3A_652, %dma_wait3A_653] : memref<8x128x16xf32, #tpu.memory_space<vmem>> -> memref<1x128x16xf32, #tpu.memory_space<vmem>>
        %dma_wait3A_655 = tpu.memref_squeeze %dma_wait3A_654 : memref<1x128x16xf32, #tpu.memory_space<vmem>> -> memref<128x16xf32, #tpu.memory_space<vmem>>
        %dma_wait3A_656 = arith.constant 0 : i32
        %dma_wait3A_657 = tpu.memref_slice %arg14[%dma_wait3A_650, %dma_wait3A_656] : memref<8x128xi32, #tpu.memory_space<vmem>> -> memref<1x128xi32, #tpu.memory_space<vmem>>
        %dma_wait3A_658 = tpu.memref_squeeze %dma_wait3A_657 : memref<1x128xi32, #tpu.memory_space<vmem>> -> memref<128xi32, #tpu.memory_space<vmem>>
        %dma_wait3A_659 = arith.constant 0 : i32
        %dma_wait3A_660 = arith.constant 0 : i32
        %dma_wait3A_661 = tpu.memref_slice %arg2[%dma_wait3A_659, %dma_wait3A_660] : memref<100000x16xf32, #tpu.memory_space<hbm>> -> memref<100000x16xf32, #tpu.memory_space<hbm>>
        tpu.wait_indirect_dma semaphore(%arg36 : memref<!tpu.dma_semaphore, #tpu.memory_space<semaphore_mem>>) src(%dma_wait3A_661 : memref<100000x16xf32, #tpu.memory_space<hbm>>) dst(%dma_wait3A_655 : memref<128x16xf32, #tpu.memory_space<vmem>>)
        %dma_wait3A_662 = arith.constant 4 : i32
        %dma_wait3A_663 = arith.constant 4 : i32
        %dma_wait3A_664 = arith.constant 0 : i32
        %dma_wait3A_665 = arith.constant 0 : i32
        %dma_wait3A_666 = tpu.memref_slice %arg22[%dma_wait3A_663, %dma_wait3A_664, %dma_wait3A_665] : memref<8x128x16xf32, #tpu.memory_space<vmem>> -> memref<1x128x16xf32, #tpu.memory_space<vmem>>
        %dma_wait3A_667 = tpu.memref_squeeze %dma_wait3A_666 : memref<1x128x16xf32, #tpu.memory_space<vmem>> -> memref<128x16xf32, #tpu.memory_space<vmem>>
        %dma_wait3A_668 = arith.constant 0 : i32
        %dma_wait3A_669 = tpu.memref_slice %arg12[%dma_wait3A_662, %dma_wait3A_668] : memref<8x128xi32, #tpu.memory_space<vmem>> -> memref<1x128xi32, #tpu.memory_space<vmem>>
        %dma_wait3A_670 = tpu.memref_squeeze %dma_wait3A_669 : memref<1x128xi32, #tpu.memory_space<vmem>> -> memref<128xi32, #tpu.memory_space<vmem>>
        %dma_wait3A_671 = arith.constant 0 : i32
        %dma_wait3A_672 = arith.constant 0 : i32
        %dma_wait3A_673 = tpu.memref_slice %arg2[%dma_wait3A_671, %dma_wait3A_672] : memref<100000x16xf32, #tpu.memory_space<hbm>> -> memref<100000x16xf32, #tpu.memory_space<hbm>>
        tpu.wait_indirect_dma semaphore(%arg36 : memref<!tpu.dma_semaphore, #tpu.memory_space<semaphore_mem>>) src(%dma_wait3A_673 : memref<100000x16xf32, #tpu.memory_space<hbm>>) dst(%dma_wait3A_667 : memref<128x16xf32, #tpu.memory_space<vmem>>)
        %dma_wait3A_674 = arith.constant 4 : i32
        %dma_wait3A_675 = arith.constant 4 : i32
        %dma_wait3A_676 = arith.constant 0 : i32
        %dma_wait3A_677 = arith.constant 0 : i32
        %dma_wait3A_678 = tpu.memref_slice %arg24[%dma_wait3A_675, %dma_wait3A_676, %dma_wait3A_677] : memref<8x128x16xf32, #tpu.memory_space<vmem>> -> memref<1x128x16xf32, #tpu.memory_space<vmem>>
        %dma_wait3A_679 = tpu.memref_squeeze %dma_wait3A_678 : memref<1x128x16xf32, #tpu.memory_space<vmem>> -> memref<128x16xf32, #tpu.memory_space<vmem>>
        %dma_wait3A_680 = arith.constant 0 : i32
        %dma_wait3A_681 = tpu.memref_slice %arg14[%dma_wait3A_674, %dma_wait3A_680] : memref<8x128xi32, #tpu.memory_space<vmem>> -> memref<1x128xi32, #tpu.memory_space<vmem>>
        %dma_wait3A_682 = tpu.memref_squeeze %dma_wait3A_681 : memref<1x128xi32, #tpu.memory_space<vmem>> -> memref<128xi32, #tpu.memory_space<vmem>>
        %dma_wait3A_683 = arith.constant 0 : i32
        %dma_wait3A_684 = arith.constant 0 : i32
        %dma_wait3A_685 = tpu.memref_slice %arg2[%dma_wait3A_683, %dma_wait3A_684] : memref<100000x16xf32, #tpu.memory_space<hbm>> -> memref<100000x16xf32, #tpu.memory_space<hbm>>
        tpu.wait_indirect_dma semaphore(%arg36 : memref<!tpu.dma_semaphore, #tpu.memory_space<semaphore_mem>>) src(%dma_wait3A_685 : memref<100000x16xf32, #tpu.memory_space<hbm>>) dst(%dma_wait3A_679 : memref<128x16xf32, #tpu.memory_space<vmem>>)
        %dma_wait3A_686 = arith.constant 5 : i32
        %dma_wait3A_687 = arith.constant 5 : i32
        %dma_wait3A_688 = arith.constant 0 : i32
        %dma_wait3A_689 = arith.constant 0 : i32
        %dma_wait3A_690 = tpu.memref_slice %arg22[%dma_wait3A_687, %dma_wait3A_688, %dma_wait3A_689] : memref<8x128x16xf32, #tpu.memory_space<vmem>> -> memref<1x128x16xf32, #tpu.memory_space<vmem>>
        %dma_wait3A_691 = tpu.memref_squeeze %dma_wait3A_690 : memref<1x128x16xf32, #tpu.memory_space<vmem>> -> memref<128x16xf32, #tpu.memory_space<vmem>>
        %dma_wait3A_692 = arith.constant 0 : i32
        %dma_wait3A_693 = tpu.memref_slice %arg12[%dma_wait3A_686, %dma_wait3A_692] : memref<8x128xi32, #tpu.memory_space<vmem>> -> memref<1x128xi32, #tpu.memory_space<vmem>>
        %dma_wait3A_694 = tpu.memref_squeeze %dma_wait3A_693 : memref<1x128xi32, #tpu.memory_space<vmem>> -> memref<128xi32, #tpu.memory_space<vmem>>
        %dma_wait3A_695 = arith.constant 0 : i32
        %dma_wait3A_696 = arith.constant 0 : i32
        %dma_wait3A_697 = tpu.memref_slice %arg2[%dma_wait3A_695, %dma_wait3A_696] : memref<100000x16xf32, #tpu.memory_space<hbm>> -> memref<100000x16xf32, #tpu.memory_space<hbm>>
        tpu.wait_indirect_dma semaphore(%arg36 : memref<!tpu.dma_semaphore, #tpu.memory_space<semaphore_mem>>) src(%dma_wait3A_697 : memref<100000x16xf32, #tpu.memory_space<hbm>>) dst(%dma_wait3A_691 : memref<128x16xf32, #tpu.memory_space<vmem>>)
        %dma_wait3A_698 = arith.constant 5 : i32
        %dma_wait3A_699 = arith.constant 5 : i32
        %dma_wait3A_700 = arith.constant 0 : i32
        %dma_wait3A_701 = arith.constant 0 : i32
        %dma_wait3A_702 = tpu.memref_slice %arg24[%dma_wait3A_699, %dma_wait3A_700, %dma_wait3A_701] : memref<8x128x16xf32, #tpu.memory_space<vmem>> -> memref<1x128x16xf32, #tpu.memory_space<vmem>>
        %dma_wait3A_703 = tpu.memref_squeeze %dma_wait3A_702 : memref<1x128x16xf32, #tpu.memory_space<vmem>> -> memref<128x16xf32, #tpu.memory_space<vmem>>
        %dma_wait3A_704 = arith.constant 0 : i32
        %dma_wait3A_705 = tpu.memref_slice %arg14[%dma_wait3A_698, %dma_wait3A_704] : memref<8x128xi32, #tpu.memory_space<vmem>> -> memref<1x128xi32, #tpu.memory_space<vmem>>
        %dma_wait3A_706 = tpu.memref_squeeze %dma_wait3A_705 : memref<1x128xi32, #tpu.memory_space<vmem>> -> memref<128xi32, #tpu.memory_space<vmem>>
        %dma_wait3A_707 = arith.constant 0 : i32
        %dma_wait3A_708 = arith.constant 0 : i32
        %dma_wait3A_709 = tpu.memref_slice %arg2[%dma_wait3A_707, %dma_wait3A_708] : memref<100000x16xf32, #tpu.memory_space<hbm>> -> memref<100000x16xf32, #tpu.memory_space<hbm>>
        tpu.wait_indirect_dma semaphore(%arg36 : memref<!tpu.dma_semaphore, #tpu.memory_space<semaphore_mem>>) src(%dma_wait3A_709 : memref<100000x16xf32, #tpu.memory_space<hbm>>) dst(%dma_wait3A_703 : memref<128x16xf32, #tpu.memory_space<vmem>>)
        %dma_wait3A_710 = arith.constant 6 : i32
        %dma_wait3A_711 = arith.constant 6 : i32
        %dma_wait3A_712 = arith.constant 0 : i32
        %dma_wait3A_713 = arith.constant 0 : i32
        %dma_wait3A_714 = tpu.memref_slice %arg22[%dma_wait3A_711, %dma_wait3A_712, %dma_wait3A_713] : memref<8x128x16xf32, #tpu.memory_space<vmem>> -> memref<1x128x16xf32, #tpu.memory_space<vmem>>
        %dma_wait3A_715 = tpu.memref_squeeze %dma_wait3A_714 : memref<1x128x16xf32, #tpu.memory_space<vmem>> -> memref<128x16xf32, #tpu.memory_space<vmem>>
        %dma_wait3A_716 = arith.constant 0 : i32
        %dma_wait3A_717 = tpu.memref_slice %arg12[%dma_wait3A_710, %dma_wait3A_716] : memref<8x128xi32, #tpu.memory_space<vmem>> -> memref<1x128xi32, #tpu.memory_space<vmem>>
        %dma_wait3A_718 = tpu.memref_squeeze %dma_wait3A_717 : memref<1x128xi32, #tpu.memory_space<vmem>> -> memref<128xi32, #tpu.memory_space<vmem>>
        %dma_wait3A_719 = arith.constant 0 : i32
        %dma_wait3A_720 = arith.constant 0 : i32
        %dma_wait3A_721 = tpu.memref_slice %arg2[%dma_wait3A_719, %dma_wait3A_720] : memref<100000x16xf32, #tpu.memory_space<hbm>> -> memref<100000x16xf32, #tpu.memory_space<hbm>>
        tpu.wait_indirect_dma semaphore(%arg36 : memref<!tpu.dma_semaphore, #tpu.memory_space<semaphore_mem>>) src(%dma_wait3A_721 : memref<100000x16xf32, #tpu.memory_space<hbm>>) dst(%dma_wait3A_715 : memref<128x16xf32, #tpu.memory_space<vmem>>)
        %dma_wait3A_722 = arith.constant 6 : i32
        %dma_wait3A_723 = arith.constant 6 : i32
        %dma_wait3A_724 = arith.constant 0 : i32
        %dma_wait3A_725 = arith.constant 0 : i32
        %dma_wait3A_726 = tpu.memref_slice %arg24[%dma_wait3A_723, %dma_wait3A_724, %dma_wait3A_725] : memref<8x128x16xf32, #tpu.memory_space<vmem>> -> memref<1x128x16xf32, #tpu.memory_space<vmem>>
        %dma_wait3A_727 = tpu.memref_squeeze %dma_wait3A_726 : memref<1x128x16xf32, #tpu.memory_space<vmem>> -> memref<128x16xf32, #tpu.memory_space<vmem>>
        %dma_wait3A_728 = arith.constant 0 : i32
        %dma_wait3A_729 = tpu.memref_slice %arg14[%dma_wait3A_722, %dma_wait3A_728] : memref<8x128xi32, #tpu.memory_space<vmem>> -> memref<1x128xi32, #tpu.memory_space<vmem>>
        %dma_wait3A_730 = tpu.memref_squeeze %dma_wait3A_729 : memref<1x128xi32, #tpu.memory_space<vmem>> -> memref<128xi32, #tpu.memory_space<vmem>>
        %dma_wait3A_731 = arith.constant 0 : i32
        %dma_wait3A_732 = arith.constant 0 : i32
        %dma_wait3A_733 = tpu.memref_slice %arg2[%dma_wait3A_731, %dma_wait3A_732] : memref<100000x16xf32, #tpu.memory_space<hbm>> -> memref<100000x16xf32, #tpu.memory_space<hbm>>
        tpu.wait_indirect_dma semaphore(%arg36 : memref<!tpu.dma_semaphore, #tpu.memory_space<semaphore_mem>>) src(%dma_wait3A_733 : memref<100000x16xf32, #tpu.memory_space<hbm>>) dst(%dma_wait3A_727 : memref<128x16xf32, #tpu.memory_space<vmem>>)
        %dma_wait3A_734 = arith.constant 7 : i32
        %dma_wait3A_735 = arith.constant 7 : i32
        %dma_wait3A_736 = arith.constant 0 : i32
        %dma_wait3A_737 = arith.constant 0 : i32
        %dma_wait3A_738 = tpu.memref_slice %arg22[%dma_wait3A_735, %dma_wait3A_736, %dma_wait3A_737] : memref<8x128x16xf32, #tpu.memory_space<vmem>> -> memref<1x128x16xf32, #tpu.memory_space<vmem>>
        %dma_wait3A_739 = tpu.memref_squeeze %dma_wait3A_738 : memref<1x128x16xf32, #tpu.memory_space<vmem>> -> memref<128x16xf32, #tpu.memory_space<vmem>>
        %dma_wait3A_740 = arith.constant 0 : i32
        %dma_wait3A_741 = tpu.memref_slice %arg12[%dma_wait3A_734, %dma_wait3A_740] : memref<8x128xi32, #tpu.memory_space<vmem>> -> memref<1x128xi32, #tpu.memory_space<vmem>>
        %dma_wait3A_742 = tpu.memref_squeeze %dma_wait3A_741 : memref<1x128xi32, #tpu.memory_space<vmem>> -> memref<128xi32, #tpu.memory_space<vmem>>
        %dma_wait3A_743 = arith.constant 0 : i32
        %dma_wait3A_744 = arith.constant 0 : i32
        %dma_wait3A_745 = tpu.memref_slice %arg2[%dma_wait3A_743, %dma_wait3A_744] : memref<100000x16xf32, #tpu.memory_space<hbm>> -> memref<100000x16xf32, #tpu.memory_space<hbm>>
        tpu.wait_indirect_dma semaphore(%arg36 : memref<!tpu.dma_semaphore, #tpu.memory_space<semaphore_mem>>) src(%dma_wait3A_745 : memref<100000x16xf32, #tpu.memory_space<hbm>>) dst(%dma_wait3A_739 : memref<128x16xf32, #tpu.memory_space<vmem>>)
        %dma_wait3A_746 = arith.constant 7 : i32
        %dma_wait3A_747 = arith.constant 7 : i32
        %dma_wait3A_748 = arith.constant 0 : i32
        %dma_wait3A_749 = arith.constant 0 : i32
        %dma_wait3A_750 = tpu.memref_slice %arg24[%dma_wait3A_747, %dma_wait3A_748, %dma_wait3A_749] : memref<8x128x16xf32, #tpu.memory_space<vmem>> -> memref<1x128x16xf32, #tpu.memory_space<vmem>>
        %dma_wait3A_751 = tpu.memref_squeeze %dma_wait3A_750 : memref<1x128x16xf32, #tpu.memory_space<vmem>> -> memref<128x16xf32, #tpu.memory_space<vmem>>
        %dma_wait3A_752 = arith.constant 0 : i32
        %dma_wait3A_753 = tpu.memref_slice %arg14[%dma_wait3A_746, %dma_wait3A_752] : memref<8x128xi32, #tpu.memory_space<vmem>> -> memref<1x128xi32, #tpu.memory_space<vmem>>
        %dma_wait3A_754 = tpu.memref_squeeze %dma_wait3A_753 : memref<1x128xi32, #tpu.memory_space<vmem>> -> memref<128xi32, #tpu.memory_space<vmem>>
        %dma_wait3A_755 = arith.constant 0 : i32
        %dma_wait3A_756 = arith.constant 0 : i32
        %dma_wait3A_757 = tpu.memref_slice %arg2[%dma_wait3A_755, %dma_wait3A_756] : memref<100000x16xf32, #tpu.memory_space<hbm>> -> memref<100000x16xf32, #tpu.memory_space<hbm>>
        tpu.wait_indirect_dma semaphore(%arg36 : memref<!tpu.dma_semaphore, #tpu.memory_space<semaphore_mem>>) src(%dma_wait3A_757 : memref<100000x16xf32, #tpu.memory_space<hbm>>) dst(%dma_wait3A_751 : memref<128x16xf32, #tpu.memory_space<vmem>>)
        %gt3A_758 = arith.constant 0 : i32
        %gt3A_759 = arith.cmpi sgt, %while3A_327, %gt3A_758 : i32
        %convert_element_type3A_760 = arith.extui %gt3A_759 : i1 to i32
        %cond3A_761 = arith.constant 0 : i32
        %cond3A_762 = arith.cmpi ne, %convert_element_type3A_760, %cond3A_761 : i32
        scf.if %cond3A_762 {
          %dma_wait3A_782 = arith.constant 0 : i32
          %dma_wait3A_783 = tpu.memref_slice %arg7[%dma_wait3A_782] : memref<3200000xf32, #tpu.memory_space<hbm>> -> memref<1024xf32, #tpu.memory_space<hbm>>
          %dma_wait3A_784 = arith.constant 0 : i32
          %dma_wait3A_785 = tpu.memref_slice %arg7[%dma_wait3A_784] : memref<3200000xf32, #tpu.memory_space<hbm>> -> memref<1024xf32, #tpu.memory_space<hbm>>
          tpu.wait_dma2 semaphore(%arg38 : memref<!tpu.dma_semaphore, #tpu.memory_space<semaphore_mem>>) src(%arg26 : memref<1024xf32, #tpu.memory_space<vmem>>) dst(%dma_wait3A_785 : memref<1024xf32, #tpu.memory_space<hbm>>)
          %dma_wait3A_786 = arith.constant 0 : i32
          %dma_wait3A_787 = tpu.memref_slice %arg8[%dma_wait3A_786] : memref<3200000xf32, #tpu.memory_space<hbm>> -> memref<1024xf32, #tpu.memory_space<hbm>>
          %dma_wait3A_788 = arith.constant 0 : i32
          %dma_wait3A_789 = tpu.memref_slice %arg8[%dma_wait3A_788] : memref<3200000xf32, #tpu.memory_space<hbm>> -> memref<1024xf32, #tpu.memory_space<hbm>>
          tpu.wait_dma2 semaphore(%arg38 : memref<!tpu.dma_semaphore, #tpu.memory_space<semaphore_mem>>) src(%arg28 : memref<1024xf32, #tpu.memory_space<vmem>>) dst(%dma_wait3A_789 : memref<1024xf32, #tpu.memory_space<hbm>>)
          %dma_wait3A_790 = arith.constant 0 : i32
          %dma_wait3A_791 = tpu.memref_slice %arg9[%dma_wait3A_790] : memref<3200000xf32, #tpu.memory_space<hbm>> -> memref<1024xf32, #tpu.memory_space<hbm>>
          %dma_wait3A_792 = arith.constant 0 : i32
          %dma_wait3A_793 = tpu.memref_slice %arg9[%dma_wait3A_792] : memref<3200000xf32, #tpu.memory_space<hbm>> -> memref<1024xf32, #tpu.memory_space<hbm>>
          tpu.wait_dma2 semaphore(%arg38 : memref<!tpu.dma_semaphore, #tpu.memory_space<semaphore_mem>>) src(%arg30 : memref<1024xf32, #tpu.memory_space<vmem>>) dst(%dma_wait3A_793 : memref<1024xf32, #tpu.memory_space<hbm>>)
          %dma_wait3A_794 = arith.constant 0 : i32
          %dma_wait3A_795 = tpu.memref_slice %arg10[%dma_wait3A_794] : memref<3200000xf32, #tpu.memory_space<hbm>> -> memref<1024xf32, #tpu.memory_space<hbm>>
          %dma_wait3A_796 = arith.constant 0 : i32
          %dma_wait3A_797 = tpu.memref_slice %arg10[%dma_wait3A_796] : memref<3200000xf32, #tpu.memory_space<hbm>> -> memref<1024xf32, #tpu.memory_space<hbm>>
          tpu.wait_dma2 semaphore(%arg38 : memref<!tpu.dma_semaphore, #tpu.memory_space<semaphore_mem>>) src(%arg32 : memref<1024xf32, #tpu.memory_space<vmem>>) dst(%dma_wait3A_797 : memref<1024xf32, #tpu.memory_space<hbm>>)
        } else {
        }
        %scan3A_763 = arith.constant 0 : i32
        %scan3A_764 = arith.constant 0 : i32
        %scan3A_765 = arith.constant 64 : i32
        %scan3A_766 = arith.addi %scan3A_764, %scan3A_765 : i32
        %scan3A_767 = arith.constant 2 : i32
        scf.for %scan3A_782 = %scan3A_764 to %scan3A_766 step %scan3A_767  : i32 {
          %mul3A_783 = arith.constant 16 : i32
          %mul3A_784 = arith.muli %scan3A_782, %mul3A_783 : i32
          %mul3A_785 = arith.constant 16 : i32
          %mul3A_786 = arith.muli %scan3A_782, %mul3A_785 : i32
          %iota3A = tpu.iota {dimensions = array<i32: 0>} : vector<16xi32>
          %add3A_787 = vector.broadcast %mul3A_786 : i32 to vector<16xi32>
          %add3A_788 = arith.addi %add3A_787, %iota3A : vector<16xi32>
          %shift_right_arithmetic3A = arith.constant 7 : i32
          %shift_right_arithmetic3A_789 = vector.broadcast %shift_right_arithmetic3A : i32 to vector<16xi32>
          %shift_right_arithmetic3A_790 = arith.shrsi %add3A_788, %shift_right_arithmetic3A_789 : vector<16xi32>
          %and3A_791 = arith.constant 127 : i32
          %and3A_792 = vector.broadcast %and3A_791 : i32 to vector<16xi32>
          %and3A_793 = arith.andi %add3A_788, %and3A_792 : vector<16xi32>
          %broadcast_in_dim3A = arith.constant 0 : i32
          %broadcast_in_dim3A_794 = vector.broadcast %broadcast_in_dim3A : i32 to vector<16xi32>
          %gather3A = tpu.vector_load_idx %arg24[%shift_right_arithmetic3A_790, %and3A_793, %broadcast_in_dim3A_794] : memref<8x128x16xf32, #tpu.memory_space<vmem>>[vector<16xi32>, vector<16xi32>, vector<16xi32>], vector<16xf32>,
          %broadcast_in_dim3A_795 = arith.constant 0 : i32
          %broadcast_in_dim3A_796 = vector.broadcast %broadcast_in_dim3A_795 : i32 to vector<16xi32>
          %gather3A_797 = tpu.vector_load_idx %arg22[%shift_right_arithmetic3A_790, %and3A_793, %broadcast_in_dim3A_796] : memref<8x128x16xf32, #tpu.memory_space<vmem>>[vector<16xi32>, vector<16xi32>, vector<16xi32>], vector<16xf32>,
          %sub3A_798 = arith.subf %gather3A, %gather3A_797 : vector<16xf32>
          %broadcast_in_dim3A_799 = arith.constant 1 : i32
          %broadcast_in_dim3A_800 = vector.broadcast %broadcast_in_dim3A_799 : i32 to vector<16xi32>
          %gather3A_801 = tpu.vector_load_idx %arg24[%shift_right_arithmetic3A_790, %and3A_793, %broadcast_in_dim3A_800] : memref<8x128x16xf32, #tpu.memory_space<vmem>>[vector<16xi32>, vector<16xi32>, vector<16xi32>], vector<16xf32>,
          %broadcast_in_dim3A_802 = arith.constant 1 : i32
          %broadcast_in_dim3A_803 = vector.broadcast %broadcast_in_dim3A_802 : i32 to vector<16xi32>
          %gather3A_804 = tpu.vector_load_idx %arg22[%shift_right_arithmetic3A_790, %and3A_793, %broadcast_in_dim3A_803] : memref<8x128x16xf32, #tpu.memory_space<vmem>>[vector<16xi32>, vector<16xi32>, vector<16xi32>], vector<16xf32>,
          %sub3A_805 = arith.subf %gather3A_801, %gather3A_804 : vector<16xf32>
          %broadcast_in_dim3A_806 = arith.constant 2 : i32
          %broadcast_in_dim3A_807 = vector.broadcast %broadcast_in_dim3A_806 : i32 to vector<16xi32>
          %gather3A_808 = tpu.vector_load_idx %arg24[%shift_right_arithmetic3A_790, %and3A_793, %broadcast_in_dim3A_807] : memref<8x128x16xf32, #tpu.memory_space<vmem>>[vector<16xi32>, vector<16xi32>, vector<16xi32>], vector<16xf32>,
          %broadcast_in_dim3A_809 = arith.constant 2 : i32
          %broadcast_in_dim3A_810 = vector.broadcast %broadcast_in_dim3A_809 : i32 to vector<16xi32>
          %gather3A_811 = tpu.vector_load_idx %arg22[%shift_right_arithmetic3A_790, %and3A_793, %broadcast_in_dim3A_810] : memref<8x128x16xf32, #tpu.memory_space<vmem>>[vector<16xi32>, vector<16xi32>, vector<16xi32>], vector<16xf32>,
          %sub3A_812 = arith.subf %gather3A_808, %gather3A_811 : vector<16xf32>
          %get3A = arith.index_cast %mul3A_784 : i32 to index
          %get3A_813 = tpu.vector_load %arg16[%get3A] {strides = array<i32>} : memref<1024xf32, #tpu.memory_space<vmem>>, vector<16xf32>,
          %get3A_814 = arith.index_cast %mul3A_784 : i32 to index
          %get3A_815 = tpu.vector_load %arg18[%get3A_814] {strides = array<i32>} : memref<1024xf32, #tpu.memory_space<vmem>>, vector<16xf32>,
          %get3A_816 = arith.index_cast %mul3A_784 : i32 to index
          %get3A_817 = tpu.vector_load %arg20[%get3A_816] {strides = array<i32>} : memref<1024xf32, #tpu.memory_space<vmem>>, vector<16xf32>,
          %broadcast_in_dim3A_818 = arith.constant 3 : i32
          %broadcast_in_dim3A_819 = vector.broadcast %broadcast_in_dim3A_818 : i32 to vector<16xi32>
          %gather3A_820 = tpu.vector_load_idx %arg22[%shift_right_arithmetic3A_790, %and3A_793, %broadcast_in_dim3A_819] : memref<8x128x16xf32, #tpu.memory_space<vmem>>[vector<16xi32>, vector<16xi32>, vector<16xi32>], vector<16xf32>,
          %mul3A_821 = arith.mulf %get3A_813, %gather3A_820 : vector<16xf32>
          %add3A_822 = arith.addf %sub3A_798, %mul3A_821 : vector<16xf32>
          %broadcast_in_dim3A_823 = arith.constant 6 : i32
          %broadcast_in_dim3A_824 = vector.broadcast %broadcast_in_dim3A_823 : i32 to vector<16xi32>
          %gather3A_825 = tpu.vector_load_idx %arg22[%shift_right_arithmetic3A_790, %and3A_793, %broadcast_in_dim3A_824] : memref<8x128x16xf32, #tpu.memory_space<vmem>>[vector<16xi32>, vector<16xi32>, vector<16xi32>], vector<16xf32>,
          %mul3A_826 = arith.mulf %get3A_815, %gather3A_825 : vector<16xf32>
          %add3A_827 = arith.addf %add3A_822, %mul3A_826 : vector<16xf32>
          %broadcast_in_dim3A_828 = arith.constant 9 : i32
          %broadcast_in_dim3A_829 = vector.broadcast %broadcast_in_dim3A_828 : i32 to vector<16xi32>
          %gather3A_830 = tpu.vector_load_idx %arg22[%shift_right_arithmetic3A_790, %and3A_793, %broadcast_in_dim3A_829] : memref<8x128x16xf32, #tpu.memory_space<vmem>>[vector<16xi32>, vector<16xi32>, vector<16xi32>], vector<16xf32>,
          %mul3A_831 = arith.mulf %get3A_817, %gather3A_830 : vector<16xf32>
          %add3A_832 = arith.addf %add3A_827, %mul3A_831 : vector<16xf32>
          %broadcast_in_dim3A_833 = arith.constant 4 : i32
          %broadcast_in_dim3A_834 = vector.broadcast %broadcast_in_dim3A_833 : i32 to vector<16xi32>
          %gather3A_835 = tpu.vector_load_idx %arg22[%shift_right_arithmetic3A_790, %and3A_793, %broadcast_in_dim3A_834] : memref<8x128x16xf32, #tpu.memory_space<vmem>>[vector<16xi32>, vector<16xi32>, vector<16xi32>], vector<16xf32>,
          %mul3A_836 = arith.mulf %get3A_813, %gather3A_835 : vector<16xf32>
          %add3A_837 = arith.addf %sub3A_805, %mul3A_836 : vector<16xf32>
          %broadcast_in_dim3A_838 = arith.constant 7 : i32
          %broadcast_in_dim3A_839 = vector.broadcast %broadcast_in_dim3A_838 : i32 to vector<16xi32>
          %gather3A_840 = tpu.vector_load_idx %arg22[%shift_right_arithmetic3A_790, %and3A_793, %broadcast_in_dim3A_839] : memref<8x128x16xf32, #tpu.memory_space<vmem>>[vector<16xi32>, vector<16xi32>, vector<16xi32>], vector<16xf32>,
          %mul3A_841 = arith.mulf %get3A_815, %gather3A_840 : vector<16xf32>
          %add3A_842 = arith.addf %add3A_837, %mul3A_841 : vector<16xf32>
          %broadcast_in_dim3A_843 = arith.constant 10 : i32
          %broadcast_in_dim3A_844 = vector.broadcast %broadcast_in_dim3A_843 : i32 to vector<16xi32>
          %gather3A_845 = tpu.vector_load_idx %arg22[%shift_right_arithmetic3A_790, %and3A_793, %broadcast_in_dim3A_844] : memref<8x128x16xf32, #tpu.memory_space<vmem>>[vector<16xi32>, vector<16xi32>, vector<16xi32>], vector<16xf32>,
          %mul3A_846 = arith.mulf %get3A_817, %gather3A_845 : vector<16xf32>
          %add3A_847 = arith.addf %add3A_842, %mul3A_846 : vector<16xf32>
          %broadcast_in_dim3A_848 = arith.constant 5 : i32
          %broadcast_in_dim3A_849 = vector.broadcast %broadcast_in_dim3A_848 : i32 to vector<16xi32>
          %gather3A_850 = tpu.vector_load_idx %arg22[%shift_right_arithmetic3A_790, %and3A_793, %broadcast_in_dim3A_849] : memref<8x128x16xf32, #tpu.memory_space<vmem>>[vector<16xi32>, vector<16xi32>, vector<16xi32>], vector<16xf32>,
          %mul3A_851 = arith.mulf %get3A_813, %gather3A_850 : vector<16xf32>
          %add3A_852 = arith.addf %sub3A_812, %mul3A_851 : vector<16xf32>
          %broadcast_in_dim3A_853 = arith.constant 8 : i32
          %broadcast_in_dim3A_854 = vector.broadcast %broadcast_in_dim3A_853 : i32 to vector<16xi32>
          %gather3A_855 = tpu.vector_load_idx %arg22[%shift_right_arithmetic3A_790, %and3A_793, %broadcast_in_dim3A_854] : memref<8x128x16xf32, #tpu.memory_space<vmem>>[vector<16xi32>, vector<16xi32>, vector<16xi32>], vector<16xf32>,
          %mul3A_856 = arith.mulf %get3A_815, %gather3A_855 : vector<16xf32>
          %add3A_857 = arith.addf %add3A_852, %mul3A_856 : vector<16xf32>
          %broadcast_in_dim3A_858 = arith.constant 11 : i32
          %broadcast_in_dim3A_859 = vector.broadcast %broadcast_in_dim3A_858 : i32 to vector<16xi32>
          %gather3A_860 = tpu.vector_load_idx %arg22[%shift_right_arithmetic3A_790, %and3A_793, %broadcast_in_dim3A_859] : memref<8x128x16xf32, #tpu.memory_space<vmem>>[vector<16xi32>, vector<16xi32>, vector<16xi32>], vector<16xf32>,
          %mul3A_861 = arith.mulf %get3A_817, %gather3A_860 : vector<16xf32>
          %add3A_862 = arith.addf %add3A_857, %mul3A_861 : vector<16xf32>
          %mul3A_863 = arith.mulf %add3A_832, %add3A_832 : vector<16xf32>
          %mul3A_864 = arith.mulf %add3A_847, %add3A_847 : vector<16xf32>
          %add3A_865 = arith.addf %mul3A_863, %mul3A_864 : vector<16xf32>
          %mul3A_866 = arith.mulf %add3A_862, %add3A_862 : vector<16xf32>
          %add3A_867 = arith.addf %add3A_865, %mul3A_866 : vector<16xf32>
          %bitcast3A = vector.bitcast %add3A_867 : vector<16xf32> to vector<16xi32>
          %shift_right_arithmetic3A_868 = arith.constant 1 : i32
          %shift_right_arithmetic3A_869 = vector.broadcast %shift_right_arithmetic3A_868 : i32 to vector<16xi32>
          %shift_right_arithmetic3A_870 = arith.shrsi %bitcast3A, %shift_right_arithmetic3A_869 : vector<16xi32>
          %sub3A_871 = arith.constant 1597463007 : i32
          %sub3A_872 = vector.broadcast %sub3A_871 : i32 to vector<16xi32>
          %sub3A_873 = arith.subi %sub3A_872, %shift_right_arithmetic3A_870 : vector<16xi32>
          %bitcast3A_874 = vector.bitcast %sub3A_873 : vector<16xi32> to vector<16xf32>
          %mul3A_875 = arith.constant 5.000000e-01 : f32
          %mul3A_876 = vector.broadcast %mul3A_875 : f32 to vector<16xf32>
          %mul3A_877 = arith.mulf %mul3A_876, %add3A_867 : vector<16xf32>
          %mul3A_878 = arith.mulf %mul3A_877, %bitcast3A_874 : vector<16xf32>
          %mul3A_879 = arith.mulf %mul3A_878, %bitcast3A_874 : vector<16xf32>
          %sub3A_880 = arith.constant 1.500000e+00 : f32
          %sub3A_881 = vector.broadcast %sub3A_880 : f32 to vector<16xf32>
          %sub3A_882 = arith.subf %sub3A_881, %mul3A_879 : vector<16xf32>
          %mul3A_883 = arith.mulf %bitcast3A_874, %sub3A_882 : vector<16xf32>
          %mul3A_884 = arith.constant 5.000000e-01 : f32
          %mul3A_885 = vector.broadcast %mul3A_884 : f32 to vector<16xf32>
          %mul3A_886 = arith.mulf %mul3A_885, %add3A_867 : vector<16xf32>
          %mul3A_887 = arith.mulf %mul3A_886, %mul3A_883 : vector<16xf32>
          %mul3A_888 = arith.mulf %mul3A_887, %mul3A_883 : vector<16xf32>
          %sub3A_889 = arith.constant 1.500000e+00 : f32
          %sub3A_890 = vector.broadcast %sub3A_889 : f32 to vector<16xf32>
          %sub3A_891 = arith.subf %sub3A_890, %mul3A_888 : vector<16xf32>
          %mul3A_892 = arith.mulf %mul3A_883, %sub3A_891 : vector<16xf32>
          %mul3A_893 = arith.constant 5.000000e-01 : f32
          %mul3A_894 = vector.broadcast %mul3A_893 : f32 to vector<16xf32>
          %mul3A_895 = arith.mulf %mul3A_894, %add3A_867 : vector<16xf32>
          %mul3A_896 = arith.mulf %mul3A_895, %mul3A_892 : vector<16xf32>
          %mul3A_897 = arith.mulf %mul3A_896, %mul3A_892 : vector<16xf32>
          %sub3A_898 = arith.constant 1.500000e+00 : f32
          %sub3A_899 = vector.broadcast %sub3A_898 : f32 to vector<16xf32>
          %sub3A_900 = arith.subf %sub3A_899, %mul3A_897 : vector<16xf32>
          %mul3A_901 = arith.mulf %mul3A_892, %sub3A_900 : vector<16xf32>
          %swap3A = arith.index_cast %mul3A_784 : i32 to index
          %swap3A_902 = tpu.vector_load %arg26[%swap3A] {strides = array<i32>} : memref<1024xf32, #tpu.memory_space<vmem>>, vector<16xf32>,
          tpu.vector_store %arg26[%swap3A], %add3A_832 {strides = array<i32>} : memref<1024xf32, #tpu.memory_space<vmem>>, vector<16xf32>,
          %swap3A_903 = arith.index_cast %mul3A_784 : i32 to index
          %swap3A_904 = tpu.vector_load %arg28[%swap3A_903] {strides = array<i32>} : memref<1024xf32, #tpu.memory_space<vmem>>, vector<16xf32>,
          tpu.vector_store %arg28[%swap3A_903], %add3A_847 {strides = array<i32>} : memref<1024xf32, #tpu.memory_space<vmem>>, vector<16xf32>,
          %swap3A_905 = arith.index_cast %mul3A_784 : i32 to index
          %swap3A_906 = tpu.vector_load %arg30[%swap3A_905] {strides = array<i32>} : memref<1024xf32, #tpu.memory_space<vmem>>, vector<16xf32>,
          tpu.vector_store %arg30[%swap3A_905], %add3A_862 {strides = array<i32>} : memref<1024xf32, #tpu.memory_space<vmem>>, vector<16xf32>,
          %mul3A_907 = arith.mulf %add3A_867, %mul3A_901 : vector<16xf32>
          %swap3A_908 = arith.index_cast %mul3A_784 : i32 to index
          %swap3A_909 = tpu.vector_load %arg32[%swap3A_908] {strides = array<i32>} : memref<1024xf32, #tpu.memory_space<vmem>>, vector<16xf32>,
          tpu.vector_store %arg32[%swap3A_908], %mul3A_907 {strides = array<i32>} : memref<1024xf32, #tpu.memory_space<vmem>>, vector<16xf32>,
          %scan3A_910 = arith.constant 1 : i32
          %scan3A_911 = arith.addi %scan3A_782, %scan3A_910 : i32
          %mul3A_912 = arith.constant 16 : i32
          %mul3A_913 = arith.muli %scan3A_911, %mul3A_912 : i32
          %mul3A_914 = arith.constant 16 : i32
          %mul3A_915 = arith.muli %scan3A_911, %mul3A_914 : i32
          %iota3A_916 = tpu.iota {dimensions = array<i32: 0>} : vector<16xi32>
          %add3A_917 = vector.broadcast %mul3A_915 : i32 to vector<16xi32>
          %add3A_918 = arith.addi %add3A_917, %iota3A_916 : vector<16xi32>
          %shift_right_arithmetic3A_919 = arith.constant 7 : i32
          %shift_right_arithmetic3A_920 = vector.broadcast %shift_right_arithmetic3A_919 : i32 to vector<16xi32>
          %shift_right_arithmetic3A_921 = arith.shrsi %add3A_918, %shift_right_arithmetic3A_920 : vector<16xi32>
          %and3A_922 = arith.constant 127 : i32
          %and3A_923 = vector.broadcast %and3A_922 : i32 to vector<16xi32>
          %and3A_924 = arith.andi %add3A_918, %and3A_923 : vector<16xi32>
          %broadcast_in_dim3A_925 = arith.constant 0 : i32
          %broadcast_in_dim3A_926 = vector.broadcast %broadcast_in_dim3A_925 : i32 to vector<16xi32>
          %gather3A_927 = tpu.vector_load_idx %arg24[%shift_right_arithmetic3A_921, %and3A_924, %broadcast_in_dim3A_926] : memref<8x128x16xf32, #tpu.memory_space<vmem>>[vector<16xi32>, vector<16xi32>, vector<16xi32>], vector<16xf32>,
          %broadcast_in_dim3A_928 = arith.constant 0 : i32
          %broadcast_in_dim3A_929 = vector.broadcast %broadcast_in_dim3A_928 : i32 to vector<16xi32>
          %gather3A_930 = tpu.vector_load_idx %arg22[%shift_right_arithmetic3A_921, %and3A_924, %broadcast_in_dim3A_929] : memref<8x128x16xf32, #tpu.memory_space<vmem>>[vector<16xi32>, vector<16xi32>, vector<16xi32>], vector<16xf32>,
          %sub3A_931 = arith.subf %gather3A_927, %gather3A_930 : vector<16xf32>
          %broadcast_in_dim3A_932 = arith.constant 1 : i32
          %broadcast_in_dim3A_933 = vector.broadcast %broadcast_in_dim3A_932 : i32 to vector<16xi32>
          %gather3A_934 = tpu.vector_load_idx %arg24[%shift_right_arithmetic3A_921, %and3A_924, %broadcast_in_dim3A_933] : memref<8x128x16xf32, #tpu.memory_space<vmem>>[vector<16xi32>, vector<16xi32>, vector<16xi32>], vector<16xf32>,
          %broadcast_in_dim3A_935 = arith.constant 1 : i32
          %broadcast_in_dim3A_936 = vector.broadcast %broadcast_in_dim3A_935 : i32 to vector<16xi32>
          %gather3A_937 = tpu.vector_load_idx %arg22[%shift_right_arithmetic3A_921, %and3A_924, %broadcast_in_dim3A_936] : memref<8x128x16xf32, #tpu.memory_space<vmem>>[vector<16xi32>, vector<16xi32>, vector<16xi32>], vector<16xf32>,
          %sub3A_938 = arith.subf %gather3A_934, %gather3A_937 : vector<16xf32>
          %broadcast_in_dim3A_939 = arith.constant 2 : i32
          %broadcast_in_dim3A_940 = vector.broadcast %broadcast_in_dim3A_939 : i32 to vector<16xi32>
          %gather3A_941 = tpu.vector_load_idx %arg24[%shift_right_arithmetic3A_921, %and3A_924, %broadcast_in_dim3A_940] : memref<8x128x16xf32, #tpu.memory_space<vmem>>[vector<16xi32>, vector<16xi32>, vector<16xi32>], vector<16xf32>,
          %broadcast_in_dim3A_942 = arith.constant 2 : i32
          %broadcast_in_dim3A_943 = vector.broadcast %broadcast_in_dim3A_942 : i32 to vector<16xi32>
          %gather3A_944 = tpu.vector_load_idx %arg22[%shift_right_arithmetic3A_921, %and3A_924, %broadcast_in_dim3A_943] : memref<8x128x16xf32, #tpu.memory_space<vmem>>[vector<16xi32>, vector<16xi32>, vector<16xi32>], vector<16xf32>,
          %sub3A_945 = arith.subf %gather3A_941, %gather3A_944 : vector<16xf32>
          %get3A_946 = arith.index_cast %mul3A_913 : i32 to index
          %get3A_947 = tpu.vector_load %arg16[%get3A_946] {strides = array<i32>} : memref<1024xf32, #tpu.memory_space<vmem>>, vector<16xf32>,
          %get3A_948 = arith.index_cast %mul3A_913 : i32 to index
          %get3A_949 = tpu.vector_load %arg18[%get3A_948] {strides = array<i32>} : memref<1024xf32, #tpu.memory_space<vmem>>, vector<16xf32>,
          %get3A_950 = arith.index_cast %mul3A_913 : i32 to index
          %get3A_951 = tpu.vector_load %arg20[%get3A_950] {strides = array<i32>} : memref<1024xf32, #tpu.memory_space<vmem>>, vector<16xf32>,
          %broadcast_in_dim3A_952 = arith.constant 3 : i32
          %broadcast_in_dim3A_953 = vector.broadcast %broadcast_in_dim3A_952 : i32 to vector<16xi32>
          %gather3A_954 = tpu.vector_load_idx %arg22[%shift_right_arithmetic3A_921, %and3A_924, %broadcast_in_dim3A_953] : memref<8x128x16xf32, #tpu.memory_space<vmem>>[vector<16xi32>, vector<16xi32>, vector<16xi32>], vector<16xf32>,
          %mul3A_955 = arith.mulf %get3A_947, %gather3A_954 : vector<16xf32>
          %add3A_956 = arith.addf %sub3A_931, %mul3A_955 : vector<16xf32>
          %broadcast_in_dim3A_957 = arith.constant 6 : i32
          %broadcast_in_dim3A_958 = vector.broadcast %broadcast_in_dim3A_957 : i32 to vector<16xi32>
          %gather3A_959 = tpu.vector_load_idx %arg22[%shift_right_arithmetic3A_921, %and3A_924, %broadcast_in_dim3A_958] : memref<8x128x16xf32, #tpu.memory_space<vmem>>[vector<16xi32>, vector<16xi32>, vector<16xi32>], vector<16xf32>,
          %mul3A_960 = arith.mulf %get3A_949, %gather3A_959 : vector<16xf32>
          %add3A_961 = arith.addf %add3A_956, %mul3A_960 : vector<16xf32>
          %broadcast_in_dim3A_962 = arith.constant 9 : i32
          %broadcast_in_dim3A_963 = vector.broadcast %broadcast_in_dim3A_962 : i32 to vector<16xi32>
          %gather3A_964 = tpu.vector_load_idx %arg22[%shift_right_arithmetic3A_921, %and3A_924, %broadcast_in_dim3A_963] : memref<8x128x16xf32, #tpu.memory_space<vmem>>[vector<16xi32>, vector<16xi32>, vector<16xi32>], vector<16xf32>,
          %mul3A_965 = arith.mulf %get3A_951, %gather3A_964 : vector<16xf32>
          %add3A_966 = arith.addf %add3A_961, %mul3A_965 : vector<16xf32>
          %broadcast_in_dim3A_967 = arith.constant 4 : i32
          %broadcast_in_dim3A_968 = vector.broadcast %broadcast_in_dim3A_967 : i32 to vector<16xi32>
          %gather3A_969 = tpu.vector_load_idx %arg22[%shift_right_arithmetic3A_921, %and3A_924, %broadcast_in_dim3A_968] : memref<8x128x16xf32, #tpu.memory_space<vmem>>[vector<16xi32>, vector<16xi32>, vector<16xi32>], vector<16xf32>,
          %mul3A_970 = arith.mulf %get3A_947, %gather3A_969 : vector<16xf32>
          %add3A_971 = arith.addf %sub3A_938, %mul3A_970 : vector<16xf32>
          %broadcast_in_dim3A_972 = arith.constant 7 : i32
          %broadcast_in_dim3A_973 = vector.broadcast %broadcast_in_dim3A_972 : i32 to vector<16xi32>
          %gather3A_974 = tpu.vector_load_idx %arg22[%shift_right_arithmetic3A_921, %and3A_924, %broadcast_in_dim3A_973] : memref<8x128x16xf32, #tpu.memory_space<vmem>>[vector<16xi32>, vector<16xi32>, vector<16xi32>], vector<16xf32>,
          %mul3A_975 = arith.mulf %get3A_949, %gather3A_974 : vector<16xf32>
          %add3A_976 = arith.addf %add3A_971, %mul3A_975 : vector<16xf32>
          %broadcast_in_dim3A_977 = arith.constant 10 : i32
          %broadcast_in_dim3A_978 = vector.broadcast %broadcast_in_dim3A_977 : i32 to vector<16xi32>
          %gather3A_979 = tpu.vector_load_idx %arg22[%shift_right_arithmetic3A_921, %and3A_924, %broadcast_in_dim3A_978] : memref<8x128x16xf32, #tpu.memory_space<vmem>>[vector<16xi32>, vector<16xi32>, vector<16xi32>], vector<16xf32>,
          %mul3A_980 = arith.mulf %get3A_951, %gather3A_979 : vector<16xf32>
          %add3A_981 = arith.addf %add3A_976, %mul3A_980 : vector<16xf32>
          %broadcast_in_dim3A_982 = arith.constant 5 : i32
          %broadcast_in_dim3A_983 = vector.broadcast %broadcast_in_dim3A_982 : i32 to vector<16xi32>
          %gather3A_984 = tpu.vector_load_idx %arg22[%shift_right_arithmetic3A_921, %and3A_924, %broadcast_in_dim3A_983] : memref<8x128x16xf32, #tpu.memory_space<vmem>>[vector<16xi32>, vector<16xi32>, vector<16xi32>], vector<16xf32>,
          %mul3A_985 = arith.mulf %get3A_947, %gather3A_984 : vector<16xf32>
          %add3A_986 = arith.addf %sub3A_945, %mul3A_985 : vector<16xf32>
          %broadcast_in_dim3A_987 = arith.constant 8 : i32
          %broadcast_in_dim3A_988 = vector.broadcast %broadcast_in_dim3A_987 : i32 to vector<16xi32>
          %gather3A_989 = tpu.vector_load_idx %arg22[%shift_right_arithmetic3A_921, %and3A_924, %broadcast_in_dim3A_988] : memref<8x128x16xf32, #tpu.memory_space<vmem>>[vector<16xi32>, vector<16xi32>, vector<16xi32>], vector<16xf32>,
          %mul3A_990 = arith.mulf %get3A_949, %gather3A_989 : vector<16xf32>
          %add3A_991 = arith.addf %add3A_986, %mul3A_990 : vector<16xf32>
          %broadcast_in_dim3A_992 = arith.constant 11 : i32
          %broadcast_in_dim3A_993 = vector.broadcast %broadcast_in_dim3A_992 : i32 to vector<16xi32>
          %gather3A_994 = tpu.vector_load_idx %arg22[%shift_right_arithmetic3A_921, %and3A_924, %broadcast_in_dim3A_993] : memref<8x128x16xf32, #tpu.memory_space<vmem>>[vector<16xi32>, vector<16xi32>, vector<16xi32>], vector<16xf32>,
          %mul3A_995 = arith.mulf %get3A_951, %gather3A_994 : vector<16xf32>
          %add3A_996 = arith.addf %add3A_991, %mul3A_995 : vector<16xf32>
          %mul3A_997 = arith.mulf %add3A_966, %add3A_966 : vector<16xf32>
          %mul3A_998 = arith.mulf %add3A_981, %add3A_981 : vector<16xf32>
          %add3A_999 = arith.addf %mul3A_997, %mul3A_998 : vector<16xf32>
          %mul3A_1000 = arith.mulf %add3A_996, %add3A_996 : vector<16xf32>
          %add3A_1001 = arith.addf %add3A_999, %mul3A_1000 : vector<16xf32>
          %bitcast3A_1002 = vector.bitcast %add3A_1001 : vector<16xf32> to vector<16xi32>
          %shift_right_arithmetic3A_1003 = arith.constant 1 : i32
          %shift_right_arithmetic3A_1004 = vector.broadcast %shift_right_arithmetic3A_1003 : i32 to vector<16xi32>
          %shift_right_arithmetic3A_1005 = arith.shrsi %bitcast3A_1002, %shift_right_arithmetic3A_1004 : vector<16xi32>
          %sub3A_1006 = arith.constant 1597463007 : i32
          %sub3A_1007 = vector.broadcast %sub3A_1006 : i32 to vector<16xi32>
          %sub3A_1008 = arith.subi %sub3A_1007, %shift_right_arithmetic3A_1005 : vector<16xi32>
          %bitcast3A_1009 = vector.bitcast %sub3A_1008 : vector<16xi32> to vector<16xf32>
          %mul3A_1010 = arith.constant 5.000000e-01 : f32
          %mul3A_1011 = vector.broadcast %mul3A_1010 : f32 to vector<16xf32>
          %mul3A_1012 = arith.mulf %mul3A_1011, %add3A_1001 : vector<16xf32>
          %mul3A_1013 = arith.mulf %mul3A_1012, %bitcast3A_1009 : vector<16xf32>
          %mul3A_1014 = arith.mulf %mul3A_1013, %bitcast3A_1009 : vector<16xf32>
          %sub3A_1015 = arith.constant 1.500000e+00 : f32
          %sub3A_1016 = vector.broadcast %sub3A_1015 : f32 to vector<16xf32>
          %sub3A_1017 = arith.subf %sub3A_1016, %mul3A_1014 : vector<16xf32>
          %mul3A_1018 = arith.mulf %bitcast3A_1009, %sub3A_1017 : vector<16xf32>
          %mul3A_1019 = arith.constant 5.000000e-01 : f32
          %mul3A_1020 = vector.broadcast %mul3A_1019 : f32 to vector<16xf32>
          %mul3A_1021 = arith.mulf %mul3A_1020, %add3A_1001 : vector<16xf32>
          %mul3A_1022 = arith.mulf %mul3A_1021, %mul3A_1018 : vector<16xf32>
          %mul3A_1023 = arith.mulf %mul3A_1022, %mul3A_1018 : vector<16xf32>
          %sub3A_1024 = arith.constant 1.500000e+00 : f32
          %sub3A_1025 = vector.broadcast %sub3A_1024 : f32 to vector<16xf32>
          %sub3A_1026 = arith.subf %sub3A_1025, %mul3A_1023 : vector<16xf32>
          %mul3A_1027 = arith.mulf %mul3A_1018, %sub3A_1026 : vector<16xf32>
          %mul3A_1028 = arith.constant 5.000000e-01 : f32
          %mul3A_1029 = vector.broadcast %mul3A_1028 : f32 to vector<16xf32>
          %mul3A_1030 = arith.mulf %mul3A_1029, %add3A_1001 : vector<16xf32>
          %mul3A_1031 = arith.mulf %mul3A_1030, %mul3A_1027 : vector<16xf32>
          %mul3A_1032 = arith.mulf %mul3A_1031, %mul3A_1027 : vector<16xf32>
          %sub3A_1033 = arith.constant 1.500000e+00 : f32
          %sub3A_1034 = vector.broadcast %sub3A_1033 : f32 to vector<16xf32>
          %sub3A_1035 = arith.subf %sub3A_1034, %mul3A_1032 : vector<16xf32>
          %mul3A_1036 = arith.mulf %mul3A_1027, %sub3A_1035 : vector<16xf32>
          %swap3A_1037 = arith.index_cast %mul3A_913 : i32 to index
          %swap3A_1038 = tpu.vector_load %arg26[%swap3A_1037] {strides = array<i32>} : memref<1024xf32, #tpu.memory_space<vmem>>, vector<16xf32>,
          tpu.vector_store %arg26[%swap3A_1037], %add3A_966 {strides = array<i32>} : memref<1024xf32, #tpu.memory_space<vmem>>, vector<16xf32>,
          %swap3A_1039 = arith.index_cast %mul3A_913 : i32 to index
          %swap3A_1040 = tpu.vector_load %arg28[%swap3A_1039] {strides = array<i32>} : memref<1024xf32, #tpu.memory_space<vmem>>, vector<16xf32>,
          tpu.vector_store %arg28[%swap3A_1039], %add3A_981 {strides = array<i32>} : memref<1024xf32, #tpu.memory_space<vmem>>, vector<16xf32>,
          %swap3A_1041 = arith.index_cast %mul3A_913 : i32 to index
          %swap3A_1042 = tpu.vector_load %arg30[%swap3A_1041] {strides = array<i32>} : memref<1024xf32, #tpu.memory_space<vmem>>, vector<16xf32>,
          tpu.vector_store %arg30[%swap3A_1041], %add3A_996 {strides = array<i32>} : memref<1024xf32, #tpu.memory_space<vmem>>, vector<16xf32>,
          %mul3A_1043 = arith.mulf %add3A_1001, %mul3A_1036 : vector<16xf32>
          %swap3A_1044 = arith.index_cast %mul3A_913 : i32 to index
          %swap3A_1045 = tpu.vector_load %arg32[%swap3A_1044] {strides = array<i32>} : memref<1024xf32, #tpu.memory_space<vmem>>, vector<16xf32>,
          tpu.vector_store %arg32[%swap3A_1044], %mul3A_1043 {strides = array<i32>} : memref<1024xf32, #tpu.memory_space<vmem>>, vector<16xf32>,
        }
        %scan3A_768 = arith.constant 64 : i32
        %mul3A_769 = arith.constant 32 : i32
        %mul3A_770 = arith.muli %add3A_331, %mul3A_769 : i32
        %add3A_771 = arith.addi %add3A, %mul3A_770 : i32
        %mul3A_772 = arith.constant 1024 : i32
        %mul3A_773 = arith.muli %add3A_771, %mul3A_772 : i32
        %dma_start3A_774 = tpu.memref_slice %arg7[%mul3A_773] : memref<3200000xf32, #tpu.memory_space<hbm>> -> memref<1024xf32, #tpu.memory_space<hbm>>
        %dma_start3A_775 = tpu.memref_slice %arg7[%mul3A_773] : memref<3200000xf32, #tpu.memory_space<hbm>> -> memref<1024xf32, #tpu.memory_space<hbm>>
        tpu.enqueue_dma source(%arg26 : memref<1024xf32, #tpu.memory_space<vmem>>) target(%dma_start3A_775 : memref<1024xf32, #tpu.memory_space<hbm>>) target_semaphore(%arg38 : memref<!tpu.dma_semaphore, #tpu.memory_space<semaphore_mem>>)
        %dma_start3A_776 = tpu.memref_slice %arg8[%mul3A_773] : memref<3200000xf32, #tpu.memory_space<hbm>> -> memref<1024xf32, #tpu.memory_space<hbm>>
        %dma_start3A_777 = tpu.memref_slice %arg8[%mul3A_773] : memref<3200000xf32, #tpu.memory_space<hbm>> -> memref<1024xf32, #tpu.memory_space<hbm>>
        tpu.enqueue_dma source(%arg28 : memref<1024xf32, #tpu.memory_space<vmem>>) target(%dma_start3A_777 : memref<1024xf32, #tpu.memory_space<hbm>>) target_semaphore(%arg38 : memref<!tpu.dma_semaphore, #tpu.memory_space<semaphore_mem>>)
        %dma_start3A_778 = tpu.memref_slice %arg9[%mul3A_773] : memref<3200000xf32, #tpu.memory_space<hbm>> -> memref<1024xf32, #tpu.memory_space<hbm>>
        %dma_start3A_779 = tpu.memref_slice %arg9[%mul3A_773] : memref<3200000xf32, #tpu.memory_space<hbm>> -> memref<1024xf32, #tpu.memory_space<hbm>>
        tpu.enqueue_dma source(%arg30 : memref<1024xf32, #tpu.memory_space<vmem>>) target(%dma_start3A_779 : memref<1024xf32, #tpu.memory_space<hbm>>) target_semaphore(%arg38 : memref<!tpu.dma_semaphore, #tpu.memory_space<semaphore_mem>>)
        %dma_start3A_780 = tpu.memref_slice %arg10[%mul3A_773] : memref<3200000xf32, #tpu.memory_space<hbm>> -> memref<1024xf32, #tpu.memory_space<hbm>>
        %dma_start3A_781 = tpu.memref_slice %arg10[%mul3A_773] : memref<3200000xf32, #tpu.memory_space<hbm>> -> memref<1024xf32, #tpu.memory_space<hbm>>
        tpu.enqueue_dma source(%arg32 : memref<1024xf32, #tpu.memory_space<vmem>>) target(%dma_start3A_781 : memref<1024xf32, #tpu.memory_space<hbm>>) target_semaphore(%arg38 : memref<!tpu.dma_semaphore, #tpu.memory_space<semaphore_mem>>)
      } else {
      }
      %lt3A_562 = arith.cmpi slt, %add3A_335, %select_n3A : i32
      %convert_element_type3A_563 = arith.extui %lt3A_562 : i1 to i32
      %cond3A_564 = arith.constant 0 : i32
      %cond3A_565 = arith.cmpi ne, %convert_element_type3A_563, %cond3A_564 : i32
      scf.if %cond3A_565 {
        %mul3A_566 = arith.constant 32 : i32
        %mul3A_567 = arith.muli %add3A_335, %mul3A_566 : i32
        %add3A_568 = arith.addi %add3A, %mul3A_567 : i32
        %mul3A_569 = arith.constant 1024 : i32
        %mul3A_570 = arith.muli %add3A_568, %mul3A_569 : i32
        %mul3A_571 = arith.constant 8 : i32
        %mul3A_572 = arith.muli %add3A_568, %mul3A_571 : i32
        %dma_start3A_573 = arith.constant 0 : i32
        %dma_start3A_574 = arith.constant 0 : i32
        %dma_start3A_575 = tpu.memref_slice %arg6[%dma_start3A_573, %mul3A_572, %dma_start3A_574] : memref<2x25000x128xi32, #tpu.memory_space<hbm>> -> memref<1x8x128xi32, #tpu.memory_space<hbm>>
        %dma_start3A_576 = tpu.memref_squeeze %dma_start3A_575 : memref<1x8x128xi32, #tpu.memory_space<hbm>> -> memref<8x128xi32, #tpu.memory_space<hbm>>
        %dma_start3A_577 = arith.constant 0 : i32
        %dma_start3A_578 = tpu.memref_slice %arg6[%dma_start3A_573, %mul3A_572, %dma_start3A_577] : memref<2x25000x128xi32, #tpu.memory_space<hbm>> -> memref<1x8x128xi32, #tpu.memory_space<hbm>>
        %dma_start3A_579 = tpu.memref_squeeze %dma_start3A_578 : memref<1x8x128xi32, #tpu.memory_space<hbm>> -> memref<8x128xi32, #tpu.memory_space<hbm>>
        tpu.enqueue_dma source(%dma_start3A_579 : memref<8x128xi32, #tpu.memory_space<hbm>>) target(%arg12 : memref<8x128xi32, #tpu.memory_space<vmem>>) target_semaphore(%arg34 : memref<!tpu.dma_semaphore, #tpu.memory_space<semaphore_mem>>)
        %dma_start3A_580 = arith.constant 1 : i32
        %dma_start3A_581 = arith.constant 0 : i32
        %dma_start3A_582 = tpu.memref_slice %arg6[%dma_start3A_580, %mul3A_572, %dma_start3A_581] : memref<2x25000x128xi32, #tpu.memory_space<hbm>> -> memref<1x8x128xi32, #tpu.memory_space<hbm>>
        %dma_start3A_583 = tpu.memref_squeeze %dma_start3A_582 : memref<1x8x128xi32, #tpu.memory_space<hbm>> -> memref<8x128xi32, #tpu.memory_space<hbm>>
        %dma_start3A_584 = arith.constant 0 : i32
        %dma_start3A_585 = tpu.memref_slice %arg6[%dma_start3A_580, %mul3A_572, %dma_start3A_584] : memref<2x25000x128xi32, #tpu.memory_space<hbm>> -> memref<1x8x128xi32, #tpu.memory_space<hbm>>
        %dma_start3A_586 = tpu.memref_squeeze %dma_start3A_585 : memref<1x8x128xi32, #tpu.memory_space<hbm>> -> memref<8x128xi32, #tpu.memory_space<hbm>>
        tpu.enqueue_dma source(%dma_start3A_586 : memref<8x128xi32, #tpu.memory_space<hbm>>) target(%arg14 : memref<8x128xi32, #tpu.memory_space<vmem>>) target_semaphore(%arg34 : memref<!tpu.dma_semaphore, #tpu.memory_space<semaphore_mem>>)
        %dma_start3A_587 = tpu.memref_slice %arg3[%mul3A_570] : memref<3200000xf32, #tpu.memory_space<hbm>> -> memref<1024xf32, #tpu.memory_space<hbm>>
        %dma_start3A_588 = tpu.memref_slice %arg3[%mul3A_570] : memref<3200000xf32, #tpu.memory_space<hbm>> -> memref<1024xf32, #tpu.memory_space<hbm>>
        tpu.enqueue_dma source(%dma_start3A_588 : memref<1024xf32, #tpu.memory_space<hbm>>) target(%arg16 : memref<1024xf32, #tpu.memory_space<vmem>>) target_semaphore(%arg34 : memref<!tpu.dma_semaphore, #tpu.memory_space<semaphore_mem>>)
        %dma_start3A_589 = tpu.memref_slice %arg4[%mul3A_570] : memref<3200000xf32, #tpu.memory_space<hbm>> -> memref<1024xf32, #tpu.memory_space<hbm>>
        %dma_start3A_590 = tpu.memref_slice %arg4[%mul3A_570] : memref<3200000xf32, #tpu.memory_space<hbm>> -> memref<1024xf32, #tpu.memory_space<hbm>>
        tpu.enqueue_dma source(%dma_start3A_590 : memref<1024xf32, #tpu.memory_space<hbm>>) target(%arg18 : memref<1024xf32, #tpu.memory_space<vmem>>) target_semaphore(%arg34 : memref<!tpu.dma_semaphore, #tpu.memory_space<semaphore_mem>>)
        %dma_start3A_591 = tpu.memref_slice %arg5[%mul3A_570] : memref<3200000xf32, #tpu.memory_space<hbm>> -> memref<1024xf32, #tpu.memory_space<hbm>>
        %dma_start3A_592 = tpu.memref_slice %arg5[%mul3A_570] : memref<3200000xf32, #tpu.memory_space<hbm>> -> memref<1024xf32, #tpu.memory_space<hbm>>
        tpu.enqueue_dma source(%dma_start3A_592 : memref<1024xf32, #tpu.memory_space<hbm>>) target(%arg20 : memref<1024xf32, #tpu.memory_space<vmem>>) target_semaphore(%arg34 : memref<!tpu.dma_semaphore, #tpu.memory_space<semaphore_mem>>)
      } else {
      }
    }
    %while3A_305 = arith.constant 1 : i32
    scf.for %while3A_327 = %while3A_303 to %while3A_299 step %while3A_305  : i32 {
      %mul3A_328 = arith.constant 2 : i32
      %mul3A_329 = arith.muli %mul3A_328, %while3A_327 : i32
      %add3A_330 = arith.constant 1 : i32
      %add3A_331 = arith.addi %mul3A_329, %add3A_330 : i32
      %add3A_332 = arith.constant 2 : i32
      %add3A_333 = arith.addi %mul3A_329, %add3A_332 : i32
      %add3A_334 = arith.constant 3 : i32
      %add3A_335 = arith.addi %mul3A_329, %add3A_334 : i32
      %dma_wait3A_336 = arith.constant 0 : i32
      %dma_wait3A_337 = arith.constant 0 : i32
      %dma_wait3A_338 = arith.constant 0 : i32
      %dma_wait3A_339 = arith.constant 0 : i32
      %dma_wait3A_340 = tpu.memref_slice %arg21[%dma_wait3A_337, %dma_wait3A_338, %dma_wait3A_339] : memref<8x128x16xf32, #tpu.memory_space<vmem>> -> memref<1x128x16xf32, #tpu.memory_space<vmem>>
      %dma_wait3A_341 = tpu.memref_squeeze %dma_wait3A_340 : memref<1x128x16xf32, #tpu.memory_space<vmem>> -> memref<128x16xf32, #tpu.memory_space<vmem>>
      %dma_wait3A_342 = arith.constant 0 : i32
      %dma_wait3A_343 = tpu.memref_slice %arg11[%dma_wait3A_336, %dma_wait3A_342] : memref<8x128xi32, #tpu.memory_space<vmem>> -> memref<1x128xi32, #tpu.memory_space<vmem>>
      %dma_wait3A_344 = tpu.memref_squeeze %dma_wait3A_343 : memref<1x128xi32, #tpu.memory_space<vmem>> -> memref<128xi32, #tpu.memory_space<vmem>>
      %dma_wait3A_345 = arith.constant 0 : i32
      %dma_wait3A_346 = arith.constant 0 : i32
      %dma_wait3A_347 = tpu.memref_slice %arg2[%dma_wait3A_345, %dma_wait3A_346] : memref<100000x16xf32, #tpu.memory_space<hbm>> -> memref<100000x16xf32, #tpu.memory_space<hbm>>
      tpu.wait_indirect_dma semaphore(%arg35 : memref<!tpu.dma_semaphore, #tpu.memory_space<semaphore_mem>>) src(%dma_wait3A_347 : memref<100000x16xf32, #tpu.memory_space<hbm>>) dst(%dma_wait3A_341 : memref<128x16xf32, #tpu.memory_space<vmem>>)
      %dma_wait3A_348 = arith.constant 0 : i32
      %dma_wait3A_349 = arith.constant 0 : i32
      %dma_wait3A_350 = arith.constant 0 : i32
      %dma_wait3A_351 = arith.constant 0 : i32
      %dma_wait3A_352 = tpu.memref_slice %arg23[%dma_wait3A_349, %dma_wait3A_350, %dma_wait3A_351] : memref<8x128x16xf32, #tpu.memory_space<vmem>> -> memref<1x128x16xf32, #tpu.memory_space<vmem>>
      %dma_wait3A_353 = tpu.memref_squeeze %dma_wait3A_352 : memref<1x128x16xf32, #tpu.memory_space<vmem>> -> memref<128x16xf32, #tpu.memory_space<vmem>>
      %dma_wait3A_354 = arith.constant 0 : i32
      %dma_wait3A_355 = tpu.memref_slice %arg13[%dma_wait3A_348, %dma_wait3A_354] : memref<8x128xi32, #tpu.memory_space<vmem>> -> memref<1x128xi32, #tpu.memory_space<vmem>>
      %dma_wait3A_356 = tpu.memref_squeeze %dma_wait3A_355 : memref<1x128xi32, #tpu.memory_space<vmem>> -> memref<128xi32, #tpu.memory_space<vmem>>
      %dma_wait3A_357 = arith.constant 0 : i32
      %dma_wait3A_358 = arith.constant 0 : i32
      %dma_wait3A_359 = tpu.memref_slice %arg2[%dma_wait3A_357, %dma_wait3A_358] : memref<100000x16xf32, #tpu.memory_space<hbm>> -> memref<100000x16xf32, #tpu.memory_space<hbm>>
      tpu.wait_indirect_dma semaphore(%arg35 : memref<!tpu.dma_semaphore, #tpu.memory_space<semaphore_mem>>) src(%dma_wait3A_359 : memref<100000x16xf32, #tpu.memory_space<hbm>>) dst(%dma_wait3A_353 : memref<128x16xf32, #tpu.memory_space<vmem>>)
      %dma_wait3A_360 = arith.constant 1 : i32
      %dma_wait3A_361 = arith.constant 1 : i32
      %dma_wait3A_362 = arith.constant 0 : i32
      %dma_wait3A_363 = arith.constant 0 : i32
      %dma_wait3A_364 = tpu.memref_slice %arg21[%dma_wait3A_361, %dma_wait3A_362, %dma_wait3A_363] : memref<8x128x16xf32, #tpu.memory_space<vmem>> -> memref<1x128x16xf32, #tpu.memory_space<vmem>>
      %dma_wait3A_365 = tpu.memref_squeeze %dma_wait3A_364 : memref<1x128x16xf32, #tpu.memory_space<vmem>> -> memref<128x16xf32, #tpu.memory_space<vmem>>
      %dma_wait3A_366 = arith.constant 0 : i32
      %dma_wait3A_367 = tpu.memref_slice %arg11[%dma_wait3A_360, %dma_wait3A_366] : memref<8x128xi32, #tpu.memory_space<vmem>> -> memref<1x128xi32, #tpu.memory_space<vmem>>
      %dma_wait3A_368 = tpu.memref_squeeze %dma_wait3A_367 : memref<1x128xi32, #tpu.memory_space<vmem>> -> memref<128xi32, #tpu.memory_space<vmem>>
      %dma_wait3A_369 = arith.constant 0 : i32
      %dma_wait3A_370 = arith.constant 0 : i32
      %dma_wait3A_371 = tpu.memref_slice %arg2[%dma_wait3A_369, %dma_wait3A_370] : memref<100000x16xf32, #tpu.memory_space<hbm>> -> memref<100000x16xf32, #tpu.memory_space<hbm>>
      tpu.wait_indirect_dma semaphore(%arg35 : memref<!tpu.dma_semaphore, #tpu.memory_space<semaphore_mem>>) src(%dma_wait3A_371 : memref<100000x16xf32, #tpu.memory_space<hbm>>) dst(%dma_wait3A_365 : memref<128x16xf32, #tpu.memory_space<vmem>>)
      %dma_wait3A_372 = arith.constant 1 : i32
      %dma_wait3A_373 = arith.constant 1 : i32
      %dma_wait3A_374 = arith.constant 0 : i32
      %dma_wait3A_375 = arith.constant 0 : i32
      %dma_wait3A_376 = tpu.memref_slice %arg23[%dma_wait3A_373, %dma_wait3A_374, %dma_wait3A_375] : memref<8x128x16xf32, #tpu.memory_space<vmem>> -> memref<1x128x16xf32, #tpu.memory_space<vmem>>
      %dma_wait3A_377 = tpu.memref_squeeze %dma_wait3A_376 : memref<1x128x16xf32, #tpu.memory_space<vmem>> -> memref<128x16xf32, #tpu.memory_space<vmem>>
      %dma_wait3A_378 = arith.constant 0 : i32
      %dma_wait3A_379 = tpu.memref_slice %arg13[%dma_wait3A_372, %dma_wait3A_378] : memref<8x128xi32, #tpu.memory_space<vmem>> -> memref<1x128xi32, #tpu.memory_space<vmem>>
      %dma_wait3A_380 = tpu.memref_squeeze %dma_wait3A_379 : memref<1x128xi32, #tpu.memory_space<vmem>> -> memref<128xi32, #tpu.memory_space<vmem>>
      %dma_wait3A_381 = arith.constant 0 : i32
      %dma_wait3A_382 = arith.constant 0 : i32
      %dma_wait3A_383 = tpu.memref_slice %arg2[%dma_wait3A_381, %dma_wait3A_382] : memref<100000x16xf32, #tpu.memory_space<hbm>> -> memref<100000x16xf32, #tpu.memory_space<hbm>>
      tpu.wait_indirect_dma semaphore(%arg35 : memref<!tpu.dma_semaphore, #tpu.memory_space<semaphore_mem>>) src(%dma_wait3A_383 : memref<100000x16xf32, #tpu.memory_space<hbm>>) dst(%dma_wait3A_377 : memref<128x16xf32, #tpu.memory_space<vmem>>)
      %dma_wait3A_384 = arith.constant 2 : i32
      %dma_wait3A_385 = arith.constant 2 : i32
      %dma_wait3A_386 = arith.constant 0 : i32
      %dma_wait3A_387 = arith.constant 0 : i32
      %dma_wait3A_388 = tpu.memref_slice %arg21[%dma_wait3A_385, %dma_wait3A_386, %dma_wait3A_387] : memref<8x128x16xf32, #tpu.memory_space<vmem>> -> memref<1x128x16xf32, #tpu.memory_space<vmem>>
      %dma_wait3A_389 = tpu.memref_squeeze %dma_wait3A_388 : memref<1x128x16xf32, #tpu.memory_space<vmem>> -> memref<128x16xf32, #tpu.memory_space<vmem>>
      %dma_wait3A_390 = arith.constant 0 : i32
      %dma_wait3A_391 = tpu.memref_slice %arg11[%dma_wait3A_384, %dma_wait3A_390] : memref<8x128xi32, #tpu.memory_space<vmem>> -> memref<1x128xi32, #tpu.memory_space<vmem>>
      %dma_wait3A_392 = tpu.memref_squeeze %dma_wait3A_391 : memref<1x128xi32, #tpu.memory_space<vmem>> -> memref<128xi32, #tpu.memory_space<vmem>>
      %dma_wait3A_393 = arith.constant 0 : i32
      %dma_wait3A_394 = arith.constant 0 : i32
      %dma_wait3A_395 = tpu.memref_slice %arg2[%dma_wait3A_393, %dma_wait3A_394] : memref<100000x16xf32, #tpu.memory_space<hbm>> -> memref<100000x16xf32, #tpu.memory_space<hbm>>
      tpu.wait_indirect_dma semaphore(%arg35 : memref<!tpu.dma_semaphore, #tpu.memory_space<semaphore_mem>>) src(%dma_wait3A_395 : memref<100000x16xf32, #tpu.memory_space<hbm>>) dst(%dma_wait3A_389 : memref<128x16xf32, #tpu.memory_space<vmem>>)
      %dma_wait3A_396 = arith.constant 2 : i32
      %dma_wait3A_397 = arith.constant 2 : i32
      %dma_wait3A_398 = arith.constant 0 : i32
      %dma_wait3A_399 = arith.constant 0 : i32
      %dma_wait3A_400 = tpu.memref_slice %arg23[%dma_wait3A_397, %dma_wait3A_398, %dma_wait3A_399] : memref<8x128x16xf32, #tpu.memory_space<vmem>> -> memref<1x128x16xf32, #tpu.memory_space<vmem>>
      %dma_wait3A_401 = tpu.memref_squeeze %dma_wait3A_400 : memref<1x128x16xf32, #tpu.memory_space<vmem>> -> memref<128x16xf32, #tpu.memory_space<vmem>>
      %dma_wait3A_402 = arith.constant 0 : i32
      %dma_wait3A_403 = tpu.memref_slice %arg13[%dma_wait3A_396, %dma_wait3A_402] : memref<8x128xi32, #tpu.memory_space<vmem>> -> memref<1x128xi32, #tpu.memory_space<vmem>>
      %dma_wait3A_404 = tpu.memref_squeeze %dma_wait3A_403 : memref<1x128xi32, #tpu.memory_space<vmem>> -> memref<128xi32, #tpu.memory_space<vmem>>
      %dma_wait3A_405 = arith.constant 0 : i32
      %dma_wait3A_406 = arith.constant 0 : i32
      %dma_wait3A_407 = tpu.memref_slice %arg2[%dma_wait3A_405, %dma_wait3A_406] : memref<100000x16xf32, #tpu.memory_space<hbm>> -> memref<100000x16xf32, #tpu.memory_space<hbm>>
      tpu.wait_indirect_dma semaphore(%arg35 : memref<!tpu.dma_semaphore, #tpu.memory_space<semaphore_mem>>) src(%dma_wait3A_407 : memref<100000x16xf32, #tpu.memory_space<hbm>>) dst(%dma_wait3A_401 : memref<128x16xf32, #tpu.memory_space<vmem>>)
      %dma_wait3A_408 = arith.constant 3 : i32
      %dma_wait3A_409 = arith.constant 3 : i32
      %dma_wait3A_410 = arith.constant 0 : i32
      %dma_wait3A_411 = arith.constant 0 : i32
      %dma_wait3A_412 = tpu.memref_slice %arg21[%dma_wait3A_409, %dma_wait3A_410, %dma_wait3A_411] : memref<8x128x16xf32, #tpu.memory_space<vmem>> -> memref<1x128x16xf32, #tpu.memory_space<vmem>>
      %dma_wait3A_413 = tpu.memref_squeeze %dma_wait3A_412 : memref<1x128x16xf32, #tpu.memory_space<vmem>> -> memref<128x16xf32, #tpu.memory_space<vmem>>
      %dma_wait3A_414 = arith.constant 0 : i32
      %dma_wait3A_415 = tpu.memref_slice %arg11[%dma_wait3A_408, %dma_wait3A_414] : memref<8x128xi32, #tpu.memory_space<vmem>> -> memref<1x128xi32, #tpu.memory_space<vmem>>
      %dma_wait3A_416 = tpu.memref_squeeze %dma_wait3A_415 : memref<1x128xi32, #tpu.memory_space<vmem>> -> memref<128xi32, #tpu.memory_space<vmem>>
      %dma_wait3A_417 = arith.constant 0 : i32
      %dma_wait3A_418 = arith.constant 0 : i32
      %dma_wait3A_419 = tpu.memref_slice %arg2[%dma_wait3A_417, %dma_wait3A_418] : memref<100000x16xf32, #tpu.memory_space<hbm>> -> memref<100000x16xf32, #tpu.memory_space<hbm>>
      tpu.wait_indirect_dma semaphore(%arg35 : memref<!tpu.dma_semaphore, #tpu.memory_space<semaphore_mem>>) src(%dma_wait3A_419 : memref<100000x16xf32, #tpu.memory_space<hbm>>) dst(%dma_wait3A_413 : memref<128x16xf32, #tpu.memory_space<vmem>>)
      %dma_wait3A_420 = arith.constant 3 : i32
      %dma_wait3A_421 = arith.constant 3 : i32
      %dma_wait3A_422 = arith.constant 0 : i32
      %dma_wait3A_423 = arith.constant 0 : i32
      %dma_wait3A_424 = tpu.memref_slice %arg23[%dma_wait3A_421, %dma_wait3A_422, %dma_wait3A_423] : memref<8x128x16xf32, #tpu.memory_space<vmem>> -> memref<1x128x16xf32, #tpu.memory_space<vmem>>
      %dma_wait3A_425 = tpu.memref_squeeze %dma_wait3A_424 : memref<1x128x16xf32, #tpu.memory_space<vmem>> -> memref<128x16xf32, #tpu.memory_space<vmem>>
      %dma_wait3A_426 = arith.constant 0 : i32
      %dma_wait3A_427 = tpu.memref_slice %arg13[%dma_wait3A_420, %dma_wait3A_426] : memref<8x128xi32, #tpu.memory_space<vmem>> -> memref<1x128xi32, #tpu.memory_space<vmem>>
      %dma_wait3A_428 = tpu.memref_squeeze %dma_wait3A_427 : memref<1x128xi32, #tpu.memory_space<vmem>> -> memref<128xi32, #tpu.memory_space<vmem>>
      %dma_wait3A_429 = arith.constant 0 : i32
      %dma_wait3A_430 = arith.constant 0 : i32
      %dma_wait3A_431 = tpu.memref_slice %arg2[%dma_wait3A_429, %dma_wait3A_430] : memref<100000x16xf32, #tpu.memory_space<hbm>> -> memref<100000x16xf32, #tpu.memory_space<hbm>>
      tpu.wait_indirect_dma semaphore(%arg35 : memref<!tpu.dma_semaphore, #tpu.memory_space<semaphore_mem>>) src(%dma_wait3A_431 : memref<100000x16xf32, #tpu.memory_space<hbm>>) dst(%dma_wait3A_425 : memref<128x16xf32, #tpu.memory_space<vmem>>)
      %dma_wait3A_432 = arith.constant 4 : i32
      %dma_wait3A_433 = arith.constant 4 : i32
      %dma_wait3A_434 = arith.constant 0 : i32
      %dma_wait3A_435 = arith.constant 0 : i32
      %dma_wait3A_436 = tpu.memref_slice %arg21[%dma_wait3A_433, %dma_wait3A_434, %dma_wait3A_435] : memref<8x128x16xf32, #tpu.memory_space<vmem>> -> memref<1x128x16xf32, #tpu.memory_space<vmem>>
      %dma_wait3A_437 = tpu.memref_squeeze %dma_wait3A_436 : memref<1x128x16xf32, #tpu.memory_space<vmem>> -> memref<128x16xf32, #tpu.memory_space<vmem>>
      %dma_wait3A_438 = arith.constant 0 : i32
      %dma_wait3A_439 = tpu.memref_slice %arg11[%dma_wait3A_432, %dma_wait3A_438] : memref<8x128xi32, #tpu.memory_space<vmem>> -> memref<1x128xi32, #tpu.memory_space<vmem>>
      %dma_wait3A_440 = tpu.memref_squeeze %dma_wait3A_439 : memref<1x128xi32, #tpu.memory_space<vmem>> -> memref<128xi32, #tpu.memory_space<vmem>>
      %dma_wait3A_441 = arith.constant 0 : i32
      %dma_wait3A_442 = arith.constant 0 : i32
      %dma_wait3A_443 = tpu.memref_slice %arg2[%dma_wait3A_441, %dma_wait3A_442] : memref<100000x16xf32, #tpu.memory_space<hbm>> -> memref<100000x16xf32, #tpu.memory_space<hbm>>
      tpu.wait_indirect_dma semaphore(%arg35 : memref<!tpu.dma_semaphore, #tpu.memory_space<semaphore_mem>>) src(%dma_wait3A_443 : memref<100000x16xf32, #tpu.memory_space<hbm>>) dst(%dma_wait3A_437 : memref<128x16xf32, #tpu.memory_space<vmem>>)
      %dma_wait3A_444 = arith.constant 4 : i32
      %dma_wait3A_445 = arith.constant 4 : i32
      %dma_wait3A_446 = arith.constant 0 : i32
      %dma_wait3A_447 = arith.constant 0 : i32
      %dma_wait3A_448 = tpu.memref_slice %arg23[%dma_wait3A_445, %dma_wait3A_446, %dma_wait3A_447] : memref<8x128x16xf32, #tpu.memory_space<vmem>> -> memref<1x128x16xf32, #tpu.memory_space<vmem>>
      %dma_wait3A_449 = tpu.memref_squeeze %dma_wait3A_448 : memref<1x128x16xf32, #tpu.memory_space<vmem>> -> memref<128x16xf32, #tpu.memory_space<vmem>>
      %dma_wait3A_450 = arith.constant 0 : i32
      %dma_wait3A_451 = tpu.memref_slice %arg13[%dma_wait3A_444, %dma_wait3A_450] : memref<8x128xi32, #tpu.memory_space<vmem>> -> memref<1x128xi32, #tpu.memory_space<vmem>>
      %dma_wait3A_452 = tpu.memref_squeeze %dma_wait3A_451 : memref<1x128xi32, #tpu.memory_space<vmem>> -> memref<128xi32, #tpu.memory_space<vmem>>
      %dma_wait3A_453 = arith.constant 0 : i32
      %dma_wait3A_454 = arith.constant 0 : i32
      %dma_wait3A_455 = tpu.memref_slice %arg2[%dma_wait3A_453, %dma_wait3A_454] : memref<100000x16xf32, #tpu.memory_space<hbm>> -> memref<100000x16xf32, #tpu.memory_space<hbm>>
      tpu.wait_indirect_dma semaphore(%arg35 : memref<!tpu.dma_semaphore, #tpu.memory_space<semaphore_mem>>) src(%dma_wait3A_455 : memref<100000x16xf32, #tpu.memory_space<hbm>>) dst(%dma_wait3A_449 : memref<128x16xf32, #tpu.memory_space<vmem>>)
      %dma_wait3A_456 = arith.constant 5 : i32
      %dma_wait3A_457 = arith.constant 5 : i32
      %dma_wait3A_458 = arith.constant 0 : i32
      %dma_wait3A_459 = arith.constant 0 : i32
      %dma_wait3A_460 = tpu.memref_slice %arg21[%dma_wait3A_457, %dma_wait3A_458, %dma_wait3A_459] : memref<8x128x16xf32, #tpu.memory_space<vmem>> -> memref<1x128x16xf32, #tpu.memory_space<vmem>>
      %dma_wait3A_461 = tpu.memref_squeeze %dma_wait3A_460 : memref<1x128x16xf32, #tpu.memory_space<vmem>> -> memref<128x16xf32, #tpu.memory_space<vmem>>
      %dma_wait3A_462 = arith.constant 0 : i32
      %dma_wait3A_463 = tpu.memref_slice %arg11[%dma_wait3A_456, %dma_wait3A_462] : memref<8x128xi32, #tpu.memory_space<vmem>> -> memref<1x128xi32, #tpu.memory_space<vmem>>
      %dma_wait3A_464 = tpu.memref_squeeze %dma_wait3A_463 : memref<1x128xi32, #tpu.memory_space<vmem>> -> memref<128xi32, #tpu.memory_space<vmem>>
      %dma_wait3A_465 = arith.constant 0 : i32
      %dma_wait3A_466 = arith.constant 0 : i32
      %dma_wait3A_467 = tpu.memref_slice %arg2[%dma_wait3A_465, %dma_wait3A_466] : memref<100000x16xf32, #tpu.memory_space<hbm>> -> memref<100000x16xf32, #tpu.memory_space<hbm>>
      tpu.wait_indirect_dma semaphore(%arg35 : memref<!tpu.dma_semaphore, #tpu.memory_space<semaphore_mem>>) src(%dma_wait3A_467 : memref<100000x16xf32, #tpu.memory_space<hbm>>) dst(%dma_wait3A_461 : memref<128x16xf32, #tpu.memory_space<vmem>>)
      %dma_wait3A_468 = arith.constant 5 : i32
      %dma_wait3A_469 = arith.constant 5 : i32
      %dma_wait3A_470 = arith.constant 0 : i32
      %dma_wait3A_471 = arith.constant 0 : i32
      %dma_wait3A_472 = tpu.memref_slice %arg23[%dma_wait3A_469, %dma_wait3A_470, %dma_wait3A_471] : memref<8x128x16xf32, #tpu.memory_space<vmem>> -> memref<1x128x16xf32, #tpu.memory_space<vmem>>
      %dma_wait3A_473 = tpu.memref_squeeze %dma_wait3A_472 : memref<1x128x16xf32, #tpu.memory_space<vmem>> -> memref<128x16xf32, #tpu.memory_space<vmem>>
      %dma_wait3A_474 = arith.constant 0 : i32
      %dma_wait3A_475 = tpu.memref_slice %arg13[%dma_wait3A_468, %dma_wait3A_474] : memref<8x128xi32, #tpu.memory_space<vmem>> -> memref<1x128xi32, #tpu.memory_space<vmem>>
      %dma_wait3A_476 = tpu.memref_squeeze %dma_wait3A_475 : memref<1x128xi32, #tpu.memory_space<vmem>> -> memref<128xi32, #tpu.memory_space<vmem>>
      %dma_wait3A_477 = arith.constant 0 : i32
      %dma_wait3A_478 = arith.constant 0 : i32
      %dma_wait3A_479 = tpu.memref_slice %arg2[%dma_wait3A_477, %dma_wait3A_478] : memref<100000x16xf32, #tpu.memory_space<hbm>> -> memref<100000x16xf32, #tpu.memory_space<hbm>>
      tpu.wait_indirect_dma semaphore(%arg35 : memref<!tpu.dma_semaphore, #tpu.memory_space<semaphore_mem>>) src(%dma_wait3A_479 : memref<100000x16xf32, #tpu.memory_space<hbm>>) dst(%dma_wait3A_473 : memref<128x16xf32, #tpu.memory_space<vmem>>)
      %dma_wait3A_480 = arith.constant 6 : i32
      %dma_wait3A_481 = arith.constant 6 : i32
      %dma_wait3A_482 = arith.constant 0 : i32
      %dma_wait3A_483 = arith.constant 0 : i32
      %dma_wait3A_484 = tpu.memref_slice %arg21[%dma_wait3A_481, %dma_wait3A_482, %dma_wait3A_483] : memref<8x128x16xf32, #tpu.memory_space<vmem>> -> memref<1x128x16xf32, #tpu.memory_space<vmem>>
      %dma_wait3A_485 = tpu.memref_squeeze %dma_wait3A_484 : memref<1x128x16xf32, #tpu.memory_space<vmem>> -> memref<128x16xf32, #tpu.memory_space<vmem>>
      %dma_wait3A_486 = arith.constant 0 : i32
      %dma_wait3A_487 = tpu.memref_slice %arg11[%dma_wait3A_480, %dma_wait3A_486] : memref<8x128xi32, #tpu.memory_space<vmem>> -> memref<1x128xi32, #tpu.memory_space<vmem>>
      %dma_wait3A_488 = tpu.memref_squeeze %dma_wait3A_487 : memref<1x128xi32, #tpu.memory_space<vmem>> -> memref<128xi32, #tpu.memory_space<vmem>>
      %dma_wait3A_489 = arith.constant 0 : i32
      %dma_wait3A_490 = arith.constant 0 : i32
      %dma_wait3A_491 = tpu.memref_slice %arg2[%dma_wait3A_489, %dma_wait3A_490] : memref<100000x16xf32, #tpu.memory_space<hbm>> -> memref<100000x16xf32, #tpu.memory_space<hbm>>
      tpu.wait_indirect_dma semaphore(%arg35 : memref<!tpu.dma_semaphore, #tpu.memory_space<semaphore_mem>>) src(%dma_wait3A_491 : memref<100000x16xf32, #tpu.memory_space<hbm>>) dst(%dma_wait3A_485 : memref<128x16xf32, #tpu.memory_space<vmem>>)
      %dma_wait3A_492 = arith.constant 6 : i32
      %dma_wait3A_493 = arith.constant 6 : i32
      %dma_wait3A_494 = arith.constant 0 : i32
      %dma_wait3A_495 = arith.constant 0 : i32
      %dma_wait3A_496 = tpu.memref_slice %arg23[%dma_wait3A_493, %dma_wait3A_494, %dma_wait3A_495] : memref<8x128x16xf32, #tpu.memory_space<vmem>> -> memref<1x128x16xf32, #tpu.memory_space<vmem>>
      %dma_wait3A_497 = tpu.memref_squeeze %dma_wait3A_496 : memref<1x128x16xf32, #tpu.memory_space<vmem>> -> memref<128x16xf32, #tpu.memory_space<vmem>>
      %dma_wait3A_498 = arith.constant 0 : i32
      %dma_wait3A_499 = tpu.memref_slice %arg13[%dma_wait3A_492, %dma_wait3A_498] : memref<8x128xi32, #tpu.memory_space<vmem>> -> memref<1x128xi32, #tpu.memory_space<vmem>>
      %dma_wait3A_500 = tpu.memref_squeeze %dma_wait3A_499 : memref<1x128xi32, #tpu.memory_space<vmem>> -> memref<128xi32, #tpu.memory_space<vmem>>
      %dma_wait3A_501 = arith.constant 0 : i32
      %dma_wait3A_502 = arith.constant 0 : i32
      %dma_wait3A_503 = tpu.memref_slice %arg2[%dma_wait3A_501, %dma_wait3A_502] : memref<100000x16xf32, #tpu.memory_space<hbm>> -> memref<100000x16xf32, #tpu.memory_space<hbm>>
      tpu.wait_indirect_dma semaphore(%arg35 : memref<!tpu.dma_semaphore, #tpu.memory_space<semaphore_mem>>) src(%dma_wait3A_503 : memref<100000x16xf32, #tpu.memory_space<hbm>>) dst(%dma_wait3A_497 : memref<128x16xf32, #tpu.memory_space<vmem>>)
      %dma_wait3A_504 = arith.constant 7 : i32
      %dma_wait3A_505 = arith.constant 7 : i32
      %dma_wait3A_506 = arith.constant 0 : i32
      %dma_wait3A_507 = arith.constant 0 : i32
      %dma_wait3A_508 = tpu.memref_slice %arg21[%dma_wait3A_505, %dma_wait3A_506, %dma_wait3A_507] : memref<8x128x16xf32, #tpu.memory_space<vmem>> -> memref<1x128x16xf32, #tpu.memory_space<vmem>>
      %dma_wait3A_509 = tpu.memref_squeeze %dma_wait3A_508 : memref<1x128x16xf32, #tpu.memory_space<vmem>> -> memref<128x16xf32, #tpu.memory_space<vmem>>
      %dma_wait3A_510 = arith.constant 0 : i32
      %dma_wait3A_511 = tpu.memref_slice %arg11[%dma_wait3A_504, %dma_wait3A_510] : memref<8x128xi32, #tpu.memory_space<vmem>> -> memref<1x128xi32, #tpu.memory_space<vmem>>
      %dma_wait3A_512 = tpu.memref_squeeze %dma_wait3A_511 : memref<1x128xi32, #tpu.memory_space<vmem>> -> memref<128xi32, #tpu.memory_space<vmem>>
      %dma_wait3A_513 = arith.constant 0 : i32
      %dma_wait3A_514 = arith.constant 0 : i32
      %dma_wait3A_515 = tpu.memref_slice %arg2[%dma_wait3A_513, %dma_wait3A_514] : memref<100000x16xf32, #tpu.memory_space<hbm>> -> memref<100000x16xf32, #tpu.memory_space<hbm>>
      tpu.wait_indirect_dma semaphore(%arg35 : memref<!tpu.dma_semaphore, #tpu.memory_space<semaphore_mem>>) src(%dma_wait3A_515 : memref<100000x16xf32, #tpu.memory_space<hbm>>) dst(%dma_wait3A_509 : memref<128x16xf32, #tpu.memory_space<vmem>>)
      %dma_wait3A_516 = arith.constant 7 : i32
      %dma_wait3A_517 = arith.constant 7 : i32
      %dma_wait3A_518 = arith.constant 0 : i32
      %dma_wait3A_519 = arith.constant 0 : i32
      %dma_wait3A_520 = tpu.memref_slice %arg23[%dma_wait3A_517, %dma_wait3A_518, %dma_wait3A_519] : memref<8x128x16xf32, #tpu.memory_space<vmem>> -> memref<1x128x16xf32, #tpu.memory_space<vmem>>
      %dma_wait3A_521 = tpu.memref_squeeze %dma_wait3A_520 : memref<1x128x16xf32, #tpu.memory_space<vmem>> -> memref<128x16xf32, #tpu.memory_space<vmem>>
      %dma_wait3A_522 = arith.constant 0 : i32
      %dma_wait3A_523 = tpu.memref_slice %arg13[%dma_wait3A_516, %dma_wait3A_522] : memref<8x128xi32, #tpu.memory_space<vmem>> -> memref<1x128xi32, #tpu.memory_space<vmem>>
      %dma_wait3A_524 = tpu.memref_squeeze %dma_wait3A_523 : memref<1x128xi32, #tpu.memory_space<vmem>> -> memref<128xi32, #tpu.memory_space<vmem>>
      %dma_wait3A_525 = arith.constant 0 : i32
      %dma_wait3A_526 = arith.constant 0 : i32
      %dma_wait3A_527 = tpu.memref_slice %arg2[%dma_wait3A_525, %dma_wait3A_526] : memref<100000x16xf32, #tpu.memory_space<hbm>> -> memref<100000x16xf32, #tpu.memory_space<hbm>>
      tpu.wait_indirect_dma semaphore(%arg35 : memref<!tpu.dma_semaphore, #tpu.memory_space<semaphore_mem>>) src(%dma_wait3A_527 : memref<100000x16xf32, #tpu.memory_space<hbm>>) dst(%dma_wait3A_521 : memref<128x16xf32, #tpu.memory_space<vmem>>)
      %lt3A = arith.cmpi slt, %add3A_331, %select_n3A : i32
      %convert_element_type3A_528 = arith.extui %lt3A : i1 to i32
      %cond3A_529 = arith.constant 0 : i32
      %cond3A_530 = arith.cmpi ne, %convert_element_type3A_528, %cond3A_529 : i32
      scf.if %cond3A_530 {
        %dma_wait3A_566 = arith.constant 0 : i32
        %dma_wait3A_567 = arith.constant 0 : i32
        %dma_wait3A_568 = arith.constant 0 : i32
        %dma_wait3A_569 = tpu.memref_slice %arg6[%dma_wait3A_566, %dma_wait3A_567, %dma_wait3A_568] : memref<2x25000x128xi32, #tpu.memory_space<hbm>> -> memref<1x8x128xi32, #tpu.memory_space<hbm>>
        %dma_wait3A_570 = tpu.memref_squeeze %dma_wait3A_569 : memref<1x8x128xi32, #tpu.memory_space<hbm>> -> memref<8x128xi32, #tpu.memory_space<hbm>>
        %dma_wait3A_571 = arith.constant 0 : i32
        %dma_wait3A_572 = arith.constant 0 : i32
        %dma_wait3A_573 = tpu.memref_slice %arg6[%dma_wait3A_566, %dma_wait3A_571, %dma_wait3A_572] : memref<2x25000x128xi32, #tpu.memory_space<hbm>> -> memref<1x8x128xi32, #tpu.memory_space<hbm>>
        %dma_wait3A_574 = tpu.memref_squeeze %dma_wait3A_573 : memref<1x8x128xi32, #tpu.memory_space<hbm>> -> memref<8x128xi32, #tpu.memory_space<hbm>>
        tpu.wait_dma2 semaphore(%arg34 : memref<!tpu.dma_semaphore, #tpu.memory_space<semaphore_mem>>) src(%dma_wait3A_574 : memref<8x128xi32, #tpu.memory_space<hbm>>) dst(%arg12 : memref<8x128xi32, #tpu.memory_space<vmem>>)
        %dma_wait3A_575 = arith.constant 1 : i32
        %dma_wait3A_576 = arith.constant 0 : i32
        %dma_wait3A_577 = arith.constant 0 : i32
        %dma_wait3A_578 = tpu.memref_slice %arg6[%dma_wait3A_575, %dma_wait3A_576, %dma_wait3A_577] : memref<2x25000x128xi32, #tpu.memory_space<hbm>> -> memref<1x8x128xi32, #tpu.memory_space<hbm>>
        %dma_wait3A_579 = tpu.memref_squeeze %dma_wait3A_578 : memref<1x8x128xi32, #tpu.memory_space<hbm>> -> memref<8x128xi32, #tpu.memory_space<hbm>>
        %dma_wait3A_580 = arith.constant 0 : i32
        %dma_wait3A_581 = arith.constant 0 : i32
        %dma_wait3A_582 = tpu.memref_slice %arg6[%dma_wait3A_575, %dma_wait3A_580, %dma_wait3A_581] : memref<2x25000x128xi32, #tpu.memory_space<hbm>> -> memref<1x8x128xi32, #tpu.memory_space<hbm>>
        %dma_wait3A_583 = tpu.memref_squeeze %dma_wait3A_582 : memref<1x8x128xi32, #tpu.memory_space<hbm>> -> memref<8x128xi32, #tpu.memory_space<hbm>>
        tpu.wait_dma2 semaphore(%arg34 : memref<!tpu.dma_semaphore, #tpu.memory_space<semaphore_mem>>) src(%dma_wait3A_583 : memref<8x128xi32, #tpu.memory_space<hbm>>) dst(%arg14 : memref<8x128xi32, #tpu.memory_space<vmem>>)
        %dma_wait3A_584 = arith.constant 0 : i32
        %dma_wait3A_585 = tpu.memref_slice %arg3[%dma_wait3A_584] : memref<3200000xf32, #tpu.memory_space<hbm>> -> memref<1024xf32, #tpu.memory_space<hbm>>
        %dma_wait3A_586 = arith.constant 0 : i32
        %dma_wait3A_587 = tpu.memref_slice %arg3[%dma_wait3A_586] : memref<3200000xf32, #tpu.memory_space<hbm>> -> memref<1024xf32, #tpu.memory_space<hbm>>
        tpu.wait_dma2 semaphore(%arg34 : memref<!tpu.dma_semaphore, #tpu.memory_space<semaphore_mem>>) src(%dma_wait3A_587 : memref<1024xf32, #tpu.memory_space<hbm>>) dst(%arg16 : memref<1024xf32, #tpu.memory_space<vmem>>)
        %dma_wait3A_588 = arith.constant 0 : i32
        %dma_wait3A_589 = tpu.memref_slice %arg4[%dma_wait3A_588] : memref<3200000xf32, #tpu.memory_space<hbm>> -> memref<1024xf32, #tpu.memory_space<hbm>>
        %dma_wait3A_590 = arith.constant 0 : i32
        %dma_wait3A_591 = tpu.memref_slice %arg4[%dma_wait3A_590] : memref<3200000xf32, #tpu.memory_space<hbm>> -> memref<1024xf32, #tpu.memory_space<hbm>>
        tpu.wait_dma2 semaphore(%arg34 : memref<!tpu.dma_semaphore, #tpu.memory_space<semaphore_mem>>) src(%dma_wait3A_591 : memref<1024xf32, #tpu.memory_space<hbm>>) dst(%arg18 : memref<1024xf32, #tpu.memory_space<vmem>>)
        %dma_wait3A_592 = arith.constant 0 : i32
        %dma_wait3A_593 = tpu.memref_slice %arg5[%dma_wait3A_592] : memref<3200000xf32, #tpu.memory_space<hbm>> -> memref<1024xf32, #tpu.memory_space<hbm>>
        %dma_wait3A_594 = arith.constant 0 : i32
        %dma_wait3A_595 = tpu.memref_slice %arg5[%dma_wait3A_594] : memref<3200000xf32, #tpu.memory_space<hbm>> -> memref<1024xf32, #tpu.memory_space<hbm>>
        tpu.wait_dma2 semaphore(%arg34 : memref<!tpu.dma_semaphore, #tpu.memory_space<semaphore_mem>>) src(%dma_wait3A_595 : memref<1024xf32, #tpu.memory_space<hbm>>) dst(%arg20 : memref<1024xf32, #tpu.memory_space<vmem>>)
        %dma_start3A_596 = arith.constant 0 : i32
        %dma_start3A_597 = arith.constant 0 : i32
        %dma_start3A_598 = arith.constant 0 : i32
        %dma_start3A_599 = arith.constant 0 : i32
        %dma_start3A_600 = tpu.memref_slice %arg22[%dma_start3A_597, %dma_start3A_598, %dma_start3A_599] : memref<8x128x16xf32, #tpu.memory_space<vmem>> -> memref<1x128x16xf32, #tpu.memory_space<vmem>>
        %dma_start3A_601 = tpu.memref_squeeze %dma_start3A_600 : memref<1x128x16xf32, #tpu.memory_space<vmem>> -> memref<128x16xf32, #tpu.memory_space<vmem>>
        %dma_start3A_602 = arith.constant 0 : i32
        %dma_start3A_603 = tpu.memref_slice %arg12[%dma_start3A_596, %dma_start3A_602] : memref<8x128xi32, #tpu.memory_space<vmem>> -> memref<1x128xi32, #tpu.memory_space<vmem>>
        %dma_start3A_604 = tpu.memref_squeeze %dma_start3A_603 : memref<1x128xi32, #tpu.memory_space<vmem>> -> memref<128xi32, #tpu.memory_space<vmem>>
        %dma_start3A_605 = arith.constant 0 : i32
        %dma_start3A_606 = arith.constant 0 : i32
        %dma_start3A_607 = tpu.memref_slice %arg2[%dma_start3A_605, %dma_start3A_606] : memref<100000x16xf32, #tpu.memory_space<hbm>> -> memref<100000x16xf32, #tpu.memory_space<hbm>>
        tpu.enqueue_indirect_dma source(%dma_start3A_607 : memref<100000x16xf32, #tpu.memory_space<hbm>>) target(%dma_start3A_601 : memref<128x16xf32, #tpu.memory_space<vmem>>) offsets(%dma_start3A_604 : memref<128xi32, #tpu.memory_space<vmem>>) semaphore(%arg36 : memref<!tpu.dma_semaphore, #tpu.memory_space<semaphore_mem>>)
        %dma_start3A_608 = arith.constant 0 : i32
        %dma_start3A_609 = arith.constant 0 : i32
        %dma_start3A_610 = arith.constant 0 : i32
        %dma_start3A_611 = arith.constant 0 : i32
        %dma_start3A_612 = tpu.memref_slice %arg24[%dma_start3A_609, %dma_start3A_610, %dma_start3A_611] : memref<8x128x16xf32, #tpu.memory_space<vmem>> -> memref<1x128x16xf32, #tpu.memory_space<vmem>>
        %dma_start3A_613 = tpu.memref_squeeze %dma_start3A_612 : memref<1x128x16xf32, #tpu.memory_space<vmem>> -> memref<128x16xf32, #tpu.memory_space<vmem>>
        %dma_start3A_614 = arith.constant 0 : i32
        %dma_start3A_615 = tpu.memref_slice %arg14[%dma_start3A_608, %dma_start3A_614] : memref<8x128xi32, #tpu.memory_space<vmem>> -> memref<1x128xi32, #tpu.memory_space<vmem>>
        %dma_start3A_616 = tpu.memref_squeeze %dma_start3A_615 : memref<1x128xi32, #tpu.memory_space<vmem>> -> memref<128xi32, #tpu.memory_space<vmem>>
        %dma_start3A_617 = arith.constant 0 : i32
        %dma_start3A_618 = arith.constant 0 : i32
        %dma_start3A_619 = tpu.memref_slice %arg2[%dma_start3A_617, %dma_start3A_618] : memref<100000x16xf32, #tpu.memory_space<hbm>> -> memref<100000x16xf32, #tpu.memory_space<hbm>>
        tpu.enqueue_indirect_dma source(%dma_start3A_619 : memref<100000x16xf32, #tpu.memory_space<hbm>>) target(%dma_start3A_613 : memref<128x16xf32, #tpu.memory_space<vmem>>) offsets(%dma_start3A_616 : memref<128xi32, #tpu.memory_space<vmem>>) semaphore(%arg36 : memref<!tpu.dma_semaphore, #tpu.memory_space<semaphore_mem>>)
        %dma_start3A_620 = arith.constant 1 : i32
        %dma_start3A_621 = arith.constant 1 : i32
        %dma_start3A_622 = arith.constant 0 : i32
        %dma_start3A_623 = arith.constant 0 : i32
        %dma_start3A_624 = tpu.memref_slice %arg22[%dma_start3A_621, %dma_start3A_622, %dma_start3A_623] : memref<8x128x16xf32, #tpu.memory_space<vmem>> -> memref<1x128x16xf32, #tpu.memory_space<vmem>>
        %dma_start3A_625 = tpu.memref_squeeze %dma_start3A_624 : memref<1x128x16xf32, #tpu.memory_space<vmem>> -> memref<128x16xf32, #tpu.memory_space<vmem>>
        %dma_start3A_626 = arith.constant 0 : i32
        %dma_start3A_627 = tpu.memref_slice %arg12[%dma_start3A_620, %dma_start3A_626] : memref<8x128xi32, #tpu.memory_space<vmem>> -> memref<1x128xi32, #tpu.memory_space<vmem>>
        %dma_start3A_628 = tpu.memref_squeeze %dma_start3A_627 : memref<1x128xi32, #tpu.memory_space<vmem>> -> memref<128xi32, #tpu.memory_space<vmem>>
        %dma_start3A_629 = arith.constant 0 : i32
        %dma_start3A_630 = arith.constant 0 : i32
        %dma_start3A_631 = tpu.memref_slice %arg2[%dma_start3A_629, %dma_start3A_630] : memref<100000x16xf32, #tpu.memory_space<hbm>> -> memref<100000x16xf32, #tpu.memory_space<hbm>>
        tpu.enqueue_indirect_dma source(%dma_start3A_631 : memref<100000x16xf32, #tpu.memory_space<hbm>>) target(%dma_start3A_625 : memref<128x16xf32, #tpu.memory_space<vmem>>) offsets(%dma_start3A_628 : memref<128xi32, #tpu.memory_space<vmem>>) semaphore(%arg36 : memref<!tpu.dma_semaphore, #tpu.memory_space<semaphore_mem>>)
        %dma_start3A_632 = arith.constant 1 : i32
        %dma_start3A_633 = arith.constant 1 : i32
        %dma_start3A_634 = arith.constant 0 : i32
        %dma_start3A_635 = arith.constant 0 : i32
        %dma_start3A_636 = tpu.memref_slice %arg24[%dma_start3A_633, %dma_start3A_634, %dma_start3A_635] : memref<8x128x16xf32, #tpu.memory_space<vmem>> -> memref<1x128x16xf32, #tpu.memory_space<vmem>>
        %dma_start3A_637 = tpu.memref_squeeze %dma_start3A_636 : memref<1x128x16xf32, #tpu.memory_space<vmem>> -> memref<128x16xf32, #tpu.memory_space<vmem>>
        %dma_start3A_638 = arith.constant 0 : i32
        %dma_start3A_639 = tpu.memref_slice %arg14[%dma_start3A_632, %dma_start3A_638] : memref<8x128xi32, #tpu.memory_space<vmem>> -> memref<1x128xi32, #tpu.memory_space<vmem>>
        %dma_start3A_640 = tpu.memref_squeeze %dma_start3A_639 : memref<1x128xi32, #tpu.memory_space<vmem>> -> memref<128xi32, #tpu.memory_space<vmem>>
        %dma_start3A_641 = arith.constant 0 : i32
        %dma_start3A_642 = arith.constant 0 : i32
        %dma_start3A_643 = tpu.memref_slice %arg2[%dma_start3A_641, %dma_start3A_642] : memref<100000x16xf32, #tpu.memory_space<hbm>> -> memref<100000x16xf32, #tpu.memory_space<hbm>>
        tpu.enqueue_indirect_dma source(%dma_start3A_643 : memref<100000x16xf32, #tpu.memory_space<hbm>>) target(%dma_start3A_637 : memref<128x16xf32, #tpu.memory_space<vmem>>) offsets(%dma_start3A_640 : memref<128xi32, #tpu.memory_space<vmem>>) semaphore(%arg36 : memref<!tpu.dma_semaphore, #tpu.memory_space<semaphore_mem>>)
        %dma_start3A_644 = arith.constant 2 : i32
        %dma_start3A_645 = arith.constant 2 : i32
        %dma_start3A_646 = arith.constant 0 : i32
        %dma_start3A_647 = arith.constant 0 : i32
        %dma_start3A_648 = tpu.memref_slice %arg22[%dma_start3A_645, %dma_start3A_646, %dma_start3A_647] : memref<8x128x16xf32, #tpu.memory_space<vmem>> -> memref<1x128x16xf32, #tpu.memory_space<vmem>>
        %dma_start3A_649 = tpu.memref_squeeze %dma_start3A_648 : memref<1x128x16xf32, #tpu.memory_space<vmem>> -> memref<128x16xf32, #tpu.memory_space<vmem>>
        %dma_start3A_650 = arith.constant 0 : i32
        %dma_start3A_651 = tpu.memref_slice %arg12[%dma_start3A_644, %dma_start3A_650] : memref<8x128xi32, #tpu.memory_space<vmem>> -> memref<1x128xi32, #tpu.memory_space<vmem>>
        %dma_start3A_652 = tpu.memref_squeeze %dma_start3A_651 : memref<1x128xi32, #tpu.memory_space<vmem>> -> memref<128xi32, #tpu.memory_space<vmem>>
        %dma_start3A_653 = arith.constant 0 : i32
        %dma_start3A_654 = arith.constant 0 : i32
        %dma_start3A_655 = tpu.memref_slice %arg2[%dma_start3A_653, %dma_start3A_654] : memref<100000x16xf32, #tpu.memory_space<hbm>> -> memref<100000x16xf32, #tpu.memory_space<hbm>>
        tpu.enqueue_indirect_dma source(%dma_start3A_655 : memref<100000x16xf32, #tpu.memory_space<hbm>>) target(%dma_start3A_649 : memref<128x16xf32, #tpu.memory_space<vmem>>) offsets(%dma_start3A_652 : memref<128xi32, #tpu.memory_space<vmem>>) semaphore(%arg36 : memref<!tpu.dma_semaphore, #tpu.memory_space<semaphore_mem>>)
        %dma_start3A_656 = arith.constant 2 : i32
        %dma_start3A_657 = arith.constant 2 : i32
        %dma_start3A_658 = arith.constant 0 : i32
        %dma_start3A_659 = arith.constant 0 : i32
        %dma_start3A_660 = tpu.memref_slice %arg24[%dma_start3A_657, %dma_start3A_658, %dma_start3A_659] : memref<8x128x16xf32, #tpu.memory_space<vmem>> -> memref<1x128x16xf32, #tpu.memory_space<vmem>>
        %dma_start3A_661 = tpu.memref_squeeze %dma_start3A_660 : memref<1x128x16xf32, #tpu.memory_space<vmem>> -> memref<128x16xf32, #tpu.memory_space<vmem>>
        %dma_start3A_662 = arith.constant 0 : i32
        %dma_start3A_663 = tpu.memref_slice %arg14[%dma_start3A_656, %dma_start3A_662] : memref<8x128xi32, #tpu.memory_space<vmem>> -> memref<1x128xi32, #tpu.memory_space<vmem>>
        %dma_start3A_664 = tpu.memref_squeeze %dma_start3A_663 : memref<1x128xi32, #tpu.memory_space<vmem>> -> memref<128xi32, #tpu.memory_space<vmem>>
        %dma_start3A_665 = arith.constant 0 : i32
        %dma_start3A_666 = arith.constant 0 : i32
        %dma_start3A_667 = tpu.memref_slice %arg2[%dma_start3A_665, %dma_start3A_666] : memref<100000x16xf32, #tpu.memory_space<hbm>> -> memref<100000x16xf32, #tpu.memory_space<hbm>>
        tpu.enqueue_indirect_dma source(%dma_start3A_667 : memref<100000x16xf32, #tpu.memory_space<hbm>>) target(%dma_start3A_661 : memref<128x16xf32, #tpu.memory_space<vmem>>) offsets(%dma_start3A_664 : memref<128xi32, #tpu.memory_space<vmem>>) semaphore(%arg36 : memref<!tpu.dma_semaphore, #tpu.memory_space<semaphore_mem>>)
        %dma_start3A_668 = arith.constant 3 : i32
        %dma_start3A_669 = arith.constant 3 : i32
        %dma_start3A_670 = arith.constant 0 : i32
        %dma_start3A_671 = arith.constant 0 : i32
        %dma_start3A_672 = tpu.memref_slice %arg22[%dma_start3A_669, %dma_start3A_670, %dma_start3A_671] : memref<8x128x16xf32, #tpu.memory_space<vmem>> -> memref<1x128x16xf32, #tpu.memory_space<vmem>>
        %dma_start3A_673 = tpu.memref_squeeze %dma_start3A_672 : memref<1x128x16xf32, #tpu.memory_space<vmem>> -> memref<128x16xf32, #tpu.memory_space<vmem>>
        %dma_start3A_674 = arith.constant 0 : i32
        %dma_start3A_675 = tpu.memref_slice %arg12[%dma_start3A_668, %dma_start3A_674] : memref<8x128xi32, #tpu.memory_space<vmem>> -> memref<1x128xi32, #tpu.memory_space<vmem>>
        %dma_start3A_676 = tpu.memref_squeeze %dma_start3A_675 : memref<1x128xi32, #tpu.memory_space<vmem>> -> memref<128xi32, #tpu.memory_space<vmem>>
        %dma_start3A_677 = arith.constant 0 : i32
        %dma_start3A_678 = arith.constant 0 : i32
        %dma_start3A_679 = tpu.memref_slice %arg2[%dma_start3A_677, %dma_start3A_678] : memref<100000x16xf32, #tpu.memory_space<hbm>> -> memref<100000x16xf32, #tpu.memory_space<hbm>>
        tpu.enqueue_indirect_dma source(%dma_start3A_679 : memref<100000x16xf32, #tpu.memory_space<hbm>>) target(%dma_start3A_673 : memref<128x16xf32, #tpu.memory_space<vmem>>) offsets(%dma_start3A_676 : memref<128xi32, #tpu.memory_space<vmem>>) semaphore(%arg36 : memref<!tpu.dma_semaphore, #tpu.memory_space<semaphore_mem>>)
        %dma_start3A_680 = arith.constant 3 : i32
        %dma_start3A_681 = arith.constant 3 : i32
        %dma_start3A_682 = arith.constant 0 : i32
        %dma_start3A_683 = arith.constant 0 : i32
        %dma_start3A_684 = tpu.memref_slice %arg24[%dma_start3A_681, %dma_start3A_682, %dma_start3A_683] : memref<8x128x16xf32, #tpu.memory_space<vmem>> -> memref<1x128x16xf32, #tpu.memory_space<vmem>>
        %dma_start3A_685 = tpu.memref_squeeze %dma_start3A_684 : memref<1x128x16xf32, #tpu.memory_space<vmem>> -> memref<128x16xf32, #tpu.memory_space<vmem>>
        %dma_start3A_686 = arith.constant 0 : i32
        %dma_start3A_687 = tpu.memref_slice %arg14[%dma_start3A_680, %dma_start3A_686] : memref<8x128xi32, #tpu.memory_space<vmem>> -> memref<1x128xi32, #tpu.memory_space<vmem>>
        %dma_start3A_688 = tpu.memref_squeeze %dma_start3A_687 : memref<1x128xi32, #tpu.memory_space<vmem>> -> memref<128xi32, #tpu.memory_space<vmem>>
        %dma_start3A_689 = arith.constant 0 : i32
        %dma_start3A_690 = arith.constant 0 : i32
        %dma_start3A_691 = tpu.memref_slice %arg2[%dma_start3A_689, %dma_start3A_690] : memref<100000x16xf32, #tpu.memory_space<hbm>> -> memref<100000x16xf32, #tpu.memory_space<hbm>>
        tpu.enqueue_indirect_dma source(%dma_start3A_691 : memref<100000x16xf32, #tpu.memory_space<hbm>>) target(%dma_start3A_685 : memref<128x16xf32, #tpu.memory_space<vmem>>) offsets(%dma_start3A_688 : memref<128xi32, #tpu.memory_space<vmem>>) semaphore(%arg36 : memref<!tpu.dma_semaphore, #tpu.memory_space<semaphore_mem>>)
        %dma_start3A_692 = arith.constant 4 : i32
        %dma_start3A_693 = arith.constant 4 : i32
        %dma_start3A_694 = arith.constant 0 : i32
        %dma_start3A_695 = arith.constant 0 : i32
        %dma_start3A_696 = tpu.memref_slice %arg22[%dma_start3A_693, %dma_start3A_694, %dma_start3A_695] : memref<8x128x16xf32, #tpu.memory_space<vmem>> -> memref<1x128x16xf32, #tpu.memory_space<vmem>>
        %dma_start3A_697 = tpu.memref_squeeze %dma_start3A_696 : memref<1x128x16xf32, #tpu.memory_space<vmem>> -> memref<128x16xf32, #tpu.memory_space<vmem>>
        %dma_start3A_698 = arith.constant 0 : i32
        %dma_start3A_699 = tpu.memref_slice %arg12[%dma_start3A_692, %dma_start3A_698] : memref<8x128xi32, #tpu.memory_space<vmem>> -> memref<1x128xi32, #tpu.memory_space<vmem>>
        %dma_start3A_700 = tpu.memref_squeeze %dma_start3A_699 : memref<1x128xi32, #tpu.memory_space<vmem>> -> memref<128xi32, #tpu.memory_space<vmem>>
        %dma_start3A_701 = arith.constant 0 : i32
        %dma_start3A_702 = arith.constant 0 : i32
        %dma_start3A_703 = tpu.memref_slice %arg2[%dma_start3A_701, %dma_start3A_702] : memref<100000x16xf32, #tpu.memory_space<hbm>> -> memref<100000x16xf32, #tpu.memory_space<hbm>>
        tpu.enqueue_indirect_dma source(%dma_start3A_703 : memref<100000x16xf32, #tpu.memory_space<hbm>>) target(%dma_start3A_697 : memref<128x16xf32, #tpu.memory_space<vmem>>) offsets(%dma_start3A_700 : memref<128xi32, #tpu.memory_space<vmem>>) semaphore(%arg36 : memref<!tpu.dma_semaphore, #tpu.memory_space<semaphore_mem>>)
        %dma_start3A_704 = arith.constant 4 : i32
        %dma_start3A_705 = arith.constant 4 : i32
        %dma_start3A_706 = arith.constant 0 : i32
        %dma_start3A_707 = arith.constant 0 : i32
        %dma_start3A_708 = tpu.memref_slice %arg24[%dma_start3A_705, %dma_start3A_706, %dma_start3A_707] : memref<8x128x16xf32, #tpu.memory_space<vmem>> -> memref<1x128x16xf32, #tpu.memory_space<vmem>>
        %dma_start3A_709 = tpu.memref_squeeze %dma_start3A_708 : memref<1x128x16xf32, #tpu.memory_space<vmem>> -> memref<128x16xf32, #tpu.memory_space<vmem>>
        %dma_start3A_710 = arith.constant 0 : i32
        %dma_start3A_711 = tpu.memref_slice %arg14[%dma_start3A_704, %dma_start3A_710] : memref<8x128xi32, #tpu.memory_space<vmem>> -> memref<1x128xi32, #tpu.memory_space<vmem>>
        %dma_start3A_712 = tpu.memref_squeeze %dma_start3A_711 : memref<1x128xi32, #tpu.memory_space<vmem>> -> memref<128xi32, #tpu.memory_space<vmem>>
        %dma_start3A_713 = arith.constant 0 : i32
        %dma_start3A_714 = arith.constant 0 : i32
        %dma_start3A_715 = tpu.memref_slice %arg2[%dma_start3A_713, %dma_start3A_714] : memref<100000x16xf32, #tpu.memory_space<hbm>> -> memref<100000x16xf32, #tpu.memory_space<hbm>>
        tpu.enqueue_indirect_dma source(%dma_start3A_715 : memref<100000x16xf32, #tpu.memory_space<hbm>>) target(%dma_start3A_709 : memref<128x16xf32, #tpu.memory_space<vmem>>) offsets(%dma_start3A_712 : memref<128xi32, #tpu.memory_space<vmem>>) semaphore(%arg36 : memref<!tpu.dma_semaphore, #tpu.memory_space<semaphore_mem>>)
        %dma_start3A_716 = arith.constant 5 : i32
        %dma_start3A_717 = arith.constant 5 : i32
        %dma_start3A_718 = arith.constant 0 : i32
        %dma_start3A_719 = arith.constant 0 : i32
        %dma_start3A_720 = tpu.memref_slice %arg22[%dma_start3A_717, %dma_start3A_718, %dma_start3A_719] : memref<8x128x16xf32, #tpu.memory_space<vmem>> -> memref<1x128x16xf32, #tpu.memory_space<vmem>>
        %dma_start3A_721 = tpu.memref_squeeze %dma_start3A_720 : memref<1x128x16xf32, #tpu.memory_space<vmem>> -> memref<128x16xf32, #tpu.memory_space<vmem>>
        %dma_start3A_722 = arith.constant 0 : i32
        %dma_start3A_723 = tpu.memref_slice %arg12[%dma_start3A_716, %dma_start3A_722] : memref<8x128xi32, #tpu.memory_space<vmem>> -> memref<1x128xi32, #tpu.memory_space<vmem>>
        %dma_start3A_724 = tpu.memref_squeeze %dma_start3A_723 : memref<1x128xi32, #tpu.memory_space<vmem>> -> memref<128xi32, #tpu.memory_space<vmem>>
        %dma_start3A_725 = arith.constant 0 : i32
        %dma_start3A_726 = arith.constant 0 : i32
        %dma_start3A_727 = tpu.memref_slice %arg2[%dma_start3A_725, %dma_start3A_726] : memref<100000x16xf32, #tpu.memory_space<hbm>> -> memref<100000x16xf32, #tpu.memory_space<hbm>>
        tpu.enqueue_indirect_dma source(%dma_start3A_727 : memref<100000x16xf32, #tpu.memory_space<hbm>>) target(%dma_start3A_721 : memref<128x16xf32, #tpu.memory_space<vmem>>) offsets(%dma_start3A_724 : memref<128xi32, #tpu.memory_space<vmem>>) semaphore(%arg36 : memref<!tpu.dma_semaphore, #tpu.memory_space<semaphore_mem>>)
        %dma_start3A_728 = arith.constant 5 : i32
        %dma_start3A_729 = arith.constant 5 : i32
        %dma_start3A_730 = arith.constant 0 : i32
        %dma_start3A_731 = arith.constant 0 : i32
        %dma_start3A_732 = tpu.memref_slice %arg24[%dma_start3A_729, %dma_start3A_730, %dma_start3A_731] : memref<8x128x16xf32, #tpu.memory_space<vmem>> -> memref<1x128x16xf32, #tpu.memory_space<vmem>>
        %dma_start3A_733 = tpu.memref_squeeze %dma_start3A_732 : memref<1x128x16xf32, #tpu.memory_space<vmem>> -> memref<128x16xf32, #tpu.memory_space<vmem>>
        %dma_start3A_734 = arith.constant 0 : i32
        %dma_start3A_735 = tpu.memref_slice %arg14[%dma_start3A_728, %dma_start3A_734] : memref<8x128xi32, #tpu.memory_space<vmem>> -> memref<1x128xi32, #tpu.memory_space<vmem>>
        %dma_start3A_736 = tpu.memref_squeeze %dma_start3A_735 : memref<1x128xi32, #tpu.memory_space<vmem>> -> memref<128xi32, #tpu.memory_space<vmem>>
        %dma_start3A_737 = arith.constant 0 : i32
        %dma_start3A_738 = arith.constant 0 : i32
        %dma_start3A_739 = tpu.memref_slice %arg2[%dma_start3A_737, %dma_start3A_738] : memref<100000x16xf32, #tpu.memory_space<hbm>> -> memref<100000x16xf32, #tpu.memory_space<hbm>>
        tpu.enqueue_indirect_dma source(%dma_start3A_739 : memref<100000x16xf32, #tpu.memory_space<hbm>>) target(%dma_start3A_733 : memref<128x16xf32, #tpu.memory_space<vmem>>) offsets(%dma_start3A_736 : memref<128xi32, #tpu.memory_space<vmem>>) semaphore(%arg36 : memref<!tpu.dma_semaphore, #tpu.memory_space<semaphore_mem>>)
        %dma_start3A_740 = arith.constant 6 : i32
        %dma_start3A_741 = arith.constant 6 : i32
        %dma_start3A_742 = arith.constant 0 : i32
        %dma_start3A_743 = arith.constant 0 : i32
        %dma_start3A_744 = tpu.memref_slice %arg22[%dma_start3A_741, %dma_start3A_742, %dma_start3A_743] : memref<8x128x16xf32, #tpu.memory_space<vmem>> -> memref<1x128x16xf32, #tpu.memory_space<vmem>>
        %dma_start3A_745 = tpu.memref_squeeze %dma_start3A_744 : memref<1x128x16xf32, #tpu.memory_space<vmem>> -> memref<128x16xf32, #tpu.memory_space<vmem>>
        %dma_start3A_746 = arith.constant 0 : i32
        %dma_start3A_747 = tpu.memref_slice %arg12[%dma_start3A_740, %dma_start3A_746] : memref<8x128xi32, #tpu.memory_space<vmem>> -> memref<1x128xi32, #tpu.memory_space<vmem>>
        %dma_start3A_748 = tpu.memref_squeeze %dma_start3A_747 : memref<1x128xi32, #tpu.memory_space<vmem>> -> memref<128xi32, #tpu.memory_space<vmem>>
        %dma_start3A_749 = arith.constant 0 : i32
        %dma_start3A_750 = arith.constant 0 : i32
        %dma_start3A_751 = tpu.memref_slice %arg2[%dma_start3A_749, %dma_start3A_750] : memref<100000x16xf32, #tpu.memory_space<hbm>> -> memref<100000x16xf32, #tpu.memory_space<hbm>>
        tpu.enqueue_indirect_dma source(%dma_start3A_751 : memref<100000x16xf32, #tpu.memory_space<hbm>>) target(%dma_start3A_745 : memref<128x16xf32, #tpu.memory_space<vmem>>) offsets(%dma_start3A_748 : memref<128xi32, #tpu.memory_space<vmem>>) semaphore(%arg36 : memref<!tpu.dma_semaphore, #tpu.memory_space<semaphore_mem>>)
        %dma_start3A_752 = arith.constant 6 : i32
        %dma_start3A_753 = arith.constant 6 : i32
        %dma_start3A_754 = arith.constant 0 : i32
        %dma_start3A_755 = arith.constant 0 : i32
        %dma_start3A_756 = tpu.memref_slice %arg24[%dma_start3A_753, %dma_start3A_754, %dma_start3A_755] : memref<8x128x16xf32, #tpu.memory_space<vmem>> -> memref<1x128x16xf32, #tpu.memory_space<vmem>>
        %dma_start3A_757 = tpu.memref_squeeze %dma_start3A_756 : memref<1x128x16xf32, #tpu.memory_space<vmem>> -> memref<128x16xf32, #tpu.memory_space<vmem>>
        %dma_start3A_758 = arith.constant 0 : i32
        %dma_start3A_759 = tpu.memref_slice %arg14[%dma_start3A_752, %dma_start3A_758] : memref<8x128xi32, #tpu.memory_space<vmem>> -> memref<1x128xi32, #tpu.memory_space<vmem>>
        %dma_start3A_760 = tpu.memref_squeeze %dma_start3A_759 : memref<1x128xi32, #tpu.memory_space<vmem>> -> memref<128xi32, #tpu.memory_space<vmem>>
        %dma_start3A_761 = arith.constant 0 : i32
        %dma_start3A_762 = arith.constant 0 : i32
        %dma_start3A_763 = tpu.memref_slice %arg2[%dma_start3A_761, %dma_start3A_762] : memref<100000x16xf32, #tpu.memory_space<hbm>> -> memref<100000x16xf32, #tpu.memory_space<hbm>>
        tpu.enqueue_indirect_dma source(%dma_start3A_763 : memref<100000x16xf32, #tpu.memory_space<hbm>>) target(%dma_start3A_757 : memref<128x16xf32, #tpu.memory_space<vmem>>) offsets(%dma_start3A_760 : memref<128xi32, #tpu.memory_space<vmem>>) semaphore(%arg36 : memref<!tpu.dma_semaphore, #tpu.memory_space<semaphore_mem>>)
        %dma_start3A_764 = arith.constant 7 : i32
        %dma_start3A_765 = arith.constant 7 : i32
        %dma_start3A_766 = arith.constant 0 : i32
        %dma_start3A_767 = arith.constant 0 : i32
        %dma_start3A_768 = tpu.memref_slice %arg22[%dma_start3A_765, %dma_start3A_766, %dma_start3A_767] : memref<8x128x16xf32, #tpu.memory_space<vmem>> -> memref<1x128x16xf32, #tpu.memory_space<vmem>>
        %dma_start3A_769 = tpu.memref_squeeze %dma_start3A_768 : memref<1x128x16xf32, #tpu.memory_space<vmem>> -> memref<128x16xf32, #tpu.memory_space<vmem>>
        %dma_start3A_770 = arith.constant 0 : i32
        %dma_start3A_771 = tpu.memref_slice %arg12[%dma_start3A_764, %dma_start3A_770] : memref<8x128xi32, #tpu.memory_space<vmem>> -> memref<1x128xi32, #tpu.memory_space<vmem>>
        %dma_start3A_772 = tpu.memref_squeeze %dma_start3A_771 : memref<1x128xi32, #tpu.memory_space<vmem>> -> memref<128xi32, #tpu.memory_space<vmem>>
        %dma_start3A_773 = arith.constant 0 : i32
        %dma_start3A_774 = arith.constant 0 : i32
        %dma_start3A_775 = tpu.memref_slice %arg2[%dma_start3A_773, %dma_start3A_774] : memref<100000x16xf32, #tpu.memory_space<hbm>> -> memref<100000x16xf32, #tpu.memory_space<hbm>>
        tpu.enqueue_indirect_dma source(%dma_start3A_775 : memref<100000x16xf32, #tpu.memory_space<hbm>>) target(%dma_start3A_769 : memref<128x16xf32, #tpu.memory_space<vmem>>) offsets(%dma_start3A_772 : memref<128xi32, #tpu.memory_space<vmem>>) semaphore(%arg36 : memref<!tpu.dma_semaphore, #tpu.memory_space<semaphore_mem>>)
        %dma_start3A_776 = arith.constant 7 : i32
        %dma_start3A_777 = arith.constant 7 : i32
        %dma_start3A_778 = arith.constant 0 : i32
        %dma_start3A_779 = arith.constant 0 : i32
        %dma_start3A_780 = tpu.memref_slice %arg24[%dma_start3A_777, %dma_start3A_778, %dma_start3A_779] : memref<8x128x16xf32, #tpu.memory_space<vmem>> -> memref<1x128x16xf32, #tpu.memory_space<vmem>>
        %dma_start3A_781 = tpu.memref_squeeze %dma_start3A_780 : memref<1x128x16xf32, #tpu.memory_space<vmem>> -> memref<128x16xf32, #tpu.memory_space<vmem>>
        %dma_start3A_782 = arith.constant 0 : i32
        %dma_start3A_783 = tpu.memref_slice %arg14[%dma_start3A_776, %dma_start3A_782] : memref<8x128xi32, #tpu.memory_space<vmem>> -> memref<1x128xi32, #tpu.memory_space<vmem>>
        %dma_start3A_784 = tpu.memref_squeeze %dma_start3A_783 : memref<1x128xi32, #tpu.memory_space<vmem>> -> memref<128xi32, #tpu.memory_space<vmem>>
        %dma_start3A_785 = arith.constant 0 : i32
        %dma_start3A_786 = arith.constant 0 : i32
        %dma_start3A_787 = tpu.memref_slice %arg2[%dma_start3A_785, %dma_start3A_786] : memref<100000x16xf32, #tpu.memory_space<hbm>> -> memref<100000x16xf32, #tpu.memory_space<hbm>>
        tpu.enqueue_indirect_dma source(%dma_start3A_787 : memref<100000x16xf32, #tpu.memory_space<hbm>>) target(%dma_start3A_781 : memref<128x16xf32, #tpu.memory_space<vmem>>) offsets(%dma_start3A_784 : memref<128xi32, #tpu.memory_space<vmem>>) semaphore(%arg36 : memref<!tpu.dma_semaphore, #tpu.memory_space<semaphore_mem>>)
      } else {
      }
      %gt3A_531 = arith.constant 0 : i32
      %gt3A_532 = arith.cmpi sgt, %while3A_327, %gt3A_531 : i32
      %convert_element_type3A_533 = arith.extui %gt3A_532 : i1 to i32
      %cond3A_534 = arith.constant 0 : i32
      %cond3A_535 = arith.cmpi ne, %convert_element_type3A_533, %cond3A_534 : i32
      scf.if %cond3A_535 {
        %dma_wait3A_566 = arith.constant 0 : i32
        %dma_wait3A_567 = tpu.memref_slice %arg7[%dma_wait3A_566] : memref<3200000xf32, #tpu.memory_space<hbm>> -> memref<1024xf32, #tpu.memory_space<hbm>>
        %dma_wait3A_568 = arith.constant 0 : i32
        %dma_wait3A_569 = tpu.memref_slice %arg7[%dma_wait3A_568] : memref<3200000xf32, #tpu.memory_space<hbm>> -> memref<1024xf32, #tpu.memory_space<hbm>>
        tpu.wait_dma2 semaphore(%arg37 : memref<!tpu.dma_semaphore, #tpu.memory_space<semaphore_mem>>) src(%arg25 : memref<1024xf32, #tpu.memory_space<vmem>>) dst(%dma_wait3A_569 : memref<1024xf32, #tpu.memory_space<hbm>>)
        %dma_wait3A_570 = arith.constant 0 : i32
        %dma_wait3A_571 = tpu.memref_slice %arg8[%dma_wait3A_570] : memref<3200000xf32, #tpu.memory_space<hbm>> -> memref<1024xf32, #tpu.memory_space<hbm>>
        %dma_wait3A_572 = arith.constant 0 : i32
        %dma_wait3A_573 = tpu.memref_slice %arg8[%dma_wait3A_572] : memref<3200000xf32, #tpu.memory_space<hbm>> -> memref<1024xf32, #tpu.memory_space<hbm>>
        tpu.wait_dma2 semaphore(%arg37 : memref<!tpu.dma_semaphore, #tpu.memory_space<semaphore_mem>>) src(%arg27 : memref<1024xf32, #tpu.memory_space<vmem>>) dst(%dma_wait3A_573 : memref<1024xf32, #tpu.memory_space<hbm>>)
        %dma_wait3A_574 = arith.constant 0 : i32
        %dma_wait3A_575 = tpu.memref_slice %arg9[%dma_wait3A_574] : memref<3200000xf32, #tpu.memory_space<hbm>> -> memref<1024xf32, #tpu.memory_space<hbm>>
        %dma_wait3A_576 = arith.constant 0 : i32
        %dma_wait3A_577 = tpu.memref_slice %arg9[%dma_wait3A_576] : memref<3200000xf32, #tpu.memory_space<hbm>> -> memref<1024xf32, #tpu.memory_space<hbm>>
        tpu.wait_dma2 semaphore(%arg37 : memref<!tpu.dma_semaphore, #tpu.memory_space<semaphore_mem>>) src(%arg29 : memref<1024xf32, #tpu.memory_space<vmem>>) dst(%dma_wait3A_577 : memref<1024xf32, #tpu.memory_space<hbm>>)
        %dma_wait3A_578 = arith.constant 0 : i32
        %dma_wait3A_579 = tpu.memref_slice %arg10[%dma_wait3A_578] : memref<3200000xf32, #tpu.memory_space<hbm>> -> memref<1024xf32, #tpu.memory_space<hbm>>
        %dma_wait3A_580 = arith.constant 0 : i32
        %dma_wait3A_581 = tpu.memref_slice %arg10[%dma_wait3A_580] : memref<3200000xf32, #tpu.memory_space<hbm>> -> memref<1024xf32, #tpu.memory_space<hbm>>
        tpu.wait_dma2 semaphore(%arg37 : memref<!tpu.dma_semaphore, #tpu.memory_space<semaphore_mem>>) src(%arg31 : memref<1024xf32, #tpu.memory_space<vmem>>) dst(%dma_wait3A_581 : memref<1024xf32, #tpu.memory_space<hbm>>)
      } else {
      }
      %scan3A = arith.constant 0 : i32
      %scan3A_536 = arith.constant 0 : i32
      %scan3A_537 = arith.constant 64 : i32
      %scan3A_538 = arith.addi %scan3A_536, %scan3A_537 : i32
      %scan3A_539 = arith.constant 2 : i32
      scf.for %scan3A_566 = %scan3A_536 to %scan3A_538 step %scan3A_539  : i32 {
        %mul3A_567 = arith.constant 16 : i32
        %mul3A_568 = arith.muli %scan3A_566, %mul3A_567 : i32
        %mul3A_569 = arith.constant 16 : i32
        %mul3A_570 = arith.muli %scan3A_566, %mul3A_569 : i32
        %iota3A = tpu.iota {dimensions = array<i32: 0>} : vector<16xi32>
        %add3A_571 = vector.broadcast %mul3A_570 : i32 to vector<16xi32>
        %add3A_572 = arith.addi %add3A_571, %iota3A : vector<16xi32>
        %shift_right_arithmetic3A = arith.constant 7 : i32
        %shift_right_arithmetic3A_573 = vector.broadcast %shift_right_arithmetic3A : i32 to vector<16xi32>
        %shift_right_arithmetic3A_574 = arith.shrsi %add3A_572, %shift_right_arithmetic3A_573 : vector<16xi32>
        %and3A_575 = arith.constant 127 : i32
        %and3A_576 = vector.broadcast %and3A_575 : i32 to vector<16xi32>
        %and3A_577 = arith.andi %add3A_572, %and3A_576 : vector<16xi32>
        %broadcast_in_dim3A = arith.constant 0 : i32
        %broadcast_in_dim3A_578 = vector.broadcast %broadcast_in_dim3A : i32 to vector<16xi32>
        %gather3A = tpu.vector_load_idx %arg23[%shift_right_arithmetic3A_574, %and3A_577, %broadcast_in_dim3A_578] : memref<8x128x16xf32, #tpu.memory_space<vmem>>[vector<16xi32>, vector<16xi32>, vector<16xi32>], vector<16xf32>,
        %broadcast_in_dim3A_579 = arith.constant 0 : i32
        %broadcast_in_dim3A_580 = vector.broadcast %broadcast_in_dim3A_579 : i32 to vector<16xi32>
        %gather3A_581 = tpu.vector_load_idx %arg21[%shift_right_arithmetic3A_574, %and3A_577, %broadcast_in_dim3A_580] : memref<8x128x16xf32, #tpu.memory_space<vmem>>[vector<16xi32>, vector<16xi32>, vector<16xi32>], vector<16xf32>,
        %sub3A_582 = arith.subf %gather3A, %gather3A_581 : vector<16xf32>
        %broadcast_in_dim3A_583 = arith.constant 1 : i32
        %broadcast_in_dim3A_584 = vector.broadcast %broadcast_in_dim3A_583 : i32 to vector<16xi32>
        %gather3A_585 = tpu.vector_load_idx %arg23[%shift_right_arithmetic3A_574, %and3A_577, %broadcast_in_dim3A_584] : memref<8x128x16xf32, #tpu.memory_space<vmem>>[vector<16xi32>, vector<16xi32>, vector<16xi32>], vector<16xf32>,
        %broadcast_in_dim3A_586 = arith.constant 1 : i32
        %broadcast_in_dim3A_587 = vector.broadcast %broadcast_in_dim3A_586 : i32 to vector<16xi32>
        %gather3A_588 = tpu.vector_load_idx %arg21[%shift_right_arithmetic3A_574, %and3A_577, %broadcast_in_dim3A_587] : memref<8x128x16xf32, #tpu.memory_space<vmem>>[vector<16xi32>, vector<16xi32>, vector<16xi32>], vector<16xf32>,
        %sub3A_589 = arith.subf %gather3A_585, %gather3A_588 : vector<16xf32>
        %broadcast_in_dim3A_590 = arith.constant 2 : i32
        %broadcast_in_dim3A_591 = vector.broadcast %broadcast_in_dim3A_590 : i32 to vector<16xi32>
        %gather3A_592 = tpu.vector_load_idx %arg23[%shift_right_arithmetic3A_574, %and3A_577, %broadcast_in_dim3A_591] : memref<8x128x16xf32, #tpu.memory_space<vmem>>[vector<16xi32>, vector<16xi32>, vector<16xi32>], vector<16xf32>,
        %broadcast_in_dim3A_593 = arith.constant 2 : i32
        %broadcast_in_dim3A_594 = vector.broadcast %broadcast_in_dim3A_593 : i32 to vector<16xi32>
        %gather3A_595 = tpu.vector_load_idx %arg21[%shift_right_arithmetic3A_574, %and3A_577, %broadcast_in_dim3A_594] : memref<8x128x16xf32, #tpu.memory_space<vmem>>[vector<16xi32>, vector<16xi32>, vector<16xi32>], vector<16xf32>,
        %sub3A_596 = arith.subf %gather3A_592, %gather3A_595 : vector<16xf32>
        %get3A = arith.index_cast %mul3A_568 : i32 to index
        %get3A_597 = tpu.vector_load %arg15[%get3A] {strides = array<i32>} : memref<1024xf32, #tpu.memory_space<vmem>>, vector<16xf32>,
        %get3A_598 = arith.index_cast %mul3A_568 : i32 to index
        %get3A_599 = tpu.vector_load %arg17[%get3A_598] {strides = array<i32>} : memref<1024xf32, #tpu.memory_space<vmem>>, vector<16xf32>,
        %get3A_600 = arith.index_cast %mul3A_568 : i32 to index
        %get3A_601 = tpu.vector_load %arg19[%get3A_600] {strides = array<i32>} : memref<1024xf32, #tpu.memory_space<vmem>>, vector<16xf32>,
        %broadcast_in_dim3A_602 = arith.constant 3 : i32
        %broadcast_in_dim3A_603 = vector.broadcast %broadcast_in_dim3A_602 : i32 to vector<16xi32>
        %gather3A_604 = tpu.vector_load_idx %arg21[%shift_right_arithmetic3A_574, %and3A_577, %broadcast_in_dim3A_603] : memref<8x128x16xf32, #tpu.memory_space<vmem>>[vector<16xi32>, vector<16xi32>, vector<16xi32>], vector<16xf32>,
        %mul3A_605 = arith.mulf %get3A_597, %gather3A_604 : vector<16xf32>
        %add3A_606 = arith.addf %sub3A_582, %mul3A_605 : vector<16xf32>
        %broadcast_in_dim3A_607 = arith.constant 6 : i32
        %broadcast_in_dim3A_608 = vector.broadcast %broadcast_in_dim3A_607 : i32 to vector<16xi32>
        %gather3A_609 = tpu.vector_load_idx %arg21[%shift_right_arithmetic3A_574, %and3A_577, %broadcast_in_dim3A_608] : memref<8x128x16xf32, #tpu.memory_space<vmem>>[vector<16xi32>, vector<16xi32>, vector<16xi32>], vector<16xf32>,
        %mul3A_610 = arith.mulf %get3A_599, %gather3A_609 : vector<16xf32>
        %add3A_611 = arith.addf %add3A_606, %mul3A_610 : vector<16xf32>
        %broadcast_in_dim3A_612 = arith.constant 9 : i32
        %broadcast_in_dim3A_613 = vector.broadcast %broadcast_in_dim3A_612 : i32 to vector<16xi32>
        %gather3A_614 = tpu.vector_load_idx %arg21[%shift_right_arithmetic3A_574, %and3A_577, %broadcast_in_dim3A_613] : memref<8x128x16xf32, #tpu.memory_space<vmem>>[vector<16xi32>, vector<16xi32>, vector<16xi32>], vector<16xf32>,
        %mul3A_615 = arith.mulf %get3A_601, %gather3A_614 : vector<16xf32>
        %add3A_616 = arith.addf %add3A_611, %mul3A_615 : vector<16xf32>
        %broadcast_in_dim3A_617 = arith.constant 4 : i32
        %broadcast_in_dim3A_618 = vector.broadcast %broadcast_in_dim3A_617 : i32 to vector<16xi32>
        %gather3A_619 = tpu.vector_load_idx %arg21[%shift_right_arithmetic3A_574, %and3A_577, %broadcast_in_dim3A_618] : memref<8x128x16xf32, #tpu.memory_space<vmem>>[vector<16xi32>, vector<16xi32>, vector<16xi32>], vector<16xf32>,
        %mul3A_620 = arith.mulf %get3A_597, %gather3A_619 : vector<16xf32>
        %add3A_621 = arith.addf %sub3A_589, %mul3A_620 : vector<16xf32>
        %broadcast_in_dim3A_622 = arith.constant 7 : i32
        %broadcast_in_dim3A_623 = vector.broadcast %broadcast_in_dim3A_622 : i32 to vector<16xi32>
        %gather3A_624 = tpu.vector_load_idx %arg21[%shift_right_arithmetic3A_574, %and3A_577, %broadcast_in_dim3A_623] : memref<8x128x16xf32, #tpu.memory_space<vmem>>[vector<16xi32>, vector<16xi32>, vector<16xi32>], vector<16xf32>,
        %mul3A_625 = arith.mulf %get3A_599, %gather3A_624 : vector<16xf32>
        %add3A_626 = arith.addf %add3A_621, %mul3A_625 : vector<16xf32>
        %broadcast_in_dim3A_627 = arith.constant 10 : i32
        %broadcast_in_dim3A_628 = vector.broadcast %broadcast_in_dim3A_627 : i32 to vector<16xi32>
        %gather3A_629 = tpu.vector_load_idx %arg21[%shift_right_arithmetic3A_574, %and3A_577, %broadcast_in_dim3A_628] : memref<8x128x16xf32, #tpu.memory_space<vmem>>[vector<16xi32>, vector<16xi32>, vector<16xi32>], vector<16xf32>,
        %mul3A_630 = arith.mulf %get3A_601, %gather3A_629 : vector<16xf32>
        %add3A_631 = arith.addf %add3A_626, %mul3A_630 : vector<16xf32>
        %broadcast_in_dim3A_632 = arith.constant 5 : i32
        %broadcast_in_dim3A_633 = vector.broadcast %broadcast_in_dim3A_632 : i32 to vector<16xi32>
        %gather3A_634 = tpu.vector_load_idx %arg21[%shift_right_arithmetic3A_574, %and3A_577, %broadcast_in_dim3A_633] : memref<8x128x16xf32, #tpu.memory_space<vmem>>[vector<16xi32>, vector<16xi32>, vector<16xi32>], vector<16xf32>,
        %mul3A_635 = arith.mulf %get3A_597, %gather3A_634 : vector<16xf32>
        %add3A_636 = arith.addf %sub3A_596, %mul3A_635 : vector<16xf32>
        %broadcast_in_dim3A_637 = arith.constant 8 : i32
        %broadcast_in_dim3A_638 = vector.broadcast %broadcast_in_dim3A_637 : i32 to vector<16xi32>
        %gather3A_639 = tpu.vector_load_idx %arg21[%shift_right_arithmetic3A_574, %and3A_577, %broadcast_in_dim3A_638] : memref<8x128x16xf32, #tpu.memory_space<vmem>>[vector<16xi32>, vector<16xi32>, vector<16xi32>], vector<16xf32>,
        %mul3A_640 = arith.mulf %get3A_599, %gather3A_639 : vector<16xf32>
        %add3A_641 = arith.addf %add3A_636, %mul3A_640 : vector<16xf32>
        %broadcast_in_dim3A_642 = arith.constant 11 : i32
        %broadcast_in_dim3A_643 = vector.broadcast %broadcast_in_dim3A_642 : i32 to vector<16xi32>
        %gather3A_644 = tpu.vector_load_idx %arg21[%shift_right_arithmetic3A_574, %and3A_577, %broadcast_in_dim3A_643] : memref<8x128x16xf32, #tpu.memory_space<vmem>>[vector<16xi32>, vector<16xi32>, vector<16xi32>], vector<16xf32>,
        %mul3A_645 = arith.mulf %get3A_601, %gather3A_644 : vector<16xf32>
        %add3A_646 = arith.addf %add3A_641, %mul3A_645 : vector<16xf32>
        %mul3A_647 = arith.mulf %add3A_616, %add3A_616 : vector<16xf32>
        %mul3A_648 = arith.mulf %add3A_631, %add3A_631 : vector<16xf32>
        %add3A_649 = arith.addf %mul3A_647, %mul3A_648 : vector<16xf32>
        %mul3A_650 = arith.mulf %add3A_646, %add3A_646 : vector<16xf32>
        %add3A_651 = arith.addf %add3A_649, %mul3A_650 : vector<16xf32>
        %bitcast3A = vector.bitcast %add3A_651 : vector<16xf32> to vector<16xi32>
        %shift_right_arithmetic3A_652 = arith.constant 1 : i32
        %shift_right_arithmetic3A_653 = vector.broadcast %shift_right_arithmetic3A_652 : i32 to vector<16xi32>
        %shift_right_arithmetic3A_654 = arith.shrsi %bitcast3A, %shift_right_arithmetic3A_653 : vector<16xi32>
        %sub3A_655 = arith.constant 1597463007 : i32
        %sub3A_656 = vector.broadcast %sub3A_655 : i32 to vector<16xi32>
        %sub3A_657 = arith.subi %sub3A_656, %shift_right_arithmetic3A_654 : vector<16xi32>
        %bitcast3A_658 = vector.bitcast %sub3A_657 : vector<16xi32> to vector<16xf32>
        %mul3A_659 = arith.constant 5.000000e-01 : f32
        %mul3A_660 = vector.broadcast %mul3A_659 : f32 to vector<16xf32>
        %mul3A_661 = arith.mulf %mul3A_660, %add3A_651 : vector<16xf32>
        %mul3A_662 = arith.mulf %mul3A_661, %bitcast3A_658 : vector<16xf32>
        %mul3A_663 = arith.mulf %mul3A_662, %bitcast3A_658 : vector<16xf32>
        %sub3A_664 = arith.constant 1.500000e+00 : f32
        %sub3A_665 = vector.broadcast %sub3A_664 : f32 to vector<16xf32>
        %sub3A_666 = arith.subf %sub3A_665, %mul3A_663 : vector<16xf32>
        %mul3A_667 = arith.mulf %bitcast3A_658, %sub3A_666 : vector<16xf32>
        %mul3A_668 = arith.constant 5.000000e-01 : f32
        %mul3A_669 = vector.broadcast %mul3A_668 : f32 to vector<16xf32>
        %mul3A_670 = arith.mulf %mul3A_669, %add3A_651 : vector<16xf32>
        %mul3A_671 = arith.mulf %mul3A_670, %mul3A_667 : vector<16xf32>
        %mul3A_672 = arith.mulf %mul3A_671, %mul3A_667 : vector<16xf32>
        %sub3A_673 = arith.constant 1.500000e+00 : f32
        %sub3A_674 = vector.broadcast %sub3A_673 : f32 to vector<16xf32>
        %sub3A_675 = arith.subf %sub3A_674, %mul3A_672 : vector<16xf32>
        %mul3A_676 = arith.mulf %mul3A_667, %sub3A_675 : vector<16xf32>
        %mul3A_677 = arith.constant 5.000000e-01 : f32
        %mul3A_678 = vector.broadcast %mul3A_677 : f32 to vector<16xf32>
        %mul3A_679 = arith.mulf %mul3A_678, %add3A_651 : vector<16xf32>
        %mul3A_680 = arith.mulf %mul3A_679, %mul3A_676 : vector<16xf32>
        %mul3A_681 = arith.mulf %mul3A_680, %mul3A_676 : vector<16xf32>
        %sub3A_682 = arith.constant 1.500000e+00 : f32
        %sub3A_683 = vector.broadcast %sub3A_682 : f32 to vector<16xf32>
        %sub3A_684 = arith.subf %sub3A_683, %mul3A_681 : vector<16xf32>
        %mul3A_685 = arith.mulf %mul3A_676, %sub3A_684 : vector<16xf32>
        %swap3A = arith.index_cast %mul3A_568 : i32 to index
        %swap3A_686 = tpu.vector_load %arg25[%swap3A] {strides = array<i32>} : memref<1024xf32, #tpu.memory_space<vmem>>, vector<16xf32>,
        tpu.vector_store %arg25[%swap3A], %add3A_616 {strides = array<i32>} : memref<1024xf32, #tpu.memory_space<vmem>>, vector<16xf32>,
        %swap3A_687 = arith.index_cast %mul3A_568 : i32 to index
        %swap3A_688 = tpu.vector_load %arg27[%swap3A_687] {strides = array<i32>} : memref<1024xf32, #tpu.memory_space<vmem>>, vector<16xf32>,
        tpu.vector_store %arg27[%swap3A_687], %add3A_631 {strides = array<i32>} : memref<1024xf32, #tpu.memory_space<vmem>>, vector<16xf32>,
        %swap3A_689 = arith.index_cast %mul3A_568 : i32 to index
        %swap3A_690 = tpu.vector_load %arg29[%swap3A_689] {strides = array<i32>} : memref<1024xf32, #tpu.memory_space<vmem>>, vector<16xf32>,
        tpu.vector_store %arg29[%swap3A_689], %add3A_646 {strides = array<i32>} : memref<1024xf32, #tpu.memory_space<vmem>>, vector<16xf32>,
        %mul3A_691 = arith.mulf %add3A_651, %mul3A_685 : vector<16xf32>
        %swap3A_692 = arith.index_cast %mul3A_568 : i32 to index
        %swap3A_693 = tpu.vector_load %arg31[%swap3A_692] {strides = array<i32>} : memref<1024xf32, #tpu.memory_space<vmem>>, vector<16xf32>,
        tpu.vector_store %arg31[%swap3A_692], %mul3A_691 {strides = array<i32>} : memref<1024xf32, #tpu.memory_space<vmem>>, vector<16xf32>,
        %scan3A_694 = arith.constant 1 : i32
        %scan3A_695 = arith.addi %scan3A_566, %scan3A_694 : i32
        %mul3A_696 = arith.constant 16 : i32
        %mul3A_697 = arith.muli %scan3A_695, %mul3A_696 : i32
        %mul3A_698 = arith.constant 16 : i32
        %mul3A_699 = arith.muli %scan3A_695, %mul3A_698 : i32
        %iota3A_700 = tpu.iota {dimensions = array<i32: 0>} : vector<16xi32>
        %add3A_701 = vector.broadcast %mul3A_699 : i32 to vector<16xi32>
        %add3A_702 = arith.addi %add3A_701, %iota3A_700 : vector<16xi32>
        %shift_right_arithmetic3A_703 = arith.constant 7 : i32
        %shift_right_arithmetic3A_704 = vector.broadcast %shift_right_arithmetic3A_703 : i32 to vector<16xi32>
        %shift_right_arithmetic3A_705 = arith.shrsi %add3A_702, %shift_right_arithmetic3A_704 : vector<16xi32>
        %and3A_706 = arith.constant 127 : i32
        %and3A_707 = vector.broadcast %and3A_706 : i32 to vector<16xi32>
        %and3A_708 = arith.andi %add3A_702, %and3A_707 : vector<16xi32>
        %broadcast_in_dim3A_709 = arith.constant 0 : i32
        %broadcast_in_dim3A_710 = vector.broadcast %broadcast_in_dim3A_709 : i32 to vector<16xi32>
        %gather3A_711 = tpu.vector_load_idx %arg23[%shift_right_arithmetic3A_705, %and3A_708, %broadcast_in_dim3A_710] : memref<8x128x16xf32, #tpu.memory_space<vmem>>[vector<16xi32>, vector<16xi32>, vector<16xi32>], vector<16xf32>,
        %broadcast_in_dim3A_712 = arith.constant 0 : i32
        %broadcast_in_dim3A_713 = vector.broadcast %broadcast_in_dim3A_712 : i32 to vector<16xi32>
        %gather3A_714 = tpu.vector_load_idx %arg21[%shift_right_arithmetic3A_705, %and3A_708, %broadcast_in_dim3A_713] : memref<8x128x16xf32, #tpu.memory_space<vmem>>[vector<16xi32>, vector<16xi32>, vector<16xi32>], vector<16xf32>,
        %sub3A_715 = arith.subf %gather3A_711, %gather3A_714 : vector<16xf32>
        %broadcast_in_dim3A_716 = arith.constant 1 : i32
        %broadcast_in_dim3A_717 = vector.broadcast %broadcast_in_dim3A_716 : i32 to vector<16xi32>
        %gather3A_718 = tpu.vector_load_idx %arg23[%shift_right_arithmetic3A_705, %and3A_708, %broadcast_in_dim3A_717] : memref<8x128x16xf32, #tpu.memory_space<vmem>>[vector<16xi32>, vector<16xi32>, vector<16xi32>], vector<16xf32>,
        %broadcast_in_dim3A_719 = arith.constant 1 : i32
        %broadcast_in_dim3A_720 = vector.broadcast %broadcast_in_dim3A_719 : i32 to vector<16xi32>
        %gather3A_721 = tpu.vector_load_idx %arg21[%shift_right_arithmetic3A_705, %and3A_708, %broadcast_in_dim3A_720] : memref<8x128x16xf32, #tpu.memory_space<vmem>>[vector<16xi32>, vector<16xi32>, vector<16xi32>], vector<16xf32>,
        %sub3A_722 = arith.subf %gather3A_718, %gather3A_721 : vector<16xf32>
        %broadcast_in_dim3A_723 = arith.constant 2 : i32
        %broadcast_in_dim3A_724 = vector.broadcast %broadcast_in_dim3A_723 : i32 to vector<16xi32>
        %gather3A_725 = tpu.vector_load_idx %arg23[%shift_right_arithmetic3A_705, %and3A_708, %broadcast_in_dim3A_724] : memref<8x128x16xf32, #tpu.memory_space<vmem>>[vector<16xi32>, vector<16xi32>, vector<16xi32>], vector<16xf32>,
        %broadcast_in_dim3A_726 = arith.constant 2 : i32
        %broadcast_in_dim3A_727 = vector.broadcast %broadcast_in_dim3A_726 : i32 to vector<16xi32>
        %gather3A_728 = tpu.vector_load_idx %arg21[%shift_right_arithmetic3A_705, %and3A_708, %broadcast_in_dim3A_727] : memref<8x128x16xf32, #tpu.memory_space<vmem>>[vector<16xi32>, vector<16xi32>, vector<16xi32>], vector<16xf32>,
        %sub3A_729 = arith.subf %gather3A_725, %gather3A_728 : vector<16xf32>
        %get3A_730 = arith.index_cast %mul3A_697 : i32 to index
        %get3A_731 = tpu.vector_load %arg15[%get3A_730] {strides = array<i32>} : memref<1024xf32, #tpu.memory_space<vmem>>, vector<16xf32>,
        %get3A_732 = arith.index_cast %mul3A_697 : i32 to index
        %get3A_733 = tpu.vector_load %arg17[%get3A_732] {strides = array<i32>} : memref<1024xf32, #tpu.memory_space<vmem>>, vector<16xf32>,
        %get3A_734 = arith.index_cast %mul3A_697 : i32 to index
        %get3A_735 = tpu.vector_load %arg19[%get3A_734] {strides = array<i32>} : memref<1024xf32, #tpu.memory_space<vmem>>, vector<16xf32>,
        %broadcast_in_dim3A_736 = arith.constant 3 : i32
        %broadcast_in_dim3A_737 = vector.broadcast %broadcast_in_dim3A_736 : i32 to vector<16xi32>
        %gather3A_738 = tpu.vector_load_idx %arg21[%shift_right_arithmetic3A_705, %and3A_708, %broadcast_in_dim3A_737] : memref<8x128x16xf32, #tpu.memory_space<vmem>>[vector<16xi32>, vector<16xi32>, vector<16xi32>], vector<16xf32>,
        %mul3A_739 = arith.mulf %get3A_731, %gather3A_738 : vector<16xf32>
        %add3A_740 = arith.addf %sub3A_715, %mul3A_739 : vector<16xf32>
        %broadcast_in_dim3A_741 = arith.constant 6 : i32
        %broadcast_in_dim3A_742 = vector.broadcast %broadcast_in_dim3A_741 : i32 to vector<16xi32>
        %gather3A_743 = tpu.vector_load_idx %arg21[%shift_right_arithmetic3A_705, %and3A_708, %broadcast_in_dim3A_742] : memref<8x128x16xf32, #tpu.memory_space<vmem>>[vector<16xi32>, vector<16xi32>, vector<16xi32>], vector<16xf32>,
        %mul3A_744 = arith.mulf %get3A_733, %gather3A_743 : vector<16xf32>
        %add3A_745 = arith.addf %add3A_740, %mul3A_744 : vector<16xf32>
        %broadcast_in_dim3A_746 = arith.constant 9 : i32
        %broadcast_in_dim3A_747 = vector.broadcast %broadcast_in_dim3A_746 : i32 to vector<16xi32>
        %gather3A_748 = tpu.vector_load_idx %arg21[%shift_right_arithmetic3A_705, %and3A_708, %broadcast_in_dim3A_747] : memref<8x128x16xf32, #tpu.memory_space<vmem>>[vector<16xi32>, vector<16xi32>, vector<16xi32>], vector<16xf32>,
        %mul3A_749 = arith.mulf %get3A_735, %gather3A_748 : vector<16xf32>
        %add3A_750 = arith.addf %add3A_745, %mul3A_749 : vector<16xf32>
        %broadcast_in_dim3A_751 = arith.constant 4 : i32
        %broadcast_in_dim3A_752 = vector.broadcast %broadcast_in_dim3A_751 : i32 to vector<16xi32>
        %gather3A_753 = tpu.vector_load_idx %arg21[%shift_right_arithmetic3A_705, %and3A_708, %broadcast_in_dim3A_752] : memref<8x128x16xf32, #tpu.memory_space<vmem>>[vector<16xi32>, vector<16xi32>, vector<16xi32>], vector<16xf32>,
        %mul3A_754 = arith.mulf %get3A_731, %gather3A_753 : vector<16xf32>
        %add3A_755 = arith.addf %sub3A_722, %mul3A_754 : vector<16xf32>
        %broadcast_in_dim3A_756 = arith.constant 7 : i32
        %broadcast_in_dim3A_757 = vector.broadcast %broadcast_in_dim3A_756 : i32 to vector<16xi32>
        %gather3A_758 = tpu.vector_load_idx %arg21[%shift_right_arithmetic3A_705, %and3A_708, %broadcast_in_dim3A_757] : memref<8x128x16xf32, #tpu.memory_space<vmem>>[vector<16xi32>, vector<16xi32>, vector<16xi32>], vector<16xf32>,
        %mul3A_759 = arith.mulf %get3A_733, %gather3A_758 : vector<16xf32>
        %add3A_760 = arith.addf %add3A_755, %mul3A_759 : vector<16xf32>
        %broadcast_in_dim3A_761 = arith.constant 10 : i32
        %broadcast_in_dim3A_762 = vector.broadcast %broadcast_in_dim3A_761 : i32 to vector<16xi32>
        %gather3A_763 = tpu.vector_load_idx %arg21[%shift_right_arithmetic3A_705, %and3A_708, %broadcast_in_dim3A_762] : memref<8x128x16xf32, #tpu.memory_space<vmem>>[vector<16xi32>, vector<16xi32>, vector<16xi32>], vector<16xf32>,
        %mul3A_764 = arith.mulf %get3A_735, %gather3A_763 : vector<16xf32>
        %add3A_765 = arith.addf %add3A_760, %mul3A_764 : vector<16xf32>
        %broadcast_in_dim3A_766 = arith.constant 5 : i32
        %broadcast_in_dim3A_767 = vector.broadcast %broadcast_in_dim3A_766 : i32 to vector<16xi32>
        %gather3A_768 = tpu.vector_load_idx %arg21[%shift_right_arithmetic3A_705, %and3A_708, %broadcast_in_dim3A_767] : memref<8x128x16xf32, #tpu.memory_space<vmem>>[vector<16xi32>, vector<16xi32>, vector<16xi32>], vector<16xf32>,
        %mul3A_769 = arith.mulf %get3A_731, %gather3A_768 : vector<16xf32>
        %add3A_770 = arith.addf %sub3A_729, %mul3A_769 : vector<16xf32>
        %broadcast_in_dim3A_771 = arith.constant 8 : i32
        %broadcast_in_dim3A_772 = vector.broadcast %broadcast_in_dim3A_771 : i32 to vector<16xi32>
        %gather3A_773 = tpu.vector_load_idx %arg21[%shift_right_arithmetic3A_705, %and3A_708, %broadcast_in_dim3A_772] : memref<8x128x16xf32, #tpu.memory_space<vmem>>[vector<16xi32>, vector<16xi32>, vector<16xi32>], vector<16xf32>,
        %mul3A_774 = arith.mulf %get3A_733, %gather3A_773 : vector<16xf32>
        %add3A_775 = arith.addf %add3A_770, %mul3A_774 : vector<16xf32>
        %broadcast_in_dim3A_776 = arith.constant 11 : i32
        %broadcast_in_dim3A_777 = vector.broadcast %broadcast_in_dim3A_776 : i32 to vector<16xi32>
        %gather3A_778 = tpu.vector_load_idx %arg21[%shift_right_arithmetic3A_705, %and3A_708, %broadcast_in_dim3A_777] : memref<8x128x16xf32, #tpu.memory_space<vmem>>[vector<16xi32>, vector<16xi32>, vector<16xi32>], vector<16xf32>,
        %mul3A_779 = arith.mulf %get3A_735, %gather3A_778 : vector<16xf32>
        %add3A_780 = arith.addf %add3A_775, %mul3A_779 : vector<16xf32>
        %mul3A_781 = arith.mulf %add3A_750, %add3A_750 : vector<16xf32>
        %mul3A_782 = arith.mulf %add3A_765, %add3A_765 : vector<16xf32>
        %add3A_783 = arith.addf %mul3A_781, %mul3A_782 : vector<16xf32>
        %mul3A_784 = arith.mulf %add3A_780, %add3A_780 : vector<16xf32>
        %add3A_785 = arith.addf %add3A_783, %mul3A_784 : vector<16xf32>
        %bitcast3A_786 = vector.bitcast %add3A_785 : vector<16xf32> to vector<16xi32>
        %shift_right_arithmetic3A_787 = arith.constant 1 : i32
        %shift_right_arithmetic3A_788 = vector.broadcast %shift_right_arithmetic3A_787 : i32 to vector<16xi32>
        %shift_right_arithmetic3A_789 = arith.shrsi %bitcast3A_786, %shift_right_arithmetic3A_788 : vector<16xi32>
        %sub3A_790 = arith.constant 1597463007 : i32
        %sub3A_791 = vector.broadcast %sub3A_790 : i32 to vector<16xi32>
        %sub3A_792 = arith.subi %sub3A_791, %shift_right_arithmetic3A_789 : vector<16xi32>
        %bitcast3A_793 = vector.bitcast %sub3A_792 : vector<16xi32> to vector<16xf32>
        %mul3A_794 = arith.constant 5.000000e-01 : f32
        %mul3A_795 = vector.broadcast %mul3A_794 : f32 to vector<16xf32>
        %mul3A_796 = arith.mulf %mul3A_795, %add3A_785 : vector<16xf32>
        %mul3A_797 = arith.mulf %mul3A_796, %bitcast3A_793 : vector<16xf32>
        %mul3A_798 = arith.mulf %mul3A_797, %bitcast3A_793 : vector<16xf32>
        %sub3A_799 = arith.constant 1.500000e+00 : f32
        %sub3A_800 = vector.broadcast %sub3A_799 : f32 to vector<16xf32>
        %sub3A_801 = arith.subf %sub3A_800, %mul3A_798 : vector<16xf32>
        %mul3A_802 = arith.mulf %bitcast3A_793, %sub3A_801 : vector<16xf32>
        %mul3A_803 = arith.constant 5.000000e-01 : f32
        %mul3A_804 = vector.broadcast %mul3A_803 : f32 to vector<16xf32>
        %mul3A_805 = arith.mulf %mul3A_804, %add3A_785 : vector<16xf32>
        %mul3A_806 = arith.mulf %mul3A_805, %mul3A_802 : vector<16xf32>
        %mul3A_807 = arith.mulf %mul3A_806, %mul3A_802 : vector<16xf32>
        %sub3A_808 = arith.constant 1.500000e+00 : f32
        %sub3A_809 = vector.broadcast %sub3A_808 : f32 to vector<16xf32>
        %sub3A_810 = arith.subf %sub3A_809, %mul3A_807 : vector<16xf32>
        %mul3A_811 = arith.mulf %mul3A_802, %sub3A_810 : vector<16xf32>
        %mul3A_812 = arith.constant 5.000000e-01 : f32
        %mul3A_813 = vector.broadcast %mul3A_812 : f32 to vector<16xf32>
        %mul3A_814 = arith.mulf %mul3A_813, %add3A_785 : vector<16xf32>
        %mul3A_815 = arith.mulf %mul3A_814, %mul3A_811 : vector<16xf32>
        %mul3A_816 = arith.mulf %mul3A_815, %mul3A_811 : vector<16xf32>
        %sub3A_817 = arith.constant 1.500000e+00 : f32
        %sub3A_818 = vector.broadcast %sub3A_817 : f32 to vector<16xf32>
        %sub3A_819 = arith.subf %sub3A_818, %mul3A_816 : vector<16xf32>
        %mul3A_820 = arith.mulf %mul3A_811, %sub3A_819 : vector<16xf32>
        %swap3A_821 = arith.index_cast %mul3A_697 : i32 to index
        %swap3A_822 = tpu.vector_load %arg25[%swap3A_821] {strides = array<i32>} : memref<1024xf32, #tpu.memory_space<vmem>>, vector<16xf32>,
        tpu.vector_store %arg25[%swap3A_821], %add3A_750 {strides = array<i32>} : memref<1024xf32, #tpu.memory_space<vmem>>, vector<16xf32>,
        %swap3A_823 = arith.index_cast %mul3A_697 : i32 to index
        %swap3A_824 = tpu.vector_load %arg27[%swap3A_823] {strides = array<i32>} : memref<1024xf32, #tpu.memory_space<vmem>>, vector<16xf32>,
        tpu.vector_store %arg27[%swap3A_823], %add3A_765 {strides = array<i32>} : memref<1024xf32, #tpu.memory_space<vmem>>, vector<16xf32>,
        %swap3A_825 = arith.index_cast %mul3A_697 : i32 to index
        %swap3A_826 = tpu.vector_load %arg29[%swap3A_825] {strides = array<i32>} : memref<1024xf32, #tpu.memory_space<vmem>>, vector<16xf32>,
        tpu.vector_store %arg29[%swap3A_825], %add3A_780 {strides = array<i32>} : memref<1024xf32, #tpu.memory_space<vmem>>, vector<16xf32>,
        %mul3A_827 = arith.mulf %add3A_785, %mul3A_820 : vector<16xf32>
        %swap3A_828 = arith.index_cast %mul3A_697 : i32 to index
        %swap3A_829 = tpu.vector_load %arg31[%swap3A_828] {strides = array<i32>} : memref<1024xf32, #tpu.memory_space<vmem>>, vector<16xf32>,
        tpu.vector_store %arg31[%swap3A_828], %mul3A_827 {strides = array<i32>} : memref<1024xf32, #tpu.memory_space<vmem>>, vector<16xf32>,
      }
      %scan3A_540 = arith.constant 64 : i32
      %mul3A_541 = arith.constant 32 : i32
      %mul3A_542 = arith.muli %mul3A_329, %mul3A_541 : i32
      %add3A_543 = arith.addi %add3A, %mul3A_542 : i32
      %mul3A_544 = arith.constant 1024 : i32
      %mul3A_545 = arith.muli %add3A_543, %mul3A_544 : i32
      %dma_start3A_546 = tpu.memref_slice %arg7[%mul3A_545] : memref<3200000xf32, #tpu.memory_space<hbm>> -> memref<1024xf32, #tpu.memory_space<hbm>>
      %dma_start3A_547 = tpu.memref_slice %arg7[%mul3A_545] : memref<3200000xf32, #tpu.memory_space<hbm>> -> memref<1024xf32, #tpu.memory_space<hbm>>
      tpu.enqueue_dma source(%arg25 : memref<1024xf32, #tpu.memory_space<vmem>>) target(%dma_start3A_547 : memref<1024xf32, #tpu.memory_space<hbm>>) target_semaphore(%arg37 : memref<!tpu.dma_semaphore, #tpu.memory_space<semaphore_mem>>)
      %dma_start3A_548 = tpu.memref_slice %arg8[%mul3A_545] : memref<3200000xf32, #tpu.memory_space<hbm>> -> memref<1024xf32, #tpu.memory_space<hbm>>
      %dma_start3A_549 = tpu.memref_slice %arg8[%mul3A_545] : memref<3200000xf32, #tpu.memory_space<hbm>> -> memref<1024xf32, #tpu.memory_space<hbm>>
      tpu.enqueue_dma source(%arg27 : memref<1024xf32, #tpu.memory_space<vmem>>) target(%dma_start3A_549 : memref<1024xf32, #tpu.memory_space<hbm>>) target_semaphore(%arg37 : memref<!tpu.dma_semaphore, #tpu.memory_space<semaphore_mem>>)
      %dma_start3A_550 = tpu.memref_slice %arg9[%mul3A_545] : memref<3200000xf32, #tpu.memory_space<hbm>> -> memref<1024xf32, #tpu.memory_space<hbm>>
      %dma_start3A_551 = tpu.memref_slice %arg9[%mul3A_545] : memref<3200000xf32, #tpu.memory_space<hbm>> -> memref<1024xf32, #tpu.memory_space<hbm>>
      tpu.enqueue_dma source(%arg29 : memref<1024xf32, #tpu.memory_space<vmem>>) target(%dma_start3A_551 : memref<1024xf32, #tpu.memory_space<hbm>>) target_semaphore(%arg37 : memref<!tpu.dma_semaphore, #tpu.memory_space<semaphore_mem>>)
      %dma_start3A_552 = tpu.memref_slice %arg10[%mul3A_545] : memref<3200000xf32, #tpu.memory_space<hbm>> -> memref<1024xf32, #tpu.memory_space<hbm>>
      %dma_start3A_553 = tpu.memref_slice %arg10[%mul3A_545] : memref<3200000xf32, #tpu.memory_space<hbm>> -> memref<1024xf32, #tpu.memory_space<hbm>>
      tpu.enqueue_dma source(%arg31 : memref<1024xf32, #tpu.memory_space<vmem>>) target(%dma_start3A_553 : memref<1024xf32, #tpu.memory_space<hbm>>) target_semaphore(%arg37 : memref<!tpu.dma_semaphore, #tpu.memory_space<semaphore_mem>>)
      %lt3A_554 = arith.cmpi slt, %add3A_333, %select_n3A : i32
      %convert_element_type3A_555 = arith.extui %lt3A_554 : i1 to i32
      %cond3A_556 = arith.constant 0 : i32
      %cond3A_557 = arith.cmpi ne, %convert_element_type3A_555, %cond3A_556 : i32
      scf.if %cond3A_557 {
        %mul3A_566 = arith.constant 32 : i32
        %mul3A_567 = arith.muli %add3A_333, %mul3A_566 : i32
        %add3A_568 = arith.addi %add3A, %mul3A_567 : i32
        %mul3A_569 = arith.constant 1024 : i32
        %mul3A_570 = arith.muli %add3A_568, %mul3A_569 : i32
        %mul3A_571 = arith.constant 8 : i32
        %mul3A_572 = arith.muli %add3A_568, %mul3A_571 : i32
        %dma_start3A_573 = arith.constant 0 : i32
        %dma_start3A_574 = arith.constant 0 : i32
        %dma_start3A_575 = tpu.memref_slice %arg6[%dma_start3A_573, %mul3A_572, %dma_start3A_574] : memref<2x25000x128xi32, #tpu.memory_space<hbm>> -> memref<1x8x128xi32, #tpu.memory_space<hbm>>
        %dma_start3A_576 = tpu.memref_squeeze %dma_start3A_575 : memref<1x8x128xi32, #tpu.memory_space<hbm>> -> memref<8x128xi32, #tpu.memory_space<hbm>>
        %dma_start3A_577 = arith.constant 0 : i32
        %dma_start3A_578 = tpu.memref_slice %arg6[%dma_start3A_573, %mul3A_572, %dma_start3A_577] : memref<2x25000x128xi32, #tpu.memory_space<hbm>> -> memref<1x8x128xi32, #tpu.memory_space<hbm>>
        %dma_start3A_579 = tpu.memref_squeeze %dma_start3A_578 : memref<1x8x128xi32, #tpu.memory_space<hbm>> -> memref<8x128xi32, #tpu.memory_space<hbm>>
        tpu.enqueue_dma source(%dma_start3A_579 : memref<8x128xi32, #tpu.memory_space<hbm>>) target(%arg11 : memref<8x128xi32, #tpu.memory_space<vmem>>) target_semaphore(%arg33 : memref<!tpu.dma_semaphore, #tpu.memory_space<semaphore_mem>>)
        %dma_start3A_580 = arith.constant 1 : i32
        %dma_start3A_581 = arith.constant 0 : i32
        %dma_start3A_582 = tpu.memref_slice %arg6[%dma_start3A_580, %mul3A_572, %dma_start3A_581] : memref<2x25000x128xi32, #tpu.memory_space<hbm>> -> memref<1x8x128xi32, #tpu.memory_space<hbm>>
        %dma_start3A_583 = tpu.memref_squeeze %dma_start3A_582 : memref<1x8x128xi32, #tpu.memory_space<hbm>> -> memref<8x128xi32, #tpu.memory_space<hbm>>
        %dma_start3A_584 = arith.constant 0 : i32
        %dma_start3A_585 = tpu.memref_slice %arg6[%dma_start3A_580, %mul3A_572, %dma_start3A_584] : memref<2x25000x128xi32, #tpu.memory_space<hbm>> -> memref<1x8x128xi32, #tpu.memory_space<hbm>>
        %dma_start3A_586 = tpu.memref_squeeze %dma_start3A_585 : memref<1x8x128xi32, #tpu.memory_space<hbm>> -> memref<8x128xi32, #tpu.memory_space<hbm>>
        tpu.enqueue_dma source(%dma_start3A_586 : memref<8x128xi32, #tpu.memory_space<hbm>>) target(%arg13 : memref<8x128xi32, #tpu.memory_space<vmem>>) target_semaphore(%arg33 : memref<!tpu.dma_semaphore, #tpu.memory_space<semaphore_mem>>)
        %dma_start3A_587 = tpu.memref_slice %arg3[%mul3A_570] : memref<3200000xf32, #tpu.memory_space<hbm>> -> memref<1024xf32, #tpu.memory_space<hbm>>
        %dma_start3A_588 = tpu.memref_slice %arg3[%mul3A_570] : memref<3200000xf32, #tpu.memory_space<hbm>> -> memref<1024xf32, #tpu.memory_space<hbm>>
        tpu.enqueue_dma source(%dma_start3A_588 : memref<1024xf32, #tpu.memory_space<hbm>>) target(%arg15 : memref<1024xf32, #tpu.memory_space<vmem>>) target_semaphore(%arg33 : memref<!tpu.dma_semaphore, #tpu.memory_space<semaphore_mem>>)
        %dma_start3A_589 = tpu.memref_slice %arg4[%mul3A_570] : memref<3200000xf32, #tpu.memory_space<hbm>> -> memref<1024xf32, #tpu.memory_space<hbm>>
        %dma_start3A_590 = tpu.memref_slice %arg4[%mul3A_570] : memref<3200000xf32, #tpu.memory_space<hbm>> -> memref<1024xf32, #tpu.memory_space<hbm>>
        tpu.enqueue_dma source(%dma_start3A_590 : memref<1024xf32, #tpu.memory_space<hbm>>) target(%arg17 : memref<1024xf32, #tpu.memory_space<vmem>>) target_semaphore(%arg33 : memref<!tpu.dma_semaphore, #tpu.memory_space<semaphore_mem>>)
        %dma_start3A_591 = tpu.memref_slice %arg5[%mul3A_570] : memref<3200000xf32, #tpu.memory_space<hbm>> -> memref<1024xf32, #tpu.memory_space<hbm>>
        %dma_start3A_592 = tpu.memref_slice %arg5[%mul3A_570] : memref<3200000xf32, #tpu.memory_space<hbm>> -> memref<1024xf32, #tpu.memory_space<hbm>>
        tpu.enqueue_dma source(%dma_start3A_592 : memref<1024xf32, #tpu.memory_space<hbm>>) target(%arg19 : memref<1024xf32, #tpu.memory_space<vmem>>) target_semaphore(%arg33 : memref<!tpu.dma_semaphore, #tpu.memory_space<semaphore_mem>>)
        %dma_wait3A_593 = arith.constant 0 : i32
        %dma_wait3A_594 = arith.constant 0 : i32
        %dma_wait3A_595 = arith.constant 0 : i32
        %dma_wait3A_596 = tpu.memref_slice %arg6[%dma_wait3A_593, %dma_wait3A_594, %dma_wait3A_595] : memref<2x25000x128xi32, #tpu.memory_space<hbm>> -> memref<1x8x128xi32, #tpu.memory_space<hbm>>
        %dma_wait3A_597 = tpu.memref_squeeze %dma_wait3A_596 : memref<1x8x128xi32, #tpu.memory_space<hbm>> -> memref<8x128xi32, #tpu.memory_space<hbm>>
        %dma_wait3A_598 = arith.constant 0 : i32
        %dma_wait3A_599 = arith.constant 0 : i32
        %dma_wait3A_600 = tpu.memref_slice %arg6[%dma_wait3A_593, %dma_wait3A_598, %dma_wait3A_599] : memref<2x25000x128xi32, #tpu.memory_space<hbm>> -> memref<1x8x128xi32, #tpu.memory_space<hbm>>
        %dma_wait3A_601 = tpu.memref_squeeze %dma_wait3A_600 : memref<1x8x128xi32, #tpu.memory_space<hbm>> -> memref<8x128xi32, #tpu.memory_space<hbm>>
        tpu.wait_dma2 semaphore(%arg33 : memref<!tpu.dma_semaphore, #tpu.memory_space<semaphore_mem>>) src(%dma_wait3A_601 : memref<8x128xi32, #tpu.memory_space<hbm>>) dst(%arg11 : memref<8x128xi32, #tpu.memory_space<vmem>>)
        %dma_wait3A_602 = arith.constant 1 : i32
        %dma_wait3A_603 = arith.constant 0 : i32
        %dma_wait3A_604 = arith.constant 0 : i32
        %dma_wait3A_605 = tpu.memref_slice %arg6[%dma_wait3A_602, %dma_wait3A_603, %dma_wait3A_604] : memref<2x25000x128xi32, #tpu.memory_space<hbm>> -> memref<1x8x128xi32, #tpu.memory_space<hbm>>
        %dma_wait3A_606 = tpu.memref_squeeze %dma_wait3A_605 : memref<1x8x128xi32, #tpu.memory_space<hbm>> -> memref<8x128xi32, #tpu.memory_space<hbm>>
        %dma_wait3A_607 = arith.constant 0 : i32
        %dma_wait3A_608 = arith.constant 0 : i32
        %dma_wait3A_609 = tpu.memref_slice %arg6[%dma_wait3A_602, %dma_wait3A_607, %dma_wait3A_608] : memref<2x25000x128xi32, #tpu.memory_space<hbm>> -> memref<1x8x128xi32, #tpu.memory_space<hbm>>
        %dma_wait3A_610 = tpu.memref_squeeze %dma_wait3A_609 : memref<1x8x128xi32, #tpu.memory_space<hbm>> -> memref<8x128xi32, #tpu.memory_space<hbm>>
        tpu.wait_dma2 semaphore(%arg33 : memref<!tpu.dma_semaphore, #tpu.memory_space<semaphore_mem>>) src(%dma_wait3A_610 : memref<8x128xi32, #tpu.memory_space<hbm>>) dst(%arg13 : memref<8x128xi32, #tpu.memory_space<vmem>>)
        %dma_wait3A_611 = arith.constant 0 : i32
        %dma_wait3A_612 = tpu.memref_slice %arg3[%dma_wait3A_611] : memref<3200000xf32, #tpu.memory_space<hbm>> -> memref<1024xf32, #tpu.memory_space<hbm>>
        %dma_wait3A_613 = arith.constant 0 : i32
        %dma_wait3A_614 = tpu.memref_slice %arg3[%dma_wait3A_613] : memref<3200000xf32, #tpu.memory_space<hbm>> -> memref<1024xf32, #tpu.memory_space<hbm>>
        tpu.wait_dma2 semaphore(%arg33 : memref<!tpu.dma_semaphore, #tpu.memory_space<semaphore_mem>>) src(%dma_wait3A_614 : memref<1024xf32, #tpu.memory_space<hbm>>) dst(%arg15 : memref<1024xf32, #tpu.memory_space<vmem>>)
        %dma_wait3A_615 = arith.constant 0 : i32
        %dma_wait3A_616 = tpu.memref_slice %arg4[%dma_wait3A_615] : memref<3200000xf32, #tpu.memory_space<hbm>> -> memref<1024xf32, #tpu.memory_space<hbm>>
        %dma_wait3A_617 = arith.constant 0 : i32
        %dma_wait3A_618 = tpu.memref_slice %arg4[%dma_wait3A_617] : memref<3200000xf32, #tpu.memory_space<hbm>> -> memref<1024xf32, #tpu.memory_space<hbm>>
        tpu.wait_dma2 semaphore(%arg33 : memref<!tpu.dma_semaphore, #tpu.memory_space<semaphore_mem>>) src(%dma_wait3A_618 : memref<1024xf32, #tpu.memory_space<hbm>>) dst(%arg17 : memref<1024xf32, #tpu.memory_space<vmem>>)
        %dma_wait3A_619 = arith.constant 0 : i32
        %dma_wait3A_620 = tpu.memref_slice %arg5[%dma_wait3A_619] : memref<3200000xf32, #tpu.memory_space<hbm>> -> memref<1024xf32, #tpu.memory_space<hbm>>
        %dma_wait3A_621 = arith.constant 0 : i32
        %dma_wait3A_622 = tpu.memref_slice %arg5[%dma_wait3A_621] : memref<3200000xf32, #tpu.memory_space<hbm>> -> memref<1024xf32, #tpu.memory_space<hbm>>
        tpu.wait_dma2 semaphore(%arg33 : memref<!tpu.dma_semaphore, #tpu.memory_space<semaphore_mem>>) src(%dma_wait3A_622 : memref<1024xf32, #tpu.memory_space<hbm>>) dst(%arg19 : memref<1024xf32, #tpu.memory_space<vmem>>)
        %dma_start3A_623 = arith.constant 0 : i32
        %dma_start3A_624 = arith.constant 0 : i32
        %dma_start3A_625 = arith.constant 0 : i32
        %dma_start3A_626 = arith.constant 0 : i32
        %dma_start3A_627 = tpu.memref_slice %arg21[%dma_start3A_624, %dma_start3A_625, %dma_start3A_626] : memref<8x128x16xf32, #tpu.memory_space<vmem>> -> memref<1x128x16xf32, #tpu.memory_space<vmem>>
        %dma_start3A_628 = tpu.memref_squeeze %dma_start3A_627 : memref<1x128x16xf32, #tpu.memory_space<vmem>> -> memref<128x16xf32, #tpu.memory_space<vmem>>
        %dma_start3A_629 = arith.constant 0 : i32
        %dma_start3A_630 = tpu.memref_slice %arg11[%dma_start3A_623, %dma_start3A_629] : memref<8x128xi32, #tpu.memory_space<vmem>> -> memref<1x128xi32, #tpu.memory_space<vmem>>
        %dma_start3A_631 = tpu.memref_squeeze %dma_start3A_630 : memref<1x128xi32, #tpu.memory_space<vmem>> -> memref<128xi32, #tpu.memory_space<vmem>>
        %dma_start3A_632 = arith.constant 0 : i32
        %dma_start3A_633 = arith.constant 0 : i32
        %dma_start3A_634 = tpu.memref_slice %arg2[%dma_start3A_632, %dma_start3A_633] : memref<100000x16xf32, #tpu.memory_space<hbm>> -> memref<100000x16xf32, #tpu.memory_space<hbm>>
        tpu.enqueue_indirect_dma source(%dma_start3A_634 : memref<100000x16xf32, #tpu.memory_space<hbm>>) target(%dma_start3A_628 : memref<128x16xf32, #tpu.memory_space<vmem>>) offsets(%dma_start3A_631 : memref<128xi32, #tpu.memory_space<vmem>>) semaphore(%arg35 : memref<!tpu.dma_semaphore, #tpu.memory_space<semaphore_mem>>)
        %dma_start3A_635 = arith.constant 0 : i32
        %dma_start3A_636 = arith.constant 0 : i32
        %dma_start3A_637 = arith.constant 0 : i32
        %dma_start3A_638 = arith.constant 0 : i32
        %dma_start3A_639 = tpu.memref_slice %arg23[%dma_start3A_636, %dma_start3A_637, %dma_start3A_638] : memref<8x128x16xf32, #tpu.memory_space<vmem>> -> memref<1x128x16xf32, #tpu.memory_space<vmem>>
        %dma_start3A_640 = tpu.memref_squeeze %dma_start3A_639 : memref<1x128x16xf32, #tpu.memory_space<vmem>> -> memref<128x16xf32, #tpu.memory_space<vmem>>
        %dma_start3A_641 = arith.constant 0 : i32
        %dma_start3A_642 = tpu.memref_slice %arg13[%dma_start3A_635, %dma_start3A_641] : memref<8x128xi32, #tpu.memory_space<vmem>> -> memref<1x128xi32, #tpu.memory_space<vmem>>
        %dma_start3A_643 = tpu.memref_squeeze %dma_start3A_642 : memref<1x128xi32, #tpu.memory_space<vmem>> -> memref<128xi32, #tpu.memory_space<vmem>>
        %dma_start3A_644 = arith.constant 0 : i32
        %dma_start3A_645 = arith.constant 0 : i32
        %dma_start3A_646 = tpu.memref_slice %arg2[%dma_start3A_644, %dma_start3A_645] : memref<100000x16xf32, #tpu.memory_space<hbm>> -> memref<100000x16xf32, #tpu.memory_space<hbm>>
        tpu.enqueue_indirect_dma source(%dma_start3A_646 : memref<100000x16xf32, #tpu.memory_space<hbm>>) target(%dma_start3A_640 : memref<128x16xf32, #tpu.memory_space<vmem>>) offsets(%dma_start3A_643 : memref<128xi32, #tpu.memory_space<vmem>>) semaphore(%arg35 : memref<!tpu.dma_semaphore, #tpu.memory_space<semaphore_mem>>)
        %dma_start3A_647 = arith.constant 1 : i32
        %dma_start3A_648 = arith.constant 1 : i32
        %dma_start3A_649 = arith.constant 0 : i32
        %dma_start3A_650 = arith.constant 0 : i32
        %dma_start3A_651 = tpu.memref_slice %arg21[%dma_start3A_648, %dma_start3A_649, %dma_start3A_650] : memref<8x128x16xf32, #tpu.memory_space<vmem>> -> memref<1x128x16xf32, #tpu.memory_space<vmem>>
        %dma_start3A_652 = tpu.memref_squeeze %dma_start3A_651 : memref<1x128x16xf32, #tpu.memory_space<vmem>> -> memref<128x16xf32, #tpu.memory_space<vmem>>
        %dma_start3A_653 = arith.constant 0 : i32
        %dma_start3A_654 = tpu.memref_slice %arg11[%dma_start3A_647, %dma_start3A_653] : memref<8x128xi32, #tpu.memory_space<vmem>> -> memref<1x128xi32, #tpu.memory_space<vmem>>
        %dma_start3A_655 = tpu.memref_squeeze %dma_start3A_654 : memref<1x128xi32, #tpu.memory_space<vmem>> -> memref<128xi32, #tpu.memory_space<vmem>>
        %dma_start3A_656 = arith.constant 0 : i32
        %dma_start3A_657 = arith.constant 0 : i32
        %dma_start3A_658 = tpu.memref_slice %arg2[%dma_start3A_656, %dma_start3A_657] : memref<100000x16xf32, #tpu.memory_space<hbm>> -> memref<100000x16xf32, #tpu.memory_space<hbm>>
        tpu.enqueue_indirect_dma source(%dma_start3A_658 : memref<100000x16xf32, #tpu.memory_space<hbm>>) target(%dma_start3A_652 : memref<128x16xf32, #tpu.memory_space<vmem>>) offsets(%dma_start3A_655 : memref<128xi32, #tpu.memory_space<vmem>>) semaphore(%arg35 : memref<!tpu.dma_semaphore, #tpu.memory_space<semaphore_mem>>)
        %dma_start3A_659 = arith.constant 1 : i32
        %dma_start3A_660 = arith.constant 1 : i32
        %dma_start3A_661 = arith.constant 0 : i32
        %dma_start3A_662 = arith.constant 0 : i32
        %dma_start3A_663 = tpu.memref_slice %arg23[%dma_start3A_660, %dma_start3A_661, %dma_start3A_662] : memref<8x128x16xf32, #tpu.memory_space<vmem>> -> memref<1x128x16xf32, #tpu.memory_space<vmem>>
        %dma_start3A_664 = tpu.memref_squeeze %dma_start3A_663 : memref<1x128x16xf32, #tpu.memory_space<vmem>> -> memref<128x16xf32, #tpu.memory_space<vmem>>
        %dma_start3A_665 = arith.constant 0 : i32
        %dma_start3A_666 = tpu.memref_slice %arg13[%dma_start3A_659, %dma_start3A_665] : memref<8x128xi32, #tpu.memory_space<vmem>> -> memref<1x128xi32, #tpu.memory_space<vmem>>
        %dma_start3A_667 = tpu.memref_squeeze %dma_start3A_666 : memref<1x128xi32, #tpu.memory_space<vmem>> -> memref<128xi32, #tpu.memory_space<vmem>>
        %dma_start3A_668 = arith.constant 0 : i32
        %dma_start3A_669 = arith.constant 0 : i32
        %dma_start3A_670 = tpu.memref_slice %arg2[%dma_start3A_668, %dma_start3A_669] : memref<100000x16xf32, #tpu.memory_space<hbm>> -> memref<100000x16xf32, #tpu.memory_space<hbm>>
        tpu.enqueue_indirect_dma source(%dma_start3A_670 : memref<100000x16xf32, #tpu.memory_space<hbm>>) target(%dma_start3A_664 : memref<128x16xf32, #tpu.memory_space<vmem>>) offsets(%dma_start3A_667 : memref<128xi32, #tpu.memory_space<vmem>>) semaphore(%arg35 : memref<!tpu.dma_semaphore, #tpu.memory_space<semaphore_mem>>)
        %dma_start3A_671 = arith.constant 2 : i32
        %dma_start3A_672 = arith.constant 2 : i32
        %dma_start3A_673 = arith.constant 0 : i32
        %dma_start3A_674 = arith.constant 0 : i32
        %dma_start3A_675 = tpu.memref_slice %arg21[%dma_start3A_672, %dma_start3A_673, %dma_start3A_674] : memref<8x128x16xf32, #tpu.memory_space<vmem>> -> memref<1x128x16xf32, #tpu.memory_space<vmem>>
        %dma_start3A_676 = tpu.memref_squeeze %dma_start3A_675 : memref<1x128x16xf32, #tpu.memory_space<vmem>> -> memref<128x16xf32, #tpu.memory_space<vmem>>
        %dma_start3A_677 = arith.constant 0 : i32
        %dma_start3A_678 = tpu.memref_slice %arg11[%dma_start3A_671, %dma_start3A_677] : memref<8x128xi32, #tpu.memory_space<vmem>> -> memref<1x128xi32, #tpu.memory_space<vmem>>
        %dma_start3A_679 = tpu.memref_squeeze %dma_start3A_678 : memref<1x128xi32, #tpu.memory_space<vmem>> -> memref<128xi32, #tpu.memory_space<vmem>>
        %dma_start3A_680 = arith.constant 0 : i32
        %dma_start3A_681 = arith.constant 0 : i32
        %dma_start3A_682 = tpu.memref_slice %arg2[%dma_start3A_680, %dma_start3A_681] : memref<100000x16xf32, #tpu.memory_space<hbm>> -> memref<100000x16xf32, #tpu.memory_space<hbm>>
        tpu.enqueue_indirect_dma source(%dma_start3A_682 : memref<100000x16xf32, #tpu.memory_space<hbm>>) target(%dma_start3A_676 : memref<128x16xf32, #tpu.memory_space<vmem>>) offsets(%dma_start3A_679 : memref<128xi32, #tpu.memory_space<vmem>>) semaphore(%arg35 : memref<!tpu.dma_semaphore, #tpu.memory_space<semaphore_mem>>)
        %dma_start3A_683 = arith.constant 2 : i32
        %dma_start3A_684 = arith.constant 2 : i32
        %dma_start3A_685 = arith.constant 0 : i32
        %dma_start3A_686 = arith.constant 0 : i32
        %dma_start3A_687 = tpu.memref_slice %arg23[%dma_start3A_684, %dma_start3A_685, %dma_start3A_686] : memref<8x128x16xf32, #tpu.memory_space<vmem>> -> memref<1x128x16xf32, #tpu.memory_space<vmem>>
        %dma_start3A_688 = tpu.memref_squeeze %dma_start3A_687 : memref<1x128x16xf32, #tpu.memory_space<vmem>> -> memref<128x16xf32, #tpu.memory_space<vmem>>
        %dma_start3A_689 = arith.constant 0 : i32
        %dma_start3A_690 = tpu.memref_slice %arg13[%dma_start3A_683, %dma_start3A_689] : memref<8x128xi32, #tpu.memory_space<vmem>> -> memref<1x128xi32, #tpu.memory_space<vmem>>
        %dma_start3A_691 = tpu.memref_squeeze %dma_start3A_690 : memref<1x128xi32, #tpu.memory_space<vmem>> -> memref<128xi32, #tpu.memory_space<vmem>>
        %dma_start3A_692 = arith.constant 0 : i32
        %dma_start3A_693 = arith.constant 0 : i32
        %dma_start3A_694 = tpu.memref_slice %arg2[%dma_start3A_692, %dma_start3A_693] : memref<100000x16xf32, #tpu.memory_space<hbm>> -> memref<100000x16xf32, #tpu.memory_space<hbm>>
        tpu.enqueue_indirect_dma source(%dma_start3A_694 : memref<100000x16xf32, #tpu.memory_space<hbm>>) target(%dma_start3A_688 : memref<128x16xf32, #tpu.memory_space<vmem>>) offsets(%dma_start3A_691 : memref<128xi32, #tpu.memory_space<vmem>>) semaphore(%arg35 : memref<!tpu.dma_semaphore, #tpu.memory_space<semaphore_mem>>)
        %dma_start3A_695 = arith.constant 3 : i32
        %dma_start3A_696 = arith.constant 3 : i32
        %dma_start3A_697 = arith.constant 0 : i32
        %dma_start3A_698 = arith.constant 0 : i32
        %dma_start3A_699 = tpu.memref_slice %arg21[%dma_start3A_696, %dma_start3A_697, %dma_start3A_698] : memref<8x128x16xf32, #tpu.memory_space<vmem>> -> memref<1x128x16xf32, #tpu.memory_space<vmem>>
        %dma_start3A_700 = tpu.memref_squeeze %dma_start3A_699 : memref<1x128x16xf32, #tpu.memory_space<vmem>> -> memref<128x16xf32, #tpu.memory_space<vmem>>
        %dma_start3A_701 = arith.constant 0 : i32
        %dma_start3A_702 = tpu.memref_slice %arg11[%dma_start3A_695, %dma_start3A_701] : memref<8x128xi32, #tpu.memory_space<vmem>> -> memref<1x128xi32, #tpu.memory_space<vmem>>
        %dma_start3A_703 = tpu.memref_squeeze %dma_start3A_702 : memref<1x128xi32, #tpu.memory_space<vmem>> -> memref<128xi32, #tpu.memory_space<vmem>>
        %dma_start3A_704 = arith.constant 0 : i32
        %dma_start3A_705 = arith.constant 0 : i32
        %dma_start3A_706 = tpu.memref_slice %arg2[%dma_start3A_704, %dma_start3A_705] : memref<100000x16xf32, #tpu.memory_space<hbm>> -> memref<100000x16xf32, #tpu.memory_space<hbm>>
        tpu.enqueue_indirect_dma source(%dma_start3A_706 : memref<100000x16xf32, #tpu.memory_space<hbm>>) target(%dma_start3A_700 : memref<128x16xf32, #tpu.memory_space<vmem>>) offsets(%dma_start3A_703 : memref<128xi32, #tpu.memory_space<vmem>>) semaphore(%arg35 : memref<!tpu.dma_semaphore, #tpu.memory_space<semaphore_mem>>)
        %dma_start3A_707 = arith.constant 3 : i32
        %dma_start3A_708 = arith.constant 3 : i32
        %dma_start3A_709 = arith.constant 0 : i32
        %dma_start3A_710 = arith.constant 0 : i32
        %dma_start3A_711 = tpu.memref_slice %arg23[%dma_start3A_708, %dma_start3A_709, %dma_start3A_710] : memref<8x128x16xf32, #tpu.memory_space<vmem>> -> memref<1x128x16xf32, #tpu.memory_space<vmem>>
        %dma_start3A_712 = tpu.memref_squeeze %dma_start3A_711 : memref<1x128x16xf32, #tpu.memory_space<vmem>> -> memref<128x16xf32, #tpu.memory_space<vmem>>
        %dma_start3A_713 = arith.constant 0 : i32
        %dma_start3A_714 = tpu.memref_slice %arg13[%dma_start3A_707, %dma_start3A_713] : memref<8x128xi32, #tpu.memory_space<vmem>> -> memref<1x128xi32, #tpu.memory_space<vmem>>
        %dma_start3A_715 = tpu.memref_squeeze %dma_start3A_714 : memref<1x128xi32, #tpu.memory_space<vmem>> -> memref<128xi32, #tpu.memory_space<vmem>>
        %dma_start3A_716 = arith.constant 0 : i32
        %dma_start3A_717 = arith.constant 0 : i32
        %dma_start3A_718 = tpu.memref_slice %arg2[%dma_start3A_716, %dma_start3A_717] : memref<100000x16xf32, #tpu.memory_space<hbm>> -> memref<100000x16xf32, #tpu.memory_space<hbm>>
        tpu.enqueue_indirect_dma source(%dma_start3A_718 : memref<100000x16xf32, #tpu.memory_space<hbm>>) target(%dma_start3A_712 : memref<128x16xf32, #tpu.memory_space<vmem>>) offsets(%dma_start3A_715 : memref<128xi32, #tpu.memory_space<vmem>>) semaphore(%arg35 : memref<!tpu.dma_semaphore, #tpu.memory_space<semaphore_mem>>)
        %dma_start3A_719 = arith.constant 4 : i32
        %dma_start3A_720 = arith.constant 4 : i32
        %dma_start3A_721 = arith.constant 0 : i32
        %dma_start3A_722 = arith.constant 0 : i32
        %dma_start3A_723 = tpu.memref_slice %arg21[%dma_start3A_720, %dma_start3A_721, %dma_start3A_722] : memref<8x128x16xf32, #tpu.memory_space<vmem>> -> memref<1x128x16xf32, #tpu.memory_space<vmem>>
        %dma_start3A_724 = tpu.memref_squeeze %dma_start3A_723 : memref<1x128x16xf32, #tpu.memory_space<vmem>> -> memref<128x16xf32, #tpu.memory_space<vmem>>
        %dma_start3A_725 = arith.constant 0 : i32
        %dma_start3A_726 = tpu.memref_slice %arg11[%dma_start3A_719, %dma_start3A_725] : memref<8x128xi32, #tpu.memory_space<vmem>> -> memref<1x128xi32, #tpu.memory_space<vmem>>
        %dma_start3A_727 = tpu.memref_squeeze %dma_start3A_726 : memref<1x128xi32, #tpu.memory_space<vmem>> -> memref<128xi32, #tpu.memory_space<vmem>>
        %dma_start3A_728 = arith.constant 0 : i32
        %dma_start3A_729 = arith.constant 0 : i32
        %dma_start3A_730 = tpu.memref_slice %arg2[%dma_start3A_728, %dma_start3A_729] : memref<100000x16xf32, #tpu.memory_space<hbm>> -> memref<100000x16xf32, #tpu.memory_space<hbm>>
        tpu.enqueue_indirect_dma source(%dma_start3A_730 : memref<100000x16xf32, #tpu.memory_space<hbm>>) target(%dma_start3A_724 : memref<128x16xf32, #tpu.memory_space<vmem>>) offsets(%dma_start3A_727 : memref<128xi32, #tpu.memory_space<vmem>>) semaphore(%arg35 : memref<!tpu.dma_semaphore, #tpu.memory_space<semaphore_mem>>)
        %dma_start3A_731 = arith.constant 4 : i32
        %dma_start3A_732 = arith.constant 4 : i32
        %dma_start3A_733 = arith.constant 0 : i32
        %dma_start3A_734 = arith.constant 0 : i32
        %dma_start3A_735 = tpu.memref_slice %arg23[%dma_start3A_732, %dma_start3A_733, %dma_start3A_734] : memref<8x128x16xf32, #tpu.memory_space<vmem>> -> memref<1x128x16xf32, #tpu.memory_space<vmem>>
        %dma_start3A_736 = tpu.memref_squeeze %dma_start3A_735 : memref<1x128x16xf32, #tpu.memory_space<vmem>> -> memref<128x16xf32, #tpu.memory_space<vmem>>
        %dma_start3A_737 = arith.constant 0 : i32
        %dma_start3A_738 = tpu.memref_slice %arg13[%dma_start3A_731, %dma_start3A_737] : memref<8x128xi32, #tpu.memory_space<vmem>> -> memref<1x128xi32, #tpu.memory_space<vmem>>
        %dma_start3A_739 = tpu.memref_squeeze %dma_start3A_738 : memref<1x128xi32, #tpu.memory_space<vmem>> -> memref<128xi32, #tpu.memory_space<vmem>>
        %dma_start3A_740 = arith.constant 0 : i32
        %dma_start3A_741 = arith.constant 0 : i32
        %dma_start3A_742 = tpu.memref_slice %arg2[%dma_start3A_740, %dma_start3A_741] : memref<100000x16xf32, #tpu.memory_space<hbm>> -> memref<100000x16xf32, #tpu.memory_space<hbm>>
        tpu.enqueue_indirect_dma source(%dma_start3A_742 : memref<100000x16xf32, #tpu.memory_space<hbm>>) target(%dma_start3A_736 : memref<128x16xf32, #tpu.memory_space<vmem>>) offsets(%dma_start3A_739 : memref<128xi32, #tpu.memory_space<vmem>>) semaphore(%arg35 : memref<!tpu.dma_semaphore, #tpu.memory_space<semaphore_mem>>)
        %dma_start3A_743 = arith.constant 5 : i32
        %dma_start3A_744 = arith.constant 5 : i32
        %dma_start3A_745 = arith.constant 0 : i32
        %dma_start3A_746 = arith.constant 0 : i32
        %dma_start3A_747 = tpu.memref_slice %arg21[%dma_start3A_744, %dma_start3A_745, %dma_start3A_746] : memref<8x128x16xf32, #tpu.memory_space<vmem>> -> memref<1x128x16xf32, #tpu.memory_space<vmem>>
        %dma_start3A_748 = tpu.memref_squeeze %dma_start3A_747 : memref<1x128x16xf32, #tpu.memory_space<vmem>> -> memref<128x16xf32, #tpu.memory_space<vmem>>
        %dma_start3A_749 = arith.constant 0 : i32
        %dma_start3A_750 = tpu.memref_slice %arg11[%dma_start3A_743, %dma_start3A_749] : memref<8x128xi32, #tpu.memory_space<vmem>> -> memref<1x128xi32, #tpu.memory_space<vmem>>
        %dma_start3A_751 = tpu.memref_squeeze %dma_start3A_750 : memref<1x128xi32, #tpu.memory_space<vmem>> -> memref<128xi32, #tpu.memory_space<vmem>>
        %dma_start3A_752 = arith.constant 0 : i32
        %dma_start3A_753 = arith.constant 0 : i32
        %dma_start3A_754 = tpu.memref_slice %arg2[%dma_start3A_752, %dma_start3A_753] : memref<100000x16xf32, #tpu.memory_space<hbm>> -> memref<100000x16xf32, #tpu.memory_space<hbm>>
        tpu.enqueue_indirect_dma source(%dma_start3A_754 : memref<100000x16xf32, #tpu.memory_space<hbm>>) target(%dma_start3A_748 : memref<128x16xf32, #tpu.memory_space<vmem>>) offsets(%dma_start3A_751 : memref<128xi32, #tpu.memory_space<vmem>>) semaphore(%arg35 : memref<!tpu.dma_semaphore, #tpu.memory_space<semaphore_mem>>)
        %dma_start3A_755 = arith.constant 5 : i32
        %dma_start3A_756 = arith.constant 5 : i32
        %dma_start3A_757 = arith.constant 0 : i32
        %dma_start3A_758 = arith.constant 0 : i32
        %dma_start3A_759 = tpu.memref_slice %arg23[%dma_start3A_756, %dma_start3A_757, %dma_start3A_758] : memref<8x128x16xf32, #tpu.memory_space<vmem>> -> memref<1x128x16xf32, #tpu.memory_space<vmem>>
        %dma_start3A_760 = tpu.memref_squeeze %dma_start3A_759 : memref<1x128x16xf32, #tpu.memory_space<vmem>> -> memref<128x16xf32, #tpu.memory_space<vmem>>
        %dma_start3A_761 = arith.constant 0 : i32
        %dma_start3A_762 = tpu.memref_slice %arg13[%dma_start3A_755, %dma_start3A_761] : memref<8x128xi32, #tpu.memory_space<vmem>> -> memref<1x128xi32, #tpu.memory_space<vmem>>
        %dma_start3A_763 = tpu.memref_squeeze %dma_start3A_762 : memref<1x128xi32, #tpu.memory_space<vmem>> -> memref<128xi32, #tpu.memory_space<vmem>>
        %dma_start3A_764 = arith.constant 0 : i32
        %dma_start3A_765 = arith.constant 0 : i32
        %dma_start3A_766 = tpu.memref_slice %arg2[%dma_start3A_764, %dma_start3A_765] : memref<100000x16xf32, #tpu.memory_space<hbm>> -> memref<100000x16xf32, #tpu.memory_space<hbm>>
        tpu.enqueue_indirect_dma source(%dma_start3A_766 : memref<100000x16xf32, #tpu.memory_space<hbm>>) target(%dma_start3A_760 : memref<128x16xf32, #tpu.memory_space<vmem>>) offsets(%dma_start3A_763 : memref<128xi32, #tpu.memory_space<vmem>>) semaphore(%arg35 : memref<!tpu.dma_semaphore, #tpu.memory_space<semaphore_mem>>)
        %dma_start3A_767 = arith.constant 6 : i32
        %dma_start3A_768 = arith.constant 6 : i32
        %dma_start3A_769 = arith.constant 0 : i32
        %dma_start3A_770 = arith.constant 0 : i32
        %dma_start3A_771 = tpu.memref_slice %arg21[%dma_start3A_768, %dma_start3A_769, %dma_start3A_770] : memref<8x128x16xf32, #tpu.memory_space<vmem>> -> memref<1x128x16xf32, #tpu.memory_space<vmem>>
        %dma_start3A_772 = tpu.memref_squeeze %dma_start3A_771 : memref<1x128x16xf32, #tpu.memory_space<vmem>> -> memref<128x16xf32, #tpu.memory_space<vmem>>
        %dma_start3A_773 = arith.constant 0 : i32
        %dma_start3A_774 = tpu.memref_slice %arg11[%dma_start3A_767, %dma_start3A_773] : memref<8x128xi32, #tpu.memory_space<vmem>> -> memref<1x128xi32, #tpu.memory_space<vmem>>
        %dma_start3A_775 = tpu.memref_squeeze %dma_start3A_774 : memref<1x128xi32, #tpu.memory_space<vmem>> -> memref<128xi32, #tpu.memory_space<vmem>>
        %dma_start3A_776 = arith.constant 0 : i32
        %dma_start3A_777 = arith.constant 0 : i32
        %dma_start3A_778 = tpu.memref_slice %arg2[%dma_start3A_776, %dma_start3A_777] : memref<100000x16xf32, #tpu.memory_space<hbm>> -> memref<100000x16xf32, #tpu.memory_space<hbm>>
        tpu.enqueue_indirect_dma source(%dma_start3A_778 : memref<100000x16xf32, #tpu.memory_space<hbm>>) target(%dma_start3A_772 : memref<128x16xf32, #tpu.memory_space<vmem>>) offsets(%dma_start3A_775 : memref<128xi32, #tpu.memory_space<vmem>>) semaphore(%arg35 : memref<!tpu.dma_semaphore, #tpu.memory_space<semaphore_mem>>)
        %dma_start3A_779 = arith.constant 6 : i32
        %dma_start3A_780 = arith.constant 6 : i32
        %dma_start3A_781 = arith.constant 0 : i32
        %dma_start3A_782 = arith.constant 0 : i32
        %dma_start3A_783 = tpu.memref_slice %arg23[%dma_start3A_780, %dma_start3A_781, %dma_start3A_782] : memref<8x128x16xf32, #tpu.memory_space<vmem>> -> memref<1x128x16xf32, #tpu.memory_space<vmem>>
        %dma_start3A_784 = tpu.memref_squeeze %dma_start3A_783 : memref<1x128x16xf32, #tpu.memory_space<vmem>> -> memref<128x16xf32, #tpu.memory_space<vmem>>
        %dma_start3A_785 = arith.constant 0 : i32
        %dma_start3A_786 = tpu.memref_slice %arg13[%dma_start3A_779, %dma_start3A_785] : memref<8x128xi32, #tpu.memory_space<vmem>> -> memref<1x128xi32, #tpu.memory_space<vmem>>
        %dma_start3A_787 = tpu.memref_squeeze %dma_start3A_786 : memref<1x128xi32, #tpu.memory_space<vmem>> -> memref<128xi32, #tpu.memory_space<vmem>>
        %dma_start3A_788 = arith.constant 0 : i32
        %dma_start3A_789 = arith.constant 0 : i32
        %dma_start3A_790 = tpu.memref_slice %arg2[%dma_start3A_788, %dma_start3A_789] : memref<100000x16xf32, #tpu.memory_space<hbm>> -> memref<100000x16xf32, #tpu.memory_space<hbm>>
        tpu.enqueue_indirect_dma source(%dma_start3A_790 : memref<100000x16xf32, #tpu.memory_space<hbm>>) target(%dma_start3A_784 : memref<128x16xf32, #tpu.memory_space<vmem>>) offsets(%dma_start3A_787 : memref<128xi32, #tpu.memory_space<vmem>>) semaphore(%arg35 : memref<!tpu.dma_semaphore, #tpu.memory_space<semaphore_mem>>)
        %dma_start3A_791 = arith.constant 7 : i32
        %dma_start3A_792 = arith.constant 7 : i32
        %dma_start3A_793 = arith.constant 0 : i32
        %dma_start3A_794 = arith.constant 0 : i32
        %dma_start3A_795 = tpu.memref_slice %arg21[%dma_start3A_792, %dma_start3A_793, %dma_start3A_794] : memref<8x128x16xf32, #tpu.memory_space<vmem>> -> memref<1x128x16xf32, #tpu.memory_space<vmem>>
        %dma_start3A_796 = tpu.memref_squeeze %dma_start3A_795 : memref<1x128x16xf32, #tpu.memory_space<vmem>> -> memref<128x16xf32, #tpu.memory_space<vmem>>
        %dma_start3A_797 = arith.constant 0 : i32
        %dma_start3A_798 = tpu.memref_slice %arg11[%dma_start3A_791, %dma_start3A_797] : memref<8x128xi32, #tpu.memory_space<vmem>> -> memref<1x128xi32, #tpu.memory_space<vmem>>
        %dma_start3A_799 = tpu.memref_squeeze %dma_start3A_798 : memref<1x128xi32, #tpu.memory_space<vmem>> -> memref<128xi32, #tpu.memory_space<vmem>>
        %dma_start3A_800 = arith.constant 0 : i32
        %dma_start3A_801 = arith.constant 0 : i32
        %dma_start3A_802 = tpu.memref_slice %arg2[%dma_start3A_800, %dma_start3A_801] : memref<100000x16xf32, #tpu.memory_space<hbm>> -> memref<100000x16xf32, #tpu.memory_space<hbm>>
        tpu.enqueue_indirect_dma source(%dma_start3A_802 : memref<100000x16xf32, #tpu.memory_space<hbm>>) target(%dma_start3A_796 : memref<128x16xf32, #tpu.memory_space<vmem>>) offsets(%dma_start3A_799 : memref<128xi32, #tpu.memory_space<vmem>>) semaphore(%arg35 : memref<!tpu.dma_semaphore, #tpu.memory_space<semaphore_mem>>)
        %dma_start3A_803 = arith.constant 7 : i32
        %dma_start3A_804 = arith.constant 7 : i32
        %dma_start3A_805 = arith.constant 0 : i32
        %dma_start3A_806 = arith.constant 0 : i32
        %dma_start3A_807 = tpu.memref_slice %arg23[%dma_start3A_804, %dma_start3A_805, %dma_start3A_806] : memref<8x128x16xf32, #tpu.memory_space<vmem>> -> memref<1x128x16xf32, #tpu.memory_space<vmem>>
        %dma_start3A_808 = tpu.memref_squeeze %dma_start3A_807 : memref<1x128x16xf32, #tpu.memory_space<vmem>> -> memref<128x16xf32, #tpu.memory_space<vmem>>
        %dma_start3A_809 = arith.constant 0 : i32
        %dma_start3A_810 = tpu.memref_slice %arg13[%dma_start3A_803, %dma_start3A_809] : memref<8x128xi32, #tpu.memory_space<vmem>> -> memref<1x128xi32, #tpu.memory_space<vmem>>
        %dma_start3A_811 = tpu.memref_squeeze %dma_start3A_810 : memref<1x128xi32, #tpu.memory_space<vmem>> -> memref<128xi32, #tpu.memory_space<vmem>>
        %dma_start3A_812 = arith.constant 0 : i32
        %dma_start3A_813 = arith.constant 0 : i32
        %dma_start3A_814 = tpu.memref_slice %arg2[%dma_start3A_812, %dma_start3A_813] : memref<100000x16xf32, #tpu.memory_space<hbm>> -> memref<100000x16xf32, #tpu.memory_space<hbm>>
        tpu.enqueue_indirect_dma source(%dma_start3A_814 : memref<100000x16xf32, #tpu.memory_space<hbm>>) target(%dma_start3A_808 : memref<128x16xf32, #tpu.memory_space<vmem>>) offsets(%dma_start3A_811 : memref<128xi32, #tpu.memory_space<vmem>>) semaphore(%arg35 : memref<!tpu.dma_semaphore, #tpu.memory_space<semaphore_mem>>)
      } else {
      }
      %lt3A_558 = arith.cmpi slt, %add3A_331, %select_n3A : i32
      %convert_element_type3A_559 = arith.extui %lt3A_558 : i1 to i32
      %cond3A_560 = arith.constant 0 : i32
      %cond3A_561 = arith.cmpi ne, %convert_element_type3A_559, %cond3A_560 : i32
      scf.if %cond3A_561 {
        %dma_wait3A_566 = arith.constant 0 : i32
        %dma_wait3A_567 = arith.constant 0 : i32
        %dma_wait3A_568 = arith.constant 0 : i32
        %dma_wait3A_569 = arith.constant 0 : i32
        %dma_wait3A_570 = tpu.memref_slice %arg22[%dma_wait3A_567, %dma_wait3A_568, %dma_wait3A_569] : memref<8x128x16xf32, #tpu.memory_space<vmem>> -> memref<1x128x16xf32, #tpu.memory_space<vmem>>
        %dma_wait3A_571 = tpu.memref_squeeze %dma_wait3A_570 : memref<1x128x16xf32, #tpu.memory_space<vmem>> -> memref<128x16xf32, #tpu.memory_space<vmem>>
        %dma_wait3A_572 = arith.constant 0 : i32
        %dma_wait3A_573 = tpu.memref_slice %arg12[%dma_wait3A_566, %dma_wait3A_572] : memref<8x128xi32, #tpu.memory_space<vmem>> -> memref<1x128xi32, #tpu.memory_space<vmem>>
        %dma_wait3A_574 = tpu.memref_squeeze %dma_wait3A_573 : memref<1x128xi32, #tpu.memory_space<vmem>> -> memref<128xi32, #tpu.memory_space<vmem>>
        %dma_wait3A_575 = arith.constant 0 : i32
        %dma_wait3A_576 = arith.constant 0 : i32
        %dma_wait3A_577 = tpu.memref_slice %arg2[%dma_wait3A_575, %dma_wait3A_576] : memref<100000x16xf32, #tpu.memory_space<hbm>> -> memref<100000x16xf32, #tpu.memory_space<hbm>>
        tpu.wait_indirect_dma semaphore(%arg36 : memref<!tpu.dma_semaphore, #tpu.memory_space<semaphore_mem>>) src(%dma_wait3A_577 : memref<100000x16xf32, #tpu.memory_space<hbm>>) dst(%dma_wait3A_571 : memref<128x16xf32, #tpu.memory_space<vmem>>)
        %dma_wait3A_578 = arith.constant 0 : i32
        %dma_wait3A_579 = arith.constant 0 : i32
        %dma_wait3A_580 = arith.constant 0 : i32
        %dma_wait3A_581 = arith.constant 0 : i32
        %dma_wait3A_582 = tpu.memref_slice %arg24[%dma_wait3A_579, %dma_wait3A_580, %dma_wait3A_581] : memref<8x128x16xf32, #tpu.memory_space<vmem>> -> memref<1x128x16xf32, #tpu.memory_space<vmem>>
        %dma_wait3A_583 = tpu.memref_squeeze %dma_wait3A_582 : memref<1x128x16xf32, #tpu.memory_space<vmem>> -> memref<128x16xf32, #tpu.memory_space<vmem>>
        %dma_wait3A_584 = arith.constant 0 : i32
        %dma_wait3A_585 = tpu.memref_slice %arg14[%dma_wait3A_578, %dma_wait3A_584] : memref<8x128xi32, #tpu.memory_space<vmem>> -> memref<1x128xi32, #tpu.memory_space<vmem>>
        %dma_wait3A_586 = tpu.memref_squeeze %dma_wait3A_585 : memref<1x128xi32, #tpu.memory_space<vmem>> -> memref<128xi32, #tpu.memory_space<vmem>>
        %dma_wait3A_587 = arith.constant 0 : i32
        %dma_wait3A_588 = arith.constant 0 : i32
        %dma_wait3A_589 = tpu.memref_slice %arg2[%dma_wait3A_587, %dma_wait3A_588] : memref<100000x16xf32, #tpu.memory_space<hbm>> -> memref<100000x16xf32, #tpu.memory_space<hbm>>
        tpu.wait_indirect_dma semaphore(%arg36 : memref<!tpu.dma_semaphore, #tpu.memory_space<semaphore_mem>>) src(%dma_wait3A_589 : memref<100000x16xf32, #tpu.memory_space<hbm>>) dst(%dma_wait3A_583 : memref<128x16xf32, #tpu.memory_space<vmem>>)
        %dma_wait3A_590 = arith.constant 1 : i32
        %dma_wait3A_591 = arith.constant 1 : i32
        %dma_wait3A_592 = arith.constant 0 : i32
        %dma_wait3A_593 = arith.constant 0 : i32
        %dma_wait3A_594 = tpu.memref_slice %arg22[%dma_wait3A_591, %dma_wait3A_592, %dma_wait3A_593] : memref<8x128x16xf32, #tpu.memory_space<vmem>> -> memref<1x128x16xf32, #tpu.memory_space<vmem>>
        %dma_wait3A_595 = tpu.memref_squeeze %dma_wait3A_594 : memref<1x128x16xf32, #tpu.memory_space<vmem>> -> memref<128x16xf32, #tpu.memory_space<vmem>>
        %dma_wait3A_596 = arith.constant 0 : i32
        %dma_wait3A_597 = tpu.memref_slice %arg12[%dma_wait3A_590, %dma_wait3A_596] : memref<8x128xi32, #tpu.memory_space<vmem>> -> memref<1x128xi32, #tpu.memory_space<vmem>>
        %dma_wait3A_598 = tpu.memref_squeeze %dma_wait3A_597 : memref<1x128xi32, #tpu.memory_space<vmem>> -> memref<128xi32, #tpu.memory_space<vmem>>
        %dma_wait3A_599 = arith.constant 0 : i32
        %dma_wait3A_600 = arith.constant 0 : i32
        %dma_wait3A_601 = tpu.memref_slice %arg2[%dma_wait3A_599, %dma_wait3A_600] : memref<100000x16xf32, #tpu.memory_space<hbm>> -> memref<100000x16xf32, #tpu.memory_space<hbm>>
        tpu.wait_indirect_dma semaphore(%arg36 : memref<!tpu.dma_semaphore, #tpu.memory_space<semaphore_mem>>) src(%dma_wait3A_601 : memref<100000x16xf32, #tpu.memory_space<hbm>>) dst(%dma_wait3A_595 : memref<128x16xf32, #tpu.memory_space<vmem>>)
        %dma_wait3A_602 = arith.constant 1 : i32
        %dma_wait3A_603 = arith.constant 1 : i32
        %dma_wait3A_604 = arith.constant 0 : i32
        %dma_wait3A_605 = arith.constant 0 : i32
        %dma_wait3A_606 = tpu.memref_slice %arg24[%dma_wait3A_603, %dma_wait3A_604, %dma_wait3A_605] : memref<8x128x16xf32, #tpu.memory_space<vmem>> -> memref<1x128x16xf32, #tpu.memory_space<vmem>>
        %dma_wait3A_607 = tpu.memref_squeeze %dma_wait3A_606 : memref<1x128x16xf32, #tpu.memory_space<vmem>> -> memref<128x16xf32, #tpu.memory_space<vmem>>
        %dma_wait3A_608 = arith.constant 0 : i32
        %dma_wait3A_609 = tpu.memref_slice %arg14[%dma_wait3A_602, %dma_wait3A_608] : memref<8x128xi32, #tpu.memory_space<vmem>> -> memref<1x128xi32, #tpu.memory_space<vmem>>
        %dma_wait3A_610 = tpu.memref_squeeze %dma_wait3A_609 : memref<1x128xi32, #tpu.memory_space<vmem>> -> memref<128xi32, #tpu.memory_space<vmem>>
        %dma_wait3A_611 = arith.constant 0 : i32
        %dma_wait3A_612 = arith.constant 0 : i32
        %dma_wait3A_613 = tpu.memref_slice %arg2[%dma_wait3A_611, %dma_wait3A_612] : memref<100000x16xf32, #tpu.memory_space<hbm>> -> memref<100000x16xf32, #tpu.memory_space<hbm>>
        tpu.wait_indirect_dma semaphore(%arg36 : memref<!tpu.dma_semaphore, #tpu.memory_space<semaphore_mem>>) src(%dma_wait3A_613 : memref<100000x16xf32, #tpu.memory_space<hbm>>) dst(%dma_wait3A_607 : memref<128x16xf32, #tpu.memory_space<vmem>>)
        %dma_wait3A_614 = arith.constant 2 : i32
        %dma_wait3A_615 = arith.constant 2 : i32
        %dma_wait3A_616 = arith.constant 0 : i32
        %dma_wait3A_617 = arith.constant 0 : i32
        %dma_wait3A_618 = tpu.memref_slice %arg22[%dma_wait3A_615, %dma_wait3A_616, %dma_wait3A_617] : memref<8x128x16xf32, #tpu.memory_space<vmem>> -> memref<1x128x16xf32, #tpu.memory_space<vmem>>
        %dma_wait3A_619 = tpu.memref_squeeze %dma_wait3A_618 : memref<1x128x16xf32, #tpu.memory_space<vmem>> -> memref<128x16xf32, #tpu.memory_space<vmem>>
        %dma_wait3A_620 = arith.constant 0 : i32
        %dma_wait3A_621 = tpu.memref_slice %arg12[%dma_wait3A_614, %dma_wait3A_620] : memref<8x128xi32, #tpu.memory_space<vmem>> -> memref<1x128xi32, #tpu.memory_space<vmem>>
        %dma_wait3A_622 = tpu.memref_squeeze %dma_wait3A_621 : memref<1x128xi32, #tpu.memory_space<vmem>> -> memref<128xi32, #tpu.memory_space<vmem>>
        %dma_wait3A_623 = arith.constant 0 : i32
        %dma_wait3A_624 = arith.constant 0 : i32
        %dma_wait3A_625 = tpu.memref_slice %arg2[%dma_wait3A_623, %dma_wait3A_624] : memref<100000x16xf32, #tpu.memory_space<hbm>> -> memref<100000x16xf32, #tpu.memory_space<hbm>>
        tpu.wait_indirect_dma semaphore(%arg36 : memref<!tpu.dma_semaphore, #tpu.memory_space<semaphore_mem>>) src(%dma_wait3A_625 : memref<100000x16xf32, #tpu.memory_space<hbm>>) dst(%dma_wait3A_619 : memref<128x16xf32, #tpu.memory_space<vmem>>)
        %dma_wait3A_626 = arith.constant 2 : i32
        %dma_wait3A_627 = arith.constant 2 : i32
        %dma_wait3A_628 = arith.constant 0 : i32
        %dma_wait3A_629 = arith.constant 0 : i32
        %dma_wait3A_630 = tpu.memref_slice %arg24[%dma_wait3A_627, %dma_wait3A_628, %dma_wait3A_629] : memref<8x128x16xf32, #tpu.memory_space<vmem>> -> memref<1x128x16xf32, #tpu.memory_space<vmem>>
        %dma_wait3A_631 = tpu.memref_squeeze %dma_wait3A_630 : memref<1x128x16xf32, #tpu.memory_space<vmem>> -> memref<128x16xf32, #tpu.memory_space<vmem>>
        %dma_wait3A_632 = arith.constant 0 : i32
        %dma_wait3A_633 = tpu.memref_slice %arg14[%dma_wait3A_626, %dma_wait3A_632] : memref<8x128xi32, #tpu.memory_space<vmem>> -> memref<1x128xi32, #tpu.memory_space<vmem>>
        %dma_wait3A_634 = tpu.memref_squeeze %dma_wait3A_633 : memref<1x128xi32, #tpu.memory_space<vmem>> -> memref<128xi32, #tpu.memory_space<vmem>>
        %dma_wait3A_635 = arith.constant 0 : i32
        %dma_wait3A_636 = arith.constant 0 : i32
        %dma_wait3A_637 = tpu.memref_slice %arg2[%dma_wait3A_635, %dma_wait3A_636] : memref<100000x16xf32, #tpu.memory_space<hbm>> -> memref<100000x16xf32, #tpu.memory_space<hbm>>
        tpu.wait_indirect_dma semaphore(%arg36 : memref<!tpu.dma_semaphore, #tpu.memory_space<semaphore_mem>>) src(%dma_wait3A_637 : memref<100000x16xf32, #tpu.memory_space<hbm>>) dst(%dma_wait3A_631 : memref<128x16xf32, #tpu.memory_space<vmem>>)
        %dma_wait3A_638 = arith.constant 3 : i32
        %dma_wait3A_639 = arith.constant 3 : i32
        %dma_wait3A_640 = arith.constant 0 : i32
        %dma_wait3A_641 = arith.constant 0 : i32
        %dma_wait3A_642 = tpu.memref_slice %arg22[%dma_wait3A_639, %dma_wait3A_640, %dma_wait3A_641] : memref<8x128x16xf32, #tpu.memory_space<vmem>> -> memref<1x128x16xf32, #tpu.memory_space<vmem>>
        %dma_wait3A_643 = tpu.memref_squeeze %dma_wait3A_642 : memref<1x128x16xf32, #tpu.memory_space<vmem>> -> memref<128x16xf32, #tpu.memory_space<vmem>>
        %dma_wait3A_644 = arith.constant 0 : i32
        %dma_wait3A_645 = tpu.memref_slice %arg12[%dma_wait3A_638, %dma_wait3A_644] : memref<8x128xi32, #tpu.memory_space<vmem>> -> memref<1x128xi32, #tpu.memory_space<vmem>>
        %dma_wait3A_646 = tpu.memref_squeeze %dma_wait3A_645 : memref<1x128xi32, #tpu.memory_space<vmem>> -> memref<128xi32, #tpu.memory_space<vmem>>
        %dma_wait3A_647 = arith.constant 0 : i32
        %dma_wait3A_648 = arith.constant 0 : i32
        %dma_wait3A_649 = tpu.memref_slice %arg2[%dma_wait3A_647, %dma_wait3A_648] : memref<100000x16xf32, #tpu.memory_space<hbm>> -> memref<100000x16xf32, #tpu.memory_space<hbm>>
        tpu.wait_indirect_dma semaphore(%arg36 : memref<!tpu.dma_semaphore, #tpu.memory_space<semaphore_mem>>) src(%dma_wait3A_649 : memref<100000x16xf32, #tpu.memory_space<hbm>>) dst(%dma_wait3A_643 : memref<128x16xf32, #tpu.memory_space<vmem>>)
        %dma_wait3A_650 = arith.constant 3 : i32
        %dma_wait3A_651 = arith.constant 3 : i32
        %dma_wait3A_652 = arith.constant 0 : i32
        %dma_wait3A_653 = arith.constant 0 : i32
        %dma_wait3A_654 = tpu.memref_slice %arg24[%dma_wait3A_651, %dma_wait3A_652, %dma_wait3A_653] : memref<8x128x16xf32, #tpu.memory_space<vmem>> -> memref<1x128x16xf32, #tpu.memory_space<vmem>>
        %dma_wait3A_655 = tpu.memref_squeeze %dma_wait3A_654 : memref<1x128x16xf32, #tpu.memory_space<vmem>> -> memref<128x16xf32, #tpu.memory_space<vmem>>
        %dma_wait3A_656 = arith.constant 0 : i32
        %dma_wait3A_657 = tpu.memref_slice %arg14[%dma_wait3A_650, %dma_wait3A_656] : memref<8x128xi32, #tpu.memory_space<vmem>> -> memref<1x128xi32, #tpu.memory_space<vmem>>
        %dma_wait3A_658 = tpu.memref_squeeze %dma_wait3A_657 : memref<1x128xi32, #tpu.memory_space<vmem>> -> memref<128xi32, #tpu.memory_space<vmem>>
        %dma_wait3A_659 = arith.constant 0 : i32
        %dma_wait3A_660 = arith.constant 0 : i32
        %dma_wait3A_661 = tpu.memref_slice %arg2[%dma_wait3A_659, %dma_wait3A_660] : memref<100000x16xf32, #tpu.memory_space<hbm>> -> memref<100000x16xf32, #tpu.memory_space<hbm>>
        tpu.wait_indirect_dma semaphore(%arg36 : memref<!tpu.dma_semaphore, #tpu.memory_space<semaphore_mem>>) src(%dma_wait3A_661 : memref<100000x16xf32, #tpu.memory_space<hbm>>) dst(%dma_wait3A_655 : memref<128x16xf32, #tpu.memory_space<vmem>>)
        %dma_wait3A_662 = arith.constant 4 : i32
        %dma_wait3A_663 = arith.constant 4 : i32
        %dma_wait3A_664 = arith.constant 0 : i32
        %dma_wait3A_665 = arith.constant 0 : i32
        %dma_wait3A_666 = tpu.memref_slice %arg22[%dma_wait3A_663, %dma_wait3A_664, %dma_wait3A_665] : memref<8x128x16xf32, #tpu.memory_space<vmem>> -> memref<1x128x16xf32, #tpu.memory_space<vmem>>
        %dma_wait3A_667 = tpu.memref_squeeze %dma_wait3A_666 : memref<1x128x16xf32, #tpu.memory_space<vmem>> -> memref<128x16xf32, #tpu.memory_space<vmem>>
        %dma_wait3A_668 = arith.constant 0 : i32
        %dma_wait3A_669 = tpu.memref_slice %arg12[%dma_wait3A_662, %dma_wait3A_668] : memref<8x128xi32, #tpu.memory_space<vmem>> -> memref<1x128xi32, #tpu.memory_space<vmem>>
        %dma_wait3A_670 = tpu.memref_squeeze %dma_wait3A_669 : memref<1x128xi32, #tpu.memory_space<vmem>> -> memref<128xi32, #tpu.memory_space<vmem>>
        %dma_wait3A_671 = arith.constant 0 : i32
        %dma_wait3A_672 = arith.constant 0 : i32
        %dma_wait3A_673 = tpu.memref_slice %arg2[%dma_wait3A_671, %dma_wait3A_672] : memref<100000x16xf32, #tpu.memory_space<hbm>> -> memref<100000x16xf32, #tpu.memory_space<hbm>>
        tpu.wait_indirect_dma semaphore(%arg36 : memref<!tpu.dma_semaphore, #tpu.memory_space<semaphore_mem>>) src(%dma_wait3A_673 : memref<100000x16xf32, #tpu.memory_space<hbm>>) dst(%dma_wait3A_667 : memref<128x16xf32, #tpu.memory_space<vmem>>)
        %dma_wait3A_674 = arith.constant 4 : i32
        %dma_wait3A_675 = arith.constant 4 : i32
        %dma_wait3A_676 = arith.constant 0 : i32
        %dma_wait3A_677 = arith.constant 0 : i32
        %dma_wait3A_678 = tpu.memref_slice %arg24[%dma_wait3A_675, %dma_wait3A_676, %dma_wait3A_677] : memref<8x128x16xf32, #tpu.memory_space<vmem>> -> memref<1x128x16xf32, #tpu.memory_space<vmem>>
        %dma_wait3A_679 = tpu.memref_squeeze %dma_wait3A_678 : memref<1x128x16xf32, #tpu.memory_space<vmem>> -> memref<128x16xf32, #tpu.memory_space<vmem>>
        %dma_wait3A_680 = arith.constant 0 : i32
        %dma_wait3A_681 = tpu.memref_slice %arg14[%dma_wait3A_674, %dma_wait3A_680] : memref<8x128xi32, #tpu.memory_space<vmem>> -> memref<1x128xi32, #tpu.memory_space<vmem>>
        %dma_wait3A_682 = tpu.memref_squeeze %dma_wait3A_681 : memref<1x128xi32, #tpu.memory_space<vmem>> -> memref<128xi32, #tpu.memory_space<vmem>>
        %dma_wait3A_683 = arith.constant 0 : i32
        %dma_wait3A_684 = arith.constant 0 : i32
        %dma_wait3A_685 = tpu.memref_slice %arg2[%dma_wait3A_683, %dma_wait3A_684] : memref<100000x16xf32, #tpu.memory_space<hbm>> -> memref<100000x16xf32, #tpu.memory_space<hbm>>
        tpu.wait_indirect_dma semaphore(%arg36 : memref<!tpu.dma_semaphore, #tpu.memory_space<semaphore_mem>>) src(%dma_wait3A_685 : memref<100000x16xf32, #tpu.memory_space<hbm>>) dst(%dma_wait3A_679 : memref<128x16xf32, #tpu.memory_space<vmem>>)
        %dma_wait3A_686 = arith.constant 5 : i32
        %dma_wait3A_687 = arith.constant 5 : i32
        %dma_wait3A_688 = arith.constant 0 : i32
        %dma_wait3A_689 = arith.constant 0 : i32
        %dma_wait3A_690 = tpu.memref_slice %arg22[%dma_wait3A_687, %dma_wait3A_688, %dma_wait3A_689] : memref<8x128x16xf32, #tpu.memory_space<vmem>> -> memref<1x128x16xf32, #tpu.memory_space<vmem>>
        %dma_wait3A_691 = tpu.memref_squeeze %dma_wait3A_690 : memref<1x128x16xf32, #tpu.memory_space<vmem>> -> memref<128x16xf32, #tpu.memory_space<vmem>>
        %dma_wait3A_692 = arith.constant 0 : i32
        %dma_wait3A_693 = tpu.memref_slice %arg12[%dma_wait3A_686, %dma_wait3A_692] : memref<8x128xi32, #tpu.memory_space<vmem>> -> memref<1x128xi32, #tpu.memory_space<vmem>>
        %dma_wait3A_694 = tpu.memref_squeeze %dma_wait3A_693 : memref<1x128xi32, #tpu.memory_space<vmem>> -> memref<128xi32, #tpu.memory_space<vmem>>
        %dma_wait3A_695 = arith.constant 0 : i32
        %dma_wait3A_696 = arith.constant 0 : i32
        %dma_wait3A_697 = tpu.memref_slice %arg2[%dma_wait3A_695, %dma_wait3A_696] : memref<100000x16xf32, #tpu.memory_space<hbm>> -> memref<100000x16xf32, #tpu.memory_space<hbm>>
        tpu.wait_indirect_dma semaphore(%arg36 : memref<!tpu.dma_semaphore, #tpu.memory_space<semaphore_mem>>) src(%dma_wait3A_697 : memref<100000x16xf32, #tpu.memory_space<hbm>>) dst(%dma_wait3A_691 : memref<128x16xf32, #tpu.memory_space<vmem>>)
        %dma_wait3A_698 = arith.constant 5 : i32
        %dma_wait3A_699 = arith.constant 5 : i32
        %dma_wait3A_700 = arith.constant 0 : i32
        %dma_wait3A_701 = arith.constant 0 : i32
        %dma_wait3A_702 = tpu.memref_slice %arg24[%dma_wait3A_699, %dma_wait3A_700, %dma_wait3A_701] : memref<8x128x16xf32, #tpu.memory_space<vmem>> -> memref<1x128x16xf32, #tpu.memory_space<vmem>>
        %dma_wait3A_703 = tpu.memref_squeeze %dma_wait3A_702 : memref<1x128x16xf32, #tpu.memory_space<vmem>> -> memref<128x16xf32, #tpu.memory_space<vmem>>
        %dma_wait3A_704 = arith.constant 0 : i32
        %dma_wait3A_705 = tpu.memref_slice %arg14[%dma_wait3A_698, %dma_wait3A_704] : memref<8x128xi32, #tpu.memory_space<vmem>> -> memref<1x128xi32, #tpu.memory_space<vmem>>
        %dma_wait3A_706 = tpu.memref_squeeze %dma_wait3A_705 : memref<1x128xi32, #tpu.memory_space<vmem>> -> memref<128xi32, #tpu.memory_space<vmem>>
        %dma_wait3A_707 = arith.constant 0 : i32
        %dma_wait3A_708 = arith.constant 0 : i32
        %dma_wait3A_709 = tpu.memref_slice %arg2[%dma_wait3A_707, %dma_wait3A_708] : memref<100000x16xf32, #tpu.memory_space<hbm>> -> memref<100000x16xf32, #tpu.memory_space<hbm>>
        tpu.wait_indirect_dma semaphore(%arg36 : memref<!tpu.dma_semaphore, #tpu.memory_space<semaphore_mem>>) src(%dma_wait3A_709 : memref<100000x16xf32, #tpu.memory_space<hbm>>) dst(%dma_wait3A_703 : memref<128x16xf32, #tpu.memory_space<vmem>>)
        %dma_wait3A_710 = arith.constant 6 : i32
        %dma_wait3A_711 = arith.constant 6 : i32
        %dma_wait3A_712 = arith.constant 0 : i32
        %dma_wait3A_713 = arith.constant 0 : i32
        %dma_wait3A_714 = tpu.memref_slice %arg22[%dma_wait3A_711, %dma_wait3A_712, %dma_wait3A_713] : memref<8x128x16xf32, #tpu.memory_space<vmem>> -> memref<1x128x16xf32, #tpu.memory_space<vmem>>
        %dma_wait3A_715 = tpu.memref_squeeze %dma_wait3A_714 : memref<1x128x16xf32, #tpu.memory_space<vmem>> -> memref<128x16xf32, #tpu.memory_space<vmem>>
        %dma_wait3A_716 = arith.constant 0 : i32
        %dma_wait3A_717 = tpu.memref_slice %arg12[%dma_wait3A_710, %dma_wait3A_716] : memref<8x128xi32, #tpu.memory_space<vmem>> -> memref<1x128xi32, #tpu.memory_space<vmem>>
        %dma_wait3A_718 = tpu.memref_squeeze %dma_wait3A_717 : memref<1x128xi32, #tpu.memory_space<vmem>> -> memref<128xi32, #tpu.memory_space<vmem>>
        %dma_wait3A_719 = arith.constant 0 : i32
        %dma_wait3A_720 = arith.constant 0 : i32
        %dma_wait3A_721 = tpu.memref_slice %arg2[%dma_wait3A_719, %dma_wait3A_720] : memref<100000x16xf32, #tpu.memory_space<hbm>> -> memref<100000x16xf32, #tpu.memory_space<hbm>>
        tpu.wait_indirect_dma semaphore(%arg36 : memref<!tpu.dma_semaphore, #tpu.memory_space<semaphore_mem>>) src(%dma_wait3A_721 : memref<100000x16xf32, #tpu.memory_space<hbm>>) dst(%dma_wait3A_715 : memref<128x16xf32, #tpu.memory_space<vmem>>)
        %dma_wait3A_722 = arith.constant 6 : i32
        %dma_wait3A_723 = arith.constant 6 : i32
        %dma_wait3A_724 = arith.constant 0 : i32
        %dma_wait3A_725 = arith.constant 0 : i32
        %dma_wait3A_726 = tpu.memref_slice %arg24[%dma_wait3A_723, %dma_wait3A_724, %dma_wait3A_725] : memref<8x128x16xf32, #tpu.memory_space<vmem>> -> memref<1x128x16xf32, #tpu.memory_space<vmem>>
        %dma_wait3A_727 = tpu.memref_squeeze %dma_wait3A_726 : memref<1x128x16xf32, #tpu.memory_space<vmem>> -> memref<128x16xf32, #tpu.memory_space<vmem>>
        %dma_wait3A_728 = arith.constant 0 : i32
        %dma_wait3A_729 = tpu.memref_slice %arg14[%dma_wait3A_722, %dma_wait3A_728] : memref<8x128xi32, #tpu.memory_space<vmem>> -> memref<1x128xi32, #tpu.memory_space<vmem>>
        %dma_wait3A_730 = tpu.memref_squeeze %dma_wait3A_729 : memref<1x128xi32, #tpu.memory_space<vmem>> -> memref<128xi32, #tpu.memory_space<vmem>>
        %dma_wait3A_731 = arith.constant 0 : i32
        %dma_wait3A_732 = arith.constant 0 : i32
        %dma_wait3A_733 = tpu.memref_slice %arg2[%dma_wait3A_731, %dma_wait3A_732] : memref<100000x16xf32, #tpu.memory_space<hbm>> -> memref<100000x16xf32, #tpu.memory_space<hbm>>
        tpu.wait_indirect_dma semaphore(%arg36 : memref<!tpu.dma_semaphore, #tpu.memory_space<semaphore_mem>>) src(%dma_wait3A_733 : memref<100000x16xf32, #tpu.memory_space<hbm>>) dst(%dma_wait3A_727 : memref<128x16xf32, #tpu.memory_space<vmem>>)
        %dma_wait3A_734 = arith.constant 7 : i32
        %dma_wait3A_735 = arith.constant 7 : i32
        %dma_wait3A_736 = arith.constant 0 : i32
        %dma_wait3A_737 = arith.constant 0 : i32
        %dma_wait3A_738 = tpu.memref_slice %arg22[%dma_wait3A_735, %dma_wait3A_736, %dma_wait3A_737] : memref<8x128x16xf32, #tpu.memory_space<vmem>> -> memref<1x128x16xf32, #tpu.memory_space<vmem>>
        %dma_wait3A_739 = tpu.memref_squeeze %dma_wait3A_738 : memref<1x128x16xf32, #tpu.memory_space<vmem>> -> memref<128x16xf32, #tpu.memory_space<vmem>>
        %dma_wait3A_740 = arith.constant 0 : i32
        %dma_wait3A_741 = tpu.memref_slice %arg12[%dma_wait3A_734, %dma_wait3A_740] : memref<8x128xi32, #tpu.memory_space<vmem>> -> memref<1x128xi32, #tpu.memory_space<vmem>>
        %dma_wait3A_742 = tpu.memref_squeeze %dma_wait3A_741 : memref<1x128xi32, #tpu.memory_space<vmem>> -> memref<128xi32, #tpu.memory_space<vmem>>
        %dma_wait3A_743 = arith.constant 0 : i32
        %dma_wait3A_744 = arith.constant 0 : i32
        %dma_wait3A_745 = tpu.memref_slice %arg2[%dma_wait3A_743, %dma_wait3A_744] : memref<100000x16xf32, #tpu.memory_space<hbm>> -> memref<100000x16xf32, #tpu.memory_space<hbm>>
        tpu.wait_indirect_dma semaphore(%arg36 : memref<!tpu.dma_semaphore, #tpu.memory_space<semaphore_mem>>) src(%dma_wait3A_745 : memref<100000x16xf32, #tpu.memory_space<hbm>>) dst(%dma_wait3A_739 : memref<128x16xf32, #tpu.memory_space<vmem>>)
        %dma_wait3A_746 = arith.constant 7 : i32
        %dma_wait3A_747 = arith.constant 7 : i32
        %dma_wait3A_748 = arith.constant 0 : i32
        %dma_wait3A_749 = arith.constant 0 : i32
        %dma_wait3A_750 = tpu.memref_slice %arg24[%dma_wait3A_747, %dma_wait3A_748, %dma_wait3A_749] : memref<8x128x16xf32, #tpu.memory_space<vmem>> -> memref<1x128x16xf32, #tpu.memory_space<vmem>>
        %dma_wait3A_751 = tpu.memref_squeeze %dma_wait3A_750 : memref<1x128x16xf32, #tpu.memory_space<vmem>> -> memref<128x16xf32, #tpu.memory_space<vmem>>
        %dma_wait3A_752 = arith.constant 0 : i32
        %dma_wait3A_753 = tpu.memref_slice %arg14[%dma_wait3A_746, %dma_wait3A_752] : memref<8x128xi32, #tpu.memory_space<vmem>> -> memref<1x128xi32, #tpu.memory_space<vmem>>
        %dma_wait3A_754 = tpu.memref_squeeze %dma_wait3A_753 : memref<1x128xi32, #tpu.memory_space<vmem>> -> memref<128xi32, #tpu.memory_space<vmem>>
        %dma_wait3A_755 = arith.constant 0 : i32
        %dma_wait3A_756 = arith.constant 0 : i32
        %dma_wait3A_757 = tpu.memref_slice %arg2[%dma_wait3A_755, %dma_wait3A_756] : memref<100000x16xf32, #tpu.memory_space<hbm>> -> memref<100000x16xf32, #tpu.memory_space<hbm>>
        tpu.wait_indirect_dma semaphore(%arg36 : memref<!tpu.dma_semaphore, #tpu.memory_space<semaphore_mem>>) src(%dma_wait3A_757 : memref<100000x16xf32, #tpu.memory_space<hbm>>) dst(%dma_wait3A_751 : memref<128x16xf32, #tpu.memory_space<vmem>>)
        %gt3A_758 = arith.constant 0 : i32
        %gt3A_759 = arith.cmpi sgt, %while3A_327, %gt3A_758 : i32
        %convert_element_type3A_760 = arith.extui %gt3A_759 : i1 to i32
        %cond3A_761 = arith.constant 0 : i32
        %cond3A_762 = arith.cmpi ne, %convert_element_type3A_760, %cond3A_761 : i32
        scf.if %cond3A_762 {
          %dma_wait3A_782 = arith.constant 0 : i32
          %dma_wait3A_783 = tpu.memref_slice %arg7[%dma_wait3A_782] : memref<3200000xf32, #tpu.memory_space<hbm>> -> memref<1024xf32, #tpu.memory_space<hbm>>
          %dma_wait3A_784 = arith.constant 0 : i32
          %dma_wait3A_785 = tpu.memref_slice %arg7[%dma_wait3A_784] : memref<3200000xf32, #tpu.memory_space<hbm>> -> memref<1024xf32, #tpu.memory_space<hbm>>
          tpu.wait_dma2 semaphore(%arg38 : memref<!tpu.dma_semaphore, #tpu.memory_space<semaphore_mem>>) src(%arg26 : memref<1024xf32, #tpu.memory_space<vmem>>) dst(%dma_wait3A_785 : memref<1024xf32, #tpu.memory_space<hbm>>)
          %dma_wait3A_786 = arith.constant 0 : i32
          %dma_wait3A_787 = tpu.memref_slice %arg8[%dma_wait3A_786] : memref<3200000xf32, #tpu.memory_space<hbm>> -> memref<1024xf32, #tpu.memory_space<hbm>>
          %dma_wait3A_788 = arith.constant 0 : i32
          %dma_wait3A_789 = tpu.memref_slice %arg8[%dma_wait3A_788] : memref<3200000xf32, #tpu.memory_space<hbm>> -> memref<1024xf32, #tpu.memory_space<hbm>>
          tpu.wait_dma2 semaphore(%arg38 : memref<!tpu.dma_semaphore, #tpu.memory_space<semaphore_mem>>) src(%arg28 : memref<1024xf32, #tpu.memory_space<vmem>>) dst(%dma_wait3A_789 : memref<1024xf32, #tpu.memory_space<hbm>>)
          %dma_wait3A_790 = arith.constant 0 : i32
          %dma_wait3A_791 = tpu.memref_slice %arg9[%dma_wait3A_790] : memref<3200000xf32, #tpu.memory_space<hbm>> -> memref<1024xf32, #tpu.memory_space<hbm>>
          %dma_wait3A_792 = arith.constant 0 : i32
          %dma_wait3A_793 = tpu.memref_slice %arg9[%dma_wait3A_792] : memref<3200000xf32, #tpu.memory_space<hbm>> -> memref<1024xf32, #tpu.memory_space<hbm>>
          tpu.wait_dma2 semaphore(%arg38 : memref<!tpu.dma_semaphore, #tpu.memory_space<semaphore_mem>>) src(%arg30 : memref<1024xf32, #tpu.memory_space<vmem>>) dst(%dma_wait3A_793 : memref<1024xf32, #tpu.memory_space<hbm>>)
          %dma_wait3A_794 = arith.constant 0 : i32
          %dma_wait3A_795 = tpu.memref_slice %arg10[%dma_wait3A_794] : memref<3200000xf32, #tpu.memory_space<hbm>> -> memref<1024xf32, #tpu.memory_space<hbm>>
          %dma_wait3A_796 = arith.constant 0 : i32
          %dma_wait3A_797 = tpu.memref_slice %arg10[%dma_wait3A_796] : memref<3200000xf32, #tpu.memory_space<hbm>> -> memref<1024xf32, #tpu.memory_space<hbm>>
          tpu.wait_dma2 semaphore(%arg38 : memref<!tpu.dma_semaphore, #tpu.memory_space<semaphore_mem>>) src(%arg32 : memref<1024xf32, #tpu.memory_space<vmem>>) dst(%dma_wait3A_797 : memref<1024xf32, #tpu.memory_space<hbm>>)
        } else {
        }
        %scan3A_763 = arith.constant 0 : i32
        %scan3A_764 = arith.constant 0 : i32
        %scan3A_765 = arith.constant 64 : i32
        %scan3A_766 = arith.addi %scan3A_764, %scan3A_765 : i32
        %scan3A_767 = arith.constant 2 : i32
        scf.for %scan3A_782 = %scan3A_764 to %scan3A_766 step %scan3A_767  : i32 {
          %mul3A_783 = arith.constant 16 : i32
          %mul3A_784 = arith.muli %scan3A_782, %mul3A_783 : i32
          %mul3A_785 = arith.constant 16 : i32
          %mul3A_786 = arith.muli %scan3A_782, %mul3A_785 : i32
          %iota3A = tpu.iota {dimensions = array<i32: 0>} : vector<16xi32>
          %add3A_787 = vector.broadcast %mul3A_786 : i32 to vector<16xi32>
          %add3A_788 = arith.addi %add3A_787, %iota3A : vector<16xi32>
          %shift_right_arithmetic3A = arith.constant 7 : i32
          %shift_right_arithmetic3A_789 = vector.broadcast %shift_right_arithmetic3A : i32 to vector<16xi32>
          %shift_right_arithmetic3A_790 = arith.shrsi %add3A_788, %shift_right_arithmetic3A_789 : vector<16xi32>
          %and3A_791 = arith.constant 127 : i32
          %and3A_792 = vector.broadcast %and3A_791 : i32 to vector<16xi32>
          %and3A_793 = arith.andi %add3A_788, %and3A_792 : vector<16xi32>
          %broadcast_in_dim3A = arith.constant 0 : i32
          %broadcast_in_dim3A_794 = vector.broadcast %broadcast_in_dim3A : i32 to vector<16xi32>
          %gather3A = tpu.vector_load_idx %arg24[%shift_right_arithmetic3A_790, %and3A_793, %broadcast_in_dim3A_794] : memref<8x128x16xf32, #tpu.memory_space<vmem>>[vector<16xi32>, vector<16xi32>, vector<16xi32>], vector<16xf32>,
          %broadcast_in_dim3A_795 = arith.constant 0 : i32
          %broadcast_in_dim3A_796 = vector.broadcast %broadcast_in_dim3A_795 : i32 to vector<16xi32>
          %gather3A_797 = tpu.vector_load_idx %arg22[%shift_right_arithmetic3A_790, %and3A_793, %broadcast_in_dim3A_796] : memref<8x128x16xf32, #tpu.memory_space<vmem>>[vector<16xi32>, vector<16xi32>, vector<16xi32>], vector<16xf32>,
          %sub3A_798 = arith.subf %gather3A, %gather3A_797 : vector<16xf32>
          %broadcast_in_dim3A_799 = arith.constant 1 : i32
          %broadcast_in_dim3A_800 = vector.broadcast %broadcast_in_dim3A_799 : i32 to vector<16xi32>
          %gather3A_801 = tpu.vector_load_idx %arg24[%shift_right_arithmetic3A_790, %and3A_793, %broadcast_in_dim3A_800] : memref<8x128x16xf32, #tpu.memory_space<vmem>>[vector<16xi32>, vector<16xi32>, vector<16xi32>], vector<16xf32>,
          %broadcast_in_dim3A_802 = arith.constant 1 : i32
          %broadcast_in_dim3A_803 = vector.broadcast %broadcast_in_dim3A_802 : i32 to vector<16xi32>
          %gather3A_804 = tpu.vector_load_idx %arg22[%shift_right_arithmetic3A_790, %and3A_793, %broadcast_in_dim3A_803] : memref<8x128x16xf32, #tpu.memory_space<vmem>>[vector<16xi32>, vector<16xi32>, vector<16xi32>], vector<16xf32>,
          %sub3A_805 = arith.subf %gather3A_801, %gather3A_804 : vector<16xf32>
          %broadcast_in_dim3A_806 = arith.constant 2 : i32
          %broadcast_in_dim3A_807 = vector.broadcast %broadcast_in_dim3A_806 : i32 to vector<16xi32>
          %gather3A_808 = tpu.vector_load_idx %arg24[%shift_right_arithmetic3A_790, %and3A_793, %broadcast_in_dim3A_807] : memref<8x128x16xf32, #tpu.memory_space<vmem>>[vector<16xi32>, vector<16xi32>, vector<16xi32>], vector<16xf32>,
          %broadcast_in_dim3A_809 = arith.constant 2 : i32
          %broadcast_in_dim3A_810 = vector.broadcast %broadcast_in_dim3A_809 : i32 to vector<16xi32>
          %gather3A_811 = tpu.vector_load_idx %arg22[%shift_right_arithmetic3A_790, %and3A_793, %broadcast_in_dim3A_810] : memref<8x128x16xf32, #tpu.memory_space<vmem>>[vector<16xi32>, vector<16xi32>, vector<16xi32>], vector<16xf32>,
          %sub3A_812 = arith.subf %gather3A_808, %gather3A_811 : vector<16xf32>
          %get3A = arith.index_cast %mul3A_784 : i32 to index
          %get3A_813 = tpu.vector_load %arg16[%get3A] {strides = array<i32>} : memref<1024xf32, #tpu.memory_space<vmem>>, vector<16xf32>,
          %get3A_814 = arith.index_cast %mul3A_784 : i32 to index
          %get3A_815 = tpu.vector_load %arg18[%get3A_814] {strides = array<i32>} : memref<1024xf32, #tpu.memory_space<vmem>>, vector<16xf32>,
          %get3A_816 = arith.index_cast %mul3A_784 : i32 to index
          %get3A_817 = tpu.vector_load %arg20[%get3A_816] {strides = array<i32>} : memref<1024xf32, #tpu.memory_space<vmem>>, vector<16xf32>,
          %broadcast_in_dim3A_818 = arith.constant 3 : i32
          %broadcast_in_dim3A_819 = vector.broadcast %broadcast_in_dim3A_818 : i32 to vector<16xi32>
          %gather3A_820 = tpu.vector_load_idx %arg22[%shift_right_arithmetic3A_790, %and3A_793, %broadcast_in_dim3A_819] : memref<8x128x16xf32, #tpu.memory_space<vmem>>[vector<16xi32>, vector<16xi32>, vector<16xi32>], vector<16xf32>,
          %mul3A_821 = arith.mulf %get3A_813, %gather3A_820 : vector<16xf32>
          %add3A_822 = arith.addf %sub3A_798, %mul3A_821 : vector<16xf32>
          %broadcast_in_dim3A_823 = arith.constant 6 : i32
          %broadcast_in_dim3A_824 = vector.broadcast %broadcast_in_dim3A_823 : i32 to vector<16xi32>
          %gather3A_825 = tpu.vector_load_idx %arg22[%shift_right_arithmetic3A_790, %and3A_793, %broadcast_in_dim3A_824] : memref<8x128x16xf32, #tpu.memory_space<vmem>>[vector<16xi32>, vector<16xi32>, vector<16xi32>], vector<16xf32>,
          %mul3A_826 = arith.mulf %get3A_815, %gather3A_825 : vector<16xf32>
          %add3A_827 = arith.addf %add3A_822, %mul3A_826 : vector<16xf32>
          %broadcast_in_dim3A_828 = arith.constant 9 : i32
          %broadcast_in_dim3A_829 = vector.broadcast %broadcast_in_dim3A_828 : i32 to vector<16xi32>
          %gather3A_830 = tpu.vector_load_idx %arg22[%shift_right_arithmetic3A_790, %and3A_793, %broadcast_in_dim3A_829] : memref<8x128x16xf32, #tpu.memory_space<vmem>>[vector<16xi32>, vector<16xi32>, vector<16xi32>], vector<16xf32>,
          %mul3A_831 = arith.mulf %get3A_817, %gather3A_830 : vector<16xf32>
          %add3A_832 = arith.addf %add3A_827, %mul3A_831 : vector<16xf32>
          %broadcast_in_dim3A_833 = arith.constant 4 : i32
          %broadcast_in_dim3A_834 = vector.broadcast %broadcast_in_dim3A_833 : i32 to vector<16xi32>
          %gather3A_835 = tpu.vector_load_idx %arg22[%shift_right_arithmetic3A_790, %and3A_793, %broadcast_in_dim3A_834] : memref<8x128x16xf32, #tpu.memory_space<vmem>>[vector<16xi32>, vector<16xi32>, vector<16xi32>], vector<16xf32>,
          %mul3A_836 = arith.mulf %get3A_813, %gather3A_835 : vector<16xf32>
          %add3A_837 = arith.addf %sub3A_805, %mul3A_836 : vector<16xf32>
          %broadcast_in_dim3A_838 = arith.constant 7 : i32
          %broadcast_in_dim3A_839 = vector.broadcast %broadcast_in_dim3A_838 : i32 to vector<16xi32>
          %gather3A_840 = tpu.vector_load_idx %arg22[%shift_right_arithmetic3A_790, %and3A_793, %broadcast_in_dim3A_839] : memref<8x128x16xf32, #tpu.memory_space<vmem>>[vector<16xi32>, vector<16xi32>, vector<16xi32>], vector<16xf32>,
          %mul3A_841 = arith.mulf %get3A_815, %gather3A_840 : vector<16xf32>
          %add3A_842 = arith.addf %add3A_837, %mul3A_841 : vector<16xf32>
          %broadcast_in_dim3A_843 = arith.constant 10 : i32
          %broadcast_in_dim3A_844 = vector.broadcast %broadcast_in_dim3A_843 : i32 to vector<16xi32>
          %gather3A_845 = tpu.vector_load_idx %arg22[%shift_right_arithmetic3A_790, %and3A_793, %broadcast_in_dim3A_844] : memref<8x128x16xf32, #tpu.memory_space<vmem>>[vector<16xi32>, vector<16xi32>, vector<16xi32>], vector<16xf32>,
          %mul3A_846 = arith.mulf %get3A_817, %gather3A_845 : vector<16xf32>
          %add3A_847 = arith.addf %add3A_842, %mul3A_846 : vector<16xf32>
          %broadcast_in_dim3A_848 = arith.constant 5 : i32
          %broadcast_in_dim3A_849 = vector.broadcast %broadcast_in_dim3A_848 : i32 to vector<16xi32>
          %gather3A_850 = tpu.vector_load_idx %arg22[%shift_right_arithmetic3A_790, %and3A_793, %broadcast_in_dim3A_849] : memref<8x128x16xf32, #tpu.memory_space<vmem>>[vector<16xi32>, vector<16xi32>, vector<16xi32>], vector<16xf32>,
          %mul3A_851 = arith.mulf %get3A_813, %gather3A_850 : vector<16xf32>
          %add3A_852 = arith.addf %sub3A_812, %mul3A_851 : vector<16xf32>
          %broadcast_in_dim3A_853 = arith.constant 8 : i32
          %broadcast_in_dim3A_854 = vector.broadcast %broadcast_in_dim3A_853 : i32 to vector<16xi32>
          %gather3A_855 = tpu.vector_load_idx %arg22[%shift_right_arithmetic3A_790, %and3A_793, %broadcast_in_dim3A_854] : memref<8x128x16xf32, #tpu.memory_space<vmem>>[vector<16xi32>, vector<16xi32>, vector<16xi32>], vector<16xf32>,
          %mul3A_856 = arith.mulf %get3A_815, %gather3A_855 : vector<16xf32>
          %add3A_857 = arith.addf %add3A_852, %mul3A_856 : vector<16xf32>
          %broadcast_in_dim3A_858 = arith.constant 11 : i32
          %broadcast_in_dim3A_859 = vector.broadcast %broadcast_in_dim3A_858 : i32 to vector<16xi32>
          %gather3A_860 = tpu.vector_load_idx %arg22[%shift_right_arithmetic3A_790, %and3A_793, %broadcast_in_dim3A_859] : memref<8x128x16xf32, #tpu.memory_space<vmem>>[vector<16xi32>, vector<16xi32>, vector<16xi32>], vector<16xf32>,
          %mul3A_861 = arith.mulf %get3A_817, %gather3A_860 : vector<16xf32>
          %add3A_862 = arith.addf %add3A_857, %mul3A_861 : vector<16xf32>
          %mul3A_863 = arith.mulf %add3A_832, %add3A_832 : vector<16xf32>
          %mul3A_864 = arith.mulf %add3A_847, %add3A_847 : vector<16xf32>
          %add3A_865 = arith.addf %mul3A_863, %mul3A_864 : vector<16xf32>
          %mul3A_866 = arith.mulf %add3A_862, %add3A_862 : vector<16xf32>
          %add3A_867 = arith.addf %add3A_865, %mul3A_866 : vector<16xf32>
          %bitcast3A = vector.bitcast %add3A_867 : vector<16xf32> to vector<16xi32>
          %shift_right_arithmetic3A_868 = arith.constant 1 : i32
          %shift_right_arithmetic3A_869 = vector.broadcast %shift_right_arithmetic3A_868 : i32 to vector<16xi32>
          %shift_right_arithmetic3A_870 = arith.shrsi %bitcast3A, %shift_right_arithmetic3A_869 : vector<16xi32>
          %sub3A_871 = arith.constant 1597463007 : i32
          %sub3A_872 = vector.broadcast %sub3A_871 : i32 to vector<16xi32>
          %sub3A_873 = arith.subi %sub3A_872, %shift_right_arithmetic3A_870 : vector<16xi32>
          %bitcast3A_874 = vector.bitcast %sub3A_873 : vector<16xi32> to vector<16xf32>
          %mul3A_875 = arith.constant 5.000000e-01 : f32
          %mul3A_876 = vector.broadcast %mul3A_875 : f32 to vector<16xf32>
          %mul3A_877 = arith.mulf %mul3A_876, %add3A_867 : vector<16xf32>
          %mul3A_878 = arith.mulf %mul3A_877, %bitcast3A_874 : vector<16xf32>
          %mul3A_879 = arith.mulf %mul3A_878, %bitcast3A_874 : vector<16xf32>
          %sub3A_880 = arith.constant 1.500000e+00 : f32
          %sub3A_881 = vector.broadcast %sub3A_880 : f32 to vector<16xf32>
          %sub3A_882 = arith.subf %sub3A_881, %mul3A_879 : vector<16xf32>
          %mul3A_883 = arith.mulf %bitcast3A_874, %sub3A_882 : vector<16xf32>
          %mul3A_884 = arith.constant 5.000000e-01 : f32
          %mul3A_885 = vector.broadcast %mul3A_884 : f32 to vector<16xf32>
          %mul3A_886 = arith.mulf %mul3A_885, %add3A_867 : vector<16xf32>
          %mul3A_887 = arith.mulf %mul3A_886, %mul3A_883 : vector<16xf32>
          %mul3A_888 = arith.mulf %mul3A_887, %mul3A_883 : vector<16xf32>
          %sub3A_889 = arith.constant 1.500000e+00 : f32
          %sub3A_890 = vector.broadcast %sub3A_889 : f32 to vector<16xf32>
          %sub3A_891 = arith.subf %sub3A_890, %mul3A_888 : vector<16xf32>
          %mul3A_892 = arith.mulf %mul3A_883, %sub3A_891 : vector<16xf32>
          %mul3A_893 = arith.constant 5.000000e-01 : f32
          %mul3A_894 = vector.broadcast %mul3A_893 : f32 to vector<16xf32>
          %mul3A_895 = arith.mulf %mul3A_894, %add3A_867 : vector<16xf32>
          %mul3A_896 = arith.mulf %mul3A_895, %mul3A_892 : vector<16xf32>
          %mul3A_897 = arith.mulf %mul3A_896, %mul3A_892 : vector<16xf32>
          %sub3A_898 = arith.constant 1.500000e+00 : f32
          %sub3A_899 = vector.broadcast %sub3A_898 : f32 to vector<16xf32>
          %sub3A_900 = arith.subf %sub3A_899, %mul3A_897 : vector<16xf32>
          %mul3A_901 = arith.mulf %mul3A_892, %sub3A_900 : vector<16xf32>
          %swap3A = arith.index_cast %mul3A_784 : i32 to index
          %swap3A_902 = tpu.vector_load %arg26[%swap3A] {strides = array<i32>} : memref<1024xf32, #tpu.memory_space<vmem>>, vector<16xf32>,
          tpu.vector_store %arg26[%swap3A], %add3A_832 {strides = array<i32>} : memref<1024xf32, #tpu.memory_space<vmem>>, vector<16xf32>,
          %swap3A_903 = arith.index_cast %mul3A_784 : i32 to index
          %swap3A_904 = tpu.vector_load %arg28[%swap3A_903] {strides = array<i32>} : memref<1024xf32, #tpu.memory_space<vmem>>, vector<16xf32>,
          tpu.vector_store %arg28[%swap3A_903], %add3A_847 {strides = array<i32>} : memref<1024xf32, #tpu.memory_space<vmem>>, vector<16xf32>,
          %swap3A_905 = arith.index_cast %mul3A_784 : i32 to index
          %swap3A_906 = tpu.vector_load %arg30[%swap3A_905] {strides = array<i32>} : memref<1024xf32, #tpu.memory_space<vmem>>, vector<16xf32>,
          tpu.vector_store %arg30[%swap3A_905], %add3A_862 {strides = array<i32>} : memref<1024xf32, #tpu.memory_space<vmem>>, vector<16xf32>,
          %mul3A_907 = arith.mulf %add3A_867, %mul3A_901 : vector<16xf32>
          %swap3A_908 = arith.index_cast %mul3A_784 : i32 to index
          %swap3A_909 = tpu.vector_load %arg32[%swap3A_908] {strides = array<i32>} : memref<1024xf32, #tpu.memory_space<vmem>>, vector<16xf32>,
          tpu.vector_store %arg32[%swap3A_908], %mul3A_907 {strides = array<i32>} : memref<1024xf32, #tpu.memory_space<vmem>>, vector<16xf32>,
          %scan3A_910 = arith.constant 1 : i32
          %scan3A_911 = arith.addi %scan3A_782, %scan3A_910 : i32
          %mul3A_912 = arith.constant 16 : i32
          %mul3A_913 = arith.muli %scan3A_911, %mul3A_912 : i32
          %mul3A_914 = arith.constant 16 : i32
          %mul3A_915 = arith.muli %scan3A_911, %mul3A_914 : i32
          %iota3A_916 = tpu.iota {dimensions = array<i32: 0>} : vector<16xi32>
          %add3A_917 = vector.broadcast %mul3A_915 : i32 to vector<16xi32>
          %add3A_918 = arith.addi %add3A_917, %iota3A_916 : vector<16xi32>
          %shift_right_arithmetic3A_919 = arith.constant 7 : i32
          %shift_right_arithmetic3A_920 = vector.broadcast %shift_right_arithmetic3A_919 : i32 to vector<16xi32>
          %shift_right_arithmetic3A_921 = arith.shrsi %add3A_918, %shift_right_arithmetic3A_920 : vector<16xi32>
          %and3A_922 = arith.constant 127 : i32
          %and3A_923 = vector.broadcast %and3A_922 : i32 to vector<16xi32>
          %and3A_924 = arith.andi %add3A_918, %and3A_923 : vector<16xi32>
          %broadcast_in_dim3A_925 = arith.constant 0 : i32
          %broadcast_in_dim3A_926 = vector.broadcast %broadcast_in_dim3A_925 : i32 to vector<16xi32>
          %gather3A_927 = tpu.vector_load_idx %arg24[%shift_right_arithmetic3A_921, %and3A_924, %broadcast_in_dim3A_926] : memref<8x128x16xf32, #tpu.memory_space<vmem>>[vector<16xi32>, vector<16xi32>, vector<16xi32>], vector<16xf32>,
          %broadcast_in_dim3A_928 = arith.constant 0 : i32
          %broadcast_in_dim3A_929 = vector.broadcast %broadcast_in_dim3A_928 : i32 to vector<16xi32>
          %gather3A_930 = tpu.vector_load_idx %arg22[%shift_right_arithmetic3A_921, %and3A_924, %broadcast_in_dim3A_929] : memref<8x128x16xf32, #tpu.memory_space<vmem>>[vector<16xi32>, vector<16xi32>, vector<16xi32>], vector<16xf32>,
          %sub3A_931 = arith.subf %gather3A_927, %gather3A_930 : vector<16xf32>
          %broadcast_in_dim3A_932 = arith.constant 1 : i32
          %broadcast_in_dim3A_933 = vector.broadcast %broadcast_in_dim3A_932 : i32 to vector<16xi32>
          %gather3A_934 = tpu.vector_load_idx %arg24[%shift_right_arithmetic3A_921, %and3A_924, %broadcast_in_dim3A_933] : memref<8x128x16xf32, #tpu.memory_space<vmem>>[vector<16xi32>, vector<16xi32>, vector<16xi32>], vector<16xf32>,
          %broadcast_in_dim3A_935 = arith.constant 1 : i32
          %broadcast_in_dim3A_936 = vector.broadcast %broadcast_in_dim3A_935 : i32 to vector<16xi32>
          %gather3A_937 = tpu.vector_load_idx %arg22[%shift_right_arithmetic3A_921, %and3A_924, %broadcast_in_dim3A_936] : memref<8x128x16xf32, #tpu.memory_space<vmem>>[vector<16xi32>, vector<16xi32>, vector<16xi32>], vector<16xf32>,
          %sub3A_938 = arith.subf %gather3A_934, %gather3A_937 : vector<16xf32>
          %broadcast_in_dim3A_939 = arith.constant 2 : i32
          %broadcast_in_dim3A_940 = vector.broadcast %broadcast_in_dim3A_939 : i32 to vector<16xi32>
          %gather3A_941 = tpu.vector_load_idx %arg24[%shift_right_arithmetic3A_921, %and3A_924, %broadcast_in_dim3A_940] : memref<8x128x16xf32, #tpu.memory_space<vmem>>[vector<16xi32>, vector<16xi32>, vector<16xi32>], vector<16xf32>,
          %broadcast_in_dim3A_942 = arith.constant 2 : i32
          %broadcast_in_dim3A_943 = vector.broadcast %broadcast_in_dim3A_942 : i32 to vector<16xi32>
          %gather3A_944 = tpu.vector_load_idx %arg22[%shift_right_arithmetic3A_921, %and3A_924, %broadcast_in_dim3A_943] : memref<8x128x16xf32, #tpu.memory_space<vmem>>[vector<16xi32>, vector<16xi32>, vector<16xi32>], vector<16xf32>,
          %sub3A_945 = arith.subf %gather3A_941, %gather3A_944 : vector<16xf32>
          %get3A_946 = arith.index_cast %mul3A_913 : i32 to index
          %get3A_947 = tpu.vector_load %arg16[%get3A_946] {strides = array<i32>} : memref<1024xf32, #tpu.memory_space<vmem>>, vector<16xf32>,
          %get3A_948 = arith.index_cast %mul3A_913 : i32 to index
          %get3A_949 = tpu.vector_load %arg18[%get3A_948] {strides = array<i32>} : memref<1024xf32, #tpu.memory_space<vmem>>, vector<16xf32>,
          %get3A_950 = arith.index_cast %mul3A_913 : i32 to index
          %get3A_951 = tpu.vector_load %arg20[%get3A_950] {strides = array<i32>} : memref<1024xf32, #tpu.memory_space<vmem>>, vector<16xf32>,
          %broadcast_in_dim3A_952 = arith.constant 3 : i32
          %broadcast_in_dim3A_953 = vector.broadcast %broadcast_in_dim3A_952 : i32 to vector<16xi32>
          %gather3A_954 = tpu.vector_load_idx %arg22[%shift_right_arithmetic3A_921, %and3A_924, %broadcast_in_dim3A_953] : memref<8x128x16xf32, #tpu.memory_space<vmem>>[vector<16xi32>, vector<16xi32>, vector<16xi32>], vector<16xf32>,
          %mul3A_955 = arith.mulf %get3A_947, %gather3A_954 : vector<16xf32>
          %add3A_956 = arith.addf %sub3A_931, %mul3A_955 : vector<16xf32>
          %broadcast_in_dim3A_957 = arith.constant 6 : i32
          %broadcast_in_dim3A_958 = vector.broadcast %broadcast_in_dim3A_957 : i32 to vector<16xi32>
          %gather3A_959 = tpu.vector_load_idx %arg22[%shift_right_arithmetic3A_921, %and3A_924, %broadcast_in_dim3A_958] : memref<8x128x16xf32, #tpu.memory_space<vmem>>[vector<16xi32>, vector<16xi32>, vector<16xi32>], vector<16xf32>,
          %mul3A_960 = arith.mulf %get3A_949, %gather3A_959 : vector<16xf32>
          %add3A_961 = arith.addf %add3A_956, %mul3A_960 : vector<16xf32>
          %broadcast_in_dim3A_962 = arith.constant 9 : i32
          %broadcast_in_dim3A_963 = vector.broadcast %broadcast_in_dim3A_962 : i32 to vector<16xi32>
          %gather3A_964 = tpu.vector_load_idx %arg22[%shift_right_arithmetic3A_921, %and3A_924, %broadcast_in_dim3A_963] : memref<8x128x16xf32, #tpu.memory_space<vmem>>[vector<16xi32>, vector<16xi32>, vector<16xi32>], vector<16xf32>,
          %mul3A_965 = arith.mulf %get3A_951, %gather3A_964 : vector<16xf32>
          %add3A_966 = arith.addf %add3A_961, %mul3A_965 : vector<16xf32>
          %broadcast_in_dim3A_967 = arith.constant 4 : i32
          %broadcast_in_dim3A_968 = vector.broadcast %broadcast_in_dim3A_967 : i32 to vector<16xi32>
          %gather3A_969 = tpu.vector_load_idx %arg22[%shift_right_arithmetic3A_921, %and3A_924, %broadcast_in_dim3A_968] : memref<8x128x16xf32, #tpu.memory_space<vmem>>[vector<16xi32>, vector<16xi32>, vector<16xi32>], vector<16xf32>,
          %mul3A_970 = arith.mulf %get3A_947, %gather3A_969 : vector<16xf32>
          %add3A_971 = arith.addf %sub3A_938, %mul3A_970 : vector<16xf32>
          %broadcast_in_dim3A_972 = arith.constant 7 : i32
          %broadcast_in_dim3A_973 = vector.broadcast %broadcast_in_dim3A_972 : i32 to vector<16xi32>
          %gather3A_974 = tpu.vector_load_idx %arg22[%shift_right_arithmetic3A_921, %and3A_924, %broadcast_in_dim3A_973] : memref<8x128x16xf32, #tpu.memory_space<vmem>>[vector<16xi32>, vector<16xi32>, vector<16xi32>], vector<16xf32>,
          %mul3A_975 = arith.mulf %get3A_949, %gather3A_974 : vector<16xf32>
          %add3A_976 = arith.addf %add3A_971, %mul3A_975 : vector<16xf32>
          %broadcast_in_dim3A_977 = arith.constant 10 : i32
          %broadcast_in_dim3A_978 = vector.broadcast %broadcast_in_dim3A_977 : i32 to vector<16xi32>
          %gather3A_979 = tpu.vector_load_idx %arg22[%shift_right_arithmetic3A_921, %and3A_924, %broadcast_in_dim3A_978] : memref<8x128x16xf32, #tpu.memory_space<vmem>>[vector<16xi32>, vector<16xi32>, vector<16xi32>], vector<16xf32>,
          %mul3A_980 = arith.mulf %get3A_951, %gather3A_979 : vector<16xf32>
          %add3A_981 = arith.addf %add3A_976, %mul3A_980 : vector<16xf32>
          %broadcast_in_dim3A_982 = arith.constant 5 : i32
          %broadcast_in_dim3A_983 = vector.broadcast %broadcast_in_dim3A_982 : i32 to vector<16xi32>
          %gather3A_984 = tpu.vector_load_idx %arg22[%shift_right_arithmetic3A_921, %and3A_924, %broadcast_in_dim3A_983] : memref<8x128x16xf32, #tpu.memory_space<vmem>>[vector<16xi32>, vector<16xi32>, vector<16xi32>], vector<16xf32>,
          %mul3A_985 = arith.mulf %get3A_947, %gather3A_984 : vector<16xf32>
          %add3A_986 = arith.addf %sub3A_945, %mul3A_985 : vector<16xf32>
          %broadcast_in_dim3A_987 = arith.constant 8 : i32
          %broadcast_in_dim3A_988 = vector.broadcast %broadcast_in_dim3A_987 : i32 to vector<16xi32>
          %gather3A_989 = tpu.vector_load_idx %arg22[%shift_right_arithmetic3A_921, %and3A_924, %broadcast_in_dim3A_988] : memref<8x128x16xf32, #tpu.memory_space<vmem>>[vector<16xi32>, vector<16xi32>, vector<16xi32>], vector<16xf32>,
          %mul3A_990 = arith.mulf %get3A_949, %gather3A_989 : vector<16xf32>
          %add3A_991 = arith.addf %add3A_986, %mul3A_990 : vector<16xf32>
          %broadcast_in_dim3A_992 = arith.constant 11 : i32
          %broadcast_in_dim3A_993 = vector.broadcast %broadcast_in_dim3A_992 : i32 to vector<16xi32>
          %gather3A_994 = tpu.vector_load_idx %arg22[%shift_right_arithmetic3A_921, %and3A_924, %broadcast_in_dim3A_993] : memref<8x128x16xf32, #tpu.memory_space<vmem>>[vector<16xi32>, vector<16xi32>, vector<16xi32>], vector<16xf32>,
          %mul3A_995 = arith.mulf %get3A_951, %gather3A_994 : vector<16xf32>
          %add3A_996 = arith.addf %add3A_991, %mul3A_995 : vector<16xf32>
          %mul3A_997 = arith.mulf %add3A_966, %add3A_966 : vector<16xf32>
          %mul3A_998 = arith.mulf %add3A_981, %add3A_981 : vector<16xf32>
          %add3A_999 = arith.addf %mul3A_997, %mul3A_998 : vector<16xf32>
          %mul3A_1000 = arith.mulf %add3A_996, %add3A_996 : vector<16xf32>
          %add3A_1001 = arith.addf %add3A_999, %mul3A_1000 : vector<16xf32>
          %bitcast3A_1002 = vector.bitcast %add3A_1001 : vector<16xf32> to vector<16xi32>
          %shift_right_arithmetic3A_1003 = arith.constant 1 : i32
          %shift_right_arithmetic3A_1004 = vector.broadcast %shift_right_arithmetic3A_1003 : i32 to vector<16xi32>
          %shift_right_arithmetic3A_1005 = arith.shrsi %bitcast3A_1002, %shift_right_arithmetic3A_1004 : vector<16xi32>
          %sub3A_1006 = arith.constant 1597463007 : i32
          %sub3A_1007 = vector.broadcast %sub3A_1006 : i32 to vector<16xi32>
          %sub3A_1008 = arith.subi %sub3A_1007, %shift_right_arithmetic3A_1005 : vector<16xi32>
          %bitcast3A_1009 = vector.bitcast %sub3A_1008 : vector<16xi32> to vector<16xf32>
          %mul3A_1010 = arith.constant 5.000000e-01 : f32
          %mul3A_1011 = vector.broadcast %mul3A_1010 : f32 to vector<16xf32>
          %mul3A_1012 = arith.mulf %mul3A_1011, %add3A_1001 : vector<16xf32>
          %mul3A_1013 = arith.mulf %mul3A_1012, %bitcast3A_1009 : vector<16xf32>
          %mul3A_1014 = arith.mulf %mul3A_1013, %bitcast3A_1009 : vector<16xf32>
          %sub3A_1015 = arith.constant 1.500000e+00 : f32
          %sub3A_1016 = vector.broadcast %sub3A_1015 : f32 to vector<16xf32>
          %sub3A_1017 = arith.subf %sub3A_1016, %mul3A_1014 : vector<16xf32>
          %mul3A_1018 = arith.mulf %bitcast3A_1009, %sub3A_1017 : vector<16xf32>
          %mul3A_1019 = arith.constant 5.000000e-01 : f32
          %mul3A_1020 = vector.broadcast %mul3A_1019 : f32 to vector<16xf32>
          %mul3A_1021 = arith.mulf %mul3A_1020, %add3A_1001 : vector<16xf32>
          %mul3A_1022 = arith.mulf %mul3A_1021, %mul3A_1018 : vector<16xf32>
          %mul3A_1023 = arith.mulf %mul3A_1022, %mul3A_1018 : vector<16xf32>
          %sub3A_1024 = arith.constant 1.500000e+00 : f32
          %sub3A_1025 = vector.broadcast %sub3A_1024 : f32 to vector<16xf32>
          %sub3A_1026 = arith.subf %sub3A_1025, %mul3A_1023 : vector<16xf32>
          %mul3A_1027 = arith.mulf %mul3A_1018, %sub3A_1026 : vector<16xf32>
          %mul3A_1028 = arith.constant 5.000000e-01 : f32
          %mul3A_1029 = vector.broadcast %mul3A_1028 : f32 to vector<16xf32>
          %mul3A_1030 = arith.mulf %mul3A_1029, %add3A_1001 : vector<16xf32>
          %mul3A_1031 = arith.mulf %mul3A_1030, %mul3A_1027 : vector<16xf32>
          %mul3A_1032 = arith.mulf %mul3A_1031, %mul3A_1027 : vector<16xf32>
          %sub3A_1033 = arith.constant 1.500000e+00 : f32
          %sub3A_1034 = vector.broadcast %sub3A_1033 : f32 to vector<16xf32>
          %sub3A_1035 = arith.subf %sub3A_1034, %mul3A_1032 : vector<16xf32>
          %mul3A_1036 = arith.mulf %mul3A_1027, %sub3A_1035 : vector<16xf32>
          %swap3A_1037 = arith.index_cast %mul3A_913 : i32 to index
          %swap3A_1038 = tpu.vector_load %arg26[%swap3A_1037] {strides = array<i32>} : memref<1024xf32, #tpu.memory_space<vmem>>, vector<16xf32>,
          tpu.vector_store %arg26[%swap3A_1037], %add3A_966 {strides = array<i32>} : memref<1024xf32, #tpu.memory_space<vmem>>, vector<16xf32>,
          %swap3A_1039 = arith.index_cast %mul3A_913 : i32 to index
          %swap3A_1040 = tpu.vector_load %arg28[%swap3A_1039] {strides = array<i32>} : memref<1024xf32, #tpu.memory_space<vmem>>, vector<16xf32>,
          tpu.vector_store %arg28[%swap3A_1039], %add3A_981 {strides = array<i32>} : memref<1024xf32, #tpu.memory_space<vmem>>, vector<16xf32>,
          %swap3A_1041 = arith.index_cast %mul3A_913 : i32 to index
          %swap3A_1042 = tpu.vector_load %arg30[%swap3A_1041] {strides = array<i32>} : memref<1024xf32, #tpu.memory_space<vmem>>, vector<16xf32>,
          tpu.vector_store %arg30[%swap3A_1041], %add3A_996 {strides = array<i32>} : memref<1024xf32, #tpu.memory_space<vmem>>, vector<16xf32>,
          %mul3A_1043 = arith.mulf %add3A_1001, %mul3A_1036 : vector<16xf32>
          %swap3A_1044 = arith.index_cast %mul3A_913 : i32 to index
          %swap3A_1045 = tpu.vector_load %arg32[%swap3A_1044] {strides = array<i32>} : memref<1024xf32, #tpu.memory_space<vmem>>, vector<16xf32>,
          tpu.vector_store %arg32[%swap3A_1044], %mul3A_1043 {strides = array<i32>} : memref<1024xf32, #tpu.memory_space<vmem>>, vector<16xf32>,
        }
        %scan3A_768 = arith.constant 64 : i32
        %mul3A_769 = arith.constant 32 : i32
        %mul3A_770 = arith.muli %add3A_331, %mul3A_769 : i32
        %add3A_771 = arith.addi %add3A, %mul3A_770 : i32
        %mul3A_772 = arith.constant 1024 : i32
        %mul3A_773 = arith.muli %add3A_771, %mul3A_772 : i32
        %dma_start3A_774 = tpu.memref_slice %arg7[%mul3A_773] : memref<3200000xf32, #tpu.memory_space<hbm>> -> memref<1024xf32, #tpu.memory_space<hbm>>
        %dma_start3A_775 = tpu.memref_slice %arg7[%mul3A_773] : memref<3200000xf32, #tpu.memory_space<hbm>> -> memref<1024xf32, #tpu.memory_space<hbm>>
        tpu.enqueue_dma source(%arg26 : memref<1024xf32, #tpu.memory_space<vmem>>) target(%dma_start3A_775 : memref<1024xf32, #tpu.memory_space<hbm>>) target_semaphore(%arg38 : memref<!tpu.dma_semaphore, #tpu.memory_space<semaphore_mem>>)
        %dma_start3A_776 = tpu.memref_slice %arg8[%mul3A_773] : memref<3200000xf32, #tpu.memory_space<hbm>> -> memref<1024xf32, #tpu.memory_space<hbm>>
        %dma_start3A_777 = tpu.memref_slice %arg8[%mul3A_773] : memref<3200000xf32, #tpu.memory_space<hbm>> -> memref<1024xf32, #tpu.memory_space<hbm>>
        tpu.enqueue_dma source(%arg28 : memref<1024xf32, #tpu.memory_space<vmem>>) target(%dma_start3A_777 : memref<1024xf32, #tpu.memory_space<hbm>>) target_semaphore(%arg38 : memref<!tpu.dma_semaphore, #tpu.memory_space<semaphore_mem>>)
        %dma_start3A_778 = tpu.memref_slice %arg9[%mul3A_773] : memref<3200000xf32, #tpu.memory_space<hbm>> -> memref<1024xf32, #tpu.memory_space<hbm>>
        %dma_start3A_779 = tpu.memref_slice %arg9[%mul3A_773] : memref<3200000xf32, #tpu.memory_space<hbm>> -> memref<1024xf32, #tpu.memory_space<hbm>>
        tpu.enqueue_dma source(%arg30 : memref<1024xf32, #tpu.memory_space<vmem>>) target(%dma_start3A_779 : memref<1024xf32, #tpu.memory_space<hbm>>) target_semaphore(%arg38 : memref<!tpu.dma_semaphore, #tpu.memory_space<semaphore_mem>>)
        %dma_start3A_780 = tpu.memref_slice %arg10[%mul3A_773] : memref<3200000xf32, #tpu.memory_space<hbm>> -> memref<1024xf32, #tpu.memory_space<hbm>>
        %dma_start3A_781 = tpu.memref_slice %arg10[%mul3A_773] : memref<3200000xf32, #tpu.memory_space<hbm>> -> memref<1024xf32, #tpu.memory_space<hbm>>
        tpu.enqueue_dma source(%arg32 : memref<1024xf32, #tpu.memory_space<vmem>>) target(%dma_start3A_781 : memref<1024xf32, #tpu.memory_space<hbm>>) target_semaphore(%arg38 : memref<!tpu.dma_semaphore, #tpu.memory_space<semaphore_mem>>)
      } else {
      }
      %lt3A_562 = arith.cmpi slt, %add3A_335, %select_n3A : i32
      %convert_element_type3A_563 = arith.extui %lt3A_562 : i1 to i32
      %cond3A_564 = arith.constant 0 : i32
      %cond3A_565 = arith.cmpi ne, %convert_element_type3A_563, %cond3A_564 : i32
      scf.if %cond3A_565 {
        %mul3A_566 = arith.constant 32 : i32
        %mul3A_567 = arith.muli %add3A_335, %mul3A_566 : i32
        %add3A_568 = arith.addi %add3A, %mul3A_567 : i32
        %mul3A_569 = arith.constant 1024 : i32
        %mul3A_570 = arith.muli %add3A_568, %mul3A_569 : i32
        %mul3A_571 = arith.constant 8 : i32
        %mul3A_572 = arith.muli %add3A_568, %mul3A_571 : i32
        %dma_start3A_573 = arith.constant 0 : i32
        %dma_start3A_574 = arith.constant 0 : i32
        %dma_start3A_575 = tpu.memref_slice %arg6[%dma_start3A_573, %mul3A_572, %dma_start3A_574] : memref<2x25000x128xi32, #tpu.memory_space<hbm>> -> memref<1x8x128xi32, #tpu.memory_space<hbm>>
        %dma_start3A_576 = tpu.memref_squeeze %dma_start3A_575 : memref<1x8x128xi32, #tpu.memory_space<hbm>> -> memref<8x128xi32, #tpu.memory_space<hbm>>
        %dma_start3A_577 = arith.constant 0 : i32
        %dma_start3A_578 = tpu.memref_slice %arg6[%dma_start3A_573, %mul3A_572, %dma_start3A_577] : memref<2x25000x128xi32, #tpu.memory_space<hbm>> -> memref<1x8x128xi32, #tpu.memory_space<hbm>>
        %dma_start3A_579 = tpu.memref_squeeze %dma_start3A_578 : memref<1x8x128xi32, #tpu.memory_space<hbm>> -> memref<8x128xi32, #tpu.memory_space<hbm>>
        tpu.enqueue_dma source(%dma_start3A_579 : memref<8x128xi32, #tpu.memory_space<hbm>>) target(%arg12 : memref<8x128xi32, #tpu.memory_space<vmem>>) target_semaphore(%arg34 : memref<!tpu.dma_semaphore, #tpu.memory_space<semaphore_mem>>)
        %dma_start3A_580 = arith.constant 1 : i32
        %dma_start3A_581 = arith.constant 0 : i32
        %dma_start3A_582 = tpu.memref_slice %arg6[%dma_start3A_580, %mul3A_572, %dma_start3A_581] : memref<2x25000x128xi32, #tpu.memory_space<hbm>> -> memref<1x8x128xi32, #tpu.memory_space<hbm>>
        %dma_start3A_583 = tpu.memref_squeeze %dma_start3A_582 : memref<1x8x128xi32, #tpu.memory_space<hbm>> -> memref<8x128xi32, #tpu.memory_space<hbm>>
        %dma_start3A_584 = arith.constant 0 : i32
        %dma_start3A_585 = tpu.memref_slice %arg6[%dma_start3A_580, %mul3A_572, %dma_start3A_584] : memref<2x25000x128xi32, #tpu.memory_space<hbm>> -> memref<1x8x128xi32, #tpu.memory_space<hbm>>
        %dma_start3A_586 = tpu.memref_squeeze %dma_start3A_585 : memref<1x8x128xi32, #tpu.memory_space<hbm>> -> memref<8x128xi32, #tpu.memory_space<hbm>>
        tpu.enqueue_dma source(%dma_start3A_586 : memref<8x128xi32, #tpu.memory_space<hbm>>) target(%arg14 : memref<8x128xi32, #tpu.memory_space<vmem>>) target_semaphore(%arg34 : memref<!tpu.dma_semaphore, #tpu.memory_space<semaphore_mem>>)
        %dma_start3A_587 = tpu.memref_slice %arg3[%mul3A_570] : memref<3200000xf32, #tpu.memory_space<hbm>> -> memref<1024xf32, #tpu.memory_space<hbm>>
        %dma_start3A_588 = tpu.memref_slice %arg3[%mul3A_570] : memref<3200000xf32, #tpu.memory_space<hbm>> -> memref<1024xf32, #tpu.memory_space<hbm>>
        tpu.enqueue_dma source(%dma_start3A_588 : memref<1024xf32, #tpu.memory_space<hbm>>) target(%arg16 : memref<1024xf32, #tpu.memory_space<vmem>>) target_semaphore(%arg34 : memref<!tpu.dma_semaphore, #tpu.memory_space<semaphore_mem>>)
        %dma_start3A_589 = tpu.memref_slice %arg4[%mul3A_570] : memref<3200000xf32, #tpu.memory_space<hbm>> -> memref<1024xf32, #tpu.memory_space<hbm>>
        %dma_start3A_590 = tpu.memref_slice %arg4[%mul3A_570] : memref<3200000xf32, #tpu.memory_space<hbm>> -> memref<1024xf32, #tpu.memory_space<hbm>>
        tpu.enqueue_dma source(%dma_start3A_590 : memref<1024xf32, #tpu.memory_space<hbm>>) target(%arg18 : memref<1024xf32, #tpu.memory_space<vmem>>) target_semaphore(%arg34 : memref<!tpu.dma_semaphore, #tpu.memory_space<semaphore_mem>>)
        %dma_start3A_591 = tpu.memref_slice %arg5[%mul3A_570] : memref<3200000xf32, #tpu.memory_space<hbm>> -> memref<1024xf32, #tpu.memory_space<hbm>>
        %dma_start3A_592 = tpu.memref_slice %arg5[%mul3A_570] : memref<3200000xf32, #tpu.memory_space<hbm>> -> memref<1024xf32, #tpu.memory_space<hbm>>
        tpu.enqueue_dma source(%dma_start3A_592 : memref<1024xf32, #tpu.memory_space<hbm>>) target(%arg20 : memref<1024xf32, #tpu.memory_space<vmem>>) target_semaphore(%arg34 : memref<!tpu.dma_semaphore, #tpu.memory_space<semaphore_mem>>)
      } else {
      }
    }
    %dma_wait3A_306 = arith.constant 0 : i32
    %dma_wait3A_307 = tpu.memref_slice %arg7[%dma_wait3A_306] : memref<3200000xf32, #tpu.memory_space<hbm>> -> memref<1024xf32, #tpu.memory_space<hbm>>
    %dma_wait3A_308 = arith.constant 0 : i32
    %dma_wait3A_309 = tpu.memref_slice %arg7[%dma_wait3A_308] : memref<3200000xf32, #tpu.memory_space<hbm>> -> memref<1024xf32, #tpu.memory_space<hbm>>
    tpu.wait_dma2 semaphore(%arg37 : memref<!tpu.dma_semaphore, #tpu.memory_space<semaphore_mem>>) src(%arg25 : memref<1024xf32, #tpu.memory_space<vmem>>) dst(%dma_wait3A_309 : memref<1024xf32, #tpu.memory_space<hbm>>)
    %dma_wait3A_310 = arith.constant 0 : i32
    %dma_wait3A_311 = tpu.memref_slice %arg8[%dma_wait3A_310] : memref<3200000xf32, #tpu.memory_space<hbm>> -> memref<1024xf32, #tpu.memory_space<hbm>>
    %dma_wait3A_312 = arith.constant 0 : i32
    %dma_wait3A_313 = tpu.memref_slice %arg8[%dma_wait3A_312] : memref<3200000xf32, #tpu.memory_space<hbm>> -> memref<1024xf32, #tpu.memory_space<hbm>>
    tpu.wait_dma2 semaphore(%arg37 : memref<!tpu.dma_semaphore, #tpu.memory_space<semaphore_mem>>) src(%arg27 : memref<1024xf32, #tpu.memory_space<vmem>>) dst(%dma_wait3A_313 : memref<1024xf32, #tpu.memory_space<hbm>>)
    %dma_wait3A_314 = arith.constant 0 : i32
    %dma_wait3A_315 = tpu.memref_slice %arg9[%dma_wait3A_314] : memref<3200000xf32, #tpu.memory_space<hbm>> -> memref<1024xf32, #tpu.memory_space<hbm>>
    %dma_wait3A_316 = arith.constant 0 : i32
    %dma_wait3A_317 = tpu.memref_slice %arg9[%dma_wait3A_316] : memref<3200000xf32, #tpu.memory_space<hbm>> -> memref<1024xf32, #tpu.memory_space<hbm>>
    tpu.wait_dma2 semaphore(%arg37 : memref<!tpu.dma_semaphore, #tpu.memory_space<semaphore_mem>>) src(%arg29 : memref<1024xf32, #tpu.memory_space<vmem>>) dst(%dma_wait3A_317 : memref<1024xf32, #tpu.memory_space<hbm>>)
    %dma_wait3A_318 = arith.constant 0 : i32
    %dma_wait3A_319 = tpu.memref_slice %arg10[%dma_wait3A_318] : memref<3200000xf32, #tpu.memory_space<hbm>> -> memref<1024xf32, #tpu.memory_space<hbm>>
    %dma_wait3A_320 = arith.constant 0 : i32
    %dma_wait3A_321 = tpu.memref_slice %arg10[%dma_wait3A_320] : memref<3200000xf32, #tpu.memory_space<hbm>> -> memref<1024xf32, #tpu.memory_space<hbm>>
    tpu.wait_dma2 semaphore(%arg37 : memref<!tpu.dma_semaphore, #tpu.memory_space<semaphore_mem>>) src(%arg31 : memref<1024xf32, #tpu.memory_space<vmem>>) dst(%dma_wait3A_321 : memref<1024xf32, #tpu.memory_space<hbm>>)
    %gt3A_322 = arith.constant 1 : i32
    %gt3A_323 = arith.cmpi sgt, %select_n3A, %gt3A_322 : i32
    %convert_element_type3A_324 = arith.extui %gt3A_323 : i1 to i32
    %cond3A_325 = arith.constant 0 : i32
    %cond3A_326 = arith.cmpi ne, %convert_element_type3A_324, %cond3A_325 : i32
    scf.if %cond3A_326 {
      %dma_wait3A_327 = arith.constant 0 : i32
      %dma_wait3A_328 = tpu.memref_slice %arg7[%dma_wait3A_327] : memref<3200000xf32, #tpu.memory_space<hbm>> -> memref<1024xf32, #tpu.memory_space<hbm>>
      %dma_wait3A_329 = arith.constant 0 : i32
      %dma_wait3A_330 = tpu.memref_slice %arg7[%dma_wait3A_329] : memref<3200000xf32, #tpu.memory_space<hbm>> -> memref<1024xf32, #tpu.memory_space<hbm>>
      tpu.wait_dma2 semaphore(%arg38 : memref<!tpu.dma_semaphore, #tpu.memory_space<semaphore_mem>>) src(%arg26 : memref<1024xf32, #tpu.memory_space<vmem>>) dst(%dma_wait3A_330 : memref<1024xf32, #tpu.memory_space<hbm>>)
      %dma_wait3A_331 = arith.constant 0 : i32
      %dma_wait3A_332 = tpu.memref_slice %arg8[%dma_wait3A_331] : memref<3200000xf32, #tpu.memory_space<hbm>> -> memref<1024xf32, #tpu.memory_space<hbm>>
      %dma_wait3A_333 = arith.constant 0 : i32
      %dma_wait3A_334 = tpu.memref_slice %arg8[%dma_wait3A_333] : memref<3200000xf32, #tpu.memory_space<hbm>> -> memref<1024xf32, #tpu.memory_space<hbm>>
      tpu.wait_dma2 semaphore(%arg38 : memref<!tpu.dma_semaphore, #tpu.memory_space<semaphore_mem>>) src(%arg28 : memref<1024xf32, #tpu.memory_space<vmem>>) dst(%dma_wait3A_334 : memref<1024xf32, #tpu.memory_space<hbm>>)
      %dma_wait3A_335 = arith.constant 0 : i32
      %dma_wait3A_336 = tpu.memref_slice %arg9[%dma_wait3A_335] : memref<3200000xf32, #tpu.memory_space<hbm>> -> memref<1024xf32, #tpu.memory_space<hbm>>
      %dma_wait3A_337 = arith.constant 0 : i32
      %dma_wait3A_338 = tpu.memref_slice %arg9[%dma_wait3A_337] : memref<3200000xf32, #tpu.memory_space<hbm>> -> memref<1024xf32, #tpu.memory_space<hbm>>
      tpu.wait_dma2 semaphore(%arg38 : memref<!tpu.dma_semaphore, #tpu.memory_space<semaphore_mem>>) src(%arg30 : memref<1024xf32, #tpu.memory_space<vmem>>) dst(%dma_wait3A_338 : memref<1024xf32, #tpu.memory_space<hbm>>)
      %dma_wait3A_339 = arith.constant 0 : i32
      %dma_wait3A_340 = tpu.memref_slice %arg10[%dma_wait3A_339] : memref<3200000xf32, #tpu.memory_space<hbm>> -> memref<1024xf32, #tpu.memory_space<hbm>>
      %dma_wait3A_341 = arith.constant 0 : i32
      %dma_wait3A_342 = tpu.memref_slice %arg10[%dma_wait3A_341] : memref<3200000xf32, #tpu.memory_space<hbm>> -> memref<1024xf32, #tpu.memory_space<hbm>>
      tpu.wait_dma2 semaphore(%arg38 : memref<!tpu.dma_semaphore, #tpu.memory_space<semaphore_mem>>) src(%arg32 : memref<1024xf32, #tpu.memory_space<vmem>>) dst(%dma_wait3A_342 : memref<1024xf32, #tpu.memory_space<hbm>>)
    } else {
    }
    return
  }
}

</mosaic_0001>

<sc_bundles>
// kernel: kernel.3.cloned.1.call-start
scs
__scs_entry_jumppad:
0x0: {  	(pc) =	sbr.rel $0x88, $3  }
0x1: {  	(tag) =	ssettag $0x0;
	lr =	simm.s32 $0x1  }
0x2: {  	[smem:$0x3F9C] =	sst lr;
	_ =	strace $0xD0000000  }
0x3: {  	_ = 	snop  }
0x4: {  	_ = 	snop  }
0x5: {  	_ = 	snop  }
0x6: {  	_ = 	snop  }
0x7: {  	_ = 	snop  }
__scs_overlays_trampoline_lowered:
0x8: {  	[smem:$0x3FAB] =	sst s0  }
0x9: {  	[smem:$0x3FAC] =	sst s1  }
0xa: {  	[smem:$0x3FAD] =	sst s2  }
0xb: {  	[smem:$0x3FAE] =	sst s3  }
0xc: {  	[smem:$0x3FAF] =	sst s4  }
0xd: {  	[smem:$0x3FB0] =	sst s5  }
0xe: {  	[smem:$0x3FB1] =	sst s6  }
0xf: {  	[smem:$0x3FB2] =	sst s7  }
0x10: {  	[smem:$0x3FB3] =	sst s8  }
0x11: {  	[smem:$0x3FB4] =	sst s9;
	s0 =	simm.s32 @!p0 $0x0  }
0x12: {  	s1 =	sld [smem:$0x3F9A];
	s0 =	simm.s32 @p0 $0x1  }
0x13: {  	[smem:$0x3FB5] =	sst s0;
	s0 =	simm.s32 @!p1 $0x0  }
0x14: {  	s2 =	sld [smem:$0x3F99];
	s0 =	simm.s32 @p1 $0x1  }
0x15: {  	[smem:$0x3FB6] =	sst s0;
	s0 =	simm.s32 @!p2 $0x0  }
0x16: {  	s3 =	sld [smem:$0x3FDB];
	s0 =	simm.s32 @p2 $0x1  }
0x17: {  	s4 =	simm.s32 $0x1BF5;
	[smem:$0x3FB8] =	sst s0  }
0x18: {  	s0 =	sld [smem:$0x3F9B];
	_ =	swait.ge [sflag:s4], $0x0  }
0x19: {  	s7 =	sld [smem:$0x3F9C]  }
0x1a: {  	s8 =	sadd.s32 $0xFFFFE003, lr  }
0x1b: {  	s9 =	sadd.s32 $0xFFFFFEF7, lr;
	s5 =	simm.s32 $0xFFFFFFFF;
	p2 =	slt.u32 s8, $0xFFFFF086  }
0x1c: {  	p1 =	slt.u32 s9, $0xF7A;
	s5 =	simm.s32 @!p2 $0x0  }
0x1d: {  	s5 =	simm.s32 @p1 $0x1;
	p0 =	seq.s32 s7, s2  }
0x1e: {  	s7 =	smul.u32 @!p0 $0xF7A, s2;
	p2 =	seq.s32 @!p0 s5, $0x0  }
0x1f: {  	s9 =	smul.u32 $0xF7A, s1;
	s8 =	simm.s32 @!p0 $0x1BF5;
	p2 =	por !p2, p0  }
0x20: {  	[sflag:s8] =	ssyncset.s32 @!p0 $0xFFFFF086;
	s6 =	sadd.s32 @!p0 s3, s7;
	s7 =	simm.s32 @!p0 $0x108  }
0x21: {  	s3 =	sadd.s32 s3, s9;
	s6 =	sadd.s32 @!p0 $0x88, s6;
	s7 =	simm.s32 @p2 $0x1082  }
0x22: {  	[simem:s7], [sflag:s8] =	dma.local @!p0 [hbm:s6], $0xF7A  }
0x23: {  	s9 =	sor.u32 $0xD0000000, s2;
	s6 =	simm.s32 $0x108;
	_ =	swait.ge @!p0 [sflag:s8], $0x0  }
0x24: {  	s3 =	sadd.s32 $0x88, s3;
	s6 =	simm.s32 @!p1 $0x1082;
	[sflag:s4] =	ssyncset.s32 $0xFFFFF086  }
0x25: {  	[simem:s6], [sflag:s4] =	dma.local [hbm:s3], $0xF7A  }
0x26: {  	[smem:$0x3F9C] =	sst s1;
	(tag) =	ssettag s2;
	_ =	strace s9  }
0x27: {  	s1 =	sld [smem:$0x3FAC]  }
0x28: {  	s2 =	sld [smem:$0x3FAD]  }
0x29: {  	s4 =	sld [smem:$0x3FAF]  }
0x2a: {  	p0 =	seq.s32 s5, $0x0;
	s5 =	sld [smem:$0x3FB0]  }
0x2b: {  	s6 =	sld [smem:$0x3FB1]  }
0x2c: {  	s7 =	sld [smem:$0x3FB2]  }
0x2d: {  	s3 =	simm.s32 $0x108;
	s8 =	sld [smem:$0x3FB3]  }
0x2e: {  	s3 =	simm.s32 @!p0 $0x1082;
	s9 =	sld [smem:$0x3FB4]  }
0x2f: {  	lr =	sadd.s32 s0, s3;
	s0 =	sld [smem:$0x3FAB]  }
0x30: {  	s3 =	sld [smem:$0x3FAE]  }
0x31: {  	[smem:$0x3FB7] =	sst s10  }
0x32: {  	s10 =	sld [smem:$0x3FB5];
	_ =	sdelay $0x3  }
0x33: {  	p0 =	seq.s32 s10, $0x1;
	s10 =	sld [smem:$0x3FB7];
	_ =	sdelay $0x3  }
0x34: {  	[smem:$0x3FB7] =	sst s10  }
0x35: {  	s10 =	sld [smem:$0x3FB6];
	_ =	sdelay $0x3  }
0x36: {  	p1 =	seq.s32 s10, $0x1;
	s10 =	sld [smem:$0x3FB7];
	_ =	sdelay $0x3  }
0x37: {  	[smem:$0x3FB7] =	sst s10  }
0x38: {  	s10 =	sld [smem:$0x3FB8]  }
0x39: {  	_ = 	snop;
	(pc) =	sbr.ind lr, $3  }
0x3a: {  	_ = 	snop  }
0x3b: {  	_ = 	snop  }
0x3c: {  	p2 =	seq.s32 s10, $0x1;
	s10 =	sld [smem:$0x3FB7]  }
0x3d: {  	_ =	shalt  }
0x3e: {  	_ =	shalt  }
0x3f: {  	_ =	shalt  }
0x40: {  	_ =	shalt  }
0x41: {  	_ =	shalt  }
0x42: {  	_ =	shalt  }
0x43: {  	_ =	shalt  }
0x44: {  	_ =	shalt  }
0x45: {  	_ =	shalt  }
0x46: {  	_ =	shalt  }
0x47: {  	_ =	shalt  }
0x48: {  	_ =	shalt  }
0x49: {  	_ =	shalt  }
0x4a: {  	_ =	shalt  }
0x4b: {  	_ =	shalt  }
0x4c: {  	_ =	shalt  }
0x4d: {  	_ =	shalt  }
0x4e: {  	_ =	shalt  }
0x4f: {  	_ =	shalt  }
0x50: {  	_ =	shalt  }
0x51: {  	_ =	shalt  }
0x52: {  	_ =	shalt  }
0x53: {  	_ =	shalt  }
0x54: {  	_ =	shalt  }
0x55: {  	_ =	shalt  }
0x56: {  	_ =	shalt  }
0x57: {  	_ =	shalt  }
0x58: {  	_ =	shalt  }
0x59: {  	_ =	shalt  }
0x5a: {  	_ =	shalt  }
0x5b: {  	_ =	shalt  }
0x5c: {  	_ =	shalt  }
0x5d: {  	_ =	shalt  }
0x5e: {  	_ =	shalt  }
0x5f: {  	_ =	shalt  }
0x60: {  	_ =	shalt  }
0x61: {  	_ =	shalt  }
0x62: {  	_ =	shalt  }
0x63: {  	_ =	shalt  }
0x64: {  	_ =	shalt  }
0x65: {  	_ =	shalt  }
0x66: {  	_ =	shalt  }
0x67: {  	_ =	shalt  }
0x68: {  	_ =	shalt  }
0x69: {  	_ =	shalt  }
0x6a: {  	_ =	shalt  }
0x6b: {  	_ =	shalt  }
0x6c: {  	_ =	shalt  }
0x6d: {  	_ =	shalt  }
0x6e: {  	_ =	shalt  }
0x6f: {  	_ =	shalt  }
0x70: {  	_ =	shalt  }
0x71: {  	_ =	shalt  }
0x72: {  	_ =	shalt  }
0x73: {  	_ =	shalt  }
0x74: {  	_ =	shalt  }
0x75: {  	_ =	shalt  }
0x76: {  	_ =	shalt  }
0x77: {  	_ =	shalt  }
0x78: {  	_ =	shalt  }
0x79: {  	_ =	shalt  }
0x7a: {  	_ =	shalt  }
0x7b: {  	_ =	shalt  }
0x7c: {  	_ =	shalt  }
0x7d: {  	_ =	shalt  }
0x7e: {  	_ =	shalt  }
0x7f: {  	_ =	shalt  }
0x80: {  	_ =	shalt  }
0x81: {  	_ =	shalt  }
0x82: {  	_ =	shalt  }
0x83: {  	_ =	shalt  }
0x84: {  	_ =	shalt  }
0x85: {  	_ =	shalt  }
0x86: {  	_ =	shalt  }
0x87: {  	_ =	shalt  }
.Lfunc_end0:
.L_simem_size_0:
called_computation_lowered:
.L_overlay_start_0:
0x88: {  	s2 =	sld [smem:$0x3FD9]  }
0x89: {  	s3 =	sld [smem:$0x3FFE];
	_ =	sdelay $0x1  }
0x8a: {  	s1 =	srdreg.scid  }
0x8b: {  	s0 =	sand.u32 $0x1, s1  }
0x8c: {  	s14 =	sshll.u32 s0, $0xA;
	s2 =	sadd.s32 s3, s2  }
0x8d: {  	s2 =	sadd.s32 s2, s14  }
0x8e: {  	[smem:$0x3FC3] =	sst s2  }
0x8f: {  	_ = 	snop  }
0x90: {  	s2 =	sld [smem:$0x3FD0];
	_ =	sdelay $0x2  }
0x91: {  	s15 =	simm.s32 $0xA;
	s4 =	simm.s32 $0x10  }
0x92: {  	[smem:s4], [sflag:s15] =	dma.local [hbm:s2], $0x1  }
0x93: {  	_ =	swait.eq [sflag:s15], $0x1  }
0x94: {  	[sflag:s15] =	ssyncset.done $0x0  }
0x95: {  	[sflag:s15] =	ssyncadd.s32 $0xFFFFFFFF  }
0x96: {  	s16 =	sld [smem:$0x11];
	(tm) =	ssettm $0x1  }
0x97: {  	s17 =	sld [smem:$0x3FFB];
	_ =	sdelay $0x3  }
0x98: {  	_ =	strace s17  }
0x99: {  	s3 =	sld [smem:$0x3FFC];
	_ =	sdelay $0x3  }
0x9a: {  	_ =	strace s3  }
0x9b: {  	s3 =	sld [smem:$0x3FFD];
	_ =	sdelay $0x3  }
0x9c: {  	_ =	strace s3  }
0x9d: {  	_ =	strace $0x8FFFFFFF  }
0x9e: {  	s18 =	sld [smem:$0x3FDB];
	_ =	sdelay $0x1  }
0x9f: {  	s19 =	simm.s32 $_scs_section_size  }
0xa0: {  	s5 =	simm.s32 $_size__tile_overlayer_lowered;
	s6 =	simm.s32 $_tile_overlayer_lowered  }
0xa1: {  	s22 =	simm.s32 $0x1BFF;
	s21 =	sshll.u32 s6, $0x1;
	s3 =	sadd.s32 s19, s18  }
0xa2: {  	s7 =	simm.s32 $0x0;
	s20 =	sshll.u32 s5, $0x1;
	s5 =	sadd.s32 s21, s3  }
0xa3: {  	[timem:s7], [sflag:s22] =	dma.local [hbm:s5], s20  }
0xa4: {  	_ =	swait.ge [sflag:s22], s20  }
0xa5: {  	s4 =	ssub.s32 $0x0, s20;
	[sflag:s22] =	ssyncset.done $0x0  }
0xa6: {  	[sflag:s22] =	ssyncadd.s32 s4;
	_ =	sdelay $0x1  }
0xa7: {  	s23 =	simm.s32 $0x1B8B  }
0xa8: {  	_ =	swait.ge [sflag:s23], $0x1  }
0xa9: {  	[sflag:s23] =	ssyncset.done $0x0  }
0xaa: {  	s25 =	simm.s32 $0x1B8E;
	s24 =	sld [smem:$0x3FFE];
	[sflag:s23] =	ssyncadd.s32 $0xFFFFFFFF  }
0xab: {  	s26 =	simm.s32 $execute0_lowered;
	[smem:$0x3FD2] =	sst s25  }
0xac: {  	s5 =	sshll.u32 s26, $0x1;
	_ =	strace $0x80000046;
	[dreg:$0x1] =	wrdreg $0xFFFFFFFF  }
0xad: {  	s28 =	simm.s32 $_size_execute0_lowered;
	s3 =	sadd.s32 s3, s5;
	[dreg:$0x0] =	wrdreg $0x0  }
0xae: {  	s5 =	sshll.u32 s28, $0x1;
	[dreg:$0x2] =	wrdreg s3  }
0xaf: {  	[dreg:$0x3] =	wrdreg s5  }
0xb0: {  	[dreg:$0x4] =	wrdreg $0xC0  }
0xb1: {  	_ =	task [dreg:s7], $0x5FFFF  }
0xb2: {  	[dreg:$0x1] =	wrdreg $0xFFFFFFFF  }
0xb3: {  	[dreg:$0x0] =	wrdreg $0x60  }
0xb4: {  	[dreg:$0x2] =	wrdreg s24  }
0xb5: {  	[dreg:$0x3] =	wrdreg s16  }
0xb6: {  	[dreg:$0x4] =	wrdreg $0x9  }
0xb7: {  	_ =	task.clear_ibuf [dreg:s7], $0x5FFFF;
	_ =	strace $0x90000046  }
0xb8: {  	s29 =	simm.s32 $0x9;
	_ =	strace $0x80000048  }
0xb9: {  	_ =	swait.ge [sflag:s29], $0x1  }
0xba: {  	[sflag:s29] =	ssyncadd.s32 $0xFFFFFFFF  }
0xbb: {  	_ =	strace $0x90000048  }
0xbc: {  	_ =	sfence  }
0xbd: {  	s30 =	sld [smem:$0x0];
	_ =	sdelay $0x2  }
0xbe: {  	s31 =	sshll.u32 s1, $0xD;
	s1 =	sshrl.u32 s1, $0x2  }
0xbf: {  	s3 =	sand.u32 $0x4000, s31;
	s1 =	sadd.s32 s1, s30  }
0xc0: {  	s0 =	sor.u32 s3, s0;
	s1 =	sshll.u32 s1, $0x11  }
0xc1: {  	s0 =	sor.u32 s1, s0  }
0xc2: {  	s0 =	sadd.s32 $0x8F2B, s0  }
0xc3: {  	[sflag:s0] =	ssyncadd.remote.s32 $0x1  }
0xc4: {  	_ =	sfence.sel $0xFFFF  }
0xc5: {  	[dreg:$0x0] =	wrdreg $0xFFFFFFFF;
	(pc) =	sbr.abs _section_cstart, $3  }
0xc6: {  	[dreg:$0x1] =	wrdreg $0xFFFFFFFF  }
0xc7: {  	_ =	task.clear_ibuf [dreg:s7], $0x2FFFF;
	_ =	strace $0x9FFFFFFF  }
0xc8: {  	(tm) =	ssettm $0x7FFFFFFF  }
0xc9: {  	_ =	shalt  }
tec
execute0_lowered:
.L_overlay_start_1:
0x0: {  	(tag) =	ssettag $0x1  }
0x1: {  	s0 =	rddreg [dreg:$0x0];
	s2 =	simm.s32 $0x0;
	s1 =	srdreg.scid  }
0x2: {  	s5 =	stileid.u32;
	[smem:$0x7FF] =	sst s2;
	s4 =	sadd.s32 $0x21A600, s0  }
0x3: {  	s6 =	sadd.s32 $0x27C200, s0;
	_ =	strace $0x80000047;
	[dreg:$0x7] =	wrdreg s4  }
0x4: {  	s29 =	simm.s32 $0x4;
	s17 =	sadd.s32 $0x2DDE00, s0;
	[dreg:$0x8] =	wrdreg s6  }
0x5: {  	s3 =	sadd.s32 $0x1E9800, s0;
	s10 =	sadd.s32 $0xE00, s0;
	[dreg:$0x9] =	wrdreg s17  }
0x6: {  	s7 =	sadd.s32 $0x187C00, s0;
	s19 =	sadd.s32 $0x62880, s0;
	[dreg:$0x6] =	wrdreg s10  }
0x7: {  	s8 =	sadd.s32 $0x126000, s0;
	s9 =	sadd.s32 $0xC4400, s0;
	[dreg:$0xa] =	wrdreg s19  }
0x8: {  	s1 =	sand.u32 $0x1, s1;
	s5 =	sshll.u32 s5, $0x1;
	[dreg:$0x3] =	wrdreg s7  }
0x9: {  	s15 =	ssub.s32 $0x2, s1;
	s1 =	sor.u32 s1, s5;
	[dreg:$0x4] =	wrdreg s8  }
0xa: {  	[dreg:$0x5] =	wrdreg s9;
	s5 =	simm.s32 $0x1;
	s13 =	sshll.u32 s1, $0x7  }
0xb: {  	s17 =	simm.s32 $0xA800;
	s16 =	sshrl.u32 s15, $0x1;
	s20 =	sadd.s32 s10, s13  }
0xc: {  	s18 =	ssub.s32 $0xC54, s1;
	s21 =	sadd.s32 s13, s19;
	[dreg:$0xb] =	wrdreg s20  }
0xd: {  	s4 =	ssub.s32 s15, s16;
	s22 =	sadd.s32 s7, s13;
	[dreg:$0xc] =	wrdreg s21  }
0xe: {  	s12 =	sshrl.u32 s18, $0x5;
	s23 =	sadd.s32 s8, s13;
	[dreg:$0xd] =	wrdreg s22  }
0xf: {  	s24 =	sadd.s32 s9, s13;
	s25 =	sor.u32 $0x1000, s13;
	[dreg:$0xe] =	wrdreg s23  }
0x10: {  	s15 =	simm.s32 $0x80;
	[dreg:$0xf] =	wrdreg s24;
	s26 =	sadd.s32 s10, s25  }
0x11: {  	s16 =	simm.s32 $0x2800;
	s1 =	sadd.s32 s25, s19;
	[dreg:$0x10] =	wrdreg s26  }
.Ltmp0:
0x12: {  	s28 =	sadd.s32 s7, s25;
	[dreg:$0x11] =	wrdreg s1;
	(pc) =	sbr.rel .LBB2_1-.Ltmp0, $4  }
0x13: {  	s30 =	sadd.s32 s8, s25;
	s0 =	sadd.s32 s9, s25;
	[dreg:$0x12] =	wrdreg s28  }
0x14: {  	s31 =	smax.u32 s4, $0x1;
	s19 =	simm.s32 $0x3;
	[dreg:$0x13] =	wrdreg s30  }
0x15: {  	v0 =	vlaneseq.u32;
	s20 =	simm.s32 $0x2;
	s21 =	simm.s32 $0x6800;
	[dreg:$0x14] =	wrdreg s0  }
0x16: {  	v0 =	vmul.u32 $0x10, v0;
	s22 =	simm.s32 $0xE800;
	s4 =	simm.s32 $0x0;
	[dreg:$0x15] =	wrdreg s31  }
.LBB2_13:
0x17: {  	s0 =	simm.s32 $0x5  }
0x18: {  	_ =	swait.ge [sflag:s0], $0x400  }
0x19: {  	[sflag:s0] =	ssyncset.done $0x0  }
0x1a: {  	[sflag:s0] =	ssyncadd.s32 $0xFFFFFC00  }
0x1b: {  	_ =	swait.ge [sflag:s0], $0x400  }
0x1c: {  	[sflag:s0] =	ssyncset.done $0x0  }
0x1d: {  	[sflag:s0] =	ssyncadd.s32 $0xFFFFFC00  }
0x1e: {  	_ =	swait.ge [sflag:s0], $0x400  }
0x1f: {  	[sflag:s0] =	ssyncset.done $0x0  }
0x20: {  	[sflag:s0] =	ssyncadd.s32 $0xFFFFFC00  }
0x21: {  	_ =	swait.ge [sflag:s0], $0x400  }
0x22: {  	[sflag:s0] =	ssyncset.done $0x0  }
0x23: {  	s1 =	simm.s32 $0x6;
	[sflag:s0] =	ssyncadd.s32 $0xFFFFFC00  }
0x24: {  	_ =	swait.ge [sflag:s1], $0x400  }
0x25: {  	[sflag:s1] =	ssyncset.done $0x0  }
0x26: {  	[sflag:s1] =	ssyncadd.s32 $0xFFFFFC00  }
0x27: {  	_ =	swait.ge [sflag:s1], $0x400  }
0x28: {  	[sflag:s1] =	ssyncset.done $0x0  }
0x29: {  	[sflag:s1] =	ssyncadd.s32 $0xFFFFFC00  }
0x2a: {  	_ =	swait.ge [sflag:s1], $0x400  }
0x2b: {  	[sflag:s1] =	ssyncset.done $0x0  }
0x2c: {  	[sflag:s1] =	ssyncadd.s32 $0xFFFFFC00  }
0x2d: {  	_ =	swait.ge [sflag:s1], $0x400  }
0x2e: {  	s4 =	rddreg [dreg:$0x16]  }
0x2f: {  	s31 =	rddreg [dreg:$0x15];
	s4 =	sadd.s32 $0x1, s4  }
0x30: {  	p0 =	sne.s32 s4, s31  }
.Ltmp1:
0x31: {  	_ = 	snop;
	(pc) =	sbr.rel @!p0 .LBB2_14-.Ltmp1, $3  }
0x32: {  	_ =	sdelay $0x1  }
0x33: {  	[sflag:s1] =	ssyncset.done $0x0  }
0x34: {  	[sflag:s1] =	ssyncadd.s32 $0xFFFFFC00  }
.LBB2_1:
0x35: {  	[dreg:$0x16] =	wrdreg s4  }
0x36: {  	s0 =	rddreg [dreg:$0xb]  }
0x37: {  	[tilespmem:s2], [sflag:$0x1] =	stream.linear.gather [hbm4b:s0+s2], $0x400, $0x38;
	[tilespmem:$0x14800] =	vst v63  }
0x38: {  	s7 =	rddreg [dreg:$0xc];
	s1 =	simm.s32 $0x800  }
0x39: {  	[tilespmem:s1], [sflag:$0x1] =	stream.linear.gather [hbm4b:s7+s2], $0x400, $0x38;
	[tilespmem:$0x14800] =	vst v63  }
0x3a: {  	s8 =	rddreg [dreg:$0xd];
	s9 =	simm.s32 $0x1000  }
0x3b: {  	[tilespmem:s9], [sflag:$0x1] =	stream.linear.gather [hbm4b:s8+s2], $0x400, $0x38;
	[tilespmem:$0x14800] =	vst v63  }
0x3c: {  	s10 =	rddreg [dreg:$0xe];
	s11 =	simm.s32 $0x1800  }
0x3d: {  	[tilespmem:s11], [sflag:$0x1] =	stream.linear.gather [hbm4b:s10+s2], $0x400, $0x38;
	[tilespmem:$0x14800] =	vst v63  }
0x3e: {  	s14 =	rddreg [dreg:$0xf];
	s18 =	simm.s32 $0x2000  }
0x3f: {  	[tilespmem:s18], [sflag:$0x1] =	stream.linear.gather [hbm4b:s14+s2], $0x400, $0x38;
	[tilespmem:$0x14800] =	vst v63  }
0x40: {  	s23 =	rddreg [dreg:$0x10];
	s24 =	simm.s32 $0x400  }
0x41: {  	[tilespmem:s24], [sflag:$0x2] =	stream.linear.gather [hbm4b:s23+s2], $0x400, $0x38;
	[tilespmem:$0x14800] =	vst v63  }
0x42: {  	s25 =	rddreg [dreg:$0x11];
	s26 =	simm.s32 $0xC00  }
0x43: {  	[tilespmem:s26], [sflag:$0x2] =	stream.linear.gather [hbm4b:s25+s2], $0x400, $0x38;
	[tilespmem:$0x14800] =	vst v63  }
0x44: {  	s28 =	rddreg [dreg:$0x12];
	s31 =	simm.s32 $0x1400  }
0x45: {  	[tilespmem:s31], [sflag:$0x2] =	stream.linear.gather [hbm4b:s28+s2], $0x400, $0x38;
	[tilespmem:$0x14800] =	vst v63  }
0x46: {  	s4 =	rddreg [dreg:$0x13];
	s6 =	simm.s32 $0x1C00  }
0x47: {  	[tilespmem:s6], [sflag:$0x2] =	stream.linear.gather [hbm4b:s4+s2], $0x400, $0x38;
	[tilespmem:$0x14800] =	vst v63  }
0x48: {  	s7 =	rddreg [dreg:$0x14];
	s8 =	simm.s32 $0x2400  }
0x49: {  	[tilespmem:s8], [sflag:$0x2] =	stream.linear.gather [hbm4b:s7+s2], $0x400, $0x38;
	[tilespmem:$0x14800] =	vst v63  }
0x4a: {  	_ =	swait.ge [sflag:s5], $0x400  }
0x4b: {  	[sflag:s5] =	ssyncset.done $0x0  }
0x4c: {  	[sflag:s5] =	ssyncadd.s32 $0xFFFFFC00  }
0x4d: {  	_ =	swait.ge [sflag:s5], $0x400  }
0x4e: {  	[sflag:s5] =	ssyncset.done $0x0  }
0x4f: {  	[sflag:s5] =	ssyncadd.s32 $0xFFFFFC00  }
0x50: {  	_ =	swait.ge [sflag:s5], $0x400  }
0x51: {  	[sflag:s5] =	ssyncset.done $0x0  }
0x52: {  	[sflag:s5] =	ssyncadd.s32 $0xFFFFFC00  }
0x53: {  	_ =	swait.ge [sflag:s5], $0x400  }
0x54: {  	[sflag:s5] =	ssyncset.done $0x0  }
0x55: {  	[sflag:s5] =	ssyncadd.s32 $0xFFFFFC00  }
0x56: {  	_ =	swait.ge [sflag:s5], $0x400  }
0x57: {  	[sflag:s5] =	ssyncset.done $0x0  }
0x58: {  	[sflag:s5] =	ssyncadd.s32 $0xFFFFFC00  }
0x59: {  	[tilespmem:s16], [sflag:$0x3] =	stream.indirect.gather [hbm4b:s3+s15], $0x10, s2, s15, $0xb8;
	[tilespmem:$0x14800] =	vst v63  }
0x5a: {  	_ = 	snop  }
0x5b: {  	[tilespmem:s17], [sflag:$0x3] =	stream.indirect.gather [hbm4b:s3+s15], $0x10, s1, s15, $0xb8;
	[tilespmem:$0x14800] =	vst v63  }
0x5c: {  	s9 =	simm.s32 $0x3000  }
0x5d: {  	[tilespmem:s9], [sflag:$0x3] =	stream.indirect.gather [hbm4b:s3+s15], $0x10, s15, s15, $0xb8;
	[tilespmem:$0x14800] =	vst v63  }
0x5e: {  	s10 =	simm.s32 $0x880;
	s11 =	simm.s32 $0xB000  }
0x5f: {  	[tilespmem:s11], [sflag:$0x3] =	stream.indirect.gather [hbm4b:s3+s15], $0x10, s10, s15, $0xb8;
	[tilespmem:$0x14800] =	vst v63  }
0x60: {  	s14 =	simm.s32 $0x100;
	s18 =	simm.s32 $0x3800  }
0x61: {  	[tilespmem:s18], [sflag:$0x3] =	stream.indirect.gather [hbm4b:s3+s15], $0x10, s14, s15, $0xb8;
	[tilespmem:$0x14800] =	vst v63  }
0x62: {  	s23 =	simm.s32 $0x900;
	s24 =	simm.s32 $0xB800  }
0x63: {  	[tilespmem:s24], [sflag:$0x3] =	stream.indirect.gather [hbm4b:s3+s15], $0x10, s23, s15, $0xb8;
	[tilespmem:$0x14800] =	vst v63  }
0x64: {  	s25 =	simm.s32 $0x180;
	s26 =	simm.s32 $0x4000  }
0x65: {  	[tilespmem:s26], [sflag:$0x3] =	stream.indirect.gather [hbm4b:s3+s15], $0x10, s25, s15, $0xb8;
	[tilespmem:$0x14800] =	vst v63  }
0x66: {  	s28 =	simm.s32 $0x980;
	s31 =	simm.s32 $0xC000  }
0x67: {  	[tilespmem:s31], [sflag:$0x3] =	stream.indirect.gather [hbm4b:s3+s15], $0x10, s28, s15, $0xb8;
	[tilespmem:$0x14800] =	vst v63  }
0x68: {  	s4 =	simm.s32 $0x4800;
	s1 =	simm.s32 $0x200  }
0x69: {  	[tilespmem:s4], [sflag:$0x3] =	stream.indirect.gather [hbm4b:s3+s15], $0x10, s1, s15, $0xb8;
	[tilespmem:$0x14800] =	vst v63  }
0x6a: {  	s6 =	simm.s32 $0xA00;
	s7 =	simm.s32 $0xC800  }
0x6b: {  	[tilespmem:s7], [sflag:$0x3] =	stream.indirect.gather [hbm4b:s3+s15], $0x10, s6, s15, $0xb8;
	[tilespmem:$0x14800] =	vst v63  }
0x6c: {  	s8 =	simm.s32 $0x280;
	s9 =	simm.s32 $0x5000  }
0x6d: {  	[tilespmem:s9], [sflag:$0x3] =	stream.indirect.gather [hbm4b:s3+s15], $0x10, s8, s15, $0xb8;
	[tilespmem:$0x14800] =	vst v63  }
0x6e: {  	s10 =	simm.s32 $0xA80;
	s11 =	simm.s32 $0xD000  }
0x6f: {  	[tilespmem:s11], [sflag:$0x3] =	stream.indirect.gather [hbm4b:s3+s15], $0x10, s10, s15, $0xb8;
	[tilespmem:$0x14800] =	vst v63  }
0x70: {  	s14 =	simm.s32 $0x300;
	s18 =	simm.s32 $0x5800  }
0x71: {  	[tilespmem:s18], [sflag:$0x3] =	stream.indirect.gather [hbm4b:s3+s15], $0x10, s14, s15, $0xb8;
	[tilespmem:$0x14800] =	vst v63  }
0x72: {  	s23 =	simm.s32 $0xB00;
	s24 =	simm.s32 $0xD800  }
0x73: {  	[tilespmem:s24], [sflag:$0x3] =	stream.indirect.gather [hbm4b:s3+s15], $0x10, s23, s15, $0xb8;
	[tilespmem:$0x14800] =	vst v63  }
.Ltmp2:
0x74: {  	_ = 	snop;
	(pc) =	sbr.rel .LBB2_2-.Ltmp2, $4  }
0x75: {  	s25 =	simm.s32 $0x380;
	s26 =	simm.s32 $0x6000  }
0x76: {  	[tilespmem:s26], [sflag:$0x3] =	stream.indirect.gather [hbm4b:s3+s15], $0x10, s25, s15, $0xb8;
	[tilespmem:$0x14800] =	vst v63  }
0x77: {  	s30 =	simm.s32 $0x0;
	s28 =	simm.s32 $0xB80;
	s31 =	simm.s32 $0xE000  }
0x78: {  	[tilespmem:s31], [sflag:$0x3] =	stream.indirect.gather [hbm4b:s3+s15], $0x10, s28, s15, $0xb8;
	[tilespmem:$0x14800] =	vst v63  }
.LBB2_12:
0x79: {  	p0 =	sge.u32 s0, s12  }
0x7a: {  	s0 =	sshll.u32 @!p0 s0, $0xC  }
0x7b: {  	s1 =	rddreg [dreg:$0x6];
	s0 =	sor.u32 @!p0 s13, s0  }
0x7c: {  	s4 =	simm.s32 @!p0 $0x0;
	s6 =	simm.s32 @!p0 $0x400;
	s1 =	sadd.s32 @!p0 s1, s0  }
0x7d: {  	[tilespmem:s6], [sflag:$0x2] =	stream.linear.gather @!p0 [hbm4b:s1+s4], $0x400, $0x38;
	[tilespmem:$0x14800] =	vst v63  }
0x7e: {  	s1 =	rddreg [dreg:$0xa]  }
0x7f: {  	s6 =	simm.s32 @!p0 $0xC00;
	s1 =	sadd.s32 @!p0 s0, s1  }
0x80: {  	[tilespmem:s6], [sflag:$0x2] =	stream.linear.gather @!p0 [hbm4b:s1+s4], $0x400, $0x38;
	[tilespmem:$0x14800] =	vst v63  }
0x81: {  	s1 =	rddreg [dreg:$0x3]  }
0x82: {  	s6 =	simm.s32 @!p0 $0x1400;
	s1 =	sadd.s32 @!p0 s1, s0  }
0x83: {  	[tilespmem:s6], [sflag:$0x2] =	stream.linear.gather @!p0 [hbm4b:s1+s4], $0x400, $0x38;
	[tilespmem:$0x14800] =	vst v63  }
0x84: {  	s1 =	rddreg [dreg:$0x4]  }
0x85: {  	s6 =	simm.s32 @!p0 $0x1C00;
	s1 =	sadd.s32 @!p0 s1, s0  }
0x86: {  	[tilespmem:s6], [sflag:$0x2] =	stream.linear.gather @!p0 [hbm4b:s1+s4], $0x400, $0x38;
	[tilespmem:$0x14800] =	vst v63  }
0x87: {  	s1 =	rddreg [dreg:$0x5]  }
0x88: {  	s30 =	sadd.s32 $0x1, s30;
	s0 =	sadd.s32 @!p0 s1, s0;
	s1 =	simm.s32 @!p0 $0x2400  }
0x89: {  	[tilespmem:s1], [sflag:$0x2] =	stream.linear.gather @!p0 [hbm4b:s0+s4], $0x400, $0x38;
	[tilespmem:$0x14800] =	vst v63  }
0x8a: {  	p0 =	sne.s32 s30, $0x31  }
.Ltmp3:
0x8b: {  	_ = 	snop;
	(pc) =	sbr.rel @!p0 .LBB2_13-.Ltmp3, $1  }
0x8c: {  	_ =	sdelay $0x3  }
.LBB2_2:
0x8d: {  	_ =	swait.ge [sflag:s19], $0x800  }
0x8e: {  	[sflag:s19] =	ssyncset.done $0x0  }
0x8f: {  	[sflag:s19] =	ssyncadd.s32 $0xFFFFF800  }
0x90: {  	_ =	swait.ge [sflag:s19], $0x800  }
0x91: {  	[sflag:s19] =	ssyncset.done $0x0  }
0x92: {  	[sflag:s19] =	ssyncadd.s32 $0xFFFFF800  }
0x93: {  	_ =	swait.ge [sflag:s19], $0x800  }
0x94: {  	[sflag:s19] =	ssyncset.done $0x0  }
0x95: {  	[sflag:s19] =	ssyncadd.s32 $0xFFFFF800  }
0x96: {  	_ =	swait.ge [sflag:s19], $0x800  }
0x97: {  	[sflag:s19] =	ssyncset.done $0x0  }
0x98: {  	[sflag:s19] =	ssyncadd.s32 $0xFFFFF800  }
0x99: {  	_ =	swait.ge [sflag:s19], $0x800  }
0x9a: {  	[sflag:s19] =	ssyncset.done $0x0  }
0x9b: {  	[sflag:s19] =	ssyncadd.s32 $0xFFFFF800  }
0x9c: {  	_ =	swait.ge [sflag:s19], $0x800  }
0x9d: {  	[sflag:s19] =	ssyncset.done $0x0  }
0x9e: {  	[sflag:s19] =	ssyncadd.s32 $0xFFFFF800  }
0x9f: {  	_ =	swait.ge [sflag:s19], $0x800  }
0xa0: {  	[sflag:s19] =	ssyncset.done $0x0  }
0xa1: {  	[sflag:s19] =	ssyncadd.s32 $0xFFFFF800  }
0xa2: {  	_ =	swait.ge [sflag:s19], $0x800  }
0xa3: {  	[sflag:s19] =	ssyncset.done $0x0  }
0xa4: {  	[sflag:s19] =	ssyncadd.s32 $0xFFFFF800  }
0xa5: {  	_ =	swait.ge [sflag:s19], $0x800  }
0xa6: {  	[sflag:s19] =	ssyncset.done $0x0  }
0xa7: {  	[sflag:s19] =	ssyncadd.s32 $0xFFFFF800  }
0xa8: {  	_ =	swait.ge [sflag:s19], $0x800  }
0xa9: {  	[sflag:s19] =	ssyncset.done $0x0  }
0xaa: {  	[sflag:s19] =	ssyncadd.s32 $0xFFFFF800  }
0xab: {  	_ =	swait.ge [sflag:s19], $0x800  }
0xac: {  	[sflag:s19] =	ssyncset.done $0x0  }
0xad: {  	[sflag:s19] =	ssyncadd.s32 $0xFFFFF800  }
0xae: {  	_ =	swait.ge [sflag:s19], $0x800  }
0xaf: {  	[sflag:s19] =	ssyncset.done $0x0  }
0xb0: {  	[sflag:s19] =	ssyncadd.s32 $0xFFFFF800  }
0xb1: {  	_ =	swait.ge [sflag:s19], $0x800  }
0xb2: {  	[sflag:s19] =	ssyncset.done $0x0  }
0xb3: {  	[sflag:s19] =	ssyncadd.s32 $0xFFFFF800  }
0xb4: {  	_ =	swait.ge [sflag:s19], $0x800  }
0xb5: {  	[sflag:s19] =	ssyncset.done $0x0  }
0xb6: {  	s31 =	sshllo.u32 s30, $0x1;
	[sflag:s19] =	ssyncadd.s32 $0xFFFFF800  }
0xb7: {  	p1 =	sge.u32 s31, s12;
	_ =	swait.ge [sflag:s19], $0x800  }
.Ltmp4:
0xb8: {  	[sflag:s19] =	ssyncset.done $0x0;
	(pc) =	sbr.rel @p1 .LBB2_4-.Ltmp4, $4  }
0xb9: {  	[sflag:s19] =	ssyncadd.s32 $0xFFFFF800  }
0xba: {  	_ =	swait.ge [sflag:s19], $0x800  }
0xbb: {  	[sflag:s19] =	ssyncset.done $0x0  }
0xbc: {  	[sflag:s19] =	ssyncadd.s32 $0xFFFFF800  }
0xbd: {  	_ =	swait.ge [sflag:s20], $0x400  }
0xbe: {  	[sflag:s20] =	ssyncset.done $0x0  }
0xbf: {  	[sflag:s20] =	ssyncadd.s32 $0xFFFFFC00  }
0xc0: {  	_ =	swait.ge [sflag:s20], $0x400  }
0xc1: {  	[sflag:s20] =	ssyncset.done $0x0  }
0xc2: {  	[sflag:s20] =	ssyncadd.s32 $0xFFFFFC00  }
0xc3: {  	_ =	swait.ge [sflag:s20], $0x400  }
0xc4: {  	[sflag:s20] =	ssyncset.done $0x0  }
0xc5: {  	[sflag:s20] =	ssyncadd.s32 $0xFFFFFC00  }
0xc6: {  	_ =	swait.ge [sflag:s20], $0x400  }
0xc7: {  	[sflag:s20] =	ssyncset.done $0x0  }
0xc8: {  	[sflag:s20] =	ssyncadd.s32 $0xFFFFFC00  }
0xc9: {  	_ =	swait.ge [sflag:s20], $0x400  }
0xca: {  	[sflag:s20] =	ssyncset.done $0x0  }
0xcb: {  	s0 =	simm.s32 $0x400;
	[sflag:s20] =	ssyncadd.s32 $0xFFFFFC00  }
0xcc: {  	[tilespmem:s21], [sflag:$0x4] =	stream.indirect.gather [hbm4b:s3+s15], $0x10, s0, s15, $0xb8;
	[tilespmem:$0x14800] =	vst v63  }
0xcd: {  	s4 =	simm.s32 $0xC00  }
0xce: {  	[tilespmem:s22], [sflag:$0x4] =	stream.indirect.gather [hbm4b:s3+s15], $0x10, s4, s15, $0xb8;
	[tilespmem:$0x14800] =	vst v63  }
0xcf: {  	s6 =	simm.s32 $0x480;
	s1 =	simm.s32 $0x7000  }
0xd0: {  	[tilespmem:s1], [sflag:$0x4] =	stream.indirect.gather [hbm4b:s3+s15], $0x10, s6, s15, $0xb8;
	[tilespmem:$0x14800] =	vst v63  }
0xd1: {  	s7 =	simm.s32 $0xC80;
	s8 =	simm.s32 $0xF000  }
0xd2: {  	[tilespmem:s8], [sflag:$0x4] =	stream.indirect.gather [hbm4b:s3+s15], $0x10, s7, s15, $0xb8;
	[tilespmem:$0x14800] =	vst v63  }
0xd3: {  	s9 =	simm.s32 $0x500;
	s10 =	simm.s32 $0x7800  }
0xd4: {  	[tilespmem:s10], [sflag:$0x4] =	stream.indirect.gather [hbm4b:s3+s15], $0x10, s9, s15, $0xb8;
	[tilespmem:$0x14800] =	vst v63  }
0xd5: {  	s11 =	simm.s32 $0xD00;
	s14 =	simm.s32 $0xF800  }
0xd6: {  	[tilespmem:s14], [sflag:$0x4] =	stream.indirect.gather [hbm4b:s3+s15], $0x10, s11, s15, $0xb8;
	[tilespmem:$0x14800] =	vst v63  }
0xd7: {  	s18 =	simm.s32 $0x580;
	s23 =	simm.s32 $0x8000  }
0xd8: {  	[tilespmem:s23], [sflag:$0x4] =	stream.indirect.gather [hbm4b:s3+s15], $0x10, s18, s15, $0xb8;
	[tilespmem:$0x14800] =	vst v63  }
0xd9: {  	s24 =	simm.s32 $0xD80;
	s25 =	simm.s32 $0x10000  }
0xda: {  	[tilespmem:s25], [sflag:$0x4] =	stream.indirect.gather [hbm4b:s3+s15], $0x10, s24, s15, $0xb8;
	[tilespmem:$0x14800] =	vst v63  }
0xdb: {  	s26 =	simm.s32 $0x600;
	s28 =	simm.s32 $0x8800  }
0xdc: {  	[tilespmem:s28], [sflag:$0x4] =	stream.indirect.gather [hbm4b:s3+s15], $0x10, s26, s15, $0xb8;
	[tilespmem:$0x14800] =	vst v63  }
0xdd: {  	s4 =	simm.s32 $0xE00;
	s6 =	simm.s32 $0x10800  }
0xde: {  	[tilespmem:s6], [sflag:$0x4] =	stream.indirect.gather [hbm4b:s3+s15], $0x10, s4, s15, $0xb8;
	[tilespmem:$0x14800] =	vst v63  }
0xdf: {  	s7 =	simm.s32 $0x680;
	s8 =	simm.s32 $0x9000  }
0xe0: {  	[tilespmem:s8], [sflag:$0x4] =	stream.indirect.gather [hbm4b:s3+s15], $0x10, s7, s15, $0xb8;
	[tilespmem:$0x14800] =	vst v63  }
0xe1: {  	s9 =	simm.s32 $0xE80;
	s10 =	simm.s32 $0x11000  }
0xe2: {  	[tilespmem:s10], [sflag:$0x4] =	stream.indirect.gather [hbm4b:s3+s15], $0x10, s9, s15, $0xb8;
	[tilespmem:$0x14800] =	vst v63  }
0xe3: {  	s11 =	simm.s32 $0x700;
	s14 =	simm.s32 $0x9800  }
0xe4: {  	[tilespmem:s14], [sflag:$0x4] =	stream.indirect.gather [hbm4b:s3+s15], $0x10, s11, s15, $0xb8;
	[tilespmem:$0x14800] =	vst v63  }
0xe5: {  	s18 =	simm.s32 $0xF00;
	s23 =	simm.s32 $0x11800  }
0xe6: {  	[tilespmem:s23], [sflag:$0x4] =	stream.indirect.gather [hbm4b:s3+s15], $0x10, s18, s15, $0xb8;
	[tilespmem:$0x14800] =	vst v63  }
0xe7: {  	s24 =	simm.s32 $0x780;
	s25 =	simm.s32 $0xA000  }
0xe8: {  	[tilespmem:s25], [sflag:$0x4] =	stream.indirect.gather [hbm4b:s3+s15], $0x10, s24, s15, $0xb8;
	[tilespmem:$0x14800] =	vst v63  }
0xe9: {  	s26 =	simm.s32 $0xF80;
	s28 =	simm.s32 $0x12000  }
0xea: {  	[tilespmem:s28], [sflag:$0x4] =	stream.indirect.gather [hbm4b:s3+s15], $0x10, s26, s15, $0xb8;
	[tilespmem:$0x14800] =	vst v63  }
.LBB2_4:
0xeb: {  	p0 =	seq.s32 s30, $0x0  }
0xec: {  	s0 =	simm.s32 @!p0 $0x5  }
0xed: {  	_ =	swait.ge @!p0 [sflag:s0], $0x400  }
0xee: {  	s18 =	simm.s32 $0x0;
	[sflag:s0] =	ssyncset.done @!p0 $0x0  }
0xef: {  	v1 =	vmov s18;
	[sflag:s0] =	ssyncadd.s32 @!p0 $0xFFFFFC00  }
0xf0: {  	v1 =	vshll.u32 v1, $0x4;
	_ =	swait.ge @!p0 [sflag:s0], $0x400  }
0xf1: {  	v2 =	vor.u32 v0, v1;
	[sflag:s0] =	ssyncset.done @!p0 $0x0  }
0xf2: {  	v1 =	vand.u32 $0x3800, v1;
	v2 =	vand.u32 $0x6F0, v2;
	[sflag:s0] =	ssyncadd.s32 @!p0 $0xFFFFFC00  }
0xf3: {  	v1 =	vor.u32 v1, v2;
	_ =	swait.ge @!p0 [sflag:s0], $0x400  }
0xf4: {  	v2 =	vor.u32 $0x7, v1;
	[sflag:s0] =	ssyncset.done @!p0 $0x0  }
0xf5: {  	v3 =	vor.u32 $0x5, v1;
	[sflag:s0] =	ssyncadd.s32 @!p0 $0xFFFFFC00  }
0xf6: {  	_ =	swait.ge @!p0 [sflag:s0], $0x400  }
0xf7: {  	[sflag:s0] =	ssyncset.done @!p0 $0x0  }
0xf8: {  	[sflag:s0] =	ssyncadd.s32 @!p0 $0xFFFFFC00  }
0xf9: {  	v2 =	vld.idx.msk [tilespmem:v2+s16+$0x0], $0xffff  }
0xfa: {  	v4 =	vor.u32 $0x1, v1;
	v3 =	vld.idx.msk [tilespmem:v3+s16+$0x0], $0xffff  }
0xfb: {  	v5 =	vld.idx.msk [tilespmem:v1+s16+$0x0], $0xffff  }
0xfc: {  	s6 =	simm.s32 $0x2010;
	v6 =	vor.u32 $0x4, v1;
	v7 =	vld.idx.msk [tilespmem:v1+s17+$0x0], $0xffff  }
0xfd: {  	s11 =	simm.s32 $0x1010;
	v8 =	vor.u32 $0xA, v1;
	v9 =	vld [tilespmem:s6+$0xFFFFFFF0]  }
0xfe: {  	v10 =	vor.u32 $0x2, v1;
	v11 =	vld [tilespmem:s11+$0xFFFFFFF0]  }
0xff: {  	v12 =	vld.idx.msk [tilespmem:v4+s16+$0x0], $0xffff  }
0x100: {  	v13 =	vor.u32 $0x3, v1;
	v4 =	vld.idx.msk [tilespmem:v4+s17+$0x0], $0xffff  }
0x101: {  	v6 =	vld.idx.msk [tilespmem:v6+s16+$0x0], $0xffff  }
0x102: {  	v14 =	vor.u32 $0x6, v1;
	v8 =	vld.idx.msk [tilespmem:v8+s16+$0x0], $0xffff  }
0x103: {  	v15 =	vor.u32 $0x8, v1;
	v16 =	vld.idx.msk [tilespmem:v10+s16+$0x0], $0xffff  }
0x104: {  	v17 =	vor.u32 $0x9, v1;
	v10 =	vld.idx.msk [tilespmem:v10+s17+$0x0], $0xffff  }
0x105: {  	s23 =	simm.s32 $0x1810;
	v13 =	vld.idx.msk [tilespmem:v13+s16+$0x0], $0xffff  }
0x106: {  	v1 =	vor.u32 $0xB, v1;
	v18 =	vld [tilespmem:s23+$0xFFFFFFF0]  }
0x107: {  	v14 =	vld.idx.msk [tilespmem:v14+s16+$0x0], $0xffff  }
0x108: {  	v15 =	vld.idx.msk [tilespmem:v15+s16+$0x0], $0xffff  }
0x109: {  	v17 =	vld.idx.msk [tilespmem:v17+s16+$0x0], $0xffff;
	v6 =	vmul.f32 v6, v11  }
0x10a: {  	v4 =	vsub.f32 v4, v12;
	v5 =	vsub.f32 v7, v5;
	v7 =	vmul.f32 v13, v11  }
0x10b: {  	v1 =	vld.idx.msk [tilespmem:v1+s16+$0x0], $0xffff;
	v10 =	vsub.f32 v10, v16;
	v3 =	vmul.f32 v3, v11;
	v2 =	vmul.f32 v2, v18  }
0x10c: {  	v4 =	vadd.f32 v6, v4;
	v5 =	vadd.f32 v7, v5;
	v6 =	vmul.f32 v14, v18  }
0x10d: {  	v7 =	vmul.f32 v8, v9;
	v3 =	vadd.f32 v3, v10;
	v8 =	vmul.f32 v15, v18  }
0x10e: {  	v5 =	vadd.f32 v6, v5;
	v6 =	vmul.f32 v17, v9;
	v2 =	vadd.f32 v2, v4  }
0x10f: {  	v3 =	vadd.f32 v8, v3  }
0x110: {  	v1 =	vmul.f32 v1, v9;
	v4 =	vadd.f32 v6, v5;
	v2 =	vadd.f32 v7, v2;
	_ =	sdelay $0x1  }
0x111: {  	v1 =	vadd.f32 v1, v3;
	v3 =	vmul.f32 v4, v4;
	v5 =	vmul.f32 v2, v2;
	_ =	sdelay $0x1  }
0x112: {  	v3 =	vadd.f32 v5, v3;
	v5 =	vmul.f32 v1, v1;
	_ =	sdelay $0x1  }
0x113: {  	v3 =	vadd.f32 v5, v3;
	_ =	sdelay $0x1  }
0x114: {  	v5 =	vshra.s32 v3, $0x1;
	v6 =	vmul.f32 $5.000000000e-01, v3  }
0x115: {  	v5 =	vsub.s32 $0x5F3759DF, v5  }
0x116: {  	v7 =	vmul.f32 v5, v6;
	_ =	sdelay $0x1  }
0x117: {  	v7 =	vmul.f32 v5, v7;
	_ =	sdelay $0x1  }
0x118: {  	v7 =	vsub.f32 $1.500000000e+00, v7;
	_ =	sdelay $0x1  }
0x119: {  	v5 =	vmul.f32 v5, v7;
	_ =	sdelay $0x1  }
0x11a: {  	v7 =	vmul.f32 v5, v6;
	_ =	sdelay $0x1  }
0x11b: {  	v7 =	vmul.f32 v7, v5;
	_ =	sdelay $0x1  }
0x11c: {  	v7 =	vsub.f32 $1.500000000e+00, v7;
	_ =	sdelay $0x1  }
0x11d: {  	v5 =	vmul.f32 v7, v5;
	_ =	sdelay $0x1  }
0x11e: {  	s1 =	simm.s32 $0x10;
	v6 =	vmul.f32 v5, v6  }
0x11f: {  	v7 =	vmov s1  }
0x120: {  	v7 =	vshll.u32 v7, $0x4;
	v6 =	vmul.f32 v6, v5  }
0x121: {  	v8 =	vor.u32 v0, v7  }
0x122: {  	v7 =	vand.u32 $0x3800, v7;
	v8 =	vand.u32 $0x7F0, v8;
	v6 =	vsub.f32 $1.500000000e+00, v6  }
0x123: {  	v7 =	vor.u32 v7, v8  }
0x124: {  	s24 =	simm.s32 $0x12810;
	v5 =	vmul.f32 v6, v5;
	v6 =	vor.u32 $0x1, v7  }
0x125: {  	s25 =	simm.s32 $0x13010;
	[tilespmem:s24+$0xFFFFFFF0] =	vst v4;
	v4 =	vor.u32 $0x7, v7  }
0x126: {  	s28 =	simm.s32 $0x13810;
	[tilespmem:s25+$0xFFFFFFF0] =	vst v2;
	v2 =	vmul.f32 v5, v3  }
0x127: {  	s26 =	simm.s32 $0x14010;
	[tilespmem:s28+$0xFFFFFFF0] =	vst v1  }
0x128: {  	v9 =	vor.u32 $0x3, v7;
	[tilespmem:s26+$0xFFFFFFF0] =	vst v2  }
0x129: {  	v12 =	vld.idx.msk [tilespmem:v6+s16+$0x0], $0xffff  }
0x12a: {  	v1 =	vld.idx.msk [tilespmem:v4+s16+$0x0], $0xffff  }
0x12b: {  	v16 =	vor.u32 $0x6, v7;
	v11 =	vld.idx.msk [tilespmem:v7+s16+$0x0], $0xffff  }
0x12c: {  	v3 =	vor.u32 $0x4, v7;
	v13 =	vld.idx.msk [tilespmem:v7+s17+$0x0], $0xffff  }
0x12d: {  	v5 =	vor.u32 $0x2, v7;
	v17 =	vld.idx.msk [tilespmem:v9+s16+$0x0], $0xffff  }
0x12e: {  	v8 =	vor.u32 $0xA, v7;
	v63 =	vld.idx.msk [tilespmem:v6+s17+$0x0], $0xffff  }
0x12f: {  	v10 =	vld [tilespmem:s11+$0x0]  }
0x130: {  	v9 =	vld.idx.msk [tilespmem:v16+s16+$0x0], $0xffff  }
0x131: {  	v4 =	vor.u32 $0x5, v7;
	v15 =	vld.idx.msk [tilespmem:v3+s16+$0x0], $0xffff  }
0x132: {  	v2 =	vor.u32 $0x8, v7;
	v14 =	vld.idx.msk [tilespmem:v5+s17+$0x0], $0xffff  }
0x133: {  	v3 =	vld.idx.msk [tilespmem:v8+s16+$0x0], $0xffff;
	v8 =	vor.u32 $0x9, v7  }
0x134: {  	v5 =	vld.idx.msk [tilespmem:v5+s16+$0x0], $0xffff  }
0x135: {  	v19 =	vor.u32 $0xB, v7;
	v7 =	vld [tilespmem:s23+$0x0]  }
0x136: {  	v4 =	vld.idx.msk [tilespmem:v4+s16+$0x0], $0xffff  }
0x137: {  	s14 =	sshll.u32 s30, $0x1;
	v2 =	vld.idx.msk [tilespmem:v2+s16+$0x0], $0xffff  }
0x138: {  	s4 =	simm.s32 $0x0;
	s7 =	simm.s32 $0x14030;
	s8 =	simm.s32 $0x1030;
	v8 =	vld.idx.msk [tilespmem:v8+s16+$0x0], $0xffff  }
0x139: {  	s9 =	simm.s32 $0x2030;
	s10 =	simm.s32 $0x12830;
	s0 =	sadd.s32 $0x3, s14;
	v6 =	vsub.f32 v13, v11;
	v11 =	vsub.f32 v14, v5;
	v5 =	vld [tilespmem:s6+$0x0]  }
0x13a: {  	s1 =	sadd.s32 $0x2, s14;
	s11 =	simm.s32 $0x13030;
	v13 =	vmul.f32 v17, v10;
	s6 =	simm.s32 $0x13830;
	v14 =	vsub.f32 v63, v12;
	v15 =	vmul.f32 v15, v10;
	v12 =	vld.idx.msk [tilespmem:v19+s16+$0x0], $0xffff  }
.LBB2_5:
0x13b: {  	s4 =	sadd.s32 $0x2, s4;
	v4 =	vmul.f32 v4, v10;
	s18 =	sadd.s32 $0x20, s18;
	s23 =	sadd.s32 $0x20, s23  }
0x13c: {  	p2 =	slt.u32 s4, $0x3E;
	v9 =	vmul.f32 v9, v7;
	v10 =	vadd.f32 v15, v14;
	v1 =	vmul.f32 v1, v7  }
0x13d: {  	v6 =	vadd.f32 v13, v6;
	v2 =	vmul.f32 v2, v7;
	v4 =	vadd.f32 v4, v11  }
0x13e: {  	v7 =	vmul.f32 v8, v5;
	v1 =	vadd.f32 v1, v10;
	v3 =	vmul.f32 v3, v5  }
0x13f: {  	v6 =	vadd.f32 v9, v6;
	v2 =	vadd.f32 v2, v4  }
0x140: {  	v1 =	vadd.f32 v3, v1;
	v3 =	vmul.f32 v12, v5  }
0x141: {  	v4 =	vadd.f32 v7, v6  }
0x142: {  	v2 =	vadd.f32 v3, v2;
	v3 =	vmul.f32 v1, v1  }
0x143: {  	v5 =	vmul.f32 v4, v4;
	[tilespmem:s24+$0x0] =	vst v4;
	s24 =	smov.u32 s10  }
0x144: {  	v4 =	vmul.f32 v2, v2;
	[tilespmem:s25+$0x0] =	vst v1;
	s25 =	smov.u32 s11  }
0x145: {  	v1 =	vadd.f32 v3, v5;
	[tilespmem:s28+$0x0] =	vst v2;
	s28 =	smov.u32 s6;
	_ =	sdelay $0x1  }
0x146: {  	v1 =	vadd.f32 v4, v1;
	_ =	sdelay $0x1  }
0x147: {  	v2 =	vshra.s32 v1, $0x1;
	v3 =	vmul.f32 $5.000000000e-01, v1  }
0x148: {  	v2 =	vsub.s32 $0x5F3759DF, v2  }
0x149: {  	v4 =	vmul.f32 v2, v3;
	_ =	sdelay $0x1  }
0x14a: {  	v5 =	vmov s18;
	v4 =	vmul.f32 v2, v4  }
0x14b: {  	v5 =	vshll.u32 v5, $0x4  }
0x14c: {  	v6 =	vor.u32 v0, v5;
	v4 =	vsub.f32 $1.500000000e+00, v4  }
0x14d: {  	v5 =	vand.u32 $0x3800, v5;
	v6 =	vand.u32 $0x6F0, v6  }
0x14e: {  	v5 =	vor.u32 v5, v6;
	v2 =	vmul.f32 v2, v4  }
0x14f: {  	v6 =	vor.u32 $0x3, v5;
	v4 =	vor.u32 $0x1, v5  }
0x150: {  	v7 =	vor.u32 $0x2, v5;
	v8 =	vor.u32 $0x6, v5;
	v9 =	vmul.f32 v2, v3  }
0x151: {  	v10 =	vor.u32 $0x8, v5;
	v11 =	vor.u32 $0x5, v5  }
0x152: {  	v9 =	vmul.f32 v9, v2  }
0x153: {  	v12 =	vor.u32 $0xB, v5  }
0x154: {  	v9 =	vsub.f32 $1.500000000e+00, v9  }
0x155: {  	v13 =	vor.u32 $0x9, v5;
	v14 =	vor.u32 $0x7, v5  }
0x156: {  	v2 =	vmul.f32 v9, v2  }
0x157: {  	v9 =	vor.u32 $0x4, v5  }
0x158: {  	v3 =	vmul.f32 v2, v3;
	_ =	sdelay $0x1  }
0x159: {  	v3 =	vmul.f32 v3, v2;
	_ =	sdelay $0x1  }
0x15a: {  	v3 =	vsub.f32 $1.500000000e+00, v3;
	_ =	sdelay $0x1  }
0x15b: {  	v2 =	vmul.f32 v3, v2  }
0x15c: {  	v3 =	vor.u32 $0xA, v5  }
0x15d: {  	v1 =	vmul.f32 v2, v1;
	_ =	sdelay $0x1  }
0x15e: {  	[tilespmem:s26+$0x0] =	vst v1;
	s26 =	smov.u32 s7;
	_ =	sdelay $0x1  }
0x15f: {  	v1 =	vld.idx.msk [tilespmem:v14+s16+$0x0], $0xffff  }
0x160: {  	v2 =	vld.idx.msk [tilespmem:v11+s16+$0x0], $0xffff  }
0x161: {  	v11 =	vld.idx.msk [tilespmem:v5+s16+$0x0], $0xffff  }
0x162: {  	v5 =	vld.idx.msk [tilespmem:v5+s17+$0x0], $0xffff  }
0x163: {  	v14 =	vld [tilespmem:s9+$0xFFFFFFF0]  }
0x164: {  	v15 =	vld [tilespmem:s8+$0xFFFFFFF0]  }
0x165: {  	v16 =	vld.idx.msk [tilespmem:v4+s16+$0x0], $0xffff  }
0x166: {  	v4 =	vld.idx.msk [tilespmem:v4+s17+$0x0], $0xffff  }
0x167: {  	v12 =	vld.idx.msk [tilespmem:v12+s16+$0x0], $0xffff  }
0x168: {  	v9 =	vld.idx.msk [tilespmem:v9+s16+$0x0], $0xffff  }
0x169: {  	v3 =	vld.idx.msk [tilespmem:v3+s16+$0x0], $0xffff  }
0x16a: {  	v17 =	vld.idx.msk [tilespmem:v7+s16+$0x0], $0xffff  }
0x16b: {  	v10 =	vld.idx.msk [tilespmem:v10+s16+$0x0], $0xffff  }
0x16c: {  	v7 =	vld.idx.msk [tilespmem:v7+s17+$0x0], $0xffff  }
0x16d: {  	v6 =	vld.idx.msk [tilespmem:v6+s16+$0x0], $0xffff  }
0x16e: {  	v13 =	vld.idx.msk [tilespmem:v13+s16+$0x0], $0xffff  }
0x16f: {  	v8 =	vld.idx.msk [tilespmem:v8+s16+$0x0], $0xffff  }
0x170: {  	v18 =	vld [tilespmem:s23+$0xFFFFFFF0]  }
0x171: {  	v12 =	vmul.f32 v12, v14;
	v9 =	vmul.f32 v9, v15  }
0x172: {  	v4 =	vsub.f32 v4, v16;
	v3 =	vmul.f32 v3, v14;
	v7 =	vsub.f32 v7, v17  }
0x173: {  	v5 =	vsub.f32 v5, v11;
	v6 =	vmul.f32 v6, v15  }
0x174: {  	v2 =	vmul.f32 v2, v15;
	v4 =	vadd.f32 v9, v4  }
0x175: {  	v5 =	vadd.f32 v6, v5;
	v6 =	vmul.f32 v8, v18;
	v1 =	vmul.f32 v1, v18  }
0x176: {  	v2 =	vadd.f32 v2, v7;
	v7 =	vmul.f32 v10, v18  }
0x177: {  	v5 =	vadd.f32 v6, v5;
	v6 =	vmul.f32 v13, v14;
	v1 =	vadd.f32 v1, v4  }
0x178: {  	v2 =	vadd.f32 v7, v2  }
0x179: {  	v4 =	vadd.f32 v6, v5;
	v1 =	vadd.f32 v3, v1  }
0x17a: {  	v2 =	vadd.f32 v12, v2  }
0x17b: {  	v3 =	vmul.f32 v4, v4;
	v5 =	vmul.f32 v1, v1;
	_ =	sdelay $0x1  }
0x17c: {  	v3 =	vadd.f32 v5, v3;
	v5 =	vmul.f32 v2, v2;
	_ =	sdelay $0x1  }
0x17d: {  	v3 =	vadd.f32 v5, v3;
	_ =	sdelay $0x1  }
0x17e: {  	v5 =	vshra.s32 v3, $0x1;
	v6 =	vmul.f32 $5.000000000e-01, v3  }
0x17f: {  	v5 =	vsub.s32 $0x5F3759DF, v5  }
0x180: {  	v7 =	vmul.f32 v5, v6;
	_ =	sdelay $0x1  }
0x181: {  	v7 =	vmul.f32 v5, v7;
	_ =	sdelay $0x1  }
0x182: {  	v7 =	vsub.f32 $1.500000000e+00, v7;
	_ =	sdelay $0x1  }
0x183: {  	v5 =	vmul.f32 v5, v7;
	_ =	sdelay $0x1  }
0x184: {  	v7 =	vmul.f32 v5, v6;
	_ =	sdelay $0x1  }
0x185: {  	v7 =	vmul.f32 v7, v5;
	_ =	sdelay $0x1  }
0x186: {  	v7 =	vsub.f32 $1.500000000e+00, v7;
	_ =	sdelay $0x1  }
0x187: {  	v5 =	vmul.f32 v7, v5;
	_ =	sdelay $0x1  }
0x188: {  	s14 =	sadd.s32 $0x10, s18;
	v6 =	vmul.f32 v5, v6  }
0x189: {  	v7 =	vmov s14  }
0x18a: {  	v7 =	vshll.u32 v7, $0x4;
	v6 =	vmul.f32 v6, v5  }
0x18b: {  	v8 =	vor.u32 v0, v7  }
0x18c: {  	v7 =	vand.u32 $0x3800, v7;
	v8 =	vand.u32 $0x7F0, v8;
	v6 =	vsub.f32 $1.500000000e+00, v6  }
0x18d: {  	v7 =	vor.u32 v7, v8  }
0x18e: {  	v8 =	vor.u32 $0x1, v7;
	v5 =	vmul.f32 v6, v5  }
0x18f: {  	[tilespmem:s10+$0xFFFFFFF0] =	vst v4;
	v4 =	vor.u32 $0x7, v7  }
0x190: {  	[tilespmem:s11+$0xFFFFFFF0] =	vst v1;
	v1 =	vmul.f32 v5, v3  }
0x191: {  	[tilespmem:s6+$0xFFFFFFF0] =	vst v2  }
0x192: {  	v2 =	vor.u32 $0x8, v7;
	[tilespmem:s7+$0xFFFFFFF0] =	vst v1  }
0x193: {  	v3 =	vor.u32 $0x4, v7;
	v12 =	vld.idx.msk [tilespmem:v8+s16+$0x0], $0xffff  }
0x194: {  	v5 =	vor.u32 $0x2, v7;
	v1 =	vld.idx.msk [tilespmem:v4+s16+$0x0], $0xffff  }
0x195: {  	v4 =	vor.u32 $0x5, v7;
	v6 =	vld.idx.msk [tilespmem:v7+s16+$0x0], $0xffff  }
0x196: {  	v9 =	vld.idx.msk [tilespmem:v7+s17+$0x0], $0xffff  }
0x197: {  	v10 =	vor.u32 $0xA, v7;
	v2 =	vld.idx.msk [tilespmem:v2+s16+$0x0], $0xffff  }
0x198: {  	v11 =	vor.u32 $0x3, v7;
	v15 =	vld.idx.msk [tilespmem:v3+s16+$0x0], $0xffff  }
0x199: {  	v13 =	vld.idx.msk [tilespmem:v5+s17+$0x0], $0xffff  }
0x19a: {  	v4 =	vld.idx.msk [tilespmem:v4+s16+$0x0], $0xffff  }
0x19b: {  	v14 =	vor.u32 $0x6, v7;
	v5 =	vld.idx.msk [tilespmem:v5+s16+$0x0], $0xffff  }
0x19c: {  	v6 =	vsub.f32 v9, v6;
	v3 =	vld.idx.msk [tilespmem:v10+s16+$0x0], $0xffff  }
0x19d: {  	v17 =	vor.u32 $0x9, v7;
	v16 =	vld.idx.msk [tilespmem:v11+s16+$0x0], $0xffff  }
0x19e: {  	v18 =	vld.idx.msk [tilespmem:v8+s17+$0x0], $0xffff  }
0x19f: {  	v19 =	vor.u32 $0xB, v7;
	v10 =	vld [tilespmem:s8+$0x0]  }
.Ltmp5:
0x1a0: {  	v9 =	vld.idx.msk [tilespmem:v14+s16+$0x0], $0xffff;
	(pc) =	sbr.rel @p2 .LBB2_5-.Ltmp5, $4  }
0x1a1: {  	v11 =	vsub.f32 v13, v5;
	v7 =	vld [tilespmem:s23+$0x0]  }
0x1a2: {  	v8 =	vld.idx.msk [tilespmem:v17+s16+$0x0], $0xffff  }
0x1a3: {  	s6 =	sadd.s32 $0x20, s6;
	s7 =	sadd.s32 $0x20, s7;
	s8 =	sadd.s32 $0x20, s8;
	v5 =	vld [tilespmem:s9+$0x0]  }
0x1a4: {  	s10 =	sadd.s32 $0x20, s10;
	s11 =	sadd.s32 $0x20, s11;
	v14 =	vsub.f32 v18, v12;
	s9 =	sadd.s32 $0x20, s9;
	v13 =	vmul.f32 v16, v10;
	v15 =	vmul.f32 v15, v10;
	v12 =	vld.idx.msk [tilespmem:v19+s16+$0x0], $0xffff  }
0x1a5: {  	_ = 	snop  }
0x1a6: {  	v4 =	vmul.f32 v4, v10;
	v9 =	vmul.f32 v9, v7  }
0x1a7: {  	v57 =	vadd.f32 v15, v14;
	v1 =	vmul.f32 v1, v7;
	v6 =	vadd.f32 v13, v6  }
0x1a8: {  	v2 =	vmul.f32 v2, v7;
	v4 =	vadd.f32 v4, v11;
	v58 =	vmul.f32 v8, v5  }
0x1a9: {  	v1 =	vadd.f32 v1, v57;
	v3 =	vmul.f32 v3, v5;
	v6 =	vadd.f32 v9, v6  }
0x1aa: {  	v2 =	vadd.f32 v2, v4  }
0x1ab: {  	v1 =	vadd.f32 v3, v1;
	v3 =	vmul.f32 v12, v5;
	v59 =	vadd.f32 v58, v6;
	_ =	sdelay $0x1  }
0x1ac: {  	v2 =	vadd.f32 v3, v2;
	v3 =	vmul.f32 v1, v1;
	v60 =	vmul.f32 v59, v59;
	_ =	sdelay $0x1  }
0x1ad: {  	v61 =	vmul.f32 v2, v2;
	v3 =	vadd.f32 v3, v60;
	_ =	sdelay $0x1  }
0x1ae: {  	v3 =	vadd.f32 v61, v3;
	_ =	sdelay $0x1  }
0x1af: {  	v62 =	vshra.s32 v3, $0x1;
	v6 =	vmul.f32 $5.000000000e-01, v3  }
0x1b0: {  	v5 =	vsub.s32 $0x5F3759DF, v62  }
0x1b1: {  	v63 =	vmul.f32 v5, v6;
	_ =	sdelay $0x1  }
0x1b2: {  	v7 =	vmul.f32 v5, v63;
	_ =	sdelay $0x1  }
0x1b3: {  	v7 =	vsub.f32 $1.500000000e+00, v7;
	_ =	sdelay $0x1  }
0x1b4: {  	v5 =	vmul.f32 v5, v7;
	_ =	sdelay $0x1  }
0x1b5: {  	v7 =	vmul.f32 v5, v6;
	_ =	sdelay $0x1  }
0x1b6: {  	v7 =	vmul.f32 v7, v5;
	_ =	sdelay $0x1  }
0x1b7: {  	v7 =	vsub.f32 $1.500000000e+00, v7;
	_ =	sdelay $0x1  }
0x1b8: {  	v5 =	vmul.f32 v7, v5;
	_ =	sdelay $0x1  }
0x1b9: {  	v6 =	vmul.f32 v5, v6;
	_ =	sdelay $0x1  }
0x1ba: {  	v6 =	vmul.f32 v6, v5;
	_ =	sdelay $0x1  }
0x1bb: {  	v6 =	vsub.f32 $1.500000000e+00, v6;
	_ =	sdelay $0x1  }
0x1bc: {  	v5 =	vmul.f32 v6, v5  }
0x1bd: {  	[tilespmem:s24+$0x0] =	vst v59  }
0x1be: {  	s4 =	sshll.u32 s30, $0xD;
	[tilespmem:s25+$0x0] =	vst v1;
	v1 =	vmul.f32 v5, v3  }
0x1bf: {  	s6 =	rddreg [dreg:$0x7];
	s4 =	sor.u32 s13, s4;
	[tilespmem:s28+$0x0] =	vst v2  }
0x1c0: {  	s7 =	simm.s32 $0x12800;
	s18 =	rddreg [dreg:$0x8];
	s6 =	sadd.s32 s6, s4;
	[tilespmem:s26+$0x0] =	vst v1  }
0x1c1: {  	[hbm4b:s6+s2] =	stream.linear.scatter [tilespmem:s7], [sflag:$0x5], $0x400, $0x38;
	[tilespmem:$0x14800] =	vst v63  }
0x1c2: {  	s23 =	simm.s32 $0x13000;
	p2 =	sge.u32 s1, s12;
	s6 =	sadd.s32 s18, s4  }
0x1c3: {  	[hbm4b:s6+s2] =	stream.linear.scatter [tilespmem:s23], [sflag:$0x5], $0x400, $0x38;
	[tilespmem:$0x14800] =	vst v63  }
.Ltmp6:
0x1c4: {  	s24 =	rddreg [dreg:$0x9];
	(pc) =	sbr.rel @p2 .LBB2_8-.Ltmp6, $4  }
0x1c5: {  	s25 =	simm.s32 $0x13800;
	s26 =	rddreg [dreg:$0x1];
	s6 =	sadd.s32 s24, s4  }
0x1c6: {  	[hbm4b:s6+s2] =	stream.linear.scatter [tilespmem:s25], [sflag:$0x5], $0x400, $0x38;
	[tilespmem:$0x14800] =	vst v63  }
0x1c7: {  	s28 =	simm.s32 $0x14000;
	s4 =	sadd.s32 s26, s4  }
0x1c8: {  	[hbm4b:s4+s2] =	stream.linear.scatter [tilespmem:s28], [sflag:$0x5], $0x400, $0x38;
	[tilespmem:$0x14800] =	vst v63  }
0x1c9: {  	s1 =	sshll.u32 s1, $0xC  }
0x1ca: {  	s4 =	rddreg [dreg:$0x6];
	s1 =	sor.u32 s13, s1  }
0x1cb: {  	s18 =	rddreg [dreg:$0xa];
	s4 =	sadd.s32 s4, s1  }
0x1cc: {  	[tilespmem:s2], [sflag:$0x1] =	stream.linear.gather [hbm4b:s4+s2], $0x400, $0x38;
	[tilespmem:$0x14800] =	vst v63  }
0x1cd: {  	s6 =	simm.s32 $0x800;
	s23 =	rddreg [dreg:$0x3];
	s4 =	sadd.s32 s1, s18  }
0x1ce: {  	[tilespmem:s6], [sflag:$0x1] =	stream.linear.gather [hbm4b:s4+s2], $0x400, $0x38;
	[tilespmem:$0x14800] =	vst v63  }
0x1cf: {  	s7 =	simm.s32 $0x1000;
	s24 =	rddreg [dreg:$0x4];
	s4 =	sadd.s32 s23, s1  }
0x1d0: {  	[tilespmem:s7], [sflag:$0x1] =	stream.linear.gather [hbm4b:s4+s2], $0x400, $0x38;
	[tilespmem:$0x14800] =	vst v63  }
0x1d1: {  	s25 =	simm.s32 $0x1800;
	s26 =	rddreg [dreg:$0x5];
	s4 =	sadd.s32 s24, s1  }
0x1d2: {  	[tilespmem:s25], [sflag:$0x1] =	stream.linear.gather [hbm4b:s4+s2], $0x400, $0x38;
	[tilespmem:$0x14800] =	vst v63  }
0x1d3: {  	s28 =	simm.s32 $0x2000;
	s1 =	sadd.s32 s26, s1  }
0x1d4: {  	[tilespmem:s28], [sflag:$0x1] =	stream.linear.gather [hbm4b:s1+s2], $0x400, $0x38;
	[tilespmem:$0x14800] =	vst v63  }
0x1d5: {  	_ =	swait.ge [sflag:s5], $0x400  }
0x1d6: {  	[sflag:s5] =	ssyncset.done $0x0  }
0x1d7: {  	[sflag:s5] =	ssyncadd.s32 $0xFFFFFC00  }
0x1d8: {  	_ =	swait.ge [sflag:s5], $0x400  }
0x1d9: {  	[sflag:s5] =	ssyncset.done $0x0  }
0x1da: {  	[sflag:s5] =	ssyncadd.s32 $0xFFFFFC00  }
0x1db: {  	_ =	swait.ge [sflag:s5], $0x400  }
0x1dc: {  	[sflag:s5] =	ssyncset.done $0x0  }
0x1dd: {  	[sflag:s5] =	ssyncadd.s32 $0xFFFFFC00  }
0x1de: {  	_ =	swait.ge [sflag:s5], $0x400  }
0x1df: {  	[sflag:s5] =	ssyncset.done $0x0  }
0x1e0: {  	[sflag:s5] =	ssyncadd.s32 $0xFFFFFC00  }
0x1e1: {  	_ =	swait.ge [sflag:s5], $0x400  }
0x1e2: {  	[sflag:s5] =	ssyncset.done $0x0  }
0x1e3: {  	[sflag:s5] =	ssyncadd.s32 $0xFFFFFC00  }
0x1e4: {  	[tilespmem:s16], [sflag:$0x3] =	stream.indirect.gather [hbm4b:s3+s15], $0x10, s2, s15, $0xb8;
	[tilespmem:$0x14800] =	vst v63  }
0x1e5: {  	_ = 	snop  }
0x1e6: {  	[tilespmem:s17], [sflag:$0x3] =	stream.indirect.gather [hbm4b:s3+s15], $0x10, s6, s15, $0xb8;
	[tilespmem:$0x14800] =	vst v63  }
0x1e7: {  	s6 =	simm.s32 $0x3000  }
0x1e8: {  	[tilespmem:s6], [sflag:$0x3] =	stream.indirect.gather [hbm4b:s3+s15], $0x10, s15, s15, $0xb8;
	[tilespmem:$0x14800] =	vst v63  }
0x1e9: {  	s8 =	simm.s32 $0xB000;
	s7 =	simm.s32 $0x880  }
0x1ea: {  	[tilespmem:s8], [sflag:$0x3] =	stream.indirect.gather [hbm4b:s3+s15], $0x10, s7, s15, $0xb8;
	[tilespmem:$0x14800] =	vst v63  }
0x1eb: {  	s9 =	simm.s32 $0x100;
	s10 =	simm.s32 $0x3800  }
0x1ec: {  	[tilespmem:s10], [sflag:$0x3] =	stream.indirect.gather [hbm4b:s3+s15], $0x10, s9, s15, $0xb8;
	[tilespmem:$0x14800] =	vst v63  }
0x1ed: {  	s11 =	simm.s32 $0x900;
	s14 =	simm.s32 $0xB800  }
0x1ee: {  	[tilespmem:s14], [sflag:$0x3] =	stream.indirect.gather [hbm4b:s3+s15], $0x10, s11, s15, $0xb8;
	[tilespmem:$0x14800] =	vst v63  }
0x1ef: {  	s18 =	simm.s32 $0x180;
	s23 =	simm.s32 $0x4000  }
0x1f0: {  	[tilespmem:s23], [sflag:$0x3] =	stream.indirect.gather [hbm4b:s3+s15], $0x10, s18, s15, $0xb8;
	[tilespmem:$0x14800] =	vst v63  }
0x1f1: {  	s24 =	simm.s32 $0x980;
	s25 =	simm.s32 $0xC000  }
0x1f2: {  	[tilespmem:s25], [sflag:$0x3] =	stream.indirect.gather [hbm4b:s3+s15], $0x10, s24, s15, $0xb8;
	[tilespmem:$0x14800] =	vst v63  }
0x1f3: {  	s26 =	simm.s32 $0x200;
	s28 =	simm.s32 $0x4800  }
0x1f4: {  	[tilespmem:s28], [sflag:$0x3] =	stream.indirect.gather [hbm4b:s3+s15], $0x10, s26, s15, $0xb8;
	[tilespmem:$0x14800] =	vst v63  }
0x1f5: {  	s4 =	simm.s32 $0xA00;
	s6 =	simm.s32 $0xC800  }
0x1f6: {  	[tilespmem:s6], [sflag:$0x3] =	stream.indirect.gather [hbm4b:s3+s15], $0x10, s4, s15, $0xb8;
	[tilespmem:$0x14800] =	vst v63  }
0x1f7: {  	s7 =	simm.s32 $0x280;
	s8 =	simm.s32 $0x5000  }
0x1f8: {  	[tilespmem:s8], [sflag:$0x3] =	stream.indirect.gather [hbm4b:s3+s15], $0x10, s7, s15, $0xb8;
	[tilespmem:$0x14800] =	vst v63  }
0x1f9: {  	s9 =	simm.s32 $0xA80;
	s10 =	simm.s32 $0xD000  }
0x1fa: {  	[tilespmem:s10], [sflag:$0x3] =	stream.indirect.gather [hbm4b:s3+s15], $0x10, s9, s15, $0xb8;
	[tilespmem:$0x14800] =	vst v63  }
0x1fb: {  	s11 =	simm.s32 $0x300;
	s14 =	simm.s32 $0x5800  }
0x1fc: {  	[tilespmem:s14], [sflag:$0x3] =	stream.indirect.gather [hbm4b:s3+s15], $0x10, s11, s15, $0xb8;
	[tilespmem:$0x14800] =	vst v63  }
0x1fd: {  	s18 =	simm.s32 $0xB00;
	s23 =	simm.s32 $0xD800  }
0x1fe: {  	[tilespmem:s23], [sflag:$0x3] =	stream.indirect.gather [hbm4b:s3+s15], $0x10, s18, s15, $0xb8;
	[tilespmem:$0x14800] =	vst v63  }
0x1ff: {  	s24 =	simm.s32 $0x380;
	s25 =	simm.s32 $0x6000  }
0x200: {  	[tilespmem:s25], [sflag:$0x3] =	stream.indirect.gather [hbm4b:s3+s15], $0x10, s24, s15, $0xb8;
	[tilespmem:$0x14800] =	vst v63  }
0x201: {  	s26 =	simm.s32 $0xB80;
	s28 =	simm.s32 $0xE000  }
0x202: {  	[tilespmem:s28], [sflag:$0x3] =	stream.indirect.gather [hbm4b:s3+s15], $0x10, s26, s15, $0xb8;
	[tilespmem:$0x14800] =	vst v63  }
.LBB2_8:
.Ltmp7:
0x203: {  	(pc) =	sbr.rel @p1 .LBB2_12-.Ltmp7, $1  }
0x204: {  	_ =	sdelay $0x3  }
0x205: {  	_ =	swait.ge [sflag:s29], $0x800  }
0x206: {  	[sflag:s29] =	ssyncset.done $0x0  }
0x207: {  	[sflag:s29] =	ssyncadd.s32 $0xFFFFF800  }
0x208: {  	_ =	swait.ge [sflag:s29], $0x800  }
0x209: {  	[sflag:s29] =	ssyncset.done $0x0  }
0x20a: {  	[sflag:s29] =	ssyncadd.s32 $0xFFFFF800  }
0x20b: {  	_ =	swait.ge [sflag:s29], $0x800  }
0x20c: {  	[sflag:s29] =	ssyncset.done $0x0  }
0x20d: {  	[sflag:s29] =	ssyncadd.s32 $0xFFFFF800  }
0x20e: {  	_ =	swait.ge [sflag:s29], $0x800  }
0x20f: {  	[sflag:s29] =	ssyncset.done $0x0  }
0x210: {  	[sflag:s29] =	ssyncadd.s32 $0xFFFFF800  }
0x211: {  	_ =	swait.ge [sflag:s29], $0x800  }
0x212: {  	[sflag:s29] =	ssyncset.done $0x0  }
0x213: {  	[sflag:s29] =	ssyncadd.s32 $0xFFFFF800  }
0x214: {  	_ =	swait.ge [sflag:s29], $0x800  }
0x215: {  	[sflag:s29] =	ssyncset.done $0x0  }
0x216: {  	[sflag:s29] =	ssyncadd.s32 $0xFFFFF800  }
0x217: {  	_ =	swait.ge [sflag:s29], $0x800  }
0x218: {  	[sflag:s29] =	ssyncset.done $0x0  }
0x219: {  	[sflag:s29] =	ssyncadd.s32 $0xFFFFF800  }
0x21a: {  	_ =	swait.ge [sflag:s29], $0x800  }
0x21b: {  	[sflag:s29] =	ssyncset.done $0x0  }
0x21c: {  	[sflag:s29] =	ssyncadd.s32 $0xFFFFF800  }
0x21d: {  	_ =	swait.ge [sflag:s29], $0x800  }
0x21e: {  	[sflag:s29] =	ssyncset.done $0x0  }
0x21f: {  	[sflag:s29] =	ssyncadd.s32 $0xFFFFF800  }
0x220: {  	_ =	swait.ge [sflag:s29], $0x800  }
0x221: {  	[sflag:s29] =	ssyncset.done $0x0  }
0x222: {  	[sflag:s29] =	ssyncadd.s32 $0xFFFFF800  }
0x223: {  	_ =	swait.ge [sflag:s29], $0x800  }
0x224: {  	[sflag:s29] =	ssyncset.done $0x0  }
0x225: {  	[sflag:s29] =	ssyncadd.s32 $0xFFFFF800  }
0x226: {  	_ =	swait.ge [sflag:s29], $0x800  }
0x227: {  	[sflag:s29] =	ssyncset.done $0x0  }
0x228: {  	[sflag:s29] =	ssyncadd.s32 $0xFFFFF800  }
0x229: {  	_ =	swait.ge [sflag:s29], $0x800  }
0x22a: {  	[sflag:s29] =	ssyncset.done $0x0  }
0x22b: {  	[sflag:s29] =	ssyncadd.s32 $0xFFFFF800  }
0x22c: {  	_ =	swait.ge [sflag:s29], $0x800  }
0x22d: {  	[sflag:s29] =	ssyncset.done $0x0  }
0x22e: {  	[sflag:s29] =	ssyncadd.s32 $0xFFFFF800  }
0x22f: {  	_ =	swait.ge [sflag:s29], $0x800  }
0x230: {  	[sflag:s29] =	ssyncset.done $0x0  }
0x231: {  	[sflag:s29] =	ssyncadd.s32 $0xFFFFF800  }
0x232: {  	_ =	swait.ge [sflag:s29], $0x800  }
0x233: {  	[sflag:s29] =	ssyncset.done $0x0  }
0x234: {  	s1 =	simm.s32 @!p0 $0x6;
	[sflag:s29] =	ssyncadd.s32 $0xFFFFF800  }
0x235: {  	_ =	swait.ge @!p0 [sflag:s1], $0x400  }
0x236: {  	s18 =	simm.s32 $0x0;
	[sflag:s1] =	ssyncset.done @!p0 $0x0  }
0x237: {  	v1 =	vmov s18;
	[sflag:s1] =	ssyncadd.s32 @!p0 $0xFFFFFC00  }
0x238: {  	v1 =	vshll.u32 v1, $0x4;
	_ =	swait.ge @!p0 [sflag:s1], $0x400  }
0x239: {  	v2 =	vor.u32 v0, v1;
	[sflag:s1] =	ssyncset.done @!p0 $0x0  }
0x23a: {  	v1 =	vand.u32 $0x3800, v1;
	v2 =	vand.u32 $0x6F0, v2;
	[sflag:s1] =	ssyncadd.s32 @!p0 $0xFFFFFC00  }
0x23b: {  	v1 =	vor.u32 v1, v2;
	_ =	swait.ge @!p0 [sflag:s1], $0x400  }
0x23c: {  	v2 =	vor.u32 $0x7, v1;
	[sflag:s1] =	ssyncset.done @!p0 $0x0  }
0x23d: {  	v3 =	vor.u32 $0x5, v1;
	[sflag:s1] =	ssyncadd.s32 @!p0 $0xFFFFFC00  }
0x23e: {  	_ =	swait.ge @!p0 [sflag:s1], $0x400  }
0x23f: {  	[sflag:s1] =	ssyncset.done @!p0 $0x0  }
0x240: {  	[sflag:s1] =	ssyncadd.s32 @!p0 $0xFFFFFC00  }
0x241: {  	v2 =	vld.idx.msk [tilespmem:v2+s21+$0x0], $0xffff  }
0x242: {  	v4 =	vor.u32 $0x1, v1;
	v3 =	vld.idx.msk [tilespmem:v3+s21+$0x0], $0xffff  }
0x243: {  	v5 =	vld.idx.msk [tilespmem:v1+s21+$0x0], $0xffff  }
0x244: {  	s4 =	simm.s32 $0x2410;
	v6 =	vor.u32 $0x4, v1;
	v7 =	vld.idx.msk [tilespmem:v1+s22+$0x0], $0xffff  }
0x245: {  	s14 =	simm.s32 $0x1410;
	v8 =	vor.u32 $0xA, v1;
	v9 =	vld [tilespmem:s4+$0xFFFFFFF0]  }
0x246: {  	v10 =	vor.u32 $0x2, v1;
	v11 =	vld [tilespmem:s14+$0xFFFFFFF0]  }
0x247: {  	v12 =	vld.idx.msk [tilespmem:v4+s21+$0x0], $0xffff  }
0x248: {  	v13 =	vor.u32 $0x3, v1;
	v4 =	vld.idx.msk [tilespmem:v4+s22+$0x0], $0xffff  }
0x249: {  	v6 =	vld.idx.msk [tilespmem:v6+s21+$0x0], $0xffff  }
0x24a: {  	v14 =	vor.u32 $0x6, v1;
	v8 =	vld.idx.msk [tilespmem:v8+s21+$0x0], $0xffff  }
0x24b: {  	v15 =	vor.u32 $0x8, v1;
	v16 =	vld.idx.msk [tilespmem:v10+s21+$0x0], $0xffff  }
0x24c: {  	v17 =	vor.u32 $0x9, v1;
	v10 =	vld.idx.msk [tilespmem:v10+s22+$0x0], $0xffff  }
0x24d: {  	s23 =	simm.s32 $0x1C10;
	v13 =	vld.idx.msk [tilespmem:v13+s21+$0x0], $0xffff  }
0x24e: {  	v1 =	vor.u32 $0xB, v1;
	v18 =	vld [tilespmem:s23+$0xFFFFFFF0]  }
0x24f: {  	v14 =	vld.idx.msk [tilespmem:v14+s21+$0x0], $0xffff  }
0x250: {  	v15 =	vld.idx.msk [tilespmem:v15+s21+$0x0], $0xffff  }
0x251: {  	v17 =	vld.idx.msk [tilespmem:v17+s21+$0x0], $0xffff;
	v6 =	vmul.f32 v6, v11  }
0x252: {  	v4 =	vsub.f32 v4, v12;
	v5 =	vsub.f32 v7, v5;
	v7 =	vmul.f32 v13, v11  }
0x253: {  	v1 =	vld.idx.msk [tilespmem:v1+s21+$0x0], $0xffff;
	v10 =	vsub.f32 v10, v16;
	v3 =	vmul.f32 v3, v11;
	v2 =	vmul.f32 v2, v18  }
0x254: {  	v4 =	vadd.f32 v6, v4;
	v5 =	vadd.f32 v7, v5;
	v6 =	vmul.f32 v14, v18  }
0x255: {  	v7 =	vmul.f32 v8, v9;
	v3 =	vadd.f32 v3, v10;
	v8 =	vmul.f32 v15, v18  }
0x256: {  	v5 =	vadd.f32 v6, v5;
	v6 =	vmul.f32 v17, v9;
	v2 =	vadd.f32 v2, v4  }
0x257: {  	v3 =	vadd.f32 v8, v3  }
0x258: {  	v1 =	vmul.f32 v1, v9;
	v4 =	vadd.f32 v6, v5;
	v2 =	vadd.f32 v7, v2;
	_ =	sdelay $0x1  }
0x259: {  	v1 =	vadd.f32 v1, v3;
	v3 =	vmul.f32 v4, v4;
	v5 =	vmul.f32 v2, v2;
	_ =	sdelay $0x1  }
0x25a: {  	v3 =	vadd.f32 v5, v3;
	v5 =	vmul.f32 v1, v1;
	_ =	sdelay $0x1  }
0x25b: {  	v3 =	vadd.f32 v5, v3;
	_ =	sdelay $0x1  }
0x25c: {  	v5 =	vshra.s32 v3, $0x1;
	v6 =	vmul.f32 $5.000000000e-01, v3  }
0x25d: {  	v5 =	vsub.s32 $0x5F3759DF, v5  }
0x25e: {  	v7 =	vmul.f32 v5, v6;
	_ =	sdelay $0x1  }
0x25f: {  	v7 =	vmul.f32 v5, v7;
	_ =	sdelay $0x1  }
0x260: {  	v7 =	vsub.f32 $1.500000000e+00, v7;
	_ =	sdelay $0x1  }
0x261: {  	v5 =	vmul.f32 v5, v7;
	_ =	sdelay $0x1  }
0x262: {  	v7 =	vmul.f32 v5, v6;
	_ =	sdelay $0x1  }
0x263: {  	v7 =	vmul.f32 v7, v5;
	_ =	sdelay $0x1  }
0x264: {  	v7 =	vsub.f32 $1.500000000e+00, v7;
	_ =	sdelay $0x1  }
0x265: {  	v5 =	vmul.f32 v7, v5;
	_ =	sdelay $0x1  }
0x266: {  	s6 =	simm.s32 $0x10;
	v6 =	vmul.f32 v5, v6  }
0x267: {  	v7 =	vmov s6  }
0x268: {  	v7 =	vshll.u32 v7, $0x4;
	v6 =	vmul.f32 v6, v5  }
0x269: {  	v8 =	vor.u32 v0, v7  }
0x26a: {  	v7 =	vand.u32 $0x3800, v7;
	v8 =	vand.u32 $0x7F0, v8;
	v6 =	vsub.f32 $1.500000000e+00, v6  }
0x26b: {  	v7 =	vor.u32 v7, v8  }
0x26c: {  	s24 =	simm.s32 $0x12C10;
	v5 =	vmul.f32 v6, v5;
	v6 =	vor.u32 $0x1, v7  }
0x26d: {  	s25 =	simm.s32 $0x13410;
	[tilespmem:s24+$0xFFFFFFF0] =	vst v4;
	v4 =	vor.u32 $0x7, v7  }
0x26e: {  	s26 =	simm.s32 $0x13C10;
	[tilespmem:s25+$0xFFFFFFF0] =	vst v2;
	v2 =	vmul.f32 v5, v3  }
0x26f: {  	s28 =	simm.s32 $0x14410;
	[tilespmem:s26+$0xFFFFFFF0] =	vst v1  }
0x270: {  	v10 =	vor.u32 $0x3, v7;
	[tilespmem:s28+$0xFFFFFFF0] =	vst v2  }
0x271: {  	v11 =	vld.idx.msk [tilespmem:v6+s21+$0x0], $0xffff  }
0x272: {  	v1 =	vld.idx.msk [tilespmem:v4+s21+$0x0], $0xffff  }
0x273: {  	v16 =	vor.u32 $0x6, v7;
	v9 =	vld.idx.msk [tilespmem:v7+s21+$0x0], $0xffff  }
0x274: {  	v3 =	vor.u32 $0x4, v7;
	v13 =	vld.idx.msk [tilespmem:v7+s22+$0x0], $0xffff  }
0x275: {  	v5 =	vor.u32 $0x2, v7;
	v17 =	vld.idx.msk [tilespmem:v10+s21+$0x0], $0xffff  }
0x276: {  	v8 =	vor.u32 $0xA, v7;
	v63 =	vld.idx.msk [tilespmem:v6+s22+$0x0], $0xffff  }
0x277: {  	v12 =	vld [tilespmem:s14+$0x0]  }
0x278: {  	v10 =	vld.idx.msk [tilespmem:v16+s21+$0x0], $0xffff  }
0x279: {  	v4 =	vor.u32 $0x5, v7;
	v15 =	vld.idx.msk [tilespmem:v3+s21+$0x0], $0xffff  }
0x27a: {  	v2 =	vor.u32 $0x8, v7;
	v14 =	vld.idx.msk [tilespmem:v5+s22+$0x0], $0xffff  }
0x27b: {  	v3 =	vld.idx.msk [tilespmem:v8+s21+$0x0], $0xffff;
	v8 =	vor.u32 $0x9, v7  }
0x27c: {  	v5 =	vld.idx.msk [tilespmem:v5+s21+$0x0], $0xffff  }
0x27d: {  	v19 =	vor.u32 $0xB, v7;
	v7 =	vld [tilespmem:s23+$0x0]  }
0x27e: {  	v4 =	vld.idx.msk [tilespmem:v4+s21+$0x0], $0xffff  }
0x27f: {  	v2 =	vld.idx.msk [tilespmem:v2+s21+$0x0], $0xffff  }
0x280: {  	s7 =	simm.s32 $0x1430;
	v8 =	vld.idx.msk [tilespmem:v8+s21+$0x0], $0xffff  }
0x281: {  	s8 =	simm.s32 $0x2430;
	s9 =	simm.s32 $0x12C30;
	s10 =	simm.s32 $0x13430;
	v6 =	vsub.f32 v13, v9;
	v9 =	vsub.f32 v14, v5;
	v5 =	vld [tilespmem:s4+$0x0]  }
0x282: {  	s1 =	simm.s32 $0x0;
	s6 =	simm.s32 $0x14430;
	v13 =	vmul.f32 v17, v12;
	s4 =	simm.s32 $0x13C30;
	v14 =	vsub.f32 v63, v11;
	v15 =	vmul.f32 v15, v12;
	v11 =	vld.idx.msk [tilespmem:v19+s21+$0x0], $0xffff  }
.LBB2_10:
0x283: {  	s1 =	sadd.s32 $0x2, s1;
	v4 =	vmul.f32 v4, v12;
	s18 =	sadd.s32 $0x20, s18;
	s23 =	sadd.s32 $0x20, s23  }
0x284: {  	p0 =	slt.u32 s1, $0x3E;
	v10 =	vmul.f32 v10, v7;
	v12 =	vadd.f32 v15, v14;
	v1 =	vmul.f32 v1, v7  }
0x285: {  	v6 =	vadd.f32 v13, v6;
	v2 =	vmul.f32 v2, v7;
	v4 =	vadd.f32 v4, v9  }
0x286: {  	v7 =	vmul.f32 v8, v5;
	v1 =	vadd.f32 v1, v12;
	v3 =	vmul.f32 v3, v5  }
0x287: {  	v6 =	vadd.f32 v10, v6;
	v2 =	vadd.f32 v2, v4  }
0x288: {  	v1 =	vadd.f32 v3, v1;
	v3 =	vmul.f32 v11, v5  }
0x289: {  	v4 =	vadd.f32 v7, v6  }
0x28a: {  	v2 =	vadd.f32 v3, v2;
	v3 =	vmul.f32 v1, v1  }
0x28b: {  	v5 =	vmul.f32 v4, v4;
	[tilespmem:s24+$0x0] =	vst v4;
	s24 =	smov.u32 s9  }
0x28c: {  	v4 =	vmul.f32 v2, v2;
	[tilespmem:s25+$0x0] =	vst v1;
	s25 =	smov.u32 s10  }
0x28d: {  	v1 =	vadd.f32 v3, v5;
	[tilespmem:s26+$0x0] =	vst v2;
	s26 =	smov.u32 s4;
	_ =	sdelay $0x1  }
0x28e: {  	v1 =	vadd.f32 v4, v1;
	_ =	sdelay $0x1  }
0x28f: {  	v2 =	vshra.s32 v1, $0x1;
	v3 =	vmul.f32 $5.000000000e-01, v1  }
0x290: {  	v2 =	vsub.s32 $0x5F3759DF, v2  }
0x291: {  	v4 =	vmul.f32 v2, v3;
	_ =	sdelay $0x1  }
0x292: {  	v5 =	vmov s18;
	v4 =	vmul.f32 v2, v4  }
0x293: {  	v5 =	vshll.u32 v5, $0x4  }
0x294: {  	v6 =	vor.u32 v0, v5;
	v4 =	vsub.f32 $1.500000000e+00, v4  }
0x295: {  	v5 =	vand.u32 $0x3800, v5;
	v6 =	vand.u32 $0x6F0, v6  }
0x296: {  	v5 =	vor.u32 v5, v6;
	v2 =	vmul.f32 v2, v4  }
0x297: {  	v6 =	vor.u32 $0x3, v5;
	v4 =	vor.u32 $0x1, v5  }
0x298: {  	v7 =	vor.u32 $0x2, v5;
	v8 =	vor.u32 $0x6, v5;
	v9 =	vmul.f32 v2, v3  }
0x299: {  	v10 =	vor.u32 $0x8, v5;
	v11 =	vor.u32 $0x5, v5  }
0x29a: {  	v9 =	vmul.f32 v9, v2  }
0x29b: {  	v12 =	vor.u32 $0xB, v5  }
0x29c: {  	v9 =	vsub.f32 $1.500000000e+00, v9  }
0x29d: {  	v13 =	vor.u32 $0x9, v5;
	v14 =	vor.u32 $0x7, v5  }
0x29e: {  	v2 =	vmul.f32 v9, v2  }
0x29f: {  	v9 =	vor.u32 $0x4, v5  }
0x2a0: {  	v3 =	vmul.f32 v2, v3;
	_ =	sdelay $0x1  }
0x2a1: {  	v3 =	vmul.f32 v3, v2;
	_ =	sdelay $0x1  }
0x2a2: {  	v3 =	vsub.f32 $1.500000000e+00, v3;
	_ =	sdelay $0x1  }
0x2a3: {  	v2 =	vmul.f32 v3, v2  }
0x2a4: {  	v3 =	vor.u32 $0xA, v5  }
0x2a5: {  	v1 =	vmul.f32 v2, v1;
	_ =	sdelay $0x1  }
0x2a6: {  	[tilespmem:s28+$0x0] =	vst v1;
	s28 =	smov.u32 s6;
	_ =	sdelay $0x1  }
0x2a7: {  	v1 =	vld.idx.msk [tilespmem:v14+s21+$0x0], $0xffff  }
0x2a8: {  	v2 =	vld.idx.msk [tilespmem:v11+s21+$0x0], $0xffff  }
0x2a9: {  	v11 =	vld.idx.msk [tilespmem:v5+s21+$0x0], $0xffff  }
0x2aa: {  	v5 =	vld.idx.msk [tilespmem:v5+s22+$0x0], $0xffff  }
0x2ab: {  	v14 =	vld [tilespmem:s8+$0xFFFFFFF0]  }
0x2ac: {  	v15 =	vld [tilespmem:s7+$0xFFFFFFF0]  }
0x2ad: {  	v16 =	vld.idx.msk [tilespmem:v4+s21+$0x0], $0xffff  }
0x2ae: {  	v4 =	vld.idx.msk [tilespmem:v4+s22+$0x0], $0xffff  }
0x2af: {  	v12 =	vld.idx.msk [tilespmem:v12+s21+$0x0], $0xffff  }
0x2b0: {  	v9 =	vld.idx.msk [tilespmem:v9+s21+$0x0], $0xffff  }
0x2b1: {  	v3 =	vld.idx.msk [tilespmem:v3+s21+$0x0], $0xffff  }
0x2b2: {  	v17 =	vld.idx.msk [tilespmem:v7+s21+$0x0], $0xffff  }
0x2b3: {  	v10 =	vld.idx.msk [tilespmem:v10+s21+$0x0], $0xffff  }
0x2b4: {  	v7 =	vld.idx.msk [tilespmem:v7+s22+$0x0], $0xffff  }
0x2b5: {  	v6 =	vld.idx.msk [tilespmem:v6+s21+$0x0], $0xffff  }
0x2b6: {  	v13 =	vld.idx.msk [tilespmem:v13+s21+$0x0], $0xffff  }
0x2b7: {  	v8 =	vld.idx.msk [tilespmem:v8+s21+$0x0], $0xffff  }
0x2b8: {  	v18 =	vld [tilespmem:s23+$0xFFFFFFF0]  }
0x2b9: {  	v12 =	vmul.f32 v12, v14;
	v9 =	vmul.f32 v9, v15  }
0x2ba: {  	v4 =	vsub.f32 v4, v16;
	v3 =	vmul.f32 v3, v14;
	v7 =	vsub.f32 v7, v17  }
0x2bb: {  	v5 =	vsub.f32 v5, v11;
	v6 =	vmul.f32 v6, v15  }
0x2bc: {  	v2 =	vmul.f32 v2, v15;
	v4 =	vadd.f32 v9, v4  }
0x2bd: {  	v5 =	vadd.f32 v6, v5;
	v6 =	vmul.f32 v8, v18;
	v1 =	vmul.f32 v1, v18  }
0x2be: {  	v2 =	vadd.f32 v2, v7;
	v7 =	vmul.f32 v10, v18  }
0x2bf: {  	v5 =	vadd.f32 v6, v5;
	v6 =	vmul.f32 v13, v14;
	v1 =	vadd.f32 v1, v4  }
0x2c0: {  	v2 =	vadd.f32 v7, v2  }
0x2c1: {  	v4 =	vadd.f32 v6, v5;
	v1 =	vadd.f32 v3, v1  }
0x2c2: {  	v2 =	vadd.f32 v12, v2  }
0x2c3: {  	v3 =	vmul.f32 v4, v4;
	v5 =	vmul.f32 v1, v1;
	_ =	sdelay $0x1  }
0x2c4: {  	v3 =	vadd.f32 v5, v3;
	v5 =	vmul.f32 v2, v2;
	_ =	sdelay $0x1  }
0x2c5: {  	v3 =	vadd.f32 v5, v3;
	_ =	sdelay $0x1  }
0x2c6: {  	v5 =	vshra.s32 v3, $0x1;
	v6 =	vmul.f32 $5.000000000e-01, v3  }
0x2c7: {  	v5 =	vsub.s32 $0x5F3759DF, v5  }
0x2c8: {  	v7 =	vmul.f32 v5, v6;
	_ =	sdelay $0x1  }
0x2c9: {  	v7 =	vmul.f32 v5, v7;
	_ =	sdelay $0x1  }
0x2ca: {  	v7 =	vsub.f32 $1.500000000e+00, v7;
	_ =	sdelay $0x1  }
0x2cb: {  	v5 =	vmul.f32 v5, v7;
	_ =	sdelay $0x1  }
0x2cc: {  	v7 =	vmul.f32 v5, v6;
	_ =	sdelay $0x1  }
0x2cd: {  	v7 =	vmul.f32 v7, v5;
	_ =	sdelay $0x1  }
0x2ce: {  	v7 =	vsub.f32 $1.500000000e+00, v7;
	_ =	sdelay $0x1  }
0x2cf: {  	v5 =	vmul.f32 v7, v5;
	_ =	sdelay $0x1  }
0x2d0: {  	s11 =	sadd.s32 $0x10, s18;
	v6 =	vmul.f32 v5, v6  }
0x2d1: {  	v7 =	vmov s11  }
0x2d2: {  	v7 =	vshll.u32 v7, $0x4;
	v6 =	vmul.f32 v6, v5  }
0x2d3: {  	v8 =	vor.u32 v0, v7  }
0x2d4: {  	v7 =	vand.u32 $0x3800, v7;
	v8 =	vand.u32 $0x7F0, v8;
	v6 =	vsub.f32 $1.500000000e+00, v6  }
0x2d5: {  	v7 =	vor.u32 v7, v8  }
0x2d6: {  	v8 =	vor.u32 $0x1, v7;
	v5 =	vmul.f32 v6, v5  }
0x2d7: {  	[tilespmem:s9+$0xFFFFFFF0] =	vst v4;
	v4 =	vor.u32 $0x7, v7  }
0x2d8: {  	[tilespmem:s10+$0xFFFFFFF0] =	vst v1;
	v1 =	vmul.f32 v5, v3  }
0x2d9: {  	[tilespmem:s4+$0xFFFFFFF0] =	vst v2  }
0x2da: {  	v2 =	vor.u32 $0x8, v7;
	[tilespmem:s6+$0xFFFFFFF0] =	vst v1  }
0x2db: {  	v3 =	vor.u32 $0x4, v7;
	v11 =	vld.idx.msk [tilespmem:v8+s21+$0x0], $0xffff  }
0x2dc: {  	v5 =	vor.u32 $0x2, v7;
	v1 =	vld.idx.msk [tilespmem:v4+s21+$0x0], $0xffff  }
0x2dd: {  	v4 =	vor.u32 $0x5, v7;
	v6 =	vld.idx.msk [tilespmem:v7+s21+$0x0], $0xffff  }
0x2de: {  	v9 =	vld.idx.msk [tilespmem:v7+s22+$0x0], $0xffff  }
0x2df: {  	v10 =	vor.u32 $0xA, v7;
	v2 =	vld.idx.msk [tilespmem:v2+s21+$0x0], $0xffff  }
0x2e0: {  	v12 =	vor.u32 $0x3, v7;
	v15 =	vld.idx.msk [tilespmem:v3+s21+$0x0], $0xffff  }
0x2e1: {  	v13 =	vld.idx.msk [tilespmem:v5+s22+$0x0], $0xffff  }
0x2e2: {  	v4 =	vld.idx.msk [tilespmem:v4+s21+$0x0], $0xffff  }
0x2e3: {  	v14 =	vor.u32 $0x6, v7;
	v5 =	vld.idx.msk [tilespmem:v5+s21+$0x0], $0xffff  }
0x2e4: {  	v6 =	vsub.f32 v9, v6;
	v3 =	vld.idx.msk [tilespmem:v10+s21+$0x0], $0xffff  }
0x2e5: {  	v17 =	vor.u32 $0x9, v7;
	v16 =	vld.idx.msk [tilespmem:v12+s21+$0x0], $0xffff  }
0x2e6: {  	v18 =	vld.idx.msk [tilespmem:v8+s22+$0x0], $0xffff  }
0x2e7: {  	v19 =	vor.u32 $0xB, v7;
	v12 =	vld [tilespmem:s7+$0x0]  }
.Ltmp8:
0x2e8: {  	v10 =	vld.idx.msk [tilespmem:v14+s21+$0x0], $0xffff;
	(pc) =	sbr.rel @p0 .LBB2_10-.Ltmp8, $4  }
0x2e9: {  	v9 =	vsub.f32 v13, v5;
	v7 =	vld [tilespmem:s23+$0x0]  }
0x2ea: {  	v8 =	vld.idx.msk [tilespmem:v17+s21+$0x0], $0xffff  }
0x2eb: {  	s4 =	sadd.s32 $0x20, s4;
	s6 =	sadd.s32 $0x20, s6;
	s7 =	sadd.s32 $0x20, s7;
	v5 =	vld [tilespmem:s8+$0x0]  }
0x2ec: {  	s9 =	sadd.s32 $0x20, s9;
	s10 =	sadd.s32 $0x20, s10;
	v14 =	vsub.f32 v18, v11;
	s8 =	sadd.s32 $0x20, s8;
	v13 =	vmul.f32 v16, v12;
	v15 =	vmul.f32 v15, v12;
	v11 =	vld.idx.msk [tilespmem:v19+s21+$0x0], $0xffff  }
0x2ed: {  	_ = 	snop  }
0x2ee: {  	v4 =	vmul.f32 v4, v12;
	v10 =	vmul.f32 v10, v7  }
0x2ef: {  	v57 =	vadd.f32 v15, v14;
	v1 =	vmul.f32 v1, v7;
	v6 =	vadd.f32 v13, v6  }
0x2f0: {  	v2 =	vmul.f32 v2, v7;
	v4 =	vadd.f32 v4, v9;
	v58 =	vmul.f32 v8, v5  }
0x2f1: {  	v1 =	vadd.f32 v1, v57;
	v3 =	vmul.f32 v3, v5;
	v6 =	vadd.f32 v10, v6  }
0x2f2: {  	v2 =	vadd.f32 v2, v4  }
0x2f3: {  	v1 =	vadd.f32 v3, v1;
	v3 =	vmul.f32 v11, v5;
	v59 =	vadd.f32 v58, v6;
	_ =	sdelay $0x1  }
0x2f4: {  	v2 =	vadd.f32 v3, v2;
	v3 =	vmul.f32 v1, v1;
	v60 =	vmul.f32 v59, v59;
	_ =	sdelay $0x1  }
0x2f5: {  	v61 =	vmul.f32 v2, v2;
	v3 =	vadd.f32 v3, v60;
	_ =	sdelay $0x1  }
0x2f6: {  	v3 =	vadd.f32 v61, v3;
	_ =	sdelay $0x1  }
0x2f7: {  	v62 =	vshra.s32 v3, $0x1;
	v6 =	vmul.f32 $5.000000000e-01, v3  }
0x2f8: {  	v5 =	vsub.s32 $0x5F3759DF, v62  }
0x2f9: {  	v63 =	vmul.f32 v5, v6;
	_ =	sdelay $0x1  }
0x2fa: {  	v7 =	vmul.f32 v5, v63;
	_ =	sdelay $0x1  }
0x2fb: {  	v7 =	vsub.f32 $1.500000000e+00, v7;
	_ =	sdelay $0x1  }
0x2fc: {  	v5 =	vmul.f32 v5, v7;
	_ =	sdelay $0x1  }
0x2fd: {  	v7 =	vmul.f32 v5, v6;
	_ =	sdelay $0x1  }
0x2fe: {  	v7 =	vmul.f32 v7, v5;
	_ =	sdelay $0x1  }
0x2ff: {  	v7 =	vsub.f32 $1.500000000e+00, v7;
	_ =	sdelay $0x1  }
0x300: {  	v5 =	vmul.f32 v7, v5;
	_ =	sdelay $0x1  }
0x301: {  	v6 =	vmul.f32 v5, v6;
	_ =	sdelay $0x1  }
0x302: {  	v6 =	vmul.f32 v6, v5;
	_ =	sdelay $0x1  }
0x303: {  	v6 =	vsub.f32 $1.500000000e+00, v6;
	_ =	sdelay $0x1  }
0x304: {  	v5 =	vmul.f32 v6, v5  }
0x305: {  	[tilespmem:s24+$0x0] =	vst v59  }
0x306: {  	s1 =	sshll.u32 s31, $0xC;
	[tilespmem:s25+$0x0] =	vst v1;
	v1 =	vmul.f32 v5, v3  }
0x307: {  	s4 =	rddreg [dreg:$0x7];
	s1 =	sor.u32 s13, s1;
	[tilespmem:s26+$0x0] =	vst v2  }
0x308: {  	s6 =	simm.s32 $0x12C00;
	s23 =	rddreg [dreg:$0x8];
	s4 =	sadd.s32 s4, s1;
	[tilespmem:s28+$0x0] =	vst v1  }
0x309: {  	[hbm4b:s4+s2] =	stream.linear.scatter [tilespmem:s6], [sflag:$0x6], $0x400, $0x38;
	[tilespmem:$0x14800] =	vst v63  }
0x30a: {  	s24 =	simm.s32 $0x13400;
	s4 =	sadd.s32 s23, s1  }
0x30b: {  	[hbm4b:s4+s2] =	stream.linear.scatter [tilespmem:s24], [sflag:$0x6], $0x400, $0x38;
	[tilespmem:$0x14800] =	vst v63  }
.Ltmp9:
0x30c: {  	s25 =	rddreg [dreg:$0x9];
	(pc) =	sbr.rel .LBB2_12-.Ltmp9, $4  }
0x30d: {  	s26 =	simm.s32 $0x13C00;
	s28 =	rddreg [dreg:$0x1];
	s4 =	sadd.s32 s25, s1  }
0x30e: {  	[hbm4b:s4+s2] =	stream.linear.scatter [tilespmem:s26], [sflag:$0x6], $0x400, $0x38;
	[tilespmem:$0x14800] =	vst v63  }
0x30f: {  	s31 =	simm.s32 $0x14400;
	s1 =	sadd.s32 s28, s1  }
0x310: {  	[hbm4b:s1+s2] =	stream.linear.scatter [tilespmem:s31], [sflag:$0x6], $0x400, $0x38;
	[tilespmem:$0x14800] =	vst v63  }
.LBB2_14:
0x311: {  	_ =	sfence.sel $0x180000  }
0x312: {  	[bflag:$0x0] =	sbarrier.arrive $0xFFFF  }
0x313: {  	_ =	strace $0x90000047  }
0x314: {  	s0 =	stileid.u32;
	[bflag:$0x2] =	sbarrier.arrive $0xFFFF  }
0x315: {  	p0 =	sne.s32 s0, $0x0;
	s0 =	rddreg [dreg:$0x2]  }
0x316: {  	s0 =	sadd.s32 @!p0 $0x100000, s0  }
0x317: {  	[sflag:s0] =	ssyncadd.tile.s32 @!p0 $0x1;
	_ =	shalt  }
.Lfunc_end2:
_tile_overlayer_lowered:
.L_overlay_start_2:
0x318: {  	(tag) =	ssettag $0x2  }
0x319: {  	s0 =	rddreg [dreg:$0x0];
	s2 =	stileid.u32  }
0x31a: {  	s1 =	rddreg [dreg:$0x1];
	p0 =	sne.s32 s2, $0x0  }
0x31b: {  	s3 =	rddreg [dreg:$0x2];
	[bflag:$0x3] =	sbarrier.arrive $0xFFFF;
	s2 =	simm.s32 @!p0 $0x1C07  }
0x31c: {  	[timem:s3], [sflag:s2] =	dma.local @!p0 [hbm:s0], s1  }
0x31d: {  	s0 =	simm.s32 @!p0 $0x7  }
0x31e: {  	_ =	swait.ge @!p0 [sflag:s0], s1  }
0x31f: {  	s1 =	ssub.s32 @!p0 $0x0, s1;
	[sflag:s0] =	ssyncset.done @!p0 $0x0  }
0x320: {  	[sflag:s0] =	ssyncadd.s32 @!p0 s1  }
0x321: {  	[bflag:$0x3] =	sbarrier.arrive $0xFFFF  }
0x322: {  	_ =	shalt  }

</sc_bundles>
